<compile_context>
chip_gen: v7x
topology: tpu7x:2x2x1
jax: 0.10.2.dev20260603
libtpu: 0.0.44.dev20260713+nightly
codegen_flags: <defaults>
</compile_context>

<pallas_src>
import jax
import jax.numpy as jnp
from jax import lax
from jax.experimental import pallas as pl
from jax.experimental.pallas import tpu as pltpu
from jax.experimental.pallas import tpu_sc as plsc

USER_N = 30000
NODE_N = 100000
HALF = 16
NP = 100352
EDGE_N = 1600000
ET = 100352
BLOCKS = 196
BLK = 512
CHUNK = 128
TILE_CH = ET // CHUNK
ROWS_PER_TILE = NP // 16
ZROWS = ROWS_PER_TILE // 8
BATCH = 4096
BPT = BATCH // 16


def _gcn_kernel(x0a, x0b, srcp, dstp, wp, uis, prod_out,
                x1a, x1b, x2a, x2b, x3a, x3b,
                src_v, dst_v, w_v, rows_v, uidx_v, iidx_v,
                acc, sem_i, sem_d, sem_g, sem_s, sem_e):
    c = lax.axis_index("c")
    s = lax.axis_index("s")

    layer_refs = [(x0a, x0b), (x1a, x1b), (x2a, x2b), (x3a, x3b)]

    for l in range(3):
        grefA, grefB = layer_refs[l]
        wrefA, wrefB = layer_refs[l + 1]

        def zfill(i, carry):
            rows_v[i, :] = jnp.zeros((HALF,), jnp.float32)
            return carry
        lax.fori_loop(0, ZROWS, zfill, 0)
        zd = []
        for q in range(ROWS_PER_TILE // ZROWS):
            zd.append(pltpu.async_copy(
                rows_v.at[pl.ds(0, ZROWS)],
                acc.at[pl.ds(s * ROWS_PER_TILE + q * ZROWS, ZROWS)], sem_e))
        for d in zd:
            d.wait()
        plsc.subcore_barrier()

        def in_descs(b, islot, dslot, fire):
            mk = pltpu.async_copy if fire else pltpu.make_async_copy
            base = s * ET + b * BLK
            return [mk(srcp.at[pl.ds(base, BLK)], src_v.at[islot],
                       sem_i.at[islot]),
                    mk(wp.at[pl.ds(base, BLK)], w_v.at[islot],
                       sem_i.at[islot]),
                    mk(dstp.at[pl.ds(base, BLK)], dst_v.at[dslot],
                       sem_d.at[dslot])]

        def g_fire(islot):
            @pl.when(c == 0)
            def _():
                pltpu.async_copy(grefA.at[src_v.at[islot]],
                                 rows_v.at[pl.ds(islot * BLK, BLK)],
                                 sem_g.at[islot])
            @pl.when(c == 1)
            def _():
                pltpu.async_copy(grefB.at[src_v.at[islot]],
                                 rows_v.at[pl.ds(islot * BLK, BLK)],
                                 sem_g.at[islot])

        def g_wait(islot):
            pltpu.make_async_copy(grefA.at[src_v.at[islot]],
                                  rows_v.at[pl.ds(islot * BLK, BLK)],
                                  sem_g.at[islot]).wait()

        def s_fire(islot, dslot):
            pltpu.async_copy(rows_v.at[pl.ds(islot * BLK, BLK)],
                             acc.at[dst_v.at[dslot]], sem_s.at[islot],
                             add=True)

        def s_wait(islot, dslot):
            pltpu.make_async_copy(rows_v.at[pl.ds(islot * BLK, BLK)],
                                  acc.at[dst_v.at[dslot]],
                                  sem_s.at[islot]).wait()

        def scale(islot):
            base = islot * BLK
            @plsc.parallel_loop(0, BLK // 16, unroll=4)
            def _scale(g):
                wv = w_v[islot, pl.ds(g * 16, 16)]
                for u in range(16):
                    e = base + g * 16 + u
                    rows_v[e, :] = rows_v[e, :] * wv[u]

        in_descs(0, 0, 0, True)
        for d in in_descs(0, 0, 0, False):
            d.wait()
        g_fire(0)
        in_descs(1, 1, 1, True)

        def block_body(b, carry):
            p = b & 1
            q = 1 - p
            d0 = lax.rem(b, 3)
            d1 = lax.rem(b + 1, 3)
            d2 = lax.rem(b + 2, 3)

            @pl.when(b >= 1)
            def _():
                s_wait(q, d2)

            @pl.when(b + 1 < BLOCKS)
            def _():
                for d in in_descs(b + 1, q, d1, False):
                    d.wait()
                g_fire(q)

            g_wait(p)
            scale(p)
            s_fire(p, d0)

            @pl.when(b + 2 < BLOCKS)
            def _():
                in_descs(b + 2, p, d2, True)
            return carry
        lax.fori_loop(0, BLOCKS, block_body, 0)
        s_wait(1, 0)

        plsc.subcore_barrier()
        sl = pl.ds(s * ROWS_PER_TILE, ROWS_PER_TILE)
        @pl.when(c == 0)
        def _():
            pltpu.sync_copy(acc.at[sl], wrefA.at[sl])
        @pl.when(c == 1)
        def _():
            pltpu.sync_copy(acc.at[sl], wrefB.at[sl])
        plsc.subcore_barrier()

    pltpu.sync_copy(uis.at[pl.ds(s * 2, 2)], uidx_v)
    pltpu.sync_copy(uis.at[pl.ds(32 + s * 2, 2)], iidx_v)
    for l in range(4):
        pA, pB = layer_refs[l]
        add = l > 0

        @pl.when(c == 0)
        def _():
            for j in range(2):
                pltpu.async_copy(pA.at[uidx_v.at[j]],
                                 rows_v.at[pl.ds(j * CHUNK, CHUNK)],
                                 sem_e, add=add)
                pltpu.async_copy(pA.at[iidx_v.at[j]],
                                 rows_v.at[pl.ds(BPT + j * CHUNK, CHUNK)],
                                 sem_e, add=add)

        @pl.when(c == 1)
        def _():
            for j in range(2):
                pltpu.async_copy(pB.at[uidx_v.at[j]],
                                 rows_v.at[pl.ds(j * CHUNK, CHUNK)],
                                 sem_e, add=add)
                pltpu.async_copy(pB.at[iidx_v.at[j]],
                                 rows_v.at[pl.ds(BPT + j * CHUNK, CHUNK)],
                                 sem_e, add=add)

        for j in range(2):
            pltpu.make_async_copy(pA.at[uidx_v.at[j]],
                                  rows_v.at[pl.ds(j * CHUNK, CHUNK)],
                                  sem_e).wait()
            pltpu.make_async_copy(pA.at[iidx_v.at[j]],
                                  rows_v.at[pl.ds(BPT + j * CHUNK, CHUNK)],
                                  sem_e).wait()

    def pbody(i, carry):
        rows_v[i, :] = rows_v[i, :] * rows_v[BPT + i, :]
        return carry
    lax.fori_loop(0, BPT, pbody, 0)
    pltpu.sync_copy(rows_v.at[pl.ds(0, BPT)],
                    prod_out.at[pl.ds(c * BATCH + s * BPT, BPT)])


@jax.jit
def kernel(user_emb, item_emb, edge_index, edge_weight, users, items):
    f32 = jnp.float32
    i32 = jnp.int32

    pad = jnp.zeros((NP - NODE_N, HALF), f32)
    x0a = jnp.concatenate([user_emb[:, :HALF], item_emb[:, :HALF], pad], axis=0)
    x0b = jnp.concatenate([user_emb[:, HALF:], item_emb[:, HALF:], pad], axis=0)

    src = edge_index[0].astype(i32)
    dst = edge_index[1].astype(i32)

    def pad_edges(a, fill):
        a2 = a.reshape(16, EDGE_N // 16)
        p = jnp.full((16, ET - EDGE_N // 16), fill, a.dtype)
        return jnp.concatenate([a2, p], axis=1).reshape(-1)

    srcp = pad_edges(src, 0)
    dstp = pad_edges(dst, 0)
    wp = pad_edges(edge_weight, f32(0))

    unodes = users.astype(i32).reshape(32, CHUNK)
    inodes = (items.astype(i32) + USER_N).reshape(32, CHUNK)
    uis = jnp.concatenate([unodes, inodes], axis=0)

    half_t = jax.ShapeDtypeStruct((NP, HALF), f32)
    kfn = pl.kernel(
        _gcn_kernel,
        out_type=(jax.ShapeDtypeStruct((2 * BATCH, HALF), f32),
                  half_t, half_t, half_t, half_t, half_t, half_t),
        mesh=plsc.VectorSubcoreMesh(core_axis_name="c", subcore_axis_name="s"),
        compiler_params=pltpu.CompilerParams(use_tc_tiling_on_sc=False),
        scratch_types=[
            pltpu.VMEM((2, BLK), i32),
            pltpu.VMEM((3, BLK), i32),
            pltpu.VMEM((2, BLK), f32),
            pltpu.VMEM((2 * BLK, HALF), f32),
            pltpu.VMEM((2, CHUNK), i32),
            pltpu.VMEM((2, CHUNK), i32),
            pltpu.VMEM_SHARED((NP, HALF), f32),
            pltpu.SemaphoreType.DMA((2,)),
            pltpu.SemaphoreType.DMA((3,)),
            pltpu.SemaphoreType.DMA((2,)),
            pltpu.SemaphoreType.DMA((2,)),
            pltpu.SemaphoreType.DMA,
        ],
    )
    prod = kfn(x0a, x0b, srcp, dstp, wp, uis)[0]
    score = prod.reshape(2, BATCH, HALF).sum(axis=(0, 2)) * f32(1.0 / 16.0)
    return jax.nn.sigmoid(score)

# --- scband reference (transcript-rebuilt; emitter-appended) ---
"""Pipeline reference for scband-lightgcn-29918742184782 (READ-ONLY COPY).

The authoritative reference and input builder live on the scoring server;
editing this copy changes nothing except your own understanding.
"""

import jax, jax.numpy as jnp
import numpy as np

USER_NUM = 30000
ITEM_NUM = 70000
N_NODES = USER_NUM + ITEM_NUM
N_EDGES = 1600000
EMBED_DIM = 32
BATCH = 4096
N_LAYERS = 3


def setup_inputs(seed: int = 0) -> dict:
    key = jax.random.key(seed)
    k1, k2, k3, k4, k5, k6 = jax.random.split(key, 6)
    user_emb = jax.random.normal(k1, (USER_NUM, EMBED_DIM), dtype=jnp.float32) * 0.01
    item_emb = jax.random.normal(k2, (ITEM_NUM, EMBED_DIM), dtype=jnp.float32) * 0.01
    edge_index = jax.random.randint(k3, (2, N_EDGES), 0, N_NODES, dtype=jnp.int64 if jax.config.jax_enable_x64 else jnp.int32)
    edge_weight = jax.random.uniform(k4, (N_EDGES,), dtype=jnp.float32)
    users = jax.random.randint(k5, (BATCH,), 0, USER_NUM)
    items = jax.random.randint(k6, (BATCH,), 0, ITEM_NUM)
    return {
        'user_emb': user_emb,
        'item_emb': item_emb,
        'edge_index': edge_index,
        'edge_weight': edge_weight,
        'users': users,
        'items': items,
    }


def reference(user_emb, item_emb, edge_index, edge_weight, users, items):
    # ego embeddings: concat user and item tables
    ego = jnp.concatenate([user_emb, item_emb], axis=0)
    embeddings_list = [ego]
    src = edge_index[0]
    dst = edge_index[1]
    x = ego
    for _ in range(N_LAYERS):
        # sparse.mm(norm_adj, x): gather source rows, scale by edge weight, scatter-add to dst
        msg = jnp.take(x, src, axis=0) * edge_weight[:, None]
        x = jax.ops.segment_sum(msg, dst, num_segments=N_NODES)
        embeddings_list.append(x)
    lightgcn_all = jnp.mean(jnp.stack(embeddings_list, axis=1), axis=1)
    user_all = lightgcn_all[:USER_NUM]
    item_all = lightgcn_all[USER_NUM:]
    users_emb = jnp.take(user_all, users, axis=0)
    items_emb = jnp.take(item_all, items, axis=0)
    score = jnp.sum(users_emb * items_emb, axis=1)
    return jax.nn.sigmoid(score)

if __name__ == "__main__":
    import jax
    _d = setup_inputs()
    print(jax.jit(kernel)(*tuple(_d.values())))

</pallas_src>

<mosaic_0001>
#map = affine_map<(d0, d1) -> (0, 0)>
#map1 = affine_map<(d0, d1) -> (0)>
module attributes {stable_mosaic.version = 14 : i64} {
  func.func @_gcn_kernel(%arg0: i32, %arg1: i32, %arg2: memref<100352x16xf32, #tpu.memory_space<hbm>>, %arg3: memref<100352x16xf32, #tpu.memory_space<hbm>>, %arg4: memref<1605632xi32, #tpu.memory_space<hbm>>, %arg5: memref<1605632xi32, #tpu.memory_space<hbm>>, %arg6: memref<1605632xf32, #tpu.memory_space<hbm>>, %arg7: memref<64x128xi32, #tpu.memory_space<hbm>>, %arg8: memref<8192x16xf32, #tpu.memory_space<hbm>>, %arg9: memref<100352x16xf32, #tpu.memory_space<hbm>>, %arg10: memref<100352x16xf32, #tpu.memory_space<hbm>>, %arg11: memref<100352x16xf32, #tpu.memory_space<hbm>>, %arg12: memref<100352x16xf32, #tpu.memory_space<hbm>>, %arg13: memref<100352x16xf32, #tpu.memory_space<hbm>>, %arg14: memref<100352x16xf32, #tpu.memory_space<hbm>>, %arg15: memref<2x512xi32, #tpu.memory_space<vmem>>, %arg16: memref<3x512xi32, #tpu.memory_space<vmem>>, %arg17: memref<2x512xf32, #tpu.memory_space<vmem>>, %arg18: memref<1024x16xf32, #tpu.memory_space<vmem>>, %arg19: memref<2x128xi32, #tpu.memory_space<vmem>>, %arg20: memref<2x128xi32, #tpu.memory_space<vmem>>, %arg21: memref<100352x16xf32, #tpu.memory_space<vmem_shared>>, %arg22: memref<2x!tpu.dma_semaphore, #tpu.memory_space<semaphore_mem>>, %arg23: memref<3x!tpu.dma_semaphore, #tpu.memory_space<semaphore_mem>>, %arg24: memref<2x!tpu.dma_semaphore, #tpu.memory_space<semaphore_mem>>, %arg25: memref<2x!tpu.dma_semaphore, #tpu.memory_space<semaphore_mem>>, %arg26: memref<!tpu.dma_semaphore, #tpu.memory_space<semaphore_mem>>) attributes {dimension_semantics = [#tpu.dimension_semantics<core_parallel>, #tpu.dimension_semantics<subcore_parallel>], iteration_bounds = array<i64: 2, 16>, scalar_prefetch = 0 : i64, scratch_operands = 12 : i64, tpu.core_type = #tpu.core_type<sc_vector_subcore>, window_params = [{transform_indices = #map}, {transform_indices = #map}, {transform_indices = #map1}, {transform_indices = #map1}, {transform_indices = #map1}, {transform_indices = #map}, {transform_indices = #map}, {transform_indices = #map}, {transform_indices = #map}, {transform_indices = #map}, {transform_indices = #map}, {transform_indices = #map}, {transform_indices = #map}]} {
    %scan3A = arith.constant 0 : i32
    %scan3A_0 = arith.constant 0 : i32
    %scan3A_1 = arith.constant 784 : i32
    %scan3A_2 = arith.addi %scan3A_0, %scan3A_1 : i32
    %scan3A_3 = arith.constant 1 : i32
    scf.for %scan3A_1294 = %scan3A_0 to %scan3A_2 step %scan3A_3  : i32 {
      %broadcast_in_dim3A = arith.constant 0.000000e+00 : f32
      %broadcast_in_dim3A_1295 = vector.broadcast %broadcast_in_dim3A : f32 to vector<16xf32>
      %swap3A = arith.index_cast %scan3A_1294 : i32 to index
      %swap3A_1296 = arith.constant 0 : index
      %swap3A_1297 = tpu.vector_load %arg18[%swap3A, %swap3A_1296] {strides = array<i32>} : memref<1024x16xf32, #tpu.memory_space<vmem>>, vector<1x16xf32>,
      %swap3A_1298 = vector.shape_cast %swap3A_1297 : vector<1x16xf32> to vector<16xf32>
      %swap3A_1299 = vector.shape_cast %broadcast_in_dim3A_1295 : vector<16xf32> to vector<1x16xf32>
      tpu.vector_store %arg18[%swap3A, %swap3A_1296], %swap3A_1299 {strides = array<i32>} : memref<1024x16xf32, #tpu.memory_space<vmem>>, vector<1x16xf32>,
    }
    %scan3A_4 = arith.constant 784 : i32
    %mul3A = arith.constant 6272 : i32
    %mul3A_5 = arith.muli %arg1, %mul3A : i32
    %add3A = arith.constant 0 : i32
    %add3A_6 = arith.addi %mul3A_5, %add3A : i32
    %dma_start3A = arith.constant 0 : i32
    %dma_start3A_7 = arith.constant 0 : i32
    %dma_start3A_8 = tpu.memref_slice %arg18[%dma_start3A, %dma_start3A_7] : memref<1024x16xf32, #tpu.memory_space<vmem>> -> memref<784x16xf32, #tpu.memory_space<vmem>>
    %dma_start3A_9 = arith.constant 0 : i32
    %dma_start3A_10 = tpu.memref_slice %arg21[%add3A_6, %dma_start3A_9] : memref<100352x16xf32, #tpu.memory_space<vmem_shared>> -> memref<784x16xf32, #tpu.memory_space<vmem_shared>>
    %dma_start3A_11 = arith.constant 0 : i32
    %dma_start3A_12 = tpu.memref_slice %arg21[%add3A_6, %dma_start3A_11] : memref<100352x16xf32, #tpu.memory_space<vmem_shared>> -> memref<784x16xf32, #tpu.memory_space<vmem_shared>>
    %dma_start3A_13 = arith.constant 0 : i32
    %dma_start3A_14 = arith.constant 0 : i32
    %dma_start3A_15 = tpu.memref_slice %arg18[%dma_start3A_13, %dma_start3A_14] : memref<1024x16xf32, #tpu.memory_space<vmem>> -> memref<784x16xf32, #tpu.memory_space<vmem>>
    tpu.enqueue_dma source(%dma_start3A_15 : memref<784x16xf32, #tpu.memory_space<vmem>>) target(%dma_start3A_12 : memref<784x16xf32, #tpu.memory_space<vmem_shared>>) target_semaphore(%arg26 : memref<!tpu.dma_semaphore, #tpu.memory_space<semaphore_mem>>)
    %mul3A_16 = arith.constant 6272 : i32
    %mul3A_17 = arith.muli %arg1, %mul3A_16 : i32
    %add3A_18 = arith.constant 784 : i32
    %add3A_19 = arith.addi %mul3A_17, %add3A_18 : i32
    %dma_start3A_20 = arith.constant 0 : i32
    %dma_start3A_21 = arith.constant 0 : i32
    %dma_start3A_22 = tpu.memref_slice %arg18[%dma_start3A_20, %dma_start3A_21] : memref<1024x16xf32, #tpu.memory_space<vmem>> -> memref<784x16xf32, #tpu.memory_space<vmem>>
    %dma_start3A_23 = arith.constant 0 : i32
    %dma_start3A_24 = tpu.memref_slice %arg21[%add3A_19, %dma_start3A_23] : memref<100352x16xf32, #tpu.memory_space<vmem_shared>> -> memref<784x16xf32, #tpu.memory_space<vmem_shared>>
    %dma_start3A_25 = arith.constant 0 : i32
    %dma_start3A_26 = tpu.memref_slice %arg21[%add3A_19, %dma_start3A_25] : memref<100352x16xf32, #tpu.memory_space<vmem_shared>> -> memref<784x16xf32, #tpu.memory_space<vmem_shared>>
    %dma_start3A_27 = arith.constant 0 : i32
    %dma_start3A_28 = arith.constant 0 : i32
    %dma_start3A_29 = tpu.memref_slice %arg18[%dma_start3A_27, %dma_start3A_28] : memref<1024x16xf32, #tpu.memory_space<vmem>> -> memref<784x16xf32, #tpu.memory_space<vmem>>
    tpu.enqueue_dma source(%dma_start3A_29 : memref<784x16xf32, #tpu.memory_space<vmem>>) target(%dma_start3A_26 : memref<784x16xf32, #tpu.memory_space<vmem_shared>>) target_semaphore(%arg26 : memref<!tpu.dma_semaphore, #tpu.memory_space<semaphore_mem>>)
    %mul3A_30 = arith.constant 6272 : i32
    %mul3A_31 = arith.muli %arg1, %mul3A_30 : i32
    %add3A_32 = arith.constant 1568 : i32
    %add3A_33 = arith.addi %mul3A_31, %add3A_32 : i32
    %dma_start3A_34 = arith.constant 0 : i32
    %dma_start3A_35 = arith.constant 0 : i32
    %dma_start3A_36 = tpu.memref_slice %arg18[%dma_start3A_34, %dma_start3A_35] : memref<1024x16xf32, #tpu.memory_space<vmem>> -> memref<784x16xf32, #tpu.memory_space<vmem>>
    %dma_start3A_37 = arith.constant 0 : i32
    %dma_start3A_38 = tpu.memref_slice %arg21[%add3A_33, %dma_start3A_37] : memref<100352x16xf32, #tpu.memory_space<vmem_shared>> -> memref<784x16xf32, #tpu.memory_space<vmem_shared>>
    %dma_start3A_39 = arith.constant 0 : i32
    %dma_start3A_40 = tpu.memref_slice %arg21[%add3A_33, %dma_start3A_39] : memref<100352x16xf32, #tpu.memory_space<vmem_shared>> -> memref<784x16xf32, #tpu.memory_space<vmem_shared>>
    %dma_start3A_41 = arith.constant 0 : i32
    %dma_start3A_42 = arith.constant 0 : i32
    %dma_start3A_43 = tpu.memref_slice %arg18[%dma_start3A_41, %dma_start3A_42] : memref<1024x16xf32, #tpu.memory_space<vmem>> -> memref<784x16xf32, #tpu.memory_space<vmem>>
    tpu.enqueue_dma source(%dma_start3A_43 : memref<784x16xf32, #tpu.memory_space<vmem>>) target(%dma_start3A_40 : memref<784x16xf32, #tpu.memory_space<vmem_shared>>) target_semaphore(%arg26 : memref<!tpu.dma_semaphore, #tpu.memory_space<semaphore_mem>>)
    %mul3A_44 = arith.constant 6272 : i32
    %mul3A_45 = arith.muli %arg1, %mul3A_44 : i32
    %add3A_46 = arith.constant 2352 : i32
    %add3A_47 = arith.addi %mul3A_45, %add3A_46 : i32
    %dma_start3A_48 = arith.constant 0 : i32
    %dma_start3A_49 = arith.constant 0 : i32
    %dma_start3A_50 = tpu.memref_slice %arg18[%dma_start3A_48, %dma_start3A_49] : memref<1024x16xf32, #tpu.memory_space<vmem>> -> memref<784x16xf32, #tpu.memory_space<vmem>>
    %dma_start3A_51 = arith.constant 0 : i32
    %dma_start3A_52 = tpu.memref_slice %arg21[%add3A_47, %dma_start3A_51] : memref<100352x16xf32, #tpu.memory_space<vmem_shared>> -> memref<784x16xf32, #tpu.memory_space<vmem_shared>>
    %dma_start3A_53 = arith.constant 0 : i32
    %dma_start3A_54 = tpu.memref_slice %arg21[%add3A_47, %dma_start3A_53] : memref<100352x16xf32, #tpu.memory_space<vmem_shared>> -> memref<784x16xf32, #tpu.memory_space<vmem_shared>>
    %dma_start3A_55 = arith.constant 0 : i32
    %dma_start3A_56 = arith.constant 0 : i32
    %dma_start3A_57 = tpu.memref_slice %arg18[%dma_start3A_55, %dma_start3A_56] : memref<1024x16xf32, #tpu.memory_space<vmem>> -> memref<784x16xf32, #tpu.memory_space<vmem>>
    tpu.enqueue_dma source(%dma_start3A_57 : memref<784x16xf32, #tpu.memory_space<vmem>>) target(%dma_start3A_54 : memref<784x16xf32, #tpu.memory_space<vmem_shared>>) target_semaphore(%arg26 : memref<!tpu.dma_semaphore, #tpu.memory_space<semaphore_mem>>)
    %mul3A_58 = arith.constant 6272 : i32
    %mul3A_59 = arith.muli %arg1, %mul3A_58 : i32
    %add3A_60 = arith.constant 3136 : i32
    %add3A_61 = arith.addi %mul3A_59, %add3A_60 : i32
    %dma_start3A_62 = arith.constant 0 : i32
    %dma_start3A_63 = arith.constant 0 : i32
    %dma_start3A_64 = tpu.memref_slice %arg18[%dma_start3A_62, %dma_start3A_63] : memref<1024x16xf32, #tpu.memory_space<vmem>> -> memref<784x16xf32, #tpu.memory_space<vmem>>
    %dma_start3A_65 = arith.constant 0 : i32
    %dma_start3A_66 = tpu.memref_slice %arg21[%add3A_61, %dma_start3A_65] : memref<100352x16xf32, #tpu.memory_space<vmem_shared>> -> memref<784x16xf32, #tpu.memory_space<vmem_shared>>
    %dma_start3A_67 = arith.constant 0 : i32
    %dma_start3A_68 = tpu.memref_slice %arg21[%add3A_61, %dma_start3A_67] : memref<100352x16xf32, #tpu.memory_space<vmem_shared>> -> memref<784x16xf32, #tpu.memory_space<vmem_shared>>
    %dma_start3A_69 = arith.constant 0 : i32
    %dma_start3A_70 = arith.constant 0 : i32
    %dma_start3A_71 = tpu.memref_slice %arg18[%dma_start3A_69, %dma_start3A_70] : memref<1024x16xf32, #tpu.memory_space<vmem>> -> memref<784x16xf32, #tpu.memory_space<vmem>>
    tpu.enqueue_dma source(%dma_start3A_71 : memref<784x16xf32, #tpu.memory_space<vmem>>) target(%dma_start3A_68 : memref<784x16xf32, #tpu.memory_space<vmem_shared>>) target_semaphore(%arg26 : memref<!tpu.dma_semaphore, #tpu.memory_space<semaphore_mem>>)
    %mul3A_72 = arith.constant 6272 : i32
    %mul3A_73 = arith.muli %arg1, %mul3A_72 : i32
    %add3A_74 = arith.constant 3920 : i32
    %add3A_75 = arith.addi %mul3A_73, %add3A_74 : i32
    %dma_start3A_76 = arith.constant 0 : i32
    %dma_start3A_77 = arith.constant 0 : i32
    %dma_start3A_78 = tpu.memref_slice %arg18[%dma_start3A_76, %dma_start3A_77] : memref<1024x16xf32, #tpu.memory_space<vmem>> -> memref<784x16xf32, #tpu.memory_space<vmem>>
    %dma_start3A_79 = arith.constant 0 : i32
    %dma_start3A_80 = tpu.memref_slice %arg21[%add3A_75, %dma_start3A_79] : memref<100352x16xf32, #tpu.memory_space<vmem_shared>> -> memref<784x16xf32, #tpu.memory_space<vmem_shared>>
    %dma_start3A_81 = arith.constant 0 : i32
    %dma_start3A_82 = tpu.memref_slice %arg21[%add3A_75, %dma_start3A_81] : memref<100352x16xf32, #tpu.memory_space<vmem_shared>> -> memref<784x16xf32, #tpu.memory_space<vmem_shared>>
    %dma_start3A_83 = arith.constant 0 : i32
    %dma_start3A_84 = arith.constant 0 : i32
    %dma_start3A_85 = tpu.memref_slice %arg18[%dma_start3A_83, %dma_start3A_84] : memref<1024x16xf32, #tpu.memory_space<vmem>> -> memref<784x16xf32, #tpu.memory_space<vmem>>
    tpu.enqueue_dma source(%dma_start3A_85 : memref<784x16xf32, #tpu.memory_space<vmem>>) target(%dma_start3A_82 : memref<784x16xf32, #tpu.memory_space<vmem_shared>>) target_semaphore(%arg26 : memref<!tpu.dma_semaphore, #tpu.memory_space<semaphore_mem>>)
    %mul3A_86 = arith.constant 6272 : i32
    %mul3A_87 = arith.muli %arg1, %mul3A_86 : i32
    %add3A_88 = arith.constant 4704 : i32
    %add3A_89 = arith.addi %mul3A_87, %add3A_88 : i32
    %dma_start3A_90 = arith.constant 0 : i32
    %dma_start3A_91 = arith.constant 0 : i32
    %dma_start3A_92 = tpu.memref_slice %arg18[%dma_start3A_90, %dma_start3A_91] : memref<1024x16xf32, #tpu.memory_space<vmem>> -> memref<784x16xf32, #tpu.memory_space<vmem>>
    %dma_start3A_93 = arith.constant 0 : i32
    %dma_start3A_94 = tpu.memref_slice %arg21[%add3A_89, %dma_start3A_93] : memref<100352x16xf32, #tpu.memory_space<vmem_shared>> -> memref<784x16xf32, #tpu.memory_space<vmem_shared>>
    %dma_start3A_95 = arith.constant 0 : i32
    %dma_start3A_96 = tpu.memref_slice %arg21[%add3A_89, %dma_start3A_95] : memref<100352x16xf32, #tpu.memory_space<vmem_shared>> -> memref<784x16xf32, #tpu.memory_space<vmem_shared>>
    %dma_start3A_97 = arith.constant 0 : i32
    %dma_start3A_98 = arith.constant 0 : i32
    %dma_start3A_99 = tpu.memref_slice %arg18[%dma_start3A_97, %dma_start3A_98] : memref<1024x16xf32, #tpu.memory_space<vmem>> -> memref<784x16xf32, #tpu.memory_space<vmem>>
    tpu.enqueue_dma source(%dma_start3A_99 : memref<784x16xf32, #tpu.memory_space<vmem>>) target(%dma_start3A_96 : memref<784x16xf32, #tpu.memory_space<vmem_shared>>) target_semaphore(%arg26 : memref<!tpu.dma_semaphore, #tpu.memory_space<semaphore_mem>>)
    %mul3A_100 = arith.constant 6272 : i32
    %mul3A_101 = arith.muli %arg1, %mul3A_100 : i32
    %add3A_102 = arith.constant 5488 : i32
    %add3A_103 = arith.addi %mul3A_101, %add3A_102 : i32
    %dma_start3A_104 = arith.constant 0 : i32
    %dma_start3A_105 = arith.constant 0 : i32
    %dma_start3A_106 = tpu.memref_slice %arg18[%dma_start3A_104, %dma_start3A_105] : memref<1024x16xf32, #tpu.memory_space<vmem>> -> memref<784x16xf32, #tpu.memory_space<vmem>>
    %dma_start3A_107 = arith.constant 0 : i32
    %dma_start3A_108 = tpu.memref_slice %arg21[%add3A_103, %dma_start3A_107] : memref<100352x16xf32, #tpu.memory_space<vmem_shared>> -> memref<784x16xf32, #tpu.memory_space<vmem_shared>>
    %dma_start3A_109 = arith.constant 0 : i32
    %dma_start3A_110 = tpu.memref_slice %arg21[%add3A_103, %dma_start3A_109] : memref<100352x16xf32, #tpu.memory_space<vmem_shared>> -> memref<784x16xf32, #tpu.memory_space<vmem_shared>>
    %dma_start3A_111 = arith.constant 0 : i32
    %dma_start3A_112 = arith.constant 0 : i32
    %dma_start3A_113 = tpu.memref_slice %arg18[%dma_start3A_111, %dma_start3A_112] : memref<1024x16xf32, #tpu.memory_space<vmem>> -> memref<784x16xf32, #tpu.memory_space<vmem>>
    tpu.enqueue_dma source(%dma_start3A_113 : memref<784x16xf32, #tpu.memory_space<vmem>>) target(%dma_start3A_110 : memref<784x16xf32, #tpu.memory_space<vmem_shared>>) target_semaphore(%arg26 : memref<!tpu.dma_semaphore, #tpu.memory_space<semaphore_mem>>)
    %dma_wait3A = arith.constant 0 : i32
    %dma_wait3A_114 = arith.constant 0 : i32
    %dma_wait3A_115 = tpu.memref_slice %arg18[%dma_wait3A, %dma_wait3A_114] : memref<1024x16xf32, #tpu.memory_space<vmem>> -> memref<784x16xf32, #tpu.memory_space<vmem>>
    %dma_wait3A_116 = arith.constant 0 : i32
    %dma_wait3A_117 = tpu.memref_slice %arg21[%add3A_6, %dma_wait3A_116] : memref<100352x16xf32, #tpu.memory_space<vmem_shared>> -> memref<784x16xf32, #tpu.memory_space<vmem_shared>>
    %dma_wait3A_118 = arith.constant 0 : i32
    %dma_wait3A_119 = tpu.memref_slice %arg21[%add3A_6, %dma_wait3A_118] : memref<100352x16xf32, #tpu.memory_space<vmem_shared>> -> memref<784x16xf32, #tpu.memory_space<vmem_shared>>
    %dma_wait3A_120 = arith.constant 0 : i32
    %dma_wait3A_121 = arith.constant 0 : i32
    %dma_wait3A_122 = tpu.memref_slice %arg18[%dma_wait3A_120, %dma_wait3A_121] : memref<1024x16xf32, #tpu.memory_space<vmem>> -> memref<784x16xf32, #tpu.memory_space<vmem>>
    tpu.wait_dma2 semaphore(%arg26 : memref<!tpu.dma_semaphore, #tpu.memory_space<semaphore_mem>>) src(%dma_wait3A_122 : memref<784x16xf32, #tpu.memory_space<vmem>>) dst(%dma_wait3A_119 : memref<784x16xf32, #tpu.memory_space<vmem_shared>>)
    %dma_wait3A_123 = arith.constant 0 : i32
    %dma_wait3A_124 = arith.constant 0 : i32
    %dma_wait3A_125 = tpu.memref_slice %arg18[%dma_wait3A_123, %dma_wait3A_124] : memref<1024x16xf32, #tpu.memory_space<vmem>> -> memref<784x16xf32, #tpu.memory_space<vmem>>
    %dma_wait3A_126 = arith.constant 0 : i32
    %dma_wait3A_127 = tpu.memref_slice %arg21[%add3A_19, %dma_wait3A_126] : memref<100352x16xf32, #tpu.memory_space<vmem_shared>> -> memref<784x16xf32, #tpu.memory_space<vmem_shared>>
    %dma_wait3A_128 = arith.constant 0 : i32
    %dma_wait3A_129 = tpu.memref_slice %arg21[%add3A_19, %dma_wait3A_128] : memref<100352x16xf32, #tpu.memory_space<vmem_shared>> -> memref<784x16xf32, #tpu.memory_space<vmem_shared>>
    %dma_wait3A_130 = arith.constant 0 : i32
    %dma_wait3A_131 = arith.constant 0 : i32
    %dma_wait3A_132 = tpu.memref_slice %arg18[%dma_wait3A_130, %dma_wait3A_131] : memref<1024x16xf32, #tpu.memory_space<vmem>> -> memref<784x16xf32, #tpu.memory_space<vmem>>
    tpu.wait_dma2 semaphore(%arg26 : memref<!tpu.dma_semaphore, #tpu.memory_space<semaphore_mem>>) src(%dma_wait3A_132 : memref<784x16xf32, #tpu.memory_space<vmem>>) dst(%dma_wait3A_129 : memref<784x16xf32, #tpu.memory_space<vmem_shared>>)
    %dma_wait3A_133 = arith.constant 0 : i32
    %dma_wait3A_134 = arith.constant 0 : i32
    %dma_wait3A_135 = tpu.memref_slice %arg18[%dma_wait3A_133, %dma_wait3A_134] : memref<1024x16xf32, #tpu.memory_space<vmem>> -> memref<784x16xf32, #tpu.memory_space<vmem>>
    %dma_wait3A_136 = arith.constant 0 : i32
    %dma_wait3A_137 = tpu.memref_slice %arg21[%add3A_33, %dma_wait3A_136] : memref<100352x16xf32, #tpu.memory_space<vmem_shared>> -> memref<784x16xf32, #tpu.memory_space<vmem_shared>>
    %dma_wait3A_138 = arith.constant 0 : i32
    %dma_wait3A_139 = tpu.memref_slice %arg21[%add3A_33, %dma_wait3A_138] : memref<100352x16xf32, #tpu.memory_space<vmem_shared>> -> memref<784x16xf32, #tpu.memory_space<vmem_shared>>
    %dma_wait3A_140 = arith.constant 0 : i32
    %dma_wait3A_141 = arith.constant 0 : i32
    %dma_wait3A_142 = tpu.memref_slice %arg18[%dma_wait3A_140, %dma_wait3A_141] : memref<1024x16xf32, #tpu.memory_space<vmem>> -> memref<784x16xf32, #tpu.memory_space<vmem>>
    tpu.wait_dma2 semaphore(%arg26 : memref<!tpu.dma_semaphore, #tpu.memory_space<semaphore_mem>>) src(%dma_wait3A_142 : memref<784x16xf32, #tpu.memory_space<vmem>>) dst(%dma_wait3A_139 : memref<784x16xf32, #tpu.memory_space<vmem_shared>>)
    %dma_wait3A_143 = arith.constant 0 : i32
    %dma_wait3A_144 = arith.constant 0 : i32
    %dma_wait3A_145 = tpu.memref_slice %arg18[%dma_wait3A_143, %dma_wait3A_144] : memref<1024x16xf32, #tpu.memory_space<vmem>> -> memref<784x16xf32, #tpu.memory_space<vmem>>
    %dma_wait3A_146 = arith.constant 0 : i32
    %dma_wait3A_147 = tpu.memref_slice %arg21[%add3A_47, %dma_wait3A_146] : memref<100352x16xf32, #tpu.memory_space<vmem_shared>> -> memref<784x16xf32, #tpu.memory_space<vmem_shared>>
    %dma_wait3A_148 = arith.constant 0 : i32
    %dma_wait3A_149 = tpu.memref_slice %arg21[%add3A_47, %dma_wait3A_148] : memref<100352x16xf32, #tpu.memory_space<vmem_shared>> -> memref<784x16xf32, #tpu.memory_space<vmem_shared>>
    %dma_wait3A_150 = arith.constant 0 : i32
    %dma_wait3A_151 = arith.constant 0 : i32
    %dma_wait3A_152 = tpu.memref_slice %arg18[%dma_wait3A_150, %dma_wait3A_151] : memref<1024x16xf32, #tpu.memory_space<vmem>> -> memref<784x16xf32, #tpu.memory_space<vmem>>
    tpu.wait_dma2 semaphore(%arg26 : memref<!tpu.dma_semaphore, #tpu.memory_space<semaphore_mem>>) src(%dma_wait3A_152 : memref<784x16xf32, #tpu.memory_space<vmem>>) dst(%dma_wait3A_149 : memref<784x16xf32, #tpu.memory_space<vmem_shared>>)
    %dma_wait3A_153 = arith.constant 0 : i32
    %dma_wait3A_154 = arith.constant 0 : i32
    %dma_wait3A_155 = tpu.memref_slice %arg18[%dma_wait3A_153, %dma_wait3A_154] : memref<1024x16xf32, #tpu.memory_space<vmem>> -> memref<784x16xf32, #tpu.memory_space<vmem>>
    %dma_wait3A_156 = arith.constant 0 : i32
    %dma_wait3A_157 = tpu.memref_slice %arg21[%add3A_61, %dma_wait3A_156] : memref<100352x16xf32, #tpu.memory_space<vmem_shared>> -> memref<784x16xf32, #tpu.memory_space<vmem_shared>>
    %dma_wait3A_158 = arith.constant 0 : i32
    %dma_wait3A_159 = tpu.memref_slice %arg21[%add3A_61, %dma_wait3A_158] : memref<100352x16xf32, #tpu.memory_space<vmem_shared>> -> memref<784x16xf32, #tpu.memory_space<vmem_shared>>
    %dma_wait3A_160 = arith.constant 0 : i32
    %dma_wait3A_161 = arith.constant 0 : i32
    %dma_wait3A_162 = tpu.memref_slice %arg18[%dma_wait3A_160, %dma_wait3A_161] : memref<1024x16xf32, #tpu.memory_space<vmem>> -> memref<784x16xf32, #tpu.memory_space<vmem>>
    tpu.wait_dma2 semaphore(%arg26 : memref<!tpu.dma_semaphore, #tpu.memory_space<semaphore_mem>>) src(%dma_wait3A_162 : memref<784x16xf32, #tpu.memory_space<vmem>>) dst(%dma_wait3A_159 : memref<784x16xf32, #tpu.memory_space<vmem_shared>>)
    %dma_wait3A_163 = arith.constant 0 : i32
    %dma_wait3A_164 = arith.constant 0 : i32
    %dma_wait3A_165 = tpu.memref_slice %arg18[%dma_wait3A_163, %dma_wait3A_164] : memref<1024x16xf32, #tpu.memory_space<vmem>> -> memref<784x16xf32, #tpu.memory_space<vmem>>
    %dma_wait3A_166 = arith.constant 0 : i32
    %dma_wait3A_167 = tpu.memref_slice %arg21[%add3A_75, %dma_wait3A_166] : memref<100352x16xf32, #tpu.memory_space<vmem_shared>> -> memref<784x16xf32, #tpu.memory_space<vmem_shared>>
    %dma_wait3A_168 = arith.constant 0 : i32
    %dma_wait3A_169 = tpu.memref_slice %arg21[%add3A_75, %dma_wait3A_168] : memref<100352x16xf32, #tpu.memory_space<vmem_shared>> -> memref<784x16xf32, #tpu.memory_space<vmem_shared>>
    %dma_wait3A_170 = arith.constant 0 : i32
    %dma_wait3A_171 = arith.constant 0 : i32
    %dma_wait3A_172 = tpu.memref_slice %arg18[%dma_wait3A_170, %dma_wait3A_171] : memref<1024x16xf32, #tpu.memory_space<vmem>> -> memref<784x16xf32, #tpu.memory_space<vmem>>
    tpu.wait_dma2 semaphore(%arg26 : memref<!tpu.dma_semaphore, #tpu.memory_space<semaphore_mem>>) src(%dma_wait3A_172 : memref<784x16xf32, #tpu.memory_space<vmem>>) dst(%dma_wait3A_169 : memref<784x16xf32, #tpu.memory_space<vmem_shared>>)
    %dma_wait3A_173 = arith.constant 0 : i32
    %dma_wait3A_174 = arith.constant 0 : i32
    %dma_wait3A_175 = tpu.memref_slice %arg18[%dma_wait3A_173, %dma_wait3A_174] : memref<1024x16xf32, #tpu.memory_space<vmem>> -> memref<784x16xf32, #tpu.memory_space<vmem>>
    %dma_wait3A_176 = arith.constant 0 : i32
    %dma_wait3A_177 = tpu.memref_slice %arg21[%add3A_89, %dma_wait3A_176] : memref<100352x16xf32, #tpu.memory_space<vmem_shared>> -> memref<784x16xf32, #tpu.memory_space<vmem_shared>>
    %dma_wait3A_178 = arith.constant 0 : i32
    %dma_wait3A_179 = tpu.memref_slice %arg21[%add3A_89, %dma_wait3A_178] : memref<100352x16xf32, #tpu.memory_space<vmem_shared>> -> memref<784x16xf32, #tpu.memory_space<vmem_shared>>
    %dma_wait3A_180 = arith.constant 0 : i32
    %dma_wait3A_181 = arith.constant 0 : i32
    %dma_wait3A_182 = tpu.memref_slice %arg18[%dma_wait3A_180, %dma_wait3A_181] : memref<1024x16xf32, #tpu.memory_space<vmem>> -> memref<784x16xf32, #tpu.memory_space<vmem>>
    tpu.wait_dma2 semaphore(%arg26 : memref<!tpu.dma_semaphore, #tpu.memory_space<semaphore_mem>>) src(%dma_wait3A_182 : memref<784x16xf32, #tpu.memory_space<vmem>>) dst(%dma_wait3A_179 : memref<784x16xf32, #tpu.memory_space<vmem_shared>>)
    %dma_wait3A_183 = arith.constant 0 : i32
    %dma_wait3A_184 = arith.constant 0 : i32
    %dma_wait3A_185 = tpu.memref_slice %arg18[%dma_wait3A_183, %dma_wait3A_184] : memref<1024x16xf32, #tpu.memory_space<vmem>> -> memref<784x16xf32, #tpu.memory_space<vmem>>
    %dma_wait3A_186 = arith.constant 0 : i32
    %dma_wait3A_187 = tpu.memref_slice %arg21[%add3A_103, %dma_wait3A_186] : memref<100352x16xf32, #tpu.memory_space<vmem_shared>> -> memref<784x16xf32, #tpu.memory_space<vmem_shared>>
    %dma_wait3A_188 = arith.constant 0 : i32
    %dma_wait3A_189 = tpu.memref_slice %arg21[%add3A_103, %dma_wait3A_188] : memref<100352x16xf32, #tpu.memory_space<vmem_shared>> -> memref<784x16xf32, #tpu.memory_space<vmem_shared>>
    %dma_wait3A_190 = arith.constant 0 : i32
    %dma_wait3A_191 = arith.constant 0 : i32
    %dma_wait3A_192 = tpu.memref_slice %arg18[%dma_wait3A_190, %dma_wait3A_191] : memref<1024x16xf32, #tpu.memory_space<vmem>> -> memref<784x16xf32, #tpu.memory_space<vmem>>
    tpu.wait_dma2 semaphore(%arg26 : memref<!tpu.dma_semaphore, #tpu.memory_space<semaphore_mem>>) src(%dma_wait3A_192 : memref<784x16xf32, #tpu.memory_space<vmem>>) dst(%dma_wait3A_189 : memref<784x16xf32, #tpu.memory_space<vmem_shared>>)
    %barrier3A = arith.constant 0 : index
    tpu.barrier barrier_id(%barrier3A)
    %mul3A_193 = arith.constant 100352 : i32
    %mul3A_194 = arith.muli %arg1, %mul3A_193 : i32
    %add3A_195 = arith.constant 0 : i32
    %add3A_196 = arith.addi %mul3A_194, %add3A_195 : i32
    %dma_start3A_197 = arith.constant 0 : i32
    %dma_start3A_198 = arith.constant 0 : i32
    %dma_start3A_199 = arith.constant 0 : i32
    %dma_start3A_200 = tpu.memref_slice %arg15[%dma_start3A_197, %dma_start3A_199] : memref<2x512xi32, #tpu.memory_space<vmem>> -> memref<1x512xi32, #tpu.memory_space<vmem>>
    %dma_start3A_201 = tpu.memref_squeeze %dma_start3A_200 : memref<1x512xi32, #tpu.memory_space<vmem>> -> memref<512xi32, #tpu.memory_space<vmem>>
    %dma_start3A_202 = tpu.memref_slice %arg4[%add3A_196] : memref<1605632xi32, #tpu.memory_space<hbm>> -> memref<512xi32, #tpu.memory_space<hbm>>
    %dma_start3A_203 = tpu.memref_slice %arg22[%dma_start3A_198] : memref<2x!tpu.dma_semaphore, #tpu.memory_space<semaphore_mem>> -> memref<1x!tpu.dma_semaphore, #tpu.memory_space<semaphore_mem>>
    %dma_start3A_204 = tpu.memref_squeeze %dma_start3A_203 : memref<1x!tpu.dma_semaphore, #tpu.memory_space<semaphore_mem>> -> memref<!tpu.dma_semaphore, #tpu.memory_space<semaphore_mem>>
    %dma_start3A_205 = arith.constant 0 : i32
    %dma_start3A_206 = tpu.memref_slice %arg15[%dma_start3A_197, %dma_start3A_205] : memref<2x512xi32, #tpu.memory_space<vmem>> -> memref<1x512xi32, #tpu.memory_space<vmem>>
    %dma_start3A_207 = tpu.memref_squeeze %dma_start3A_206 : memref<1x512xi32, #tpu.memory_space<vmem>> -> memref<512xi32, #tpu.memory_space<vmem>>
    %dma_start3A_208 = tpu.memref_slice %arg4[%add3A_196] : memref<1605632xi32, #tpu.memory_space<hbm>> -> memref<512xi32, #tpu.memory_space<hbm>>
    tpu.enqueue_dma source(%dma_start3A_208 : memref<512xi32, #tpu.memory_space<hbm>>) target(%dma_start3A_207 : memref<512xi32, #tpu.memory_space<vmem>>) target_semaphore(%dma_start3A_204 : memref<!tpu.dma_semaphore, #tpu.memory_space<semaphore_mem>>)
    %dma_start3A_209 = arith.constant 0 : i32
    %dma_start3A_210 = arith.constant 0 : i32
    %dma_start3A_211 = arith.constant 0 : i32
    %dma_start3A_212 = tpu.memref_slice %arg17[%dma_start3A_209, %dma_start3A_211] : memref<2x512xf32, #tpu.memory_space<vmem>> -> memref<1x512xf32, #tpu.memory_space<vmem>>
    %dma_start3A_213 = tpu.memref_squeeze %dma_start3A_212 : memref<1x512xf32, #tpu.memory_space<vmem>> -> memref<512xf32, #tpu.memory_space<vmem>>
    %dma_start3A_214 = tpu.memref_slice %arg6[%add3A_196] : memref<1605632xf32, #tpu.memory_space<hbm>> -> memref<512xf32, #tpu.memory_space<hbm>>
    %dma_start3A_215 = tpu.memref_slice %arg22[%dma_start3A_210] : memref<2x!tpu.dma_semaphore, #tpu.memory_space<semaphore_mem>> -> memref<1x!tpu.dma_semaphore, #tpu.memory_space<semaphore_mem>>
    %dma_start3A_216 = tpu.memref_squeeze %dma_start3A_215 : memref<1x!tpu.dma_semaphore, #tpu.memory_space<semaphore_mem>> -> memref<!tpu.dma_semaphore, #tpu.memory_space<semaphore_mem>>
    %dma_start3A_217 = arith.constant 0 : i32
    %dma_start3A_218 = tpu.memref_slice %arg17[%dma_start3A_209, %dma_start3A_217] : memref<2x512xf32, #tpu.memory_space<vmem>> -> memref<1x512xf32, #tpu.memory_space<vmem>>
    %dma_start3A_219 = tpu.memref_squeeze %dma_start3A_218 : memref<1x512xf32, #tpu.memory_space<vmem>> -> memref<512xf32, #tpu.memory_space<vmem>>
    %dma_start3A_220 = tpu.memref_slice %arg6[%add3A_196] : memref<1605632xf32, #tpu.memory_space<hbm>> -> memref<512xf32, #tpu.memory_space<hbm>>
    tpu.enqueue_dma source(%dma_start3A_220 : memref<512xf32, #tpu.memory_space<hbm>>) target(%dma_start3A_219 : memref<512xf32, #tpu.memory_space<vmem>>) target_semaphore(%dma_start3A_216 : memref<!tpu.dma_semaphore, #tpu.memory_space<semaphore_mem>>)
    %dma_start3A_221 = arith.constant 0 : i32
    %dma_start3A_222 = arith.constant 0 : i32
    %dma_start3A_223 = arith.constant 0 : i32
    %dma_start3A_224 = tpu.memref_slice %arg16[%dma_start3A_221, %dma_start3A_223] : memref<3x512xi32, #tpu.memory_space<vmem>> -> memref<1x512xi32, #tpu.memory_space<vmem>>
    %dma_start3A_225 = tpu.memref_squeeze %dma_start3A_224 : memref<1x512xi32, #tpu.memory_space<vmem>> -> memref<512xi32, #tpu.memory_space<vmem>>
    %dma_start3A_226 = tpu.memref_slice %arg5[%add3A_196] : memref<1605632xi32, #tpu.memory_space<hbm>> -> memref<512xi32, #tpu.memory_space<hbm>>
    %dma_start3A_227 = tpu.memref_slice %arg23[%dma_start3A_222] : memref<3x!tpu.dma_semaphore, #tpu.memory_space<semaphore_mem>> -> memref<1x!tpu.dma_semaphore, #tpu.memory_space<semaphore_mem>>
    %dma_start3A_228 = tpu.memref_squeeze %dma_start3A_227 : memref<1x!tpu.dma_semaphore, #tpu.memory_space<semaphore_mem>> -> memref<!tpu.dma_semaphore, #tpu.memory_space<semaphore_mem>>
    %dma_start3A_229 = arith.constant 0 : i32
    %dma_start3A_230 = tpu.memref_slice %arg16[%dma_start3A_221, %dma_start3A_229] : memref<3x512xi32, #tpu.memory_space<vmem>> -> memref<1x512xi32, #tpu.memory_space<vmem>>
    %dma_start3A_231 = tpu.memref_squeeze %dma_start3A_230 : memref<1x512xi32, #tpu.memory_space<vmem>> -> memref<512xi32, #tpu.memory_space<vmem>>
    %dma_start3A_232 = tpu.memref_slice %arg5[%add3A_196] : memref<1605632xi32, #tpu.memory_space<hbm>> -> memref<512xi32, #tpu.memory_space<hbm>>
    tpu.enqueue_dma source(%dma_start3A_232 : memref<512xi32, #tpu.memory_space<hbm>>) target(%dma_start3A_231 : memref<512xi32, #tpu.memory_space<vmem>>) target_semaphore(%dma_start3A_228 : memref<!tpu.dma_semaphore, #tpu.memory_space<semaphore_mem>>)
    %mul3A_233 = arith.constant 100352 : i32
    %mul3A_234 = arith.muli %arg1, %mul3A_233 : i32
    %add3A_235 = arith.constant 0 : i32
    %add3A_236 = arith.addi %mul3A_234, %add3A_235 : i32
    %dma_wait3A_237 = arith.constant 0 : i32
    %dma_wait3A_238 = arith.constant 0 : i32
    %dma_wait3A_239 = arith.constant 0 : i32
    %dma_wait3A_240 = tpu.memref_slice %arg15[%dma_wait3A_237, %dma_wait3A_239] : memref<2x512xi32, #tpu.memory_space<vmem>> -> memref<1x512xi32, #tpu.memory_space<vmem>>
    %dma_wait3A_241 = tpu.memref_squeeze %dma_wait3A_240 : memref<1x512xi32, #tpu.memory_space<vmem>> -> memref<512xi32, #tpu.memory_space<vmem>>
    %dma_wait3A_242 = tpu.memref_slice %arg4[%add3A_236] : memref<1605632xi32, #tpu.memory_space<hbm>> -> memref<512xi32, #tpu.memory_space<hbm>>
    %dma_wait3A_243 = tpu.memref_slice %arg22[%dma_wait3A_238] : memref<2x!tpu.dma_semaphore, #tpu.memory_space<semaphore_mem>> -> memref<1x!tpu.dma_semaphore, #tpu.memory_space<semaphore_mem>>
    %dma_wait3A_244 = tpu.memref_squeeze %dma_wait3A_243 : memref<1x!tpu.dma_semaphore, #tpu.memory_space<semaphore_mem>> -> memref<!tpu.dma_semaphore, #tpu.memory_space<semaphore_mem>>
    %dma_wait3A_245 = arith.constant 0 : i32
    %dma_wait3A_246 = tpu.memref_slice %arg15[%dma_wait3A_237, %dma_wait3A_245] : memref<2x512xi32, #tpu.memory_space<vmem>> -> memref<1x512xi32, #tpu.memory_space<vmem>>
    %dma_wait3A_247 = tpu.memref_squeeze %dma_wait3A_246 : memref<1x512xi32, #tpu.memory_space<vmem>> -> memref<512xi32, #tpu.memory_space<vmem>>
    %dma_wait3A_248 = tpu.memref_slice %arg4[%add3A_236] : memref<1605632xi32, #tpu.memory_space<hbm>> -> memref<512xi32, #tpu.memory_space<hbm>>
    tpu.wait_dma2 semaphore(%dma_wait3A_244 : memref<!tpu.dma_semaphore, #tpu.memory_space<semaphore_mem>>) src(%dma_wait3A_248 : memref<512xi32, #tpu.memory_space<hbm>>) dst(%dma_wait3A_247 : memref<512xi32, #tpu.memory_space<vmem>>)
    %dma_wait3A_249 = arith.constant 0 : i32
    %dma_wait3A_250 = arith.constant 0 : i32
    %dma_wait3A_251 = arith.constant 0 : i32
    %dma_wait3A_252 = tpu.memref_slice %arg17[%dma_wait3A_249, %dma_wait3A_251] : memref<2x512xf32, #tpu.memory_space<vmem>> -> memref<1x512xf32, #tpu.memory_space<vmem>>
    %dma_wait3A_253 = tpu.memref_squeeze %dma_wait3A_252 : memref<1x512xf32, #tpu.memory_space<vmem>> -> memref<512xf32, #tpu.memory_space<vmem>>
    %dma_wait3A_254 = tpu.memref_slice %arg6[%add3A_236] : memref<1605632xf32, #tpu.memory_space<hbm>> -> memref<512xf32, #tpu.memory_space<hbm>>
    %dma_wait3A_255 = tpu.memref_slice %arg22[%dma_wait3A_250] : memref<2x!tpu.dma_semaphore, #tpu.memory_space<semaphore_mem>> -> memref<1x!tpu.dma_semaphore, #tpu.memory_space<semaphore_mem>>
    %dma_wait3A_256 = tpu.memref_squeeze %dma_wait3A_255 : memref<1x!tpu.dma_semaphore, #tpu.memory_space<semaphore_mem>> -> memref<!tpu.dma_semaphore, #tpu.memory_space<semaphore_mem>>
    %dma_wait3A_257 = arith.constant 0 : i32
    %dma_wait3A_258 = tpu.memref_slice %arg17[%dma_wait3A_249, %dma_wait3A_257] : memref<2x512xf32, #tpu.memory_space<vmem>> -> memref<1x512xf32, #tpu.memory_space<vmem>>
    %dma_wait3A_259 = tpu.memref_squeeze %dma_wait3A_258 : memref<1x512xf32, #tpu.memory_space<vmem>> -> memref<512xf32, #tpu.memory_space<vmem>>
    %dma_wait3A_260 = tpu.memref_slice %arg6[%add3A_236] : memref<1605632xf32, #tpu.memory_space<hbm>> -> memref<512xf32, #tpu.memory_space<hbm>>
    tpu.wait_dma2 semaphore(%dma_wait3A_256 : memref<!tpu.dma_semaphore, #tpu.memory_space<semaphore_mem>>) src(%dma_wait3A_260 : memref<512xf32, #tpu.memory_space<hbm>>) dst(%dma_wait3A_259 : memref<512xf32, #tpu.memory_space<vmem>>)
    %dma_wait3A_261 = arith.constant 0 : i32
    %dma_wait3A_262 = arith.constant 0 : i32
    %dma_wait3A_263 = arith.constant 0 : i32
    %dma_wait3A_264 = tpu.memref_slice %arg16[%dma_wait3A_261, %dma_wait3A_263] : memref<3x512xi32, #tpu.memory_space<vmem>> -> memref<1x512xi32, #tpu.memory_space<vmem>>
    %dma_wait3A_265 = tpu.memref_squeeze %dma_wait3A_264 : memref<1x512xi32, #tpu.memory_space<vmem>> -> memref<512xi32, #tpu.memory_space<vmem>>
    %dma_wait3A_266 = tpu.memref_slice %arg5[%add3A_236] : memref<1605632xi32, #tpu.memory_space<hbm>> -> memref<512xi32, #tpu.memory_space<hbm>>
    %dma_wait3A_267 = tpu.memref_slice %arg23[%dma_wait3A_262] : memref<3x!tpu.dma_semaphore, #tpu.memory_space<semaphore_mem>> -> memref<1x!tpu.dma_semaphore, #tpu.memory_space<semaphore_mem>>
    %dma_wait3A_268 = tpu.memref_squeeze %dma_wait3A_267 : memref<1x!tpu.dma_semaphore, #tpu.memory_space<semaphore_mem>> -> memref<!tpu.dma_semaphore, #tpu.memory_space<semaphore_mem>>
    %dma_wait3A_269 = arith.constant 0 : i32
    %dma_wait3A_270 = tpu.memref_slice %arg16[%dma_wait3A_261, %dma_wait3A_269] : memref<3x512xi32, #tpu.memory_space<vmem>> -> memref<1x512xi32, #tpu.memory_space<vmem>>
    %dma_wait3A_271 = tpu.memref_squeeze %dma_wait3A_270 : memref<1x512xi32, #tpu.memory_space<vmem>> -> memref<512xi32, #tpu.memory_space<vmem>>
    %dma_wait3A_272 = tpu.memref_slice %arg5[%add3A_236] : memref<1605632xi32, #tpu.memory_space<hbm>> -> memref<512xi32, #tpu.memory_space<hbm>>
    tpu.wait_dma2 semaphore(%dma_wait3A_268 : memref<!tpu.dma_semaphore, #tpu.memory_space<semaphore_mem>>) src(%dma_wait3A_272 : memref<512xi32, #tpu.memory_space<hbm>>) dst(%dma_wait3A_271 : memref<512xi32, #tpu.memory_space<vmem>>)
    %eq3A = arith.constant 0 : i32
    %eq3A_273 = arith.cmpi eq, %arg0, %eq3A : i32
    %convert_element_type3A = arith.extui %eq3A_273 : i1 to i32
    %cond3A = arith.constant 0 : i32
    %cond3A_274 = arith.cmpi ne, %convert_element_type3A, %cond3A : i32
    scf.if %cond3A_274 {
      %dma_start3A_1294 = arith.constant 0 : i32
      %dma_start3A_1295 = arith.constant 0 : i32
      %dma_start3A_1296 = arith.constant 0 : i32
      %dma_start3A_1297 = arith.constant 0 : i32
      %dma_start3A_1298 = tpu.memref_slice %arg18[%dma_start3A_1296, %dma_start3A_1297] : memref<1024x16xf32, #tpu.memory_space<vmem>> -> memref<512x16xf32, #tpu.memory_space<vmem>>
      %dma_start3A_1299 = arith.constant 0 : i32
      %dma_start3A_1300 = tpu.memref_slice %arg15[%dma_start3A_1294, %dma_start3A_1299] : memref<2x512xi32, #tpu.memory_space<vmem>> -> memref<1x512xi32, #tpu.memory_space<vmem>>
      %dma_start3A_1301 = tpu.memref_squeeze %dma_start3A_1300 : memref<1x512xi32, #tpu.memory_space<vmem>> -> memref<512xi32, #tpu.memory_space<vmem>>
      %dma_start3A_1302 = arith.constant 0 : i32
      %dma_start3A_1303 = arith.constant 0 : i32
      %dma_start3A_1304 = tpu.memref_slice %arg2[%dma_start3A_1302, %dma_start3A_1303] : memref<100352x16xf32, #tpu.memory_space<hbm>> -> memref<100352x16xf32, #tpu.memory_space<hbm>>
      %dma_start3A_1305 = tpu.memref_slice %arg24[%dma_start3A_1295] : memref<2x!tpu.dma_semaphore, #tpu.memory_space<semaphore_mem>> -> memref<1x!tpu.dma_semaphore, #tpu.memory_space<semaphore_mem>>
      %dma_start3A_1306 = tpu.memref_squeeze %dma_start3A_1305 : memref<1x!tpu.dma_semaphore, #tpu.memory_space<semaphore_mem>> -> memref<!tpu.dma_semaphore, #tpu.memory_space<semaphore_mem>>
      tpu.enqueue_indirect_dma source(%dma_start3A_1304 : memref<100352x16xf32, #tpu.memory_space<hbm>>) target(%dma_start3A_1298 : memref<512x16xf32, #tpu.memory_space<vmem>>) offsets(%dma_start3A_1301 : memref<512xi32, #tpu.memory_space<vmem>>) semaphore(%dma_start3A_1306 : memref<!tpu.dma_semaphore, #tpu.memory_space<semaphore_mem>>)
    } else {
    }
    %eq3A_275 = arith.constant 1 : i32
    %eq3A_276 = arith.cmpi eq, %arg0, %eq3A_275 : i32
    %convert_element_type3A_277 = arith.extui %eq3A_276 : i1 to i32
    %cond3A_278 = arith.constant 0 : i32
    %cond3A_279 = arith.cmpi ne, %convert_element_type3A_277, %cond3A_278 : i32
    scf.if %cond3A_279 {
      %dma_start3A_1294 = arith.constant 0 : i32
      %dma_start3A_1295 = arith.constant 0 : i32
      %dma_start3A_1296 = arith.constant 0 : i32
      %dma_start3A_1297 = arith.constant 0 : i32
      %dma_start3A_1298 = tpu.memref_slice %arg18[%dma_start3A_1296, %dma_start3A_1297] : memref<1024x16xf32, #tpu.memory_space<vmem>> -> memref<512x16xf32, #tpu.memory_space<vmem>>
      %dma_start3A_1299 = arith.constant 0 : i32
      %dma_start3A_1300 = tpu.memref_slice %arg15[%dma_start3A_1294, %dma_start3A_1299] : memref<2x512xi32, #tpu.memory_space<vmem>> -> memref<1x512xi32, #tpu.memory_space<vmem>>
      %dma_start3A_1301 = tpu.memref_squeeze %dma_start3A_1300 : memref<1x512xi32, #tpu.memory_space<vmem>> -> memref<512xi32, #tpu.memory_space<vmem>>
      %dma_start3A_1302 = arith.constant 0 : i32
      %dma_start3A_1303 = arith.constant 0 : i32
      %dma_start3A_1304 = tpu.memref_slice %arg3[%dma_start3A_1302, %dma_start3A_1303] : memref<100352x16xf32, #tpu.memory_space<hbm>> -> memref<100352x16xf32, #tpu.memory_space<hbm>>
      %dma_start3A_1305 = tpu.memref_slice %arg24[%dma_start3A_1295] : memref<2x!tpu.dma_semaphore, #tpu.memory_space<semaphore_mem>> -> memref<1x!tpu.dma_semaphore, #tpu.memory_space<semaphore_mem>>
      %dma_start3A_1306 = tpu.memref_squeeze %dma_start3A_1305 : memref<1x!tpu.dma_semaphore, #tpu.memory_space<semaphore_mem>> -> memref<!tpu.dma_semaphore, #tpu.memory_space<semaphore_mem>>
      tpu.enqueue_indirect_dma source(%dma_start3A_1304 : memref<100352x16xf32, #tpu.memory_space<hbm>>) target(%dma_start3A_1298 : memref<512x16xf32, #tpu.memory_space<vmem>>) offsets(%dma_start3A_1301 : memref<512xi32, #tpu.memory_space<vmem>>) semaphore(%dma_start3A_1306 : memref<!tpu.dma_semaphore, #tpu.memory_space<semaphore_mem>>)
    } else {
    }
    %mul3A_280 = arith.constant 100352 : i32
    %mul3A_281 = arith.muli %arg1, %mul3A_280 : i32
    %add3A_282 = arith.constant 512 : i32
    %add3A_283 = arith.addi %mul3A_281, %add3A_282 : i32
    %dma_start3A_284 = arith.constant 1 : i32
    %dma_start3A_285 = arith.constant 1 : i32
    %dma_start3A_286 = arith.constant 0 : i32
    %dma_start3A_287 = tpu.memref_slice %arg15[%dma_start3A_284, %dma_start3A_286] : memref<2x512xi32, #tpu.memory_space<vmem>> -> memref<1x512xi32, #tpu.memory_space<vmem>>
    %dma_start3A_288 = tpu.memref_squeeze %dma_start3A_287 : memref<1x512xi32, #tpu.memory_space<vmem>> -> memref<512xi32, #tpu.memory_space<vmem>>
    %dma_start3A_289 = tpu.memref_slice %arg4[%add3A_283] : memref<1605632xi32, #tpu.memory_space<hbm>> -> memref<512xi32, #tpu.memory_space<hbm>>
    %dma_start3A_290 = tpu.memref_slice %arg22[%dma_start3A_285] : memref<2x!tpu.dma_semaphore, #tpu.memory_space<semaphore_mem>> -> memref<1x!tpu.dma_semaphore, #tpu.memory_space<semaphore_mem>>
    %dma_start3A_291 = tpu.memref_squeeze %dma_start3A_290 : memref<1x!tpu.dma_semaphore, #tpu.memory_space<semaphore_mem>> -> memref<!tpu.dma_semaphore, #tpu.memory_space<semaphore_mem>>
    %dma_start3A_292 = arith.constant 0 : i32
    %dma_start3A_293 = tpu.memref_slice %arg15[%dma_start3A_284, %dma_start3A_292] : memref<2x512xi32, #tpu.memory_space<vmem>> -> memref<1x512xi32, #tpu.memory_space<vmem>>
    %dma_start3A_294 = tpu.memref_squeeze %dma_start3A_293 : memref<1x512xi32, #tpu.memory_space<vmem>> -> memref<512xi32, #tpu.memory_space<vmem>>
    %dma_start3A_295 = tpu.memref_slice %arg4[%add3A_283] : memref<1605632xi32, #tpu.memory_space<hbm>> -> memref<512xi32, #tpu.memory_space<hbm>>
    tpu.enqueue_dma source(%dma_start3A_295 : memref<512xi32, #tpu.memory_space<hbm>>) target(%dma_start3A_294 : memref<512xi32, #tpu.memory_space<vmem>>) target_semaphore(%dma_start3A_291 : memref<!tpu.dma_semaphore, #tpu.memory_space<semaphore_mem>>)
    %dma_start3A_296 = arith.constant 1 : i32
    %dma_start3A_297 = arith.constant 1 : i32
    %dma_start3A_298 = arith.constant 0 : i32
    %dma_start3A_299 = tpu.memref_slice %arg17[%dma_start3A_296, %dma_start3A_298] : memref<2x512xf32, #tpu.memory_space<vmem>> -> memref<1x512xf32, #tpu.memory_space<vmem>>
    %dma_start3A_300 = tpu.memref_squeeze %dma_start3A_299 : memref<1x512xf32, #tpu.memory_space<vmem>> -> memref<512xf32, #tpu.memory_space<vmem>>
    %dma_start3A_301 = tpu.memref_slice %arg6[%add3A_283] : memref<1605632xf32, #tpu.memory_space<hbm>> -> memref<512xf32, #tpu.memory_space<hbm>>
    %dma_start3A_302 = tpu.memref_slice %arg22[%dma_start3A_297] : memref<2x!tpu.dma_semaphore, #tpu.memory_space<semaphore_mem>> -> memref<1x!tpu.dma_semaphore, #tpu.memory_space<semaphore_mem>>
    %dma_start3A_303 = tpu.memref_squeeze %dma_start3A_302 : memref<1x!tpu.dma_semaphore, #tpu.memory_space<semaphore_mem>> -> memref<!tpu.dma_semaphore, #tpu.memory_space<semaphore_mem>>
    %dma_start3A_304 = arith.constant 0 : i32
    %dma_start3A_305 = tpu.memref_slice %arg17[%dma_start3A_296, %dma_start3A_304] : memref<2x512xf32, #tpu.memory_space<vmem>> -> memref<1x512xf32, #tpu.memory_space<vmem>>
    %dma_start3A_306 = tpu.memref_squeeze %dma_start3A_305 : memref<1x512xf32, #tpu.memory_space<vmem>> -> memref<512xf32, #tpu.memory_space<vmem>>
    %dma_start3A_307 = tpu.memref_slice %arg6[%add3A_283] : memref<1605632xf32, #tpu.memory_space<hbm>> -> memref<512xf32, #tpu.memory_space<hbm>>
    tpu.enqueue_dma source(%dma_start3A_307 : memref<512xf32, #tpu.memory_space<hbm>>) target(%dma_start3A_306 : memref<512xf32, #tpu.memory_space<vmem>>) target_semaphore(%dma_start3A_303 : memref<!tpu.dma_semaphore, #tpu.memory_space<semaphore_mem>>)
    %dma_start3A_308 = arith.constant 1 : i32
    %dma_start3A_309 = arith.constant 1 : i32
    %dma_start3A_310 = arith.constant 0 : i32
    %dma_start3A_311 = tpu.memref_slice %arg16[%dma_start3A_308, %dma_start3A_310] : memref<3x512xi32, #tpu.memory_space<vmem>> -> memref<1x512xi32, #tpu.memory_space<vmem>>
    %dma_start3A_312 = tpu.memref_squeeze %dma_start3A_311 : memref<1x512xi32, #tpu.memory_space<vmem>> -> memref<512xi32, #tpu.memory_space<vmem>>
    %dma_start3A_313 = tpu.memref_slice %arg5[%add3A_283] : memref<1605632xi32, #tpu.memory_space<hbm>> -> memref<512xi32, #tpu.memory_space<hbm>>
    %dma_start3A_314 = tpu.memref_slice %arg23[%dma_start3A_309] : memref<3x!tpu.dma_semaphore, #tpu.memory_space<semaphore_mem>> -> memref<1x!tpu.dma_semaphore, #tpu.memory_space<semaphore_mem>>
    %dma_start3A_315 = tpu.memref_squeeze %dma_start3A_314 : memref<1x!tpu.dma_semaphore, #tpu.memory_space<semaphore_mem>> -> memref<!tpu.dma_semaphore, #tpu.memory_space<semaphore_mem>>
    %dma_start3A_316 = arith.constant 0 : i32
    %dma_start3A_317 = tpu.memref_slice %arg16[%dma_start3A_308, %dma_start3A_316] : memref<3x512xi32, #tpu.memory_space<vmem>> -> memref<1x512xi32, #tpu.memory_space<vmem>>
    %dma_start3A_318 = tpu.memref_squeeze %dma_start3A_317 : memref<1x512xi32, #tpu.memory_space<vmem>> -> memref<512xi32, #tpu.memory_space<vmem>>
    %dma_start3A_319 = tpu.memref_slice %arg5[%add3A_283] : memref<1605632xi32, #tpu.memory_space<hbm>> -> memref<512xi32, #tpu.memory_space<hbm>>
    tpu.enqueue_dma source(%dma_start3A_319 : memref<512xi32, #tpu.memory_space<hbm>>) target(%dma_start3A_318 : memref<512xi32, #tpu.memory_space<vmem>>) target_semaphore(%dma_start3A_315 : memref<!tpu.dma_semaphore, #tpu.memory_space<semaphore_mem>>)
    %scan3A_320 = arith.constant 0 : i32
    %scan3A_321 = arith.constant 0 : i32
    %scan3A_322 = arith.constant 196 : i32
    %scan3A_323 = arith.addi %scan3A_321, %scan3A_322 : i32
    %scan3A_324 = arith.constant 1 : i32
    scf.for %scan3A_1294 = %scan3A_321 to %scan3A_323 step %scan3A_324  : i32 {
      %and3A = arith.constant 1 : i32
      %and3A_1295 = arith.andi %scan3A_1294, %and3A : i32
      %sub3A = arith.constant 1 : i32
      %sub3A_1296 = arith.subi %sub3A, %and3A_1295 : i32
      %rem3A = arith.constant 3 : i32
      %rem3A_1297 = arith.remsi %scan3A_1294, %rem3A : i32
      %add3A_1298 = arith.constant 1 : i32
      %add3A_1299 = arith.addi %scan3A_1294, %add3A_1298 : i32
      %rem3A_1300 = arith.constant 3 : i32
      %rem3A_1301 = arith.remsi %add3A_1299, %rem3A_1300 : i32
      %add3A_1302 = arith.constant 2 : i32
      %add3A_1303 = arith.addi %scan3A_1294, %add3A_1302 : i32
      %rem3A_1304 = arith.constant 3 : i32
      %rem3A_1305 = arith.remsi %add3A_1303, %rem3A_1304 : i32
      %ge3A = arith.constant 1 : i32
      %ge3A_1306 = arith.cmpi sge, %scan3A_1294, %ge3A : i32
      %convert_element_type3A_1307 = arith.extui %ge3A_1306 : i1 to i32
      %cond3A_1308 = arith.constant 0 : i32
      %cond3A_1309 = arith.cmpi ne, %convert_element_type3A_1307, %cond3A_1308 : i32
      scf.if %cond3A_1309 {
        %mul3A_1351 = arith.constant 512 : i32
        %mul3A_1352 = arith.muli %sub3A_1296, %mul3A_1351 : i32
        %dma_wait3A_1353 = arith.constant 0 : i32
        %dma_wait3A_1354 = tpu.memref_slice %arg18[%mul3A_1352, %dma_wait3A_1353] : memref<1024x16xf32, #tpu.memory_space<vmem>> -> memref<512x16xf32, #tpu.memory_space<vmem>>
        %dma_wait3A_1355 = arith.constant 0 : i32
        %dma_wait3A_1356 = tpu.memref_slice %arg16[%rem3A_1305, %dma_wait3A_1355] : memref<3x512xi32, #tpu.memory_space<vmem>> -> memref<1x512xi32, #tpu.memory_space<vmem>>
        %dma_wait3A_1357 = tpu.memref_squeeze %dma_wait3A_1356 : memref<1x512xi32, #tpu.memory_space<vmem>> -> memref<512xi32, #tpu.memory_space<vmem>>
        %dma_wait3A_1358 = arith.constant 0 : i32
        %dma_wait3A_1359 = arith.constant 0 : i32
        %dma_wait3A_1360 = tpu.memref_slice %arg21[%dma_wait3A_1358, %dma_wait3A_1359] : memref<100352x16xf32, #tpu.memory_space<vmem_shared>> -> memref<100352x16xf32, #tpu.memory_space<vmem_shared>>
        %dma_wait3A_1361 = tpu.memref_slice %arg25[%sub3A_1296] : memref<2x!tpu.dma_semaphore, #tpu.memory_space<semaphore_mem>> -> memref<1x!tpu.dma_semaphore, #tpu.memory_space<semaphore_mem>>
        %dma_wait3A_1362 = tpu.memref_squeeze %dma_wait3A_1361 : memref<1x!tpu.dma_semaphore, #tpu.memory_space<semaphore_mem>> -> memref<!tpu.dma_semaphore, #tpu.memory_space<semaphore_mem>>
        tpu.wait_indirect_dma semaphore(%dma_wait3A_1362 : memref<!tpu.dma_semaphore, #tpu.memory_space<semaphore_mem>>) src(%dma_wait3A_1354 : memref<512x16xf32, #tpu.memory_space<vmem>>) dst(%dma_wait3A_1360 : memref<100352x16xf32, #tpu.memory_space<vmem_shared>>)
      } else {
      }
      %add3A_1310 = arith.constant 1 : i32
      %add3A_1311 = arith.addi %scan3A_1294, %add3A_1310 : i32
      %lt3A = arith.constant 196 : i32
      %lt3A_1312 = arith.cmpi slt, %add3A_1311, %lt3A : i32
      %convert_element_type3A_1313 = arith.extui %lt3A_1312 : i1 to i32
      %cond3A_1314 = arith.constant 0 : i32
      %cond3A_1315 = arith.cmpi ne, %convert_element_type3A_1313, %cond3A_1314 : i32
      scf.if %cond3A_1315 {
        %add3A_1351 = arith.constant 1 : i32
        %add3A_1352 = arith.addi %scan3A_1294, %add3A_1351 : i32
        %mul3A_1353 = arith.constant 100352 : i32
        %mul3A_1354 = arith.muli %arg1, %mul3A_1353 : i32
        %mul3A_1355 = arith.constant 512 : i32
        %mul3A_1356 = arith.muli %add3A_1352, %mul3A_1355 : i32
        %add3A_1357 = arith.addi %mul3A_1354, %mul3A_1356 : i32
        %dma_wait3A_1358 = arith.constant 0 : i32
        %dma_wait3A_1359 = tpu.memref_slice %arg15[%sub3A_1296, %dma_wait3A_1358] : memref<2x512xi32, #tpu.memory_space<vmem>> -> memref<1x512xi32, #tpu.memory_space<vmem>>
        %dma_wait3A_1360 = tpu.memref_squeeze %dma_wait3A_1359 : memref<1x512xi32, #tpu.memory_space<vmem>> -> memref<512xi32, #tpu.memory_space<vmem>>
        %dma_wait3A_1361 = tpu.memref_slice %arg4[%add3A_1357] : memref<1605632xi32, #tpu.memory_space<hbm>> -> memref<512xi32, #tpu.memory_space<hbm>>
        %dma_wait3A_1362 = tpu.memref_slice %arg22[%sub3A_1296] : memref<2x!tpu.dma_semaphore, #tpu.memory_space<semaphore_mem>> -> memref<1x!tpu.dma_semaphore, #tpu.memory_space<semaphore_mem>>
        %dma_wait3A_1363 = tpu.memref_squeeze %dma_wait3A_1362 : memref<1x!tpu.dma_semaphore, #tpu.memory_space<semaphore_mem>> -> memref<!tpu.dma_semaphore, #tpu.memory_space<semaphore_mem>>
        %dma_wait3A_1364 = arith.constant 0 : i32
        %dma_wait3A_1365 = tpu.memref_slice %arg15[%sub3A_1296, %dma_wait3A_1364] : memref<2x512xi32, #tpu.memory_space<vmem>> -> memref<1x512xi32, #tpu.memory_space<vmem>>
        %dma_wait3A_1366 = tpu.memref_squeeze %dma_wait3A_1365 : memref<1x512xi32, #tpu.memory_space<vmem>> -> memref<512xi32, #tpu.memory_space<vmem>>
        %dma_wait3A_1367 = tpu.memref_slice %arg4[%add3A_1357] : memref<1605632xi32, #tpu.memory_space<hbm>> -> memref<512xi32, #tpu.memory_space<hbm>>
        tpu.wait_dma2 semaphore(%dma_wait3A_1363 : memref<!tpu.dma_semaphore, #tpu.memory_space<semaphore_mem>>) src(%dma_wait3A_1367 : memref<512xi32, #tpu.memory_space<hbm>>) dst(%dma_wait3A_1366 : memref<512xi32, #tpu.memory_space<vmem>>)
        %dma_wait3A_1368 = arith.constant 0 : i32
        %dma_wait3A_1369 = tpu.memref_slice %arg17[%sub3A_1296, %dma_wait3A_1368] : memref<2x512xf32, #tpu.memory_space<vmem>> -> memref<1x512xf32, #tpu.memory_space<vmem>>
        %dma_wait3A_1370 = tpu.memref_squeeze %dma_wait3A_1369 : memref<1x512xf32, #tpu.memory_space<vmem>> -> memref<512xf32, #tpu.memory_space<vmem>>
        %dma_wait3A_1371 = tpu.memref_slice %arg6[%add3A_1357] : memref<1605632xf32, #tpu.memory_space<hbm>> -> memref<512xf32, #tpu.memory_space<hbm>>
        %dma_wait3A_1372 = tpu.memref_slice %arg22[%sub3A_1296] : memref<2x!tpu.dma_semaphore, #tpu.memory_space<semaphore_mem>> -> memref<1x!tpu.dma_semaphore, #tpu.memory_space<semaphore_mem>>
        %dma_wait3A_1373 = tpu.memref_squeeze %dma_wait3A_1372 : memref<1x!tpu.dma_semaphore, #tpu.memory_space<semaphore_mem>> -> memref<!tpu.dma_semaphore, #tpu.memory_space<semaphore_mem>>
        %dma_wait3A_1374 = arith.constant 0 : i32
        %dma_wait3A_1375 = tpu.memref_slice %arg17[%sub3A_1296, %dma_wait3A_1374] : memref<2x512xf32, #tpu.memory_space<vmem>> -> memref<1x512xf32, #tpu.memory_space<vmem>>
        %dma_wait3A_1376 = tpu.memref_squeeze %dma_wait3A_1375 : memref<1x512xf32, #tpu.memory_space<vmem>> -> memref<512xf32, #tpu.memory_space<vmem>>
        %dma_wait3A_1377 = tpu.memref_slice %arg6[%add3A_1357] : memref<1605632xf32, #tpu.memory_space<hbm>> -> memref<512xf32, #tpu.memory_space<hbm>>
        tpu.wait_dma2 semaphore(%dma_wait3A_1373 : memref<!tpu.dma_semaphore, #tpu.memory_space<semaphore_mem>>) src(%dma_wait3A_1377 : memref<512xf32, #tpu.memory_space<hbm>>) dst(%dma_wait3A_1376 : memref<512xf32, #tpu.memory_space<vmem>>)
        %dma_wait3A_1378 = arith.constant 0 : i32
        %dma_wait3A_1379 = tpu.memref_slice %arg16[%rem3A_1301, %dma_wait3A_1378] : memref<3x512xi32, #tpu.memory_space<vmem>> -> memref<1x512xi32, #tpu.memory_space<vmem>>
        %dma_wait3A_1380 = tpu.memref_squeeze %dma_wait3A_1379 : memref<1x512xi32, #tpu.memory_space<vmem>> -> memref<512xi32, #tpu.memory_space<vmem>>
        %dma_wait3A_1381 = tpu.memref_slice %arg5[%add3A_1357] : memref<1605632xi32, #tpu.memory_space<hbm>> -> memref<512xi32, #tpu.memory_space<hbm>>
        %dma_wait3A_1382 = tpu.memref_slice %arg23[%rem3A_1301] : memref<3x!tpu.dma_semaphore, #tpu.memory_space<semaphore_mem>> -> memref<1x!tpu.dma_semaphore, #tpu.memory_space<semaphore_mem>>
        %dma_wait3A_1383 = tpu.memref_squeeze %dma_wait3A_1382 : memref<1x!tpu.dma_semaphore, #tpu.memory_space<semaphore_mem>> -> memref<!tpu.dma_semaphore, #tpu.memory_space<semaphore_mem>>
        %dma_wait3A_1384 = arith.constant 0 : i32
        %dma_wait3A_1385 = tpu.memref_slice %arg16[%rem3A_1301, %dma_wait3A_1384] : memref<3x512xi32, #tpu.memory_space<vmem>> -> memref<1x512xi32, #tpu.memory_space<vmem>>
        %dma_wait3A_1386 = tpu.memref_squeeze %dma_wait3A_1385 : memref<1x512xi32, #tpu.memory_space<vmem>> -> memref<512xi32, #tpu.memory_space<vmem>>
        %dma_wait3A_1387 = tpu.memref_slice %arg5[%add3A_1357] : memref<1605632xi32, #tpu.memory_space<hbm>> -> memref<512xi32, #tpu.memory_space<hbm>>
        tpu.wait_dma2 semaphore(%dma_wait3A_1383 : memref<!tpu.dma_semaphore, #tpu.memory_space<semaphore_mem>>) src(%dma_wait3A_1387 : memref<512xi32, #tpu.memory_space<hbm>>) dst(%dma_wait3A_1386 : memref<512xi32, #tpu.memory_space<vmem>>)
        %eq3A_1388 = arith.constant 0 : i32
        %eq3A_1389 = arith.cmpi eq, %arg0, %eq3A_1388 : i32
        %convert_element_type3A_1390 = arith.extui %eq3A_1389 : i1 to i32
        %cond3A_1391 = arith.constant 0 : i32
        %cond3A_1392 = arith.cmpi ne, %convert_element_type3A_1390, %cond3A_1391 : i32
        scf.if %cond3A_1392 {
          %mul3A_1398 = arith.constant 512 : i32
          %mul3A_1399 = arith.muli %sub3A_1296, %mul3A_1398 : i32
          %dma_start3A_1400 = arith.constant 0 : i32
          %dma_start3A_1401 = tpu.memref_slice %arg18[%mul3A_1399, %dma_start3A_1400] : memref<1024x16xf32, #tpu.memory_space<vmem>> -> memref<512x16xf32, #tpu.memory_space<vmem>>
          %dma_start3A_1402 = arith.constant 0 : i32
          %dma_start3A_1403 = tpu.memref_slice %arg15[%sub3A_1296, %dma_start3A_1402] : memref<2x512xi32, #tpu.memory_space<vmem>> -> memref<1x512xi32, #tpu.memory_space<vmem>>
          %dma_start3A_1404 = tpu.memref_squeeze %dma_start3A_1403 : memref<1x512xi32, #tpu.memory_space<vmem>> -> memref<512xi32, #tpu.memory_space<vmem>>
          %dma_start3A_1405 = arith.constant 0 : i32
          %dma_start3A_1406 = arith.constant 0 : i32
          %dma_start3A_1407 = tpu.memref_slice %arg2[%dma_start3A_1405, %dma_start3A_1406] : memref<100352x16xf32, #tpu.memory_space<hbm>> -> memref<100352x16xf32, #tpu.memory_space<hbm>>
          %dma_start3A_1408 = tpu.memref_slice %arg24[%sub3A_1296] : memref<2x!tpu.dma_semaphore, #tpu.memory_space<semaphore_mem>> -> memref<1x!tpu.dma_semaphore, #tpu.memory_space<semaphore_mem>>
          %dma_start3A_1409 = tpu.memref_squeeze %dma_start3A_1408 : memref<1x!tpu.dma_semaphore, #tpu.memory_space<semaphore_mem>> -> memref<!tpu.dma_semaphore, #tpu.memory_space<semaphore_mem>>
          tpu.enqueue_indirect_dma source(%dma_start3A_1407 : memref<100352x16xf32, #tpu.memory_space<hbm>>) target(%dma_start3A_1401 : memref<512x16xf32, #tpu.memory_space<vmem>>) offsets(%dma_start3A_1404 : memref<512xi32, #tpu.memory_space<vmem>>) semaphore(%dma_start3A_1409 : memref<!tpu.dma_semaphore, #tpu.memory_space<semaphore_mem>>)
        } else {
        }
        %eq3A_1393 = arith.constant 1 : i32
        %eq3A_1394 = arith.cmpi eq, %arg0, %eq3A_1393 : i32
        %convert_element_type3A_1395 = arith.extui %eq3A_1394 : i1 to i32
        %cond3A_1396 = arith.constant 0 : i32
        %cond3A_1397 = arith.cmpi ne, %convert_element_type3A_1395, %cond3A_1396 : i32
        scf.if %cond3A_1397 {
          %mul3A_1398 = arith.constant 512 : i32
          %mul3A_1399 = arith.muli %sub3A_1296, %mul3A_1398 : i32
          %dma_start3A_1400 = arith.constant 0 : i32
          %dma_start3A_1401 = tpu.memref_slice %arg18[%mul3A_1399, %dma_start3A_1400] : memref<1024x16xf32, #tpu.memory_space<vmem>> -> memref<512x16xf32, #tpu.memory_space<vmem>>
          %dma_start3A_1402 = arith.constant 0 : i32
          %dma_start3A_1403 = tpu.memref_slice %arg15[%sub3A_1296, %dma_start3A_1402] : memref<2x512xi32, #tpu.memory_space<vmem>> -> memref<1x512xi32, #tpu.memory_space<vmem>>
          %dma_start3A_1404 = tpu.memref_squeeze %dma_start3A_1403 : memref<1x512xi32, #tpu.memory_space<vmem>> -> memref<512xi32, #tpu.memory_space<vmem>>
          %dma_start3A_1405 = arith.constant 0 : i32
          %dma_start3A_1406 = arith.constant 0 : i32
          %dma_start3A_1407 = tpu.memref_slice %arg3[%dma_start3A_1405, %dma_start3A_1406] : memref<100352x16xf32, #tpu.memory_space<hbm>> -> memref<100352x16xf32, #tpu.memory_space<hbm>>
          %dma_start3A_1408 = tpu.memref_slice %arg24[%sub3A_1296] : memref<2x!tpu.dma_semaphore, #tpu.memory_space<semaphore_mem>> -> memref<1x!tpu.dma_semaphore, #tpu.memory_space<semaphore_mem>>
          %dma_start3A_1409 = tpu.memref_squeeze %dma_start3A_1408 : memref<1x!tpu.dma_semaphore, #tpu.memory_space<semaphore_mem>> -> memref<!tpu.dma_semaphore, #tpu.memory_space<semaphore_mem>>
          tpu.enqueue_indirect_dma source(%dma_start3A_1407 : memref<100352x16xf32, #tpu.memory_space<hbm>>) target(%dma_start3A_1401 : memref<512x16xf32, #tpu.memory_space<vmem>>) offsets(%dma_start3A_1404 : memref<512xi32, #tpu.memory_space<vmem>>) semaphore(%dma_start3A_1409 : memref<!tpu.dma_semaphore, #tpu.memory_space<semaphore_mem>>)
        } else {
        }
      } else {
      }
      %mul3A_1316 = arith.constant 512 : i32
      %mul3A_1317 = arith.muli %and3A_1295, %mul3A_1316 : i32
      %dma_wait3A_1318 = arith.constant 0 : i32
      %dma_wait3A_1319 = tpu.memref_slice %arg18[%mul3A_1317, %dma_wait3A_1318] : memref<1024x16xf32, #tpu.memory_space<vmem>> -> memref<512x16xf32, #tpu.memory_space<vmem>>
      %dma_wait3A_1320 = arith.constant 0 : i32
      %dma_wait3A_1321 = tpu.memref_slice %arg15[%and3A_1295, %dma_wait3A_1320] : memref<2x512xi32, #tpu.memory_space<vmem>> -> memref<1x512xi32, #tpu.memory_space<vmem>>
      %dma_wait3A_1322 = tpu.memref_squeeze %dma_wait3A_1321 : memref<1x512xi32, #tpu.memory_space<vmem>> -> memref<512xi32, #tpu.memory_space<vmem>>
      %dma_wait3A_1323 = arith.constant 0 : i32
      %dma_wait3A_1324 = arith.constant 0 : i32
      %dma_wait3A_1325 = tpu.memref_slice %arg2[%dma_wait3A_1323, %dma_wait3A_1324] : memref<100352x16xf32, #tpu.memory_space<hbm>> -> memref<100352x16xf32, #tpu.memory_space<hbm>>
      %dma_wait3A_1326 = tpu.memref_slice %arg24[%and3A_1295] : memref<2x!tpu.dma_semaphore, #tpu.memory_space<semaphore_mem>> -> memref<1x!tpu.dma_semaphore, #tpu.memory_space<semaphore_mem>>
      %dma_wait3A_1327 = tpu.memref_squeeze %dma_wait3A_1326 : memref<1x!tpu.dma_semaphore, #tpu.memory_space<semaphore_mem>> -> memref<!tpu.dma_semaphore, #tpu.memory_space<semaphore_mem>>
      tpu.wait_indirect_dma semaphore(%dma_wait3A_1327 : memref<!tpu.dma_semaphore, #tpu.memory_space<semaphore_mem>>) src(%dma_wait3A_1325 : memref<100352x16xf32, #tpu.memory_space<hbm>>) dst(%dma_wait3A_1319 : memref<512x16xf32, #tpu.memory_space<vmem>>)
      %mul3A_1328 = arith.constant 512 : i32
      %mul3A_1329 = arith.muli %and3A_1295, %mul3A_1328 : i32
      %parallel_loop3A = arith.constant 0 : i32
      %parallel_loop3A_1330 = arith.constant 32 : i32
      %parallel_loop3A_1331 = arith.constant 1 : i32
      scf.for %parallel_loop3A_1351 = %parallel_loop3A to %parallel_loop3A_1330 step %parallel_loop3A_1331  : i32 {
        %parallel_loop3A_1352 = arith.constant 16 : i32
        %parallel_loop3A_1353 = arith.muli %parallel_loop3A_1351, %parallel_loop3A_1352 : i32
        %parallel_loop3A_1354 = arith.index_cast %and3A_1295 : i32 to index
        %parallel_loop3A_1355 = arith.index_cast %parallel_loop3A_1353 : i32 to index
        %parallel_loop3A_1356 = tpu.vector_load %arg17[%parallel_loop3A_1354, %parallel_loop3A_1355] {strides = array<i32>} : memref<2x512xf32, #tpu.memory_space<vmem>>, vector<1x16xf32>,
        %parallel_loop3A_1357 = vector.shape_cast %parallel_loop3A_1356 : vector<1x16xf32> to vector<16xf32>
        %parallel_loop3A_1358 = arith.constant 16 : i32
        %parallel_loop3A_1359 = arith.muli %parallel_loop3A_1351, %parallel_loop3A_1358 : i32
        %parallel_loop3A_1360 = arith.addi %mul3A_1329, %parallel_loop3A_1359 : i32
        %parallel_loop3A_1361 = arith.constant 0 : i32
        %parallel_loop3A_1362 = arith.addi %parallel_loop3A_1360, %parallel_loop3A_1361 : i32
        %parallel_loop3A_1363 = arith.index_cast %parallel_loop3A_1362 : i32 to index
        %parallel_loop3A_1364 = arith.constant 0 : index
        %parallel_loop3A_1365 = tpu.vector_load %arg18[%parallel_loop3A_1363, %parallel_loop3A_1364] {strides = array<i32>} : memref<1024x16xf32, #tpu.memory_space<vmem>>, vector<1x16xf32>,
        %parallel_loop3A_1366 = vector.shape_cast %parallel_loop3A_1365 : vector<1x16xf32> to vector<16xf32>
        %parallel_loop3A_1367 = vector.extract_strided_slice %parallel_loop3A_1357 {offsets = [0], sizes = [1], strides = [1]} : vector<16xf32> to vector<1xf32>
        %parallel_loop3A_1368 = vector.extract %parallel_loop3A_1367[0] : f32 from vector<1xf32>
        %parallel_loop3A_1369 = vector.broadcast %parallel_loop3A_1368 : f32 to vector<16xf32>
        %parallel_loop3A_1370 = arith.mulf %parallel_loop3A_1366, %parallel_loop3A_1369 : vector<16xf32>
        %parallel_loop3A_1371 = arith.index_cast %parallel_loop3A_1362 : i32 to index
        %parallel_loop3A_1372 = arith.constant 0 : index
        %parallel_loop3A_1373 = tpu.vector_load %arg18[%parallel_loop3A_1371, %parallel_loop3A_1372] {strides = array<i32>} : memref<1024x16xf32, #tpu.memory_space<vmem>>, vector<1x16xf32>,
        %parallel_loop3A_1374 = vector.shape_cast %parallel_loop3A_1373 : vector<1x16xf32> to vector<16xf32>
        %parallel_loop3A_1375 = vector.shape_cast %parallel_loop3A_1370 : vector<16xf32> to vector<1x16xf32>
        tpu.vector_store %arg18[%parallel_loop3A_1371, %parallel_loop3A_1372], %parallel_loop3A_1375 {strides = array<i32>} : memref<1024x16xf32, #tpu.memory_space<vmem>>, vector<1x16xf32>,
        %parallel_loop3A_1376 = arith.constant 16 : i32
        %parallel_loop3A_1377 = arith.muli %parallel_loop3A_1351, %parallel_loop3A_1376 : i32
        %parallel_loop3A_1378 = arith.addi %mul3A_1329, %parallel_loop3A_1377 : i32
        %parallel_loop3A_1379 = arith.constant 1 : i32
        %parallel_loop3A_1380 = arith.addi %parallel_loop3A_1378, %parallel_loop3A_1379 : i32
        %parallel_loop3A_1381 = arith.index_cast %parallel_loop3A_1380 : i32 to index
        %parallel_loop3A_1382 = arith.constant 0 : index
        %parallel_loop3A_1383 = tpu.vector_load %arg18[%parallel_loop3A_1381, %parallel_loop3A_1382] {strides = array<i32>} : memref<1024x16xf32, #tpu.memory_space<vmem>>, vector<1x16xf32>,
        %parallel_loop3A_1384 = vector.shape_cast %parallel_loop3A_1383 : vector<1x16xf32> to vector<16xf32>
        %parallel_loop3A_1385 = vector.extract_strided_slice %parallel_loop3A_1357 {offsets = [1], sizes = [1], strides = [1]} : vector<16xf32> to vector<1xf32>
        %parallel_loop3A_1386 = vector.extract %parallel_loop3A_1385[0] : f32 from vector<1xf32>
        %parallel_loop3A_1387 = vector.broadcast %parallel_loop3A_1386 : f32 to vector<16xf32>
        %parallel_loop3A_1388 = arith.mulf %parallel_loop3A_1384, %parallel_loop3A_1387 : vector<16xf32>
        %parallel_loop3A_1389 = arith.index_cast %parallel_loop3A_1380 : i32 to index
        %parallel_loop3A_1390 = arith.constant 0 : index
        %parallel_loop3A_1391 = tpu.vector_load %arg18[%parallel_loop3A_1389, %parallel_loop3A_1390] {strides = array<i32>} : memref<1024x16xf32, #tpu.memory_space<vmem>>, vector<1x16xf32>,
        %parallel_loop3A_1392 = vector.shape_cast %parallel_loop3A_1391 : vector<1x16xf32> to vector<16xf32>
        %parallel_loop3A_1393 = vector.shape_cast %parallel_loop3A_1388 : vector<16xf32> to vector<1x16xf32>
        tpu.vector_store %arg18[%parallel_loop3A_1389, %parallel_loop3A_1390], %parallel_loop3A_1393 {strides = array<i32>} : memref<1024x16xf32, #tpu.memory_space<vmem>>, vector<1x16xf32>,
        %parallel_loop3A_1394 = arith.constant 16 : i32
        %parallel_loop3A_1395 = arith.muli %parallel_loop3A_1351, %parallel_loop3A_1394 : i32
        %parallel_loop3A_1396 = arith.addi %mul3A_1329, %parallel_loop3A_1395 : i32
        %parallel_loop3A_1397 = arith.constant 2 : i32
        %parallel_loop3A_1398 = arith.addi %parallel_loop3A_1396, %parallel_loop3A_1397 : i32
        %parallel_loop3A_1399 = arith.index_cast %parallel_loop3A_1398 : i32 to index
        %parallel_loop3A_1400 = arith.constant 0 : index
        %parallel_loop3A_1401 = tpu.vector_load %arg18[%parallel_loop3A_1399, %parallel_loop3A_1400] {strides = array<i32>} : memref<1024x16xf32, #tpu.memory_space<vmem>>, vector<1x16xf32>,
        %parallel_loop3A_1402 = vector.shape_cast %parallel_loop3A_1401 : vector<1x16xf32> to vector<16xf32>
        %parallel_loop3A_1403 = vector.extract_strided_slice %parallel_loop3A_1357 {offsets = [2], sizes = [1], strides = [1]} : vector<16xf32> to vector<1xf32>
        %parallel_loop3A_1404 = vector.extract %parallel_loop3A_1403[0] : f32 from vector<1xf32>
        %parallel_loop3A_1405 = vector.broadcast %parallel_loop3A_1404 : f32 to vector<16xf32>
        %parallel_loop3A_1406 = arith.mulf %parallel_loop3A_1402, %parallel_loop3A_1405 : vector<16xf32>
        %parallel_loop3A_1407 = arith.index_cast %parallel_loop3A_1398 : i32 to index
        %parallel_loop3A_1408 = arith.constant 0 : index
        %parallel_loop3A_1409 = tpu.vector_load %arg18[%parallel_loop3A_1407, %parallel_loop3A_1408] {strides = array<i32>} : memref<1024x16xf32, #tpu.memory_space<vmem>>, vector<1x16xf32>,
        %parallel_loop3A_1410 = vector.shape_cast %parallel_loop3A_1409 : vector<1x16xf32> to vector<16xf32>
        %parallel_loop3A_1411 = vector.shape_cast %parallel_loop3A_1406 : vector<16xf32> to vector<1x16xf32>
        tpu.vector_store %arg18[%parallel_loop3A_1407, %parallel_loop3A_1408], %parallel_loop3A_1411 {strides = array<i32>} : memref<1024x16xf32, #tpu.memory_space<vmem>>, vector<1x16xf32>,
        %parallel_loop3A_1412 = arith.constant 16 : i32
        %parallel_loop3A_1413 = arith.muli %parallel_loop3A_1351, %parallel_loop3A_1412 : i32
        %parallel_loop3A_1414 = arith.addi %mul3A_1329, %parallel_loop3A_1413 : i32
        %parallel_loop3A_1415 = arith.constant 3 : i32
        %parallel_loop3A_1416 = arith.addi %parallel_loop3A_1414, %parallel_loop3A_1415 : i32
        %parallel_loop3A_1417 = arith.index_cast %parallel_loop3A_1416 : i32 to index
        %parallel_loop3A_1418 = arith.constant 0 : index
        %parallel_loop3A_1419 = tpu.vector_load %arg18[%parallel_loop3A_1417, %parallel_loop3A_1418] {strides = array<i32>} : memref<1024x16xf32, #tpu.memory_space<vmem>>, vector<1x16xf32>,
        %parallel_loop3A_1420 = vector.shape_cast %parallel_loop3A_1419 : vector<1x16xf32> to vector<16xf32>
        %parallel_loop3A_1421 = vector.extract_strided_slice %parallel_loop3A_1357 {offsets = [3], sizes = [1], strides = [1]} : vector<16xf32> to vector<1xf32>
        %parallel_loop3A_1422 = vector.extract %parallel_loop3A_1421[0] : f32 from vector<1xf32>
        %parallel_loop3A_1423 = vector.broadcast %parallel_loop3A_1422 : f32 to vector<16xf32>
        %parallel_loop3A_1424 = arith.mulf %parallel_loop3A_1420, %parallel_loop3A_1423 : vector<16xf32>
        %parallel_loop3A_1425 = arith.index_cast %parallel_loop3A_1416 : i32 to index
        %parallel_loop3A_1426 = arith.constant 0 : index
        %parallel_loop3A_1427 = tpu.vector_load %arg18[%parallel_loop3A_1425, %parallel_loop3A_1426] {strides = array<i32>} : memref<1024x16xf32, #tpu.memory_space<vmem>>, vector<1x16xf32>,
        %parallel_loop3A_1428 = vector.shape_cast %parallel_loop3A_1427 : vector<1x16xf32> to vector<16xf32>
        %parallel_loop3A_1429 = vector.shape_cast %parallel_loop3A_1424 : vector<16xf32> to vector<1x16xf32>
        tpu.vector_store %arg18[%parallel_loop3A_1425, %parallel_loop3A_1426], %parallel_loop3A_1429 {strides = array<i32>} : memref<1024x16xf32, #tpu.memory_space<vmem>>, vector<1x16xf32>,
        %parallel_loop3A_1430 = arith.constant 16 : i32
        %parallel_loop3A_1431 = arith.muli %parallel_loop3A_1351, %parallel_loop3A_1430 : i32
        %parallel_loop3A_1432 = arith.addi %mul3A_1329, %parallel_loop3A_1431 : i32
        %parallel_loop3A_1433 = arith.constant 4 : i32
        %parallel_loop3A_1434 = arith.addi %parallel_loop3A_1432, %parallel_loop3A_1433 : i32
        %parallel_loop3A_1435 = arith.index_cast %parallel_loop3A_1434 : i32 to index
        %parallel_loop3A_1436 = arith.constant 0 : index
        %parallel_loop3A_1437 = tpu.vector_load %arg18[%parallel_loop3A_1435, %parallel_loop3A_1436] {strides = array<i32>} : memref<1024x16xf32, #tpu.memory_space<vmem>>, vector<1x16xf32>,
        %parallel_loop3A_1438 = vector.shape_cast %parallel_loop3A_1437 : vector<1x16xf32> to vector<16xf32>
        %parallel_loop3A_1439 = vector.extract_strided_slice %parallel_loop3A_1357 {offsets = [4], sizes = [1], strides = [1]} : vector<16xf32> to vector<1xf32>
        %parallel_loop3A_1440 = vector.extract %parallel_loop3A_1439[0] : f32 from vector<1xf32>
        %parallel_loop3A_1441 = vector.broadcast %parallel_loop3A_1440 : f32 to vector<16xf32>
        %parallel_loop3A_1442 = arith.mulf %parallel_loop3A_1438, %parallel_loop3A_1441 : vector<16xf32>
        %parallel_loop3A_1443 = arith.index_cast %parallel_loop3A_1434 : i32 to index
        %parallel_loop3A_1444 = arith.constant 0 : index
        %parallel_loop3A_1445 = tpu.vector_load %arg18[%parallel_loop3A_1443, %parallel_loop3A_1444] {strides = array<i32>} : memref<1024x16xf32, #tpu.memory_space<vmem>>, vector<1x16xf32>,
        %parallel_loop3A_1446 = vector.shape_cast %parallel_loop3A_1445 : vector<1x16xf32> to vector<16xf32>
        %parallel_loop3A_1447 = vector.shape_cast %parallel_loop3A_1442 : vector<16xf32> to vector<1x16xf32>
        tpu.vector_store %arg18[%parallel_loop3A_1443, %parallel_loop3A_1444], %parallel_loop3A_1447 {strides = array<i32>} : memref<1024x16xf32, #tpu.memory_space<vmem>>, vector<1x16xf32>,
        %parallel_loop3A_1448 = arith.constant 16 : i32
        %parallel_loop3A_1449 = arith.muli %parallel_loop3A_1351, %parallel_loop3A_1448 : i32
        %parallel_loop3A_1450 = arith.addi %mul3A_1329, %parallel_loop3A_1449 : i32
        %parallel_loop3A_1451 = arith.constant 5 : i32
        %parallel_loop3A_1452 = arith.addi %parallel_loop3A_1450, %parallel_loop3A_1451 : i32
        %parallel_loop3A_1453 = arith.index_cast %parallel_loop3A_1452 : i32 to index
        %parallel_loop3A_1454 = arith.constant 0 : index
        %parallel_loop3A_1455 = tpu.vector_load %arg18[%parallel_loop3A_1453, %parallel_loop3A_1454] {strides = array<i32>} : memref<1024x16xf32, #tpu.memory_space<vmem>>, vector<1x16xf32>,
        %parallel_loop3A_1456 = vector.shape_cast %parallel_loop3A_1455 : vector<1x16xf32> to vector<16xf32>
        %parallel_loop3A_1457 = vector.extract_strided_slice %parallel_loop3A_1357 {offsets = [5], sizes = [1], strides = [1]} : vector<16xf32> to vector<1xf32>
        %parallel_loop3A_1458 = vector.extract %parallel_loop3A_1457[0] : f32 from vector<1xf32>
        %parallel_loop3A_1459 = vector.broadcast %parallel_loop3A_1458 : f32 to vector<16xf32>
        %parallel_loop3A_1460 = arith.mulf %parallel_loop3A_1456, %parallel_loop3A_1459 : vector<16xf32>
        %parallel_loop3A_1461 = arith.index_cast %parallel_loop3A_1452 : i32 to index
        %parallel_loop3A_1462 = arith.constant 0 : index
        %parallel_loop3A_1463 = tpu.vector_load %arg18[%parallel_loop3A_1461, %parallel_loop3A_1462] {strides = array<i32>} : memref<1024x16xf32, #tpu.memory_space<vmem>>, vector<1x16xf32>,
        %parallel_loop3A_1464 = vector.shape_cast %parallel_loop3A_1463 : vector<1x16xf32> to vector<16xf32>
        %parallel_loop3A_1465 = vector.shape_cast %parallel_loop3A_1460 : vector<16xf32> to vector<1x16xf32>
        tpu.vector_store %arg18[%parallel_loop3A_1461, %parallel_loop3A_1462], %parallel_loop3A_1465 {strides = array<i32>} : memref<1024x16xf32, #tpu.memory_space<vmem>>, vector<1x16xf32>,
        %parallel_loop3A_1466 = arith.constant 16 : i32
        %parallel_loop3A_1467 = arith.muli %parallel_loop3A_1351, %parallel_loop3A_1466 : i32
        %parallel_loop3A_1468 = arith.addi %mul3A_1329, %parallel_loop3A_1467 : i32
        %parallel_loop3A_1469 = arith.constant 6 : i32
        %parallel_loop3A_1470 = arith.addi %parallel_loop3A_1468, %parallel_loop3A_1469 : i32
        %parallel_loop3A_1471 = arith.index_cast %parallel_loop3A_1470 : i32 to index
        %parallel_loop3A_1472 = arith.constant 0 : index
        %parallel_loop3A_1473 = tpu.vector_load %arg18[%parallel_loop3A_1471, %parallel_loop3A_1472] {strides = array<i32>} : memref<1024x16xf32, #tpu.memory_space<vmem>>, vector<1x16xf32>,
        %parallel_loop3A_1474 = vector.shape_cast %parallel_loop3A_1473 : vector<1x16xf32> to vector<16xf32>
        %parallel_loop3A_1475 = vector.extract_strided_slice %parallel_loop3A_1357 {offsets = [6], sizes = [1], strides = [1]} : vector<16xf32> to vector<1xf32>
        %parallel_loop3A_1476 = vector.extract %parallel_loop3A_1475[0] : f32 from vector<1xf32>
        %parallel_loop3A_1477 = vector.broadcast %parallel_loop3A_1476 : f32 to vector<16xf32>
        %parallel_loop3A_1478 = arith.mulf %parallel_loop3A_1474, %parallel_loop3A_1477 : vector<16xf32>
        %parallel_loop3A_1479 = arith.index_cast %parallel_loop3A_1470 : i32 to index
        %parallel_loop3A_1480 = arith.constant 0 : index
        %parallel_loop3A_1481 = tpu.vector_load %arg18[%parallel_loop3A_1479, %parallel_loop3A_1480] {strides = array<i32>} : memref<1024x16xf32, #tpu.memory_space<vmem>>, vector<1x16xf32>,
        %parallel_loop3A_1482 = vector.shape_cast %parallel_loop3A_1481 : vector<1x16xf32> to vector<16xf32>
        %parallel_loop3A_1483 = vector.shape_cast %parallel_loop3A_1478 : vector<16xf32> to vector<1x16xf32>
        tpu.vector_store %arg18[%parallel_loop3A_1479, %parallel_loop3A_1480], %parallel_loop3A_1483 {strides = array<i32>} : memref<1024x16xf32, #tpu.memory_space<vmem>>, vector<1x16xf32>,
        %parallel_loop3A_1484 = arith.constant 16 : i32
        %parallel_loop3A_1485 = arith.muli %parallel_loop3A_1351, %parallel_loop3A_1484 : i32
        %parallel_loop3A_1486 = arith.addi %mul3A_1329, %parallel_loop3A_1485 : i32
        %parallel_loop3A_1487 = arith.constant 7 : i32
        %parallel_loop3A_1488 = arith.addi %parallel_loop3A_1486, %parallel_loop3A_1487 : i32
        %parallel_loop3A_1489 = arith.index_cast %parallel_loop3A_1488 : i32 to index
        %parallel_loop3A_1490 = arith.constant 0 : index
        %parallel_loop3A_1491 = tpu.vector_load %arg18[%parallel_loop3A_1489, %parallel_loop3A_1490] {strides = array<i32>} : memref<1024x16xf32, #tpu.memory_space<vmem>>, vector<1x16xf32>,
        %parallel_loop3A_1492 = vector.shape_cast %parallel_loop3A_1491 : vector<1x16xf32> to vector<16xf32>
        %parallel_loop3A_1493 = vector.extract_strided_slice %parallel_loop3A_1357 {offsets = [7], sizes = [1], strides = [1]} : vector<16xf32> to vector<1xf32>
        %parallel_loop3A_1494 = vector.extract %parallel_loop3A_1493[0] : f32 from vector<1xf32>
        %parallel_loop3A_1495 = vector.broadcast %parallel_loop3A_1494 : f32 to vector<16xf32>
        %parallel_loop3A_1496 = arith.mulf %parallel_loop3A_1492, %parallel_loop3A_1495 : vector<16xf32>
        %parallel_loop3A_1497 = arith.index_cast %parallel_loop3A_1488 : i32 to index
        %parallel_loop3A_1498 = arith.constant 0 : index
        %parallel_loop3A_1499 = tpu.vector_load %arg18[%parallel_loop3A_1497, %parallel_loop3A_1498] {strides = array<i32>} : memref<1024x16xf32, #tpu.memory_space<vmem>>, vector<1x16xf32>,
        %parallel_loop3A_1500 = vector.shape_cast %parallel_loop3A_1499 : vector<1x16xf32> to vector<16xf32>
        %parallel_loop3A_1501 = vector.shape_cast %parallel_loop3A_1496 : vector<16xf32> to vector<1x16xf32>
        tpu.vector_store %arg18[%parallel_loop3A_1497, %parallel_loop3A_1498], %parallel_loop3A_1501 {strides = array<i32>} : memref<1024x16xf32, #tpu.memory_space<vmem>>, vector<1x16xf32>,
        %parallel_loop3A_1502 = arith.constant 16 : i32
        %parallel_loop3A_1503 = arith.muli %parallel_loop3A_1351, %parallel_loop3A_1502 : i32
        %parallel_loop3A_1504 = arith.addi %mul3A_1329, %parallel_loop3A_1503 : i32
        %parallel_loop3A_1505 = arith.constant 8 : i32
        %parallel_loop3A_1506 = arith.addi %parallel_loop3A_1504, %parallel_loop3A_1505 : i32
        %parallel_loop3A_1507 = arith.index_cast %parallel_loop3A_1506 : i32 to index
        %parallel_loop3A_1508 = arith.constant 0 : index
        %parallel_loop3A_1509 = tpu.vector_load %arg18[%parallel_loop3A_1507, %parallel_loop3A_1508] {strides = array<i32>} : memref<1024x16xf32, #tpu.memory_space<vmem>>, vector<1x16xf32>,
        %parallel_loop3A_1510 = vector.shape_cast %parallel_loop3A_1509 : vector<1x16xf32> to vector<16xf32>
        %parallel_loop3A_1511 = vector.extract_strided_slice %parallel_loop3A_1357 {offsets = [8], sizes = [1], strides = [1]} : vector<16xf32> to vector<1xf32>
        %parallel_loop3A_1512 = vector.extract %parallel_loop3A_1511[0] : f32 from vector<1xf32>
        %parallel_loop3A_1513 = vector.broadcast %parallel_loop3A_1512 : f32 to vector<16xf32>
        %parallel_loop3A_1514 = arith.mulf %parallel_loop3A_1510, %parallel_loop3A_1513 : vector<16xf32>
        %parallel_loop3A_1515 = arith.index_cast %parallel_loop3A_1506 : i32 to index
        %parallel_loop3A_1516 = arith.constant 0 : index
        %parallel_loop3A_1517 = tpu.vector_load %arg18[%parallel_loop3A_1515, %parallel_loop3A_1516] {strides = array<i32>} : memref<1024x16xf32, #tpu.memory_space<vmem>>, vector<1x16xf32>,
        %parallel_loop3A_1518 = vector.shape_cast %parallel_loop3A_1517 : vector<1x16xf32> to vector<16xf32>
        %parallel_loop3A_1519 = vector.shape_cast %parallel_loop3A_1514 : vector<16xf32> to vector<1x16xf32>
        tpu.vector_store %arg18[%parallel_loop3A_1515, %parallel_loop3A_1516], %parallel_loop3A_1519 {strides = array<i32>} : memref<1024x16xf32, #tpu.memory_space<vmem>>, vector<1x16xf32>,
        %parallel_loop3A_1520 = arith.constant 16 : i32
        %parallel_loop3A_1521 = arith.muli %parallel_loop3A_1351, %parallel_loop3A_1520 : i32
        %parallel_loop3A_1522 = arith.addi %mul3A_1329, %parallel_loop3A_1521 : i32
        %parallel_loop3A_1523 = arith.constant 9 : i32
        %parallel_loop3A_1524 = arith.addi %parallel_loop3A_1522, %parallel_loop3A_1523 : i32
        %parallel_loop3A_1525 = arith.index_cast %parallel_loop3A_1524 : i32 to index
        %parallel_loop3A_1526 = arith.constant 0 : index
        %parallel_loop3A_1527 = tpu.vector_load %arg18[%parallel_loop3A_1525, %parallel_loop3A_1526] {strides = array<i32>} : memref<1024x16xf32, #tpu.memory_space<vmem>>, vector<1x16xf32>,
        %parallel_loop3A_1528 = vector.shape_cast %parallel_loop3A_1527 : vector<1x16xf32> to vector<16xf32>
        %parallel_loop3A_1529 = vector.extract_strided_slice %parallel_loop3A_1357 {offsets = [9], sizes = [1], strides = [1]} : vector<16xf32> to vector<1xf32>
        %parallel_loop3A_1530 = vector.extract %parallel_loop3A_1529[0] : f32 from vector<1xf32>
        %parallel_loop3A_1531 = vector.broadcast %parallel_loop3A_1530 : f32 to vector<16xf32>
        %parallel_loop3A_1532 = arith.mulf %parallel_loop3A_1528, %parallel_loop3A_1531 : vector<16xf32>
        %parallel_loop3A_1533 = arith.index_cast %parallel_loop3A_1524 : i32 to index
        %parallel_loop3A_1534 = arith.constant 0 : index
        %parallel_loop3A_1535 = tpu.vector_load %arg18[%parallel_loop3A_1533, %parallel_loop3A_1534] {strides = array<i32>} : memref<1024x16xf32, #tpu.memory_space<vmem>>, vector<1x16xf32>,
        %parallel_loop3A_1536 = vector.shape_cast %parallel_loop3A_1535 : vector<1x16xf32> to vector<16xf32>
        %parallel_loop3A_1537 = vector.shape_cast %parallel_loop3A_1532 : vector<16xf32> to vector<1x16xf32>
        tpu.vector_store %arg18[%parallel_loop3A_1533, %parallel_loop3A_1534], %parallel_loop3A_1537 {strides = array<i32>} : memref<1024x16xf32, #tpu.memory_space<vmem>>, vector<1x16xf32>,
        %parallel_loop3A_1538 = arith.constant 16 : i32
        %parallel_loop3A_1539 = arith.muli %parallel_loop3A_1351, %parallel_loop3A_1538 : i32
        %parallel_loop3A_1540 = arith.addi %mul3A_1329, %parallel_loop3A_1539 : i32
        %parallel_loop3A_1541 = arith.constant 10 : i32
        %parallel_loop3A_1542 = arith.addi %parallel_loop3A_1540, %parallel_loop3A_1541 : i32
        %parallel_loop3A_1543 = arith.index_cast %parallel_loop3A_1542 : i32 to index
        %parallel_loop3A_1544 = arith.constant 0 : index
        %parallel_loop3A_1545 = tpu.vector_load %arg18[%parallel_loop3A_1543, %parallel_loop3A_1544] {strides = array<i32>} : memref<1024x16xf32, #tpu.memory_space<vmem>>, vector<1x16xf32>,
        %parallel_loop3A_1546 = vector.shape_cast %parallel_loop3A_1545 : vector<1x16xf32> to vector<16xf32>
        %parallel_loop3A_1547 = vector.extract_strided_slice %parallel_loop3A_1357 {offsets = [10], sizes = [1], strides = [1]} : vector<16xf32> to vector<1xf32>
        %parallel_loop3A_1548 = vector.extract %parallel_loop3A_1547[0] : f32 from vector<1xf32>
        %parallel_loop3A_1549 = vector.broadcast %parallel_loop3A_1548 : f32 to vector<16xf32>
        %parallel_loop3A_1550 = arith.mulf %parallel_loop3A_1546, %parallel_loop3A_1549 : vector<16xf32>
        %parallel_loop3A_1551 = arith.index_cast %parallel_loop3A_1542 : i32 to index
        %parallel_loop3A_1552 = arith.constant 0 : index
        %parallel_loop3A_1553 = tpu.vector_load %arg18[%parallel_loop3A_1551, %parallel_loop3A_1552] {strides = array<i32>} : memref<1024x16xf32, #tpu.memory_space<vmem>>, vector<1x16xf32>,
        %parallel_loop3A_1554 = vector.shape_cast %parallel_loop3A_1553 : vector<1x16xf32> to vector<16xf32>
        %parallel_loop3A_1555 = vector.shape_cast %parallel_loop3A_1550 : vector<16xf32> to vector<1x16xf32>
        tpu.vector_store %arg18[%parallel_loop3A_1551, %parallel_loop3A_1552], %parallel_loop3A_1555 {strides = array<i32>} : memref<1024x16xf32, #tpu.memory_space<vmem>>, vector<1x16xf32>,
        %parallel_loop3A_1556 = arith.constant 16 : i32
        %parallel_loop3A_1557 = arith.muli %parallel_loop3A_1351, %parallel_loop3A_1556 : i32
        %parallel_loop3A_1558 = arith.addi %mul3A_1329, %parallel_loop3A_1557 : i32
        %parallel_loop3A_1559 = arith.constant 11 : i32
        %parallel_loop3A_1560 = arith.addi %parallel_loop3A_1558, %parallel_loop3A_1559 : i32
        %parallel_loop3A_1561 = arith.index_cast %parallel_loop3A_1560 : i32 to index
        %parallel_loop3A_1562 = arith.constant 0 : index
        %parallel_loop3A_1563 = tpu.vector_load %arg18[%parallel_loop3A_1561, %parallel_loop3A_1562] {strides = array<i32>} : memref<1024x16xf32, #tpu.memory_space<vmem>>, vector<1x16xf32>,
        %parallel_loop3A_1564 = vector.shape_cast %parallel_loop3A_1563 : vector<1x16xf32> to vector<16xf32>
        %parallel_loop3A_1565 = vector.extract_strided_slice %parallel_loop3A_1357 {offsets = [11], sizes = [1], strides = [1]} : vector<16xf32> to vector<1xf32>
        %parallel_loop3A_1566 = vector.extract %parallel_loop3A_1565[0] : f32 from vector<1xf32>
        %parallel_loop3A_1567 = vector.broadcast %parallel_loop3A_1566 : f32 to vector<16xf32>
        %parallel_loop3A_1568 = arith.mulf %parallel_loop3A_1564, %parallel_loop3A_1567 : vector<16xf32>
        %parallel_loop3A_1569 = arith.index_cast %parallel_loop3A_1560 : i32 to index
        %parallel_loop3A_1570 = arith.constant 0 : index
        %parallel_loop3A_1571 = tpu.vector_load %arg18[%parallel_loop3A_1569, %parallel_loop3A_1570] {strides = array<i32>} : memref<1024x16xf32, #tpu.memory_space<vmem>>, vector<1x16xf32>,
        %parallel_loop3A_1572 = vector.shape_cast %parallel_loop3A_1571 : vector<1x16xf32> to vector<16xf32>
        %parallel_loop3A_1573 = vector.shape_cast %parallel_loop3A_1568 : vector<16xf32> to vector<1x16xf32>
        tpu.vector_store %arg18[%parallel_loop3A_1569, %parallel_loop3A_1570], %parallel_loop3A_1573 {strides = array<i32>} : memref<1024x16xf32, #tpu.memory_space<vmem>>, vector<1x16xf32>,
        %parallel_loop3A_1574 = arith.constant 16 : i32
        %parallel_loop3A_1575 = arith.muli %parallel_loop3A_1351, %parallel_loop3A_1574 : i32
        %parallel_loop3A_1576 = arith.addi %mul3A_1329, %parallel_loop3A_1575 : i32
        %parallel_loop3A_1577 = arith.constant 12 : i32
        %parallel_loop3A_1578 = arith.addi %parallel_loop3A_1576, %parallel_loop3A_1577 : i32
        %parallel_loop3A_1579 = arith.index_cast %parallel_loop3A_1578 : i32 to index
        %parallel_loop3A_1580 = arith.constant 0 : index
        %parallel_loop3A_1581 = tpu.vector_load %arg18[%parallel_loop3A_1579, %parallel_loop3A_1580] {strides = array<i32>} : memref<1024x16xf32, #tpu.memory_space<vmem>>, vector<1x16xf32>,
        %parallel_loop3A_1582 = vector.shape_cast %parallel_loop3A_1581 : vector<1x16xf32> to vector<16xf32>
        %parallel_loop3A_1583 = vector.extract_strided_slice %parallel_loop3A_1357 {offsets = [12], sizes = [1], strides = [1]} : vector<16xf32> to vector<1xf32>
        %parallel_loop3A_1584 = vector.extract %parallel_loop3A_1583[0] : f32 from vector<1xf32>
        %parallel_loop3A_1585 = vector.broadcast %parallel_loop3A_1584 : f32 to vector<16xf32>
        %parallel_loop3A_1586 = arith.mulf %parallel_loop3A_1582, %parallel_loop3A_1585 : vector<16xf32>
        %parallel_loop3A_1587 = arith.index_cast %parallel_loop3A_1578 : i32 to index
        %parallel_loop3A_1588 = arith.constant 0 : index
        %parallel_loop3A_1589 = tpu.vector_load %arg18[%parallel_loop3A_1587, %parallel_loop3A_1588] {strides = array<i32>} : memref<1024x16xf32, #tpu.memory_space<vmem>>, vector<1x16xf32>,
        %parallel_loop3A_1590 = vector.shape_cast %parallel_loop3A_1589 : vector<1x16xf32> to vector<16xf32>
        %parallel_loop3A_1591 = vector.shape_cast %parallel_loop3A_1586 : vector<16xf32> to vector<1x16xf32>
        tpu.vector_store %arg18[%parallel_loop3A_1587, %parallel_loop3A_1588], %parallel_loop3A_1591 {strides = array<i32>} : memref<1024x16xf32, #tpu.memory_space<vmem>>, vector<1x16xf32>,
        %parallel_loop3A_1592 = arith.constant 16 : i32
        %parallel_loop3A_1593 = arith.muli %parallel_loop3A_1351, %parallel_loop3A_1592 : i32
        %parallel_loop3A_1594 = arith.addi %mul3A_1329, %parallel_loop3A_1593 : i32
        %parallel_loop3A_1595 = arith.constant 13 : i32
        %parallel_loop3A_1596 = arith.addi %parallel_loop3A_1594, %parallel_loop3A_1595 : i32
        %parallel_loop3A_1597 = arith.index_cast %parallel_loop3A_1596 : i32 to index
        %parallel_loop3A_1598 = arith.constant 0 : index
        %parallel_loop3A_1599 = tpu.vector_load %arg18[%parallel_loop3A_1597, %parallel_loop3A_1598] {strides = array<i32>} : memref<1024x16xf32, #tpu.memory_space<vmem>>, vector<1x16xf32>,
        %parallel_loop3A_1600 = vector.shape_cast %parallel_loop3A_1599 : vector<1x16xf32> to vector<16xf32>
        %parallel_loop3A_1601 = vector.extract_strided_slice %parallel_loop3A_1357 {offsets = [13], sizes = [1], strides = [1]} : vector<16xf32> to vector<1xf32>
        %parallel_loop3A_1602 = vector.extract %parallel_loop3A_1601[0] : f32 from vector<1xf32>
        %parallel_loop3A_1603 = vector.broadcast %parallel_loop3A_1602 : f32 to vector<16xf32>
        %parallel_loop3A_1604 = arith.mulf %parallel_loop3A_1600, %parallel_loop3A_1603 : vector<16xf32>
        %parallel_loop3A_1605 = arith.index_cast %parallel_loop3A_1596 : i32 to index
        %parallel_loop3A_1606 = arith.constant 0 : index
        %parallel_loop3A_1607 = tpu.vector_load %arg18[%parallel_loop3A_1605, %parallel_loop3A_1606] {strides = array<i32>} : memref<1024x16xf32, #tpu.memory_space<vmem>>, vector<1x16xf32>,
        %parallel_loop3A_1608 = vector.shape_cast %parallel_loop3A_1607 : vector<1x16xf32> to vector<16xf32>
        %parallel_loop3A_1609 = vector.shape_cast %parallel_loop3A_1604 : vector<16xf32> to vector<1x16xf32>
        tpu.vector_store %arg18[%parallel_loop3A_1605, %parallel_loop3A_1606], %parallel_loop3A_1609 {strides = array<i32>} : memref<1024x16xf32, #tpu.memory_space<vmem>>, vector<1x16xf32>,
        %parallel_loop3A_1610 = arith.constant 16 : i32
        %parallel_loop3A_1611 = arith.muli %parallel_loop3A_1351, %parallel_loop3A_1610 : i32
        %parallel_loop3A_1612 = arith.addi %mul3A_1329, %parallel_loop3A_1611 : i32
        %parallel_loop3A_1613 = arith.constant 14 : i32
        %parallel_loop3A_1614 = arith.addi %parallel_loop3A_1612, %parallel_loop3A_1613 : i32
        %parallel_loop3A_1615 = arith.index_cast %parallel_loop3A_1614 : i32 to index
        %parallel_loop3A_1616 = arith.constant 0 : index
        %parallel_loop3A_1617 = tpu.vector_load %arg18[%parallel_loop3A_1615, %parallel_loop3A_1616] {strides = array<i32>} : memref<1024x16xf32, #tpu.memory_space<vmem>>, vector<1x16xf32>,
        %parallel_loop3A_1618 = vector.shape_cast %parallel_loop3A_1617 : vector<1x16xf32> to vector<16xf32>
        %parallel_loop3A_1619 = vector.extract_strided_slice %parallel_loop3A_1357 {offsets = [14], sizes = [1], strides = [1]} : vector<16xf32> to vector<1xf32>
        %parallel_loop3A_1620 = vector.extract %parallel_loop3A_1619[0] : f32 from vector<1xf32>
        %parallel_loop3A_1621 = vector.broadcast %parallel_loop3A_1620 : f32 to vector<16xf32>
        %parallel_loop3A_1622 = arith.mulf %parallel_loop3A_1618, %parallel_loop3A_1621 : vector<16xf32>
        %parallel_loop3A_1623 = arith.index_cast %parallel_loop3A_1614 : i32 to index
        %parallel_loop3A_1624 = arith.constant 0 : index
        %parallel_loop3A_1625 = tpu.vector_load %arg18[%parallel_loop3A_1623, %parallel_loop3A_1624] {strides = array<i32>} : memref<1024x16xf32, #tpu.memory_space<vmem>>, vector<1x16xf32>,
        %parallel_loop3A_1626 = vector.shape_cast %parallel_loop3A_1625 : vector<1x16xf32> to vector<16xf32>
        %parallel_loop3A_1627 = vector.shape_cast %parallel_loop3A_1622 : vector<16xf32> to vector<1x16xf32>
        tpu.vector_store %arg18[%parallel_loop3A_1623, %parallel_loop3A_1624], %parallel_loop3A_1627 {strides = array<i32>} : memref<1024x16xf32, #tpu.memory_space<vmem>>, vector<1x16xf32>,
        %parallel_loop3A_1628 = arith.constant 16 : i32
        %parallel_loop3A_1629 = arith.muli %parallel_loop3A_1351, %parallel_loop3A_1628 : i32
        %parallel_loop3A_1630 = arith.addi %mul3A_1329, %parallel_loop3A_1629 : i32
        %parallel_loop3A_1631 = arith.constant 15 : i32
        %parallel_loop3A_1632 = arith.addi %parallel_loop3A_1630, %parallel_loop3A_1631 : i32
        %parallel_loop3A_1633 = arith.index_cast %parallel_loop3A_1632 : i32 to index
        %parallel_loop3A_1634 = arith.constant 0 : index
        %parallel_loop3A_1635 = tpu.vector_load %arg18[%parallel_loop3A_1633, %parallel_loop3A_1634] {strides = array<i32>} : memref<1024x16xf32, #tpu.memory_space<vmem>>, vector<1x16xf32>,
        %parallel_loop3A_1636 = vector.shape_cast %parallel_loop3A_1635 : vector<1x16xf32> to vector<16xf32>
        %parallel_loop3A_1637 = vector.extract_strided_slice %parallel_loop3A_1357 {offsets = [15], sizes = [1], strides = [1]} : vector<16xf32> to vector<1xf32>
        %parallel_loop3A_1638 = vector.extract %parallel_loop3A_1637[0] : f32 from vector<1xf32>
        %parallel_loop3A_1639 = vector.broadcast %parallel_loop3A_1638 : f32 to vector<16xf32>
        %parallel_loop3A_1640 = arith.mulf %parallel_loop3A_1636, %parallel_loop3A_1639 : vector<16xf32>
        %parallel_loop3A_1641 = arith.index_cast %parallel_loop3A_1632 : i32 to index
        %parallel_loop3A_1642 = arith.constant 0 : index
        %parallel_loop3A_1643 = tpu.vector_load %arg18[%parallel_loop3A_1641, %parallel_loop3A_1642] {strides = array<i32>} : memref<1024x16xf32, #tpu.memory_space<vmem>>, vector<1x16xf32>,
        %parallel_loop3A_1644 = vector.shape_cast %parallel_loop3A_1643 : vector<1x16xf32> to vector<16xf32>
        %parallel_loop3A_1645 = vector.shape_cast %parallel_loop3A_1640 : vector<16xf32> to vector<1x16xf32>
        tpu.vector_store %arg18[%parallel_loop3A_1641, %parallel_loop3A_1642], %parallel_loop3A_1645 {strides = array<i32>} : memref<1024x16xf32, #tpu.memory_space<vmem>>, vector<1x16xf32>,
      } {sc.loop_unroll_factor = 4 : i64, sc.parallel_access}
      %mul3A_1332 = arith.constant 512 : i32
      %mul3A_1333 = arith.muli %and3A_1295, %mul3A_1332 : i32
      %dma_start3A_1334 = arith.constant 0 : i32
      %dma_start3A_1335 = tpu.memref_slice %arg18[%mul3A_1333, %dma_start3A_1334] : memref<1024x16xf32, #tpu.memory_space<vmem>> -> memref<512x16xf32, #tpu.memory_space<vmem>>
      %dma_start3A_1336 = arith.constant 0 : i32
      %dma_start3A_1337 = tpu.memref_slice %arg16[%rem3A_1297, %dma_start3A_1336] : memref<3x512xi32, #tpu.memory_space<vmem>> -> memref<1x512xi32, #tpu.memory_space<vmem>>
      %dma_start3A_1338 = tpu.memref_squeeze %dma_start3A_1337 : memref<1x512xi32, #tpu.memory_space<vmem>> -> memref<512xi32, #tpu.memory_space<vmem>>
      %dma_start3A_1339 = arith.constant 0 : i32
      %dma_start3A_1340 = arith.constant 0 : i32
      %dma_start3A_1341 = tpu.memref_slice %arg21[%dma_start3A_1339, %dma_start3A_1340] : memref<100352x16xf32, #tpu.memory_space<vmem_shared>> -> memref<100352x16xf32, #tpu.memory_space<vmem_shared>>
      %dma_start3A_1342 = tpu.memref_slice %arg25[%and3A_1295] : memref<2x!tpu.dma_semaphore, #tpu.memory_space<semaphore_mem>> -> memref<1x!tpu.dma_semaphore, #tpu.memory_space<semaphore_mem>>
      %dma_start3A_1343 = tpu.memref_squeeze %dma_start3A_1342 : memref<1x!tpu.dma_semaphore, #tpu.memory_space<semaphore_mem>> -> memref<!tpu.dma_semaphore, #tpu.memory_space<semaphore_mem>>
      tpu.enqueue_indirect_dma source(%dma_start3A_1335 : memref<512x16xf32, #tpu.memory_space<vmem>>) target(%dma_start3A_1341 : memref<100352x16xf32, #tpu.memory_space<vmem_shared>>) offsets(%dma_start3A_1338 : memref<512xi32, #tpu.memory_space<vmem>>) semaphore(%dma_start3A_1343 : memref<!tpu.dma_semaphore, #tpu.memory_space<semaphore_mem>>) {add = true}
      %add3A_1344 = arith.constant 2 : i32
      %add3A_1345 = arith.addi %scan3A_1294, %add3A_1344 : i32
      %lt3A_1346 = arith.constant 196 : i32
      %lt3A_1347 = arith.cmpi slt, %add3A_1345, %lt3A_1346 : i32
      %convert_element_type3A_1348 = arith.extui %lt3A_1347 : i1 to i32
      %cond3A_1349 = arith.constant 0 : i32
      %cond3A_1350 = arith.cmpi ne, %convert_element_type3A_1348, %cond3A_1349 : i32
      scf.if %cond3A_1350 {
        %add3A_1351 = arith.constant 2 : i32
        %add3A_1352 = arith.addi %scan3A_1294, %add3A_1351 : i32
        %mul3A_1353 = arith.constant 100352 : i32
        %mul3A_1354 = arith.muli %arg1, %mul3A_1353 : i32
        %mul3A_1355 = arith.constant 512 : i32
        %mul3A_1356 = arith.muli %add3A_1352, %mul3A_1355 : i32
        %add3A_1357 = arith.addi %mul3A_1354, %mul3A_1356 : i32
        %dma_start3A_1358 = arith.constant 0 : i32
        %dma_start3A_1359 = tpu.memref_slice %arg15[%and3A_1295, %dma_start3A_1358] : memref<2x512xi32, #tpu.memory_space<vmem>> -> memref<1x512xi32, #tpu.memory_space<vmem>>
        %dma_start3A_1360 = tpu.memref_squeeze %dma_start3A_1359 : memref<1x512xi32, #tpu.memory_space<vmem>> -> memref<512xi32, #tpu.memory_space<vmem>>
        %dma_start3A_1361 = tpu.memref_slice %arg4[%add3A_1357] : memref<1605632xi32, #tpu.memory_space<hbm>> -> memref<512xi32, #tpu.memory_space<hbm>>
        %dma_start3A_1362 = tpu.memref_slice %arg22[%and3A_1295] : memref<2x!tpu.dma_semaphore, #tpu.memory_space<semaphore_mem>> -> memref<1x!tpu.dma_semaphore, #tpu.memory_space<semaphore_mem>>
        %dma_start3A_1363 = tpu.memref_squeeze %dma_start3A_1362 : memref<1x!tpu.dma_semaphore, #tpu.memory_space<semaphore_mem>> -> memref<!tpu.dma_semaphore, #tpu.memory_space<semaphore_mem>>
        %dma_start3A_1364 = arith.constant 0 : i32
        %dma_start3A_1365 = tpu.memref_slice %arg15[%and3A_1295, %dma_start3A_1364] : memref<2x512xi32, #tpu.memory_space<vmem>> -> memref<1x512xi32, #tpu.memory_space<vmem>>
        %dma_start3A_1366 = tpu.memref_squeeze %dma_start3A_1365 : memref<1x512xi32, #tpu.memory_space<vmem>> -> memref<512xi32, #tpu.memory_space<vmem>>
        %dma_start3A_1367 = tpu.memref_slice %arg4[%add3A_1357] : memref<1605632xi32, #tpu.memory_space<hbm>> -> memref<512xi32, #tpu.memory_space<hbm>>
        tpu.enqueue_dma source(%dma_start3A_1367 : memref<512xi32, #tpu.memory_space<hbm>>) target(%dma_start3A_1366 : memref<512xi32, #tpu.memory_space<vmem>>) target_semaphore(%dma_start3A_1363 : memref<!tpu.dma_semaphore, #tpu.memory_space<semaphore_mem>>)
        %dma_start3A_1368 = arith.constant 0 : i32
        %dma_start3A_1369 = tpu.memref_slice %arg17[%and3A_1295, %dma_start3A_1368] : memref<2x512xf32, #tpu.memory_space<vmem>> -> memref<1x512xf32, #tpu.memory_space<vmem>>
        %dma_start3A_1370 = tpu.memref_squeeze %dma_start3A_1369 : memref<1x512xf32, #tpu.memory_space<vmem>> -> memref<512xf32, #tpu.memory_space<vmem>>
        %dma_start3A_1371 = tpu.memref_slice %arg6[%add3A_1357] : memref<1605632xf32, #tpu.memory_space<hbm>> -> memref<512xf32, #tpu.memory_space<hbm>>
        %dma_start3A_1372 = tpu.memref_slice %arg22[%and3A_1295] : memref<2x!tpu.dma_semaphore, #tpu.memory_space<semaphore_mem>> -> memref<1x!tpu.dma_semaphore, #tpu.memory_space<semaphore_mem>>
        %dma_start3A_1373 = tpu.memref_squeeze %dma_start3A_1372 : memref<1x!tpu.dma_semaphore, #tpu.memory_space<semaphore_mem>> -> memref<!tpu.dma_semaphore, #tpu.memory_space<semaphore_mem>>
        %dma_start3A_1374 = arith.constant 0 : i32
        %dma_start3A_1375 = tpu.memref_slice %arg17[%and3A_1295, %dma_start3A_1374] : memref<2x512xf32, #tpu.memory_space<vmem>> -> memref<1x512xf32, #tpu.memory_space<vmem>>
        %dma_start3A_1376 = tpu.memref_squeeze %dma_start3A_1375 : memref<1x512xf32, #tpu.memory_space<vmem>> -> memref<512xf32, #tpu.memory_space<vmem>>
        %dma_start3A_1377 = tpu.memref_slice %arg6[%add3A_1357] : memref<1605632xf32, #tpu.memory_space<hbm>> -> memref<512xf32, #tpu.memory_space<hbm>>
        tpu.enqueue_dma source(%dma_start3A_1377 : memref<512xf32, #tpu.memory_space<hbm>>) target(%dma_start3A_1376 : memref<512xf32, #tpu.memory_space<vmem>>) target_semaphore(%dma_start3A_1373 : memref<!tpu.dma_semaphore, #tpu.memory_space<semaphore_mem>>)
        %dma_start3A_1378 = arith.constant 0 : i32
        %dma_start3A_1379 = tpu.memref_slice %arg16[%rem3A_1305, %dma_start3A_1378] : memref<3x512xi32, #tpu.memory_space<vmem>> -> memref<1x512xi32, #tpu.memory_space<vmem>>
        %dma_start3A_1380 = tpu.memref_squeeze %dma_start3A_1379 : memref<1x512xi32, #tpu.memory_space<vmem>> -> memref<512xi32, #tpu.memory_space<vmem>>
        %dma_start3A_1381 = tpu.memref_slice %arg5[%add3A_1357] : memref<1605632xi32, #tpu.memory_space<hbm>> -> memref<512xi32, #tpu.memory_space<hbm>>
        %dma_start3A_1382 = tpu.memref_slice %arg23[%rem3A_1305] : memref<3x!tpu.dma_semaphore, #tpu.memory_space<semaphore_mem>> -> memref<1x!tpu.dma_semaphore, #tpu.memory_space<semaphore_mem>>
        %dma_start3A_1383 = tpu.memref_squeeze %dma_start3A_1382 : memref<1x!tpu.dma_semaphore, #tpu.memory_space<semaphore_mem>> -> memref<!tpu.dma_semaphore, #tpu.memory_space<semaphore_mem>>
        %dma_start3A_1384 = arith.constant 0 : i32
        %dma_start3A_1385 = tpu.memref_slice %arg16[%rem3A_1305, %dma_start3A_1384] : memref<3x512xi32, #tpu.memory_space<vmem>> -> memref<1x512xi32, #tpu.memory_space<vmem>>
        %dma_start3A_1386 = tpu.memref_squeeze %dma_start3A_1385 : memref<1x512xi32, #tpu.memory_space<vmem>> -> memref<512xi32, #tpu.memory_space<vmem>>
        %dma_start3A_1387 = tpu.memref_slice %arg5[%add3A_1357] : memref<1605632xi32, #tpu.memory_space<hbm>> -> memref<512xi32, #tpu.memory_space<hbm>>
        tpu.enqueue_dma source(%dma_start3A_1387 : memref<512xi32, #tpu.memory_space<hbm>>) target(%dma_start3A_1386 : memref<512xi32, #tpu.memory_space<vmem>>) target_semaphore(%dma_start3A_1383 : memref<!tpu.dma_semaphore, #tpu.memory_space<semaphore_mem>>)
      } else {
      }
    }
    %scan3A_325 = arith.constant 196 : i32
    %dma_wait3A_326 = arith.constant 0 : i32
    %dma_wait3A_327 = arith.constant 1 : i32
    %dma_wait3A_328 = arith.constant 512 : i32
    %dma_wait3A_329 = arith.constant 0 : i32
    %dma_wait3A_330 = tpu.memref_slice %arg18[%dma_wait3A_328, %dma_wait3A_329] : memref<1024x16xf32, #tpu.memory_space<vmem>> -> memref<512x16xf32, #tpu.memory_space<vmem>>
    %dma_wait3A_331 = arith.constant 0 : i32
    %dma_wait3A_332 = tpu.memref_slice %arg16[%dma_wait3A_326, %dma_wait3A_331] : memref<3x512xi32, #tpu.memory_space<vmem>> -> memref<1x512xi32, #tpu.memory_space<vmem>>
    %dma_wait3A_333 = tpu.memref_squeeze %dma_wait3A_332 : memref<1x512xi32, #tpu.memory_space<vmem>> -> memref<512xi32, #tpu.memory_space<vmem>>
    %dma_wait3A_334 = arith.constant 0 : i32
    %dma_wait3A_335 = arith.constant 0 : i32
    %dma_wait3A_336 = tpu.memref_slice %arg21[%dma_wait3A_334, %dma_wait3A_335] : memref<100352x16xf32, #tpu.memory_space<vmem_shared>> -> memref<100352x16xf32, #tpu.memory_space<vmem_shared>>
    %dma_wait3A_337 = tpu.memref_slice %arg25[%dma_wait3A_327] : memref<2x!tpu.dma_semaphore, #tpu.memory_space<semaphore_mem>> -> memref<1x!tpu.dma_semaphore, #tpu.memory_space<semaphore_mem>>
    %dma_wait3A_338 = tpu.memref_squeeze %dma_wait3A_337 : memref<1x!tpu.dma_semaphore, #tpu.memory_space<semaphore_mem>> -> memref<!tpu.dma_semaphore, #tpu.memory_space<semaphore_mem>>
    tpu.wait_indirect_dma semaphore(%dma_wait3A_338 : memref<!tpu.dma_semaphore, #tpu.memory_space<semaphore_mem>>) src(%dma_wait3A_330 : memref<512x16xf32, #tpu.memory_space<vmem>>) dst(%dma_wait3A_336 : memref<100352x16xf32, #tpu.memory_space<vmem_shared>>)
    %barrier3A_339 = arith.constant 0 : index
    tpu.barrier barrier_id(%barrier3A_339)
    %mul3A_340 = arith.constant 6272 : i32
    %mul3A_341 = arith.muli %arg1, %mul3A_340 : i32
    %eq3A_342 = arith.constant 0 : i32
    %eq3A_343 = arith.cmpi eq, %arg0, %eq3A_342 : i32
    %convert_element_type3A_344 = arith.extui %eq3A_343 : i1 to i32
    %cond3A_345 = arith.constant 0 : i32
    %cond3A_346 = arith.cmpi ne, %convert_element_type3A_344, %cond3A_345 : i32
    scf.if %cond3A_346 {
      "tpu.region"() ({
        %run_scoped3A = tpu.sem_alloc : memref<!tpu.dma_semaphore, #tpu.memory_space<semaphore_mem>>
        %dma_start3A_1294 = arith.constant 0 : i32
        %dma_start3A_1295 = tpu.memref_slice %arg9[%mul3A_341, %dma_start3A_1294] : memref<100352x16xf32, #tpu.memory_space<hbm>> -> memref<6272x16xf32, #tpu.memory_space<hbm>>
        %dma_start3A_1296 = arith.constant 0 : i32
        %dma_start3A_1297 = tpu.memref_slice %arg21[%mul3A_341, %dma_start3A_1296] : memref<100352x16xf32, #tpu.memory_space<vmem_shared>> -> memref<6272x16xf32, #tpu.memory_space<vmem_shared>>
        tpu.enqueue_dma source(%dma_start3A_1297 : memref<6272x16xf32, #tpu.memory_space<vmem_shared>>) target(%dma_start3A_1295 : memref<6272x16xf32, #tpu.memory_space<hbm>>) target_semaphore(%run_scoped3A : memref<!tpu.dma_semaphore, #tpu.memory_space<semaphore_mem>>)
        %dma_wait3A_1298 = arith.constant 0 : i32
        %dma_wait3A_1299 = tpu.memref_slice %arg9[%mul3A_341, %dma_wait3A_1298] : memref<100352x16xf32, #tpu.memory_space<hbm>> -> memref<6272x16xf32, #tpu.memory_space<hbm>>
        %dma_wait3A_1300 = arith.constant 0 : i32
        %dma_wait3A_1301 = tpu.memref_slice %arg21[%mul3A_341, %dma_wait3A_1300] : memref<100352x16xf32, #tpu.memory_space<vmem_shared>> -> memref<6272x16xf32, #tpu.memory_space<vmem_shared>>
        tpu.wait_dma2 semaphore(%run_scoped3A : memref<!tpu.dma_semaphore, #tpu.memory_space<semaphore_mem>>) src(%dma_wait3A_1301 : memref<6272x16xf32, #tpu.memory_space<vmem_shared>>) dst(%dma_wait3A_1299 : memref<6272x16xf32, #tpu.memory_space<hbm>>)
        tpu.yield
      }) : () -> ()
    } else {
    }
    %eq3A_347 = arith.constant 1 : i32
    %eq3A_348 = arith.cmpi eq, %arg0, %eq3A_347 : i32
    %convert_element_type3A_349 = arith.extui %eq3A_348 : i1 to i32
    %cond3A_350 = arith.constant 0 : i32
    %cond3A_351 = arith.cmpi ne, %convert_element_type3A_349, %cond3A_350 : i32
    scf.if %cond3A_351 {
      "tpu.region"() ({
        %run_scoped3A = tpu.sem_alloc : memref<!tpu.dma_semaphore, #tpu.memory_space<semaphore_mem>>
        %dma_start3A_1294 = arith.constant 0 : i32
        %dma_start3A_1295 = tpu.memref_slice %arg10[%mul3A_341, %dma_start3A_1294] : memref<100352x16xf32, #tpu.memory_space<hbm>> -> memref<6272x16xf32, #tpu.memory_space<hbm>>
        %dma_start3A_1296 = arith.constant 0 : i32
        %dma_start3A_1297 = tpu.memref_slice %arg21[%mul3A_341, %dma_start3A_1296] : memref<100352x16xf32, #tpu.memory_space<vmem_shared>> -> memref<6272x16xf32, #tpu.memory_space<vmem_shared>>
        tpu.enqueue_dma source(%dma_start3A_1297 : memref<6272x16xf32, #tpu.memory_space<vmem_shared>>) target(%dma_start3A_1295 : memref<6272x16xf32, #tpu.memory_space<hbm>>) target_semaphore(%run_scoped3A : memref<!tpu.dma_semaphore, #tpu.memory_space<semaphore_mem>>)
        %dma_wait3A_1298 = arith.constant 0 : i32
        %dma_wait3A_1299 = tpu.memref_slice %arg10[%mul3A_341, %dma_wait3A_1298] : memref<100352x16xf32, #tpu.memory_space<hbm>> -> memref<6272x16xf32, #tpu.memory_space<hbm>>
        %dma_wait3A_1300 = arith.constant 0 : i32
        %dma_wait3A_1301 = tpu.memref_slice %arg21[%mul3A_341, %dma_wait3A_1300] : memref<100352x16xf32, #tpu.memory_space<vmem_shared>> -> memref<6272x16xf32, #tpu.memory_space<vmem_shared>>
        tpu.wait_dma2 semaphore(%run_scoped3A : memref<!tpu.dma_semaphore, #tpu.memory_space<semaphore_mem>>) src(%dma_wait3A_1301 : memref<6272x16xf32, #tpu.memory_space<vmem_shared>>) dst(%dma_wait3A_1299 : memref<6272x16xf32, #tpu.memory_space<hbm>>)
        tpu.yield
      }) : () -> ()
    } else {
    }
    %barrier3A_352 = arith.constant 0 : index
    tpu.barrier barrier_id(%barrier3A_352)
    %scan3A_353 = arith.constant 0 : i32
    %scan3A_354 = arith.constant 0 : i32
    %scan3A_355 = arith.constant 784 : i32
    %scan3A_356 = arith.addi %scan3A_354, %scan3A_355 : i32
    %scan3A_357 = arith.constant 1 : i32
    scf.for %scan3A_1294 = %scan3A_354 to %scan3A_356 step %scan3A_357  : i32 {
      %broadcast_in_dim3A = arith.constant 0.000000e+00 : f32
      %broadcast_in_dim3A_1295 = vector.broadcast %broadcast_in_dim3A : f32 to vector<16xf32>
      %swap3A = arith.index_cast %scan3A_1294 : i32 to index
      %swap3A_1296 = arith.constant 0 : index
      %swap3A_1297 = tpu.vector_load %arg18[%swap3A, %swap3A_1296] {strides = array<i32>} : memref<1024x16xf32, #tpu.memory_space<vmem>>, vector<1x16xf32>,
      %swap3A_1298 = vector.shape_cast %swap3A_1297 : vector<1x16xf32> to vector<16xf32>
      %swap3A_1299 = vector.shape_cast %broadcast_in_dim3A_1295 : vector<16xf32> to vector<1x16xf32>
      tpu.vector_store %arg18[%swap3A, %swap3A_1296], %swap3A_1299 {strides = array<i32>} : memref<1024x16xf32, #tpu.memory_space<vmem>>, vector<1x16xf32>,
    }
    %scan3A_358 = arith.constant 784 : i32
    %mul3A_359 = arith.constant 6272 : i32
    %mul3A_360 = arith.muli %arg1, %mul3A_359 : i32
    %add3A_361 = arith.constant 0 : i32
    %add3A_362 = arith.addi %mul3A_360, %add3A_361 : i32
    %dma_start3A_363 = arith.constant 0 : i32
    %dma_start3A_364 = arith.constant 0 : i32
    %dma_start3A_365 = tpu.memref_slice %arg18[%dma_start3A_363, %dma_start3A_364] : memref<1024x16xf32, #tpu.memory_space<vmem>> -> memref<784x16xf32, #tpu.memory_space<vmem>>
    %dma_start3A_366 = arith.constant 0 : i32
    %dma_start3A_367 = tpu.memref_slice %arg21[%add3A_362, %dma_start3A_366] : memref<100352x16xf32, #tpu.memory_space<vmem_shared>> -> memref<784x16xf32, #tpu.memory_space<vmem_shared>>
    %dma_start3A_368 = arith.constant 0 : i32
    %dma_start3A_369 = tpu.memref_slice %arg21[%add3A_362, %dma_start3A_368] : memref<100352x16xf32, #tpu.memory_space<vmem_shared>> -> memref<784x16xf32, #tpu.memory_space<vmem_shared>>
    %dma_start3A_370 = arith.constant 0 : i32
    %dma_start3A_371 = arith.constant 0 : i32
    %dma_start3A_372 = tpu.memref_slice %arg18[%dma_start3A_370, %dma_start3A_371] : memref<1024x16xf32, #tpu.memory_space<vmem>> -> memref<784x16xf32, #tpu.memory_space<vmem>>
    tpu.enqueue_dma source(%dma_start3A_372 : memref<784x16xf32, #tpu.memory_space<vmem>>) target(%dma_start3A_369 : memref<784x16xf32, #tpu.memory_space<vmem_shared>>) target_semaphore(%arg26 : memref<!tpu.dma_semaphore, #tpu.memory_space<semaphore_mem>>)
    %mul3A_373 = arith.constant 6272 : i32
    %mul3A_374 = arith.muli %arg1, %mul3A_373 : i32
    %add3A_375 = arith.constant 784 : i32
    %add3A_376 = arith.addi %mul3A_374, %add3A_375 : i32
    %dma_start3A_377 = arith.constant 0 : i32
    %dma_start3A_378 = arith.constant 0 : i32
    %dma_start3A_379 = tpu.memref_slice %arg18[%dma_start3A_377, %dma_start3A_378] : memref<1024x16xf32, #tpu.memory_space<vmem>> -> memref<784x16xf32, #tpu.memory_space<vmem>>
    %dma_start3A_380 = arith.constant 0 : i32
    %dma_start3A_381 = tpu.memref_slice %arg21[%add3A_376, %dma_start3A_380] : memref<100352x16xf32, #tpu.memory_space<vmem_shared>> -> memref<784x16xf32, #tpu.memory_space<vmem_shared>>
    %dma_start3A_382 = arith.constant 0 : i32
    %dma_start3A_383 = tpu.memref_slice %arg21[%add3A_376, %dma_start3A_382] : memref<100352x16xf32, #tpu.memory_space<vmem_shared>> -> memref<784x16xf32, #tpu.memory_space<vmem_shared>>
    %dma_start3A_384 = arith.constant 0 : i32
    %dma_start3A_385 = arith.constant 0 : i32
    %dma_start3A_386 = tpu.memref_slice %arg18[%dma_start3A_384, %dma_start3A_385] : memref<1024x16xf32, #tpu.memory_space<vmem>> -> memref<784x16xf32, #tpu.memory_space<vmem>>
    tpu.enqueue_dma source(%dma_start3A_386 : memref<784x16xf32, #tpu.memory_space<vmem>>) target(%dma_start3A_383 : memref<784x16xf32, #tpu.memory_space<vmem_shared>>) target_semaphore(%arg26 : memref<!tpu.dma_semaphore, #tpu.memory_space<semaphore_mem>>)
    %mul3A_387 = arith.constant 6272 : i32
    %mul3A_388 = arith.muli %arg1, %mul3A_387 : i32
    %add3A_389 = arith.constant 1568 : i32
    %add3A_390 = arith.addi %mul3A_388, %add3A_389 : i32
    %dma_start3A_391 = arith.constant 0 : i32
    %dma_start3A_392 = arith.constant 0 : i32
    %dma_start3A_393 = tpu.memref_slice %arg18[%dma_start3A_391, %dma_start3A_392] : memref<1024x16xf32, #tpu.memory_space<vmem>> -> memref<784x16xf32, #tpu.memory_space<vmem>>
    %dma_start3A_394 = arith.constant 0 : i32
    %dma_start3A_395 = tpu.memref_slice %arg21[%add3A_390, %dma_start3A_394] : memref<100352x16xf32, #tpu.memory_space<vmem_shared>> -> memref<784x16xf32, #tpu.memory_space<vmem_shared>>
    %dma_start3A_396 = arith.constant 0 : i32
    %dma_start3A_397 = tpu.memref_slice %arg21[%add3A_390, %dma_start3A_396] : memref<100352x16xf32, #tpu.memory_space<vmem_shared>> -> memref<784x16xf32, #tpu.memory_space<vmem_shared>>
    %dma_start3A_398 = arith.constant 0 : i32
    %dma_start3A_399 = arith.constant 0 : i32
    %dma_start3A_400 = tpu.memref_slice %arg18[%dma_start3A_398, %dma_start3A_399] : memref<1024x16xf32, #tpu.memory_space<vmem>> -> memref<784x16xf32, #tpu.memory_space<vmem>>
    tpu.enqueue_dma source(%dma_start3A_400 : memref<784x16xf32, #tpu.memory_space<vmem>>) target(%dma_start3A_397 : memref<784x16xf32, #tpu.memory_space<vmem_shared>>) target_semaphore(%arg26 : memref<!tpu.dma_semaphore, #tpu.memory_space<semaphore_mem>>)
    %mul3A_401 = arith.constant 6272 : i32
    %mul3A_402 = arith.muli %arg1, %mul3A_401 : i32
    %add3A_403 = arith.constant 2352 : i32
    %add3A_404 = arith.addi %mul3A_402, %add3A_403 : i32
    %dma_start3A_405 = arith.constant 0 : i32
    %dma_start3A_406 = arith.constant 0 : i32
    %dma_start3A_407 = tpu.memref_slice %arg18[%dma_start3A_405, %dma_start3A_406] : memref<1024x16xf32, #tpu.memory_space<vmem>> -> memref<784x16xf32, #tpu.memory_space<vmem>>
    %dma_start3A_408 = arith.constant 0 : i32
    %dma_start3A_409 = tpu.memref_slice %arg21[%add3A_404, %dma_start3A_408] : memref<100352x16xf32, #tpu.memory_space<vmem_shared>> -> memref<784x16xf32, #tpu.memory_space<vmem_shared>>
    %dma_start3A_410 = arith.constant 0 : i32
    %dma_start3A_411 = tpu.memref_slice %arg21[%add3A_404, %dma_start3A_410] : memref<100352x16xf32, #tpu.memory_space<vmem_shared>> -> memref<784x16xf32, #tpu.memory_space<vmem_shared>>
    %dma_start3A_412 = arith.constant 0 : i32
    %dma_start3A_413 = arith.constant 0 : i32
    %dma_start3A_414 = tpu.memref_slice %arg18[%dma_start3A_412, %dma_start3A_413] : memref<1024x16xf32, #tpu.memory_space<vmem>> -> memref<784x16xf32, #tpu.memory_space<vmem>>
    tpu.enqueue_dma source(%dma_start3A_414 : memref<784x16xf32, #tpu.memory_space<vmem>>) target(%dma_start3A_411 : memref<784x16xf32, #tpu.memory_space<vmem_shared>>) target_semaphore(%arg26 : memref<!tpu.dma_semaphore, #tpu.memory_space<semaphore_mem>>)
    %mul3A_415 = arith.constant 6272 : i32
    %mul3A_416 = arith.muli %arg1, %mul3A_415 : i32
    %add3A_417 = arith.constant 3136 : i32
    %add3A_418 = arith.addi %mul3A_416, %add3A_417 : i32
    %dma_start3A_419 = arith.constant 0 : i32
    %dma_start3A_420 = arith.constant 0 : i32
    %dma_start3A_421 = tpu.memref_slice %arg18[%dma_start3A_419, %dma_start3A_420] : memref<1024x16xf32, #tpu.memory_space<vmem>> -> memref<784x16xf32, #tpu.memory_space<vmem>>
    %dma_start3A_422 = arith.constant 0 : i32
    %dma_start3A_423 = tpu.memref_slice %arg21[%add3A_418, %dma_start3A_422] : memref<100352x16xf32, #tpu.memory_space<vmem_shared>> -> memref<784x16xf32, #tpu.memory_space<vmem_shared>>
    %dma_start3A_424 = arith.constant 0 : i32
    %dma_start3A_425 = tpu.memref_slice %arg21[%add3A_418, %dma_start3A_424] : memref<100352x16xf32, #tpu.memory_space<vmem_shared>> -> memref<784x16xf32, #tpu.memory_space<vmem_shared>>
    %dma_start3A_426 = arith.constant 0 : i32
    %dma_start3A_427 = arith.constant 0 : i32
    %dma_start3A_428 = tpu.memref_slice %arg18[%dma_start3A_426, %dma_start3A_427] : memref<1024x16xf32, #tpu.memory_space<vmem>> -> memref<784x16xf32, #tpu.memory_space<vmem>>
    tpu.enqueue_dma source(%dma_start3A_428 : memref<784x16xf32, #tpu.memory_space<vmem>>) target(%dma_start3A_425 : memref<784x16xf32, #tpu.memory_space<vmem_shared>>) target_semaphore(%arg26 : memref<!tpu.dma_semaphore, #tpu.memory_space<semaphore_mem>>)
    %mul3A_429 = arith.constant 6272 : i32
    %mul3A_430 = arith.muli %arg1, %mul3A_429 : i32
    %add3A_431 = arith.constant 3920 : i32
    %add3A_432 = arith.addi %mul3A_430, %add3A_431 : i32
    %dma_start3A_433 = arith.constant 0 : i32
    %dma_start3A_434 = arith.constant 0 : i32
    %dma_start3A_435 = tpu.memref_slice %arg18[%dma_start3A_433, %dma_start3A_434] : memref<1024x16xf32, #tpu.memory_space<vmem>> -> memref<784x16xf32, #tpu.memory_space<vmem>>
    %dma_start3A_436 = arith.constant 0 : i32
    %dma_start3A_437 = tpu.memref_slice %arg21[%add3A_432, %dma_start3A_436] : memref<100352x16xf32, #tpu.memory_space<vmem_shared>> -> memref<784x16xf32, #tpu.memory_space<vmem_shared>>
    %dma_start3A_438 = arith.constant 0 : i32
    %dma_start3A_439 = tpu.memref_slice %arg21[%add3A_432, %dma_start3A_438] : memref<100352x16xf32, #tpu.memory_space<vmem_shared>> -> memref<784x16xf32, #tpu.memory_space<vmem_shared>>
    %dma_start3A_440 = arith.constant 0 : i32
    %dma_start3A_441 = arith.constant 0 : i32
    %dma_start3A_442 = tpu.memref_slice %arg18[%dma_start3A_440, %dma_start3A_441] : memref<1024x16xf32, #tpu.memory_space<vmem>> -> memref<784x16xf32, #tpu.memory_space<vmem>>
    tpu.enqueue_dma source(%dma_start3A_442 : memref<784x16xf32, #tpu.memory_space<vmem>>) target(%dma_start3A_439 : memref<784x16xf32, #tpu.memory_space<vmem_shared>>) target_semaphore(%arg26 : memref<!tpu.dma_semaphore, #tpu.memory_space<semaphore_mem>>)
    %mul3A_443 = arith.constant 6272 : i32
    %mul3A_444 = arith.muli %arg1, %mul3A_443 : i32
    %add3A_445 = arith.constant 4704 : i32
    %add3A_446 = arith.addi %mul3A_444, %add3A_445 : i32
    %dma_start3A_447 = arith.constant 0 : i32
    %dma_start3A_448 = arith.constant 0 : i32
    %dma_start3A_449 = tpu.memref_slice %arg18[%dma_start3A_447, %dma_start3A_448] : memref<1024x16xf32, #tpu.memory_space<vmem>> -> memref<784x16xf32, #tpu.memory_space<vmem>>
    %dma_start3A_450 = arith.constant 0 : i32
    %dma_start3A_451 = tpu.memref_slice %arg21[%add3A_446, %dma_start3A_450] : memref<100352x16xf32, #tpu.memory_space<vmem_shared>> -> memref<784x16xf32, #tpu.memory_space<vmem_shared>>
    %dma_start3A_452 = arith.constant 0 : i32
    %dma_start3A_453 = tpu.memref_slice %arg21[%add3A_446, %dma_start3A_452] : memref<100352x16xf32, #tpu.memory_space<vmem_shared>> -> memref<784x16xf32, #tpu.memory_space<vmem_shared>>
    %dma_start3A_454 = arith.constant 0 : i32
    %dma_start3A_455 = arith.constant 0 : i32
    %dma_start3A_456 = tpu.memref_slice %arg18[%dma_start3A_454, %dma_start3A_455] : memref<1024x16xf32, #tpu.memory_space<vmem>> -> memref<784x16xf32, #tpu.memory_space<vmem>>
    tpu.enqueue_dma source(%dma_start3A_456 : memref<784x16xf32, #tpu.memory_space<vmem>>) target(%dma_start3A_453 : memref<784x16xf32, #tpu.memory_space<vmem_shared>>) target_semaphore(%arg26 : memref<!tpu.dma_semaphore, #tpu.memory_space<semaphore_mem>>)
    %mul3A_457 = arith.constant 6272 : i32
    %mul3A_458 = arith.muli %arg1, %mul3A_457 : i32
    %add3A_459 = arith.constant 5488 : i32
    %add3A_460 = arith.addi %mul3A_458, %add3A_459 : i32
    %dma_start3A_461 = arith.constant 0 : i32
    %dma_start3A_462 = arith.constant 0 : i32
    %dma_start3A_463 = tpu.memref_slice %arg18[%dma_start3A_461, %dma_start3A_462] : memref<1024x16xf32, #tpu.memory_space<vmem>> -> memref<784x16xf32, #tpu.memory_space<vmem>>
    %dma_start3A_464 = arith.constant 0 : i32
    %dma_start3A_465 = tpu.memref_slice %arg21[%add3A_460, %dma_start3A_464] : memref<100352x16xf32, #tpu.memory_space<vmem_shared>> -> memref<784x16xf32, #tpu.memory_space<vmem_shared>>
    %dma_start3A_466 = arith.constant 0 : i32
    %dma_start3A_467 = tpu.memref_slice %arg21[%add3A_460, %dma_start3A_466] : memref<100352x16xf32, #tpu.memory_space<vmem_shared>> -> memref<784x16xf32, #tpu.memory_space<vmem_shared>>
    %dma_start3A_468 = arith.constant 0 : i32
    %dma_start3A_469 = arith.constant 0 : i32
    %dma_start3A_470 = tpu.memref_slice %arg18[%dma_start3A_468, %dma_start3A_469] : memref<1024x16xf32, #tpu.memory_space<vmem>> -> memref<784x16xf32, #tpu.memory_space<vmem>>
    tpu.enqueue_dma source(%dma_start3A_470 : memref<784x16xf32, #tpu.memory_space<vmem>>) target(%dma_start3A_467 : memref<784x16xf32, #tpu.memory_space<vmem_shared>>) target_semaphore(%arg26 : memref<!tpu.dma_semaphore, #tpu.memory_space<semaphore_mem>>)
    %dma_wait3A_471 = arith.constant 0 : i32
    %dma_wait3A_472 = arith.constant 0 : i32
    %dma_wait3A_473 = tpu.memref_slice %arg18[%dma_wait3A_471, %dma_wait3A_472] : memref<1024x16xf32, #tpu.memory_space<vmem>> -> memref<784x16xf32, #tpu.memory_space<vmem>>
    %dma_wait3A_474 = arith.constant 0 : i32
    %dma_wait3A_475 = tpu.memref_slice %arg21[%add3A_362, %dma_wait3A_474] : memref<100352x16xf32, #tpu.memory_space<vmem_shared>> -> memref<784x16xf32, #tpu.memory_space<vmem_shared>>
    %dma_wait3A_476 = arith.constant 0 : i32
    %dma_wait3A_477 = tpu.memref_slice %arg21[%add3A_362, %dma_wait3A_476] : memref<100352x16xf32, #tpu.memory_space<vmem_shared>> -> memref<784x16xf32, #tpu.memory_space<vmem_shared>>
    %dma_wait3A_478 = arith.constant 0 : i32
    %dma_wait3A_479 = arith.constant 0 : i32
    %dma_wait3A_480 = tpu.memref_slice %arg18[%dma_wait3A_478, %dma_wait3A_479] : memref<1024x16xf32, #tpu.memory_space<vmem>> -> memref<784x16xf32, #tpu.memory_space<vmem>>
    tpu.wait_dma2 semaphore(%arg26 : memref<!tpu.dma_semaphore, #tpu.memory_space<semaphore_mem>>) src(%dma_wait3A_480 : memref<784x16xf32, #tpu.memory_space<vmem>>) dst(%dma_wait3A_477 : memref<784x16xf32, #tpu.memory_space<vmem_shared>>)
    %dma_wait3A_481 = arith.constant 0 : i32
    %dma_wait3A_482 = arith.constant 0 : i32
    %dma_wait3A_483 = tpu.memref_slice %arg18[%dma_wait3A_481, %dma_wait3A_482] : memref<1024x16xf32, #tpu.memory_space<vmem>> -> memref<784x16xf32, #tpu.memory_space<vmem>>
    %dma_wait3A_484 = arith.constant 0 : i32
    %dma_wait3A_485 = tpu.memref_slice %arg21[%add3A_376, %dma_wait3A_484] : memref<100352x16xf32, #tpu.memory_space<vmem_shared>> -> memref<784x16xf32, #tpu.memory_space<vmem_shared>>
    %dma_wait3A_486 = arith.constant 0 : i32
    %dma_wait3A_487 = tpu.memref_slice %arg21[%add3A_376, %dma_wait3A_486] : memref<100352x16xf32, #tpu.memory_space<vmem_shared>> -> memref<784x16xf32, #tpu.memory_space<vmem_shared>>
    %dma_wait3A_488 = arith.constant 0 : i32
    %dma_wait3A_489 = arith.constant 0 : i32
    %dma_wait3A_490 = tpu.memref_slice %arg18[%dma_wait3A_488, %dma_wait3A_489] : memref<1024x16xf32, #tpu.memory_space<vmem>> -> memref<784x16xf32, #tpu.memory_space<vmem>>
    tpu.wait_dma2 semaphore(%arg26 : memref<!tpu.dma_semaphore, #tpu.memory_space<semaphore_mem>>) src(%dma_wait3A_490 : memref<784x16xf32, #tpu.memory_space<vmem>>) dst(%dma_wait3A_487 : memref<784x16xf32, #tpu.memory_space<vmem_shared>>)
    %dma_wait3A_491 = arith.constant 0 : i32
    %dma_wait3A_492 = arith.constant 0 : i32
    %dma_wait3A_493 = tpu.memref_slice %arg18[%dma_wait3A_491, %dma_wait3A_492] : memref<1024x16xf32, #tpu.memory_space<vmem>> -> memref<784x16xf32, #tpu.memory_space<vmem>>
    %dma_wait3A_494 = arith.constant 0 : i32
    %dma_wait3A_495 = tpu.memref_slice %arg21[%add3A_390, %dma_wait3A_494] : memref<100352x16xf32, #tpu.memory_space<vmem_shared>> -> memref<784x16xf32, #tpu.memory_space<vmem_shared>>
    %dma_wait3A_496 = arith.constant 0 : i32
    %dma_wait3A_497 = tpu.memref_slice %arg21[%add3A_390, %dma_wait3A_496] : memref<100352x16xf32, #tpu.memory_space<vmem_shared>> -> memref<784x16xf32, #tpu.memory_space<vmem_shared>>
    %dma_wait3A_498 = arith.constant 0 : i32
    %dma_wait3A_499 = arith.constant 0 : i32
    %dma_wait3A_500 = tpu.memref_slice %arg18[%dma_wait3A_498, %dma_wait3A_499] : memref<1024x16xf32, #tpu.memory_space<vmem>> -> memref<784x16xf32, #tpu.memory_space<vmem>>
    tpu.wait_dma2 semaphore(%arg26 : memref<!tpu.dma_semaphore, #tpu.memory_space<semaphore_mem>>) src(%dma_wait3A_500 : memref<784x16xf32, #tpu.memory_space<vmem>>) dst(%dma_wait3A_497 : memref<784x16xf32, #tpu.memory_space<vmem_shared>>)
    %dma_wait3A_501 = arith.constant 0 : i32
    %dma_wait3A_502 = arith.constant 0 : i32
    %dma_wait3A_503 = tpu.memref_slice %arg18[%dma_wait3A_501, %dma_wait3A_502] : memref<1024x16xf32, #tpu.memory_space<vmem>> -> memref<784x16xf32, #tpu.memory_space<vmem>>
    %dma_wait3A_504 = arith.constant 0 : i32
    %dma_wait3A_505 = tpu.memref_slice %arg21[%add3A_404, %dma_wait3A_504] : memref<100352x16xf32, #tpu.memory_space<vmem_shared>> -> memref<784x16xf32, #tpu.memory_space<vmem_shared>>
    %dma_wait3A_506 = arith.constant 0 : i32
    %dma_wait3A_507 = tpu.memref_slice %arg21[%add3A_404, %dma_wait3A_506] : memref<100352x16xf32, #tpu.memory_space<vmem_shared>> -> memref<784x16xf32, #tpu.memory_space<vmem_shared>>
    %dma_wait3A_508 = arith.constant 0 : i32
    %dma_wait3A_509 = arith.constant 0 : i32
    %dma_wait3A_510 = tpu.memref_slice %arg18[%dma_wait3A_508, %dma_wait3A_509] : memref<1024x16xf32, #tpu.memory_space<vmem>> -> memref<784x16xf32, #tpu.memory_space<vmem>>
    tpu.wait_dma2 semaphore(%arg26 : memref<!tpu.dma_semaphore, #tpu.memory_space<semaphore_mem>>) src(%dma_wait3A_510 : memref<784x16xf32, #tpu.memory_space<vmem>>) dst(%dma_wait3A_507 : memref<784x16xf32, #tpu.memory_space<vmem_shared>>)
    %dma_wait3A_511 = arith.constant 0 : i32
    %dma_wait3A_512 = arith.constant 0 : i32
    %dma_wait3A_513 = tpu.memref_slice %arg18[%dma_wait3A_511, %dma_wait3A_512] : memref<1024x16xf32, #tpu.memory_space<vmem>> -> memref<784x16xf32, #tpu.memory_space<vmem>>
    %dma_wait3A_514 = arith.constant 0 : i32
    %dma_wait3A_515 = tpu.memref_slice %arg21[%add3A_418, %dma_wait3A_514] : memref<100352x16xf32, #tpu.memory_space<vmem_shared>> -> memref<784x16xf32, #tpu.memory_space<vmem_shared>>
    %dma_wait3A_516 = arith.constant 0 : i32
    %dma_wait3A_517 = tpu.memref_slice %arg21[%add3A_418, %dma_wait3A_516] : memref<100352x16xf32, #tpu.memory_space<vmem_shared>> -> memref<784x16xf32, #tpu.memory_space<vmem_shared>>
    %dma_wait3A_518 = arith.constant 0 : i32
    %dma_wait3A_519 = arith.constant 0 : i32
    %dma_wait3A_520 = tpu.memref_slice %arg18[%dma_wait3A_518, %dma_wait3A_519] : memref<1024x16xf32, #tpu.memory_space<vmem>> -> memref<784x16xf32, #tpu.memory_space<vmem>>
    tpu.wait_dma2 semaphore(%arg26 : memref<!tpu.dma_semaphore, #tpu.memory_space<semaphore_mem>>) src(%dma_wait3A_520 : memref<784x16xf32, #tpu.memory_space<vmem>>) dst(%dma_wait3A_517 : memref<784x16xf32, #tpu.memory_space<vmem_shared>>)
    %dma_wait3A_521 = arith.constant 0 : i32
    %dma_wait3A_522 = arith.constant 0 : i32
    %dma_wait3A_523 = tpu.memref_slice %arg18[%dma_wait3A_521, %dma_wait3A_522] : memref<1024x16xf32, #tpu.memory_space<vmem>> -> memref<784x16xf32, #tpu.memory_space<vmem>>
    %dma_wait3A_524 = arith.constant 0 : i32
    %dma_wait3A_525 = tpu.memref_slice %arg21[%add3A_432, %dma_wait3A_524] : memref<100352x16xf32, #tpu.memory_space<vmem_shared>> -> memref<784x16xf32, #tpu.memory_space<vmem_shared>>
    %dma_wait3A_526 = arith.constant 0 : i32
    %dma_wait3A_527 = tpu.memref_slice %arg21[%add3A_432, %dma_wait3A_526] : memref<100352x16xf32, #tpu.memory_space<vmem_shared>> -> memref<784x16xf32, #tpu.memory_space<vmem_shared>>
    %dma_wait3A_528 = arith.constant 0 : i32
    %dma_wait3A_529 = arith.constant 0 : i32
    %dma_wait3A_530 = tpu.memref_slice %arg18[%dma_wait3A_528, %dma_wait3A_529] : memref<1024x16xf32, #tpu.memory_space<vmem>> -> memref<784x16xf32, #tpu.memory_space<vmem>>
    tpu.wait_dma2 semaphore(%arg26 : memref<!tpu.dma_semaphore, #tpu.memory_space<semaphore_mem>>) src(%dma_wait3A_530 : memref<784x16xf32, #tpu.memory_space<vmem>>) dst(%dma_wait3A_527 : memref<784x16xf32, #tpu.memory_space<vmem_shared>>)
    %dma_wait3A_531 = arith.constant 0 : i32
    %dma_wait3A_532 = arith.constant 0 : i32
    %dma_wait3A_533 = tpu.memref_slice %arg18[%dma_wait3A_531, %dma_wait3A_532] : memref<1024x16xf32, #tpu.memory_space<vmem>> -> memref<784x16xf32, #tpu.memory_space<vmem>>
    %dma_wait3A_534 = arith.constant 0 : i32
    %dma_wait3A_535 = tpu.memref_slice %arg21[%add3A_446, %dma_wait3A_534] : memref<100352x16xf32, #tpu.memory_space<vmem_shared>> -> memref<784x16xf32, #tpu.memory_space<vmem_shared>>
    %dma_wait3A_536 = arith.constant 0 : i32
    %dma_wait3A_537 = tpu.memref_slice %arg21[%add3A_446, %dma_wait3A_536] : memref<100352x16xf32, #tpu.memory_space<vmem_shared>> -> memref<784x16xf32, #tpu.memory_space<vmem_shared>>
    %dma_wait3A_538 = arith.constant 0 : i32
    %dma_wait3A_539 = arith.constant 0 : i32
    %dma_wait3A_540 = tpu.memref_slice %arg18[%dma_wait3A_538, %dma_wait3A_539] : memref<1024x16xf32, #tpu.memory_space<vmem>> -> memref<784x16xf32, #tpu.memory_space<vmem>>
    tpu.wait_dma2 semaphore(%arg26 : memref<!tpu.dma_semaphore, #tpu.memory_space<semaphore_mem>>) src(%dma_wait3A_540 : memref<784x16xf32, #tpu.memory_space<vmem>>) dst(%dma_wait3A_537 : memref<784x16xf32, #tpu.memory_space<vmem_shared>>)
    %dma_wait3A_541 = arith.constant 0 : i32
    %dma_wait3A_542 = arith.constant 0 : i32
    %dma_wait3A_543 = tpu.memref_slice %arg18[%dma_wait3A_541, %dma_wait3A_542] : memref<1024x16xf32, #tpu.memory_space<vmem>> -> memref<784x16xf32, #tpu.memory_space<vmem>>
    %dma_wait3A_544 = arith.constant 0 : i32
    %dma_wait3A_545 = tpu.memref_slice %arg21[%add3A_460, %dma_wait3A_544] : memref<100352x16xf32, #tpu.memory_space<vmem_shared>> -> memref<784x16xf32, #tpu.memory_space<vmem_shared>>
    %dma_wait3A_546 = arith.constant 0 : i32
    %dma_wait3A_547 = tpu.memref_slice %arg21[%add3A_460, %dma_wait3A_546] : memref<100352x16xf32, #tpu.memory_space<vmem_shared>> -> memref<784x16xf32, #tpu.memory_space<vmem_shared>>
    %dma_wait3A_548 = arith.constant 0 : i32
    %dma_wait3A_549 = arith.constant 0 : i32
    %dma_wait3A_550 = tpu.memref_slice %arg18[%dma_wait3A_548, %dma_wait3A_549] : memref<1024x16xf32, #tpu.memory_space<vmem>> -> memref<784x16xf32, #tpu.memory_space<vmem>>
    tpu.wait_dma2 semaphore(%arg26 : memref<!tpu.dma_semaphore, #tpu.memory_space<semaphore_mem>>) src(%dma_wait3A_550 : memref<784x16xf32, #tpu.memory_space<vmem>>) dst(%dma_wait3A_547 : memref<784x16xf32, #tpu.memory_space<vmem_shared>>)
    %barrier3A_551 = arith.constant 0 : index
    tpu.barrier barrier_id(%barrier3A_551)
    %mul3A_552 = arith.constant 100352 : i32
    %mul3A_553 = arith.muli %arg1, %mul3A_552 : i32
    %add3A_554 = arith.constant 0 : i32
    %add3A_555 = arith.addi %mul3A_553, %add3A_554 : i32
    %dma_start3A_556 = arith.constant 0 : i32
    %dma_start3A_557 = arith.constant 0 : i32
    %dma_start3A_558 = arith.constant 0 : i32
    %dma_start3A_559 = tpu.memref_slice %arg15[%dma_start3A_556, %dma_start3A_558] : memref<2x512xi32, #tpu.memory_space<vmem>> -> memref<1x512xi32, #tpu.memory_space<vmem>>
    %dma_start3A_560 = tpu.memref_squeeze %dma_start3A_559 : memref<1x512xi32, #tpu.memory_space<vmem>> -> memref<512xi32, #tpu.memory_space<vmem>>
    %dma_start3A_561 = tpu.memref_slice %arg4[%add3A_555] : memref<1605632xi32, #tpu.memory_space<hbm>> -> memref<512xi32, #tpu.memory_space<hbm>>
    %dma_start3A_562 = tpu.memref_slice %arg22[%dma_start3A_557] : memref<2x!tpu.dma_semaphore, #tpu.memory_space<semaphore_mem>> -> memref<1x!tpu.dma_semaphore, #tpu.memory_space<semaphore_mem>>
    %dma_start3A_563 = tpu.memref_squeeze %dma_start3A_562 : memref<1x!tpu.dma_semaphore, #tpu.memory_space<semaphore_mem>> -> memref<!tpu.dma_semaphore, #tpu.memory_space<semaphore_mem>>
    %dma_start3A_564 = arith.constant 0 : i32
    %dma_start3A_565 = tpu.memref_slice %arg15[%dma_start3A_556, %dma_start3A_564] : memref<2x512xi32, #tpu.memory_space<vmem>> -> memref<1x512xi32, #tpu.memory_space<vmem>>
    %dma_start3A_566 = tpu.memref_squeeze %dma_start3A_565 : memref<1x512xi32, #tpu.memory_space<vmem>> -> memref<512xi32, #tpu.memory_space<vmem>>
    %dma_start3A_567 = tpu.memref_slice %arg4[%add3A_555] : memref<1605632xi32, #tpu.memory_space<hbm>> -> memref<512xi32, #tpu.memory_space<hbm>>
    tpu.enqueue_dma source(%dma_start3A_567 : memref<512xi32, #tpu.memory_space<hbm>>) target(%dma_start3A_566 : memref<512xi32, #tpu.memory_space<vmem>>) target_semaphore(%dma_start3A_563 : memref<!tpu.dma_semaphore, #tpu.memory_space<semaphore_mem>>)
    %dma_start3A_568 = arith.constant 0 : i32
    %dma_start3A_569 = arith.constant 0 : i32
    %dma_start3A_570 = arith.constant 0 : i32
    %dma_start3A_571 = tpu.memref_slice %arg17[%dma_start3A_568, %dma_start3A_570] : memref<2x512xf32, #tpu.memory_space<vmem>> -> memref<1x512xf32, #tpu.memory_space<vmem>>
    %dma_start3A_572 = tpu.memref_squeeze %dma_start3A_571 : memref<1x512xf32, #tpu.memory_space<vmem>> -> memref<512xf32, #tpu.memory_space<vmem>>
    %dma_start3A_573 = tpu.memref_slice %arg6[%add3A_555] : memref<1605632xf32, #tpu.memory_space<hbm>> -> memref<512xf32, #tpu.memory_space<hbm>>
    %dma_start3A_574 = tpu.memref_slice %arg22[%dma_start3A_569] : memref<2x!tpu.dma_semaphore, #tpu.memory_space<semaphore_mem>> -> memref<1x!tpu.dma_semaphore, #tpu.memory_space<semaphore_mem>>
    %dma_start3A_575 = tpu.memref_squeeze %dma_start3A_574 : memref<1x!tpu.dma_semaphore, #tpu.memory_space<semaphore_mem>> -> memref<!tpu.dma_semaphore, #tpu.memory_space<semaphore_mem>>
    %dma_start3A_576 = arith.constant 0 : i32
    %dma_start3A_577 = tpu.memref_slice %arg17[%dma_start3A_568, %dma_start3A_576] : memref<2x512xf32, #tpu.memory_space<vmem>> -> memref<1x512xf32, #tpu.memory_space<vmem>>
    %dma_start3A_578 = tpu.memref_squeeze %dma_start3A_577 : memref<1x512xf32, #tpu.memory_space<vmem>> -> memref<512xf32, #tpu.memory_space<vmem>>
    %dma_start3A_579 = tpu.memref_slice %arg6[%add3A_555] : memref<1605632xf32, #tpu.memory_space<hbm>> -> memref<512xf32, #tpu.memory_space<hbm>>
    tpu.enqueue_dma source(%dma_start3A_579 : memref<512xf32, #tpu.memory_space<hbm>>) target(%dma_start3A_578 : memref<512xf32, #tpu.memory_space<vmem>>) target_semaphore(%dma_start3A_575 : memref<!tpu.dma_semaphore, #tpu.memory_space<semaphore_mem>>)
    %dma_start3A_580 = arith.constant 0 : i32
    %dma_start3A_581 = arith.constant 0 : i32
    %dma_start3A_582 = arith.constant 0 : i32
    %dma_start3A_583 = tpu.memref_slice %arg16[%dma_start3A_580, %dma_start3A_582] : memref<3x512xi32, #tpu.memory_space<vmem>> -> memref<1x512xi32, #tpu.memory_space<vmem>>
    %dma_start3A_584 = tpu.memref_squeeze %dma_start3A_583 : memref<1x512xi32, #tpu.memory_space<vmem>> -> memref<512xi32, #tpu.memory_space<vmem>>
    %dma_start3A_585 = tpu.memref_slice %arg5[%add3A_555] : memref<1605632xi32, #tpu.memory_space<hbm>> -> memref<512xi32, #tpu.memory_space<hbm>>
    %dma_start3A_586 = tpu.memref_slice %arg23[%dma_start3A_581] : memref<3x!tpu.dma_semaphore, #tpu.memory_space<semaphore_mem>> -> memref<1x!tpu.dma_semaphore, #tpu.memory_space<semaphore_mem>>
    %dma_start3A_587 = tpu.memref_squeeze %dma_start3A_586 : memref<1x!tpu.dma_semaphore, #tpu.memory_space<semaphore_mem>> -> memref<!tpu.dma_semaphore, #tpu.memory_space<semaphore_mem>>
    %dma_start3A_588 = arith.constant 0 : i32
    %dma_start3A_589 = tpu.memref_slice %arg16[%dma_start3A_580, %dma_start3A_588] : memref<3x512xi32, #tpu.memory_space<vmem>> -> memref<1x512xi32, #tpu.memory_space<vmem>>
    %dma_start3A_590 = tpu.memref_squeeze %dma_start3A_589 : memref<1x512xi32, #tpu.memory_space<vmem>> -> memref<512xi32, #tpu.memory_space<vmem>>
    %dma_start3A_591 = tpu.memref_slice %arg5[%add3A_555] : memref<1605632xi32, #tpu.memory_space<hbm>> -> memref<512xi32, #tpu.memory_space<hbm>>
    tpu.enqueue_dma source(%dma_start3A_591 : memref<512xi32, #tpu.memory_space<hbm>>) target(%dma_start3A_590 : memref<512xi32, #tpu.memory_space<vmem>>) target_semaphore(%dma_start3A_587 : memref<!tpu.dma_semaphore, #tpu.memory_space<semaphore_mem>>)
    %mul3A_592 = arith.constant 100352 : i32
    %mul3A_593 = arith.muli %arg1, %mul3A_592 : i32
    %add3A_594 = arith.constant 0 : i32
    %add3A_595 = arith.addi %mul3A_593, %add3A_594 : i32
    %dma_wait3A_596 = arith.constant 0 : i32
    %dma_wait3A_597 = arith.constant 0 : i32
    %dma_wait3A_598 = arith.constant 0 : i32
    %dma_wait3A_599 = tpu.memref_slice %arg15[%dma_wait3A_596, %dma_wait3A_598] : memref<2x512xi32, #tpu.memory_space<vmem>> -> memref<1x512xi32, #tpu.memory_space<vmem>>
    %dma_wait3A_600 = tpu.memref_squeeze %dma_wait3A_599 : memref<1x512xi32, #tpu.memory_space<vmem>> -> memref<512xi32, #tpu.memory_space<vmem>>
    %dma_wait3A_601 = tpu.memref_slice %arg4[%add3A_595] : memref<1605632xi32, #tpu.memory_space<hbm>> -> memref<512xi32, #tpu.memory_space<hbm>>
    %dma_wait3A_602 = tpu.memref_slice %arg22[%dma_wait3A_597] : memref<2x!tpu.dma_semaphore, #tpu.memory_space<semaphore_mem>> -> memref<1x!tpu.dma_semaphore, #tpu.memory_space<semaphore_mem>>
    %dma_wait3A_603 = tpu.memref_squeeze %dma_wait3A_602 : memref<1x!tpu.dma_semaphore, #tpu.memory_space<semaphore_mem>> -> memref<!tpu.dma_semaphore, #tpu.memory_space<semaphore_mem>>
    %dma_wait3A_604 = arith.constant 0 : i32
    %dma_wait3A_605 = tpu.memref_slice %arg15[%dma_wait3A_596, %dma_wait3A_604] : memref<2x512xi32, #tpu.memory_space<vmem>> -> memref<1x512xi32, #tpu.memory_space<vmem>>
    %dma_wait3A_606 = tpu.memref_squeeze %dma_wait3A_605 : memref<1x512xi32, #tpu.memory_space<vmem>> -> memref<512xi32, #tpu.memory_space<vmem>>
    %dma_wait3A_607 = tpu.memref_slice %arg4[%add3A_595] : memref<1605632xi32, #tpu.memory_space<hbm>> -> memref<512xi32, #tpu.memory_space<hbm>>
    tpu.wait_dma2 semaphore(%dma_wait3A_603 : memref<!tpu.dma_semaphore, #tpu.memory_space<semaphore_mem>>) src(%dma_wait3A_607 : memref<512xi32, #tpu.memory_space<hbm>>) dst(%dma_wait3A_606 : memref<512xi32, #tpu.memory_space<vmem>>)
    %dma_wait3A_608 = arith.constant 0 : i32
    %dma_wait3A_609 = arith.constant 0 : i32
    %dma_wait3A_610 = arith.constant 0 : i32
    %dma_wait3A_611 = tpu.memref_slice %arg17[%dma_wait3A_608, %dma_wait3A_610] : memref<2x512xf32, #tpu.memory_space<vmem>> -> memref<1x512xf32, #tpu.memory_space<vmem>>
    %dma_wait3A_612 = tpu.memref_squeeze %dma_wait3A_611 : memref<1x512xf32, #tpu.memory_space<vmem>> -> memref<512xf32, #tpu.memory_space<vmem>>
    %dma_wait3A_613 = tpu.memref_slice %arg6[%add3A_595] : memref<1605632xf32, #tpu.memory_space<hbm>> -> memref<512xf32, #tpu.memory_space<hbm>>
    %dma_wait3A_614 = tpu.memref_slice %arg22[%dma_wait3A_609] : memref<2x!tpu.dma_semaphore, #tpu.memory_space<semaphore_mem>> -> memref<1x!tpu.dma_semaphore, #tpu.memory_space<semaphore_mem>>
    %dma_wait3A_615 = tpu.memref_squeeze %dma_wait3A_614 : memref<1x!tpu.dma_semaphore, #tpu.memory_space<semaphore_mem>> -> memref<!tpu.dma_semaphore, #tpu.memory_space<semaphore_mem>>
    %dma_wait3A_616 = arith.constant 0 : i32
    %dma_wait3A_617 = tpu.memref_slice %arg17[%dma_wait3A_608, %dma_wait3A_616] : memref<2x512xf32, #tpu.memory_space<vmem>> -> memref<1x512xf32, #tpu.memory_space<vmem>>
    %dma_wait3A_618 = tpu.memref_squeeze %dma_wait3A_617 : memref<1x512xf32, #tpu.memory_space<vmem>> -> memref<512xf32, #tpu.memory_space<vmem>>
    %dma_wait3A_619 = tpu.memref_slice %arg6[%add3A_595] : memref<1605632xf32, #tpu.memory_space<hbm>> -> memref<512xf32, #tpu.memory_space<hbm>>
    tpu.wait_dma2 semaphore(%dma_wait3A_615 : memref<!tpu.dma_semaphore, #tpu.memory_space<semaphore_mem>>) src(%dma_wait3A_619 : memref<512xf32, #tpu.memory_space<hbm>>) dst(%dma_wait3A_618 : memref<512xf32, #tpu.memory_space<vmem>>)
    %dma_wait3A_620 = arith.constant 0 : i32
    %dma_wait3A_621 = arith.constant 0 : i32
    %dma_wait3A_622 = arith.constant 0 : i32
    %dma_wait3A_623 = tpu.memref_slice %arg16[%dma_wait3A_620, %dma_wait3A_622] : memref<3x512xi32, #tpu.memory_space<vmem>> -> memref<1x512xi32, #tpu.memory_space<vmem>>
    %dma_wait3A_624 = tpu.memref_squeeze %dma_wait3A_623 : memref<1x512xi32, #tpu.memory_space<vmem>> -> memref<512xi32, #tpu.memory_space<vmem>>
    %dma_wait3A_625 = tpu.memref_slice %arg5[%add3A_595] : memref<1605632xi32, #tpu.memory_space<hbm>> -> memref<512xi32, #tpu.memory_space<hbm>>
    %dma_wait3A_626 = tpu.memref_slice %arg23[%dma_wait3A_621] : memref<3x!tpu.dma_semaphore, #tpu.memory_space<semaphore_mem>> -> memref<1x!tpu.dma_semaphore, #tpu.memory_space<semaphore_mem>>
    %dma_wait3A_627 = tpu.memref_squeeze %dma_wait3A_626 : memref<1x!tpu.dma_semaphore, #tpu.memory_space<semaphore_mem>> -> memref<!tpu.dma_semaphore, #tpu.memory_space<semaphore_mem>>
    %dma_wait3A_628 = arith.constant 0 : i32
    %dma_wait3A_629 = tpu.memref_slice %arg16[%dma_wait3A_620, %dma_wait3A_628] : memref<3x512xi32, #tpu.memory_space<vmem>> -> memref<1x512xi32, #tpu.memory_space<vmem>>
    %dma_wait3A_630 = tpu.memref_squeeze %dma_wait3A_629 : memref<1x512xi32, #tpu.memory_space<vmem>> -> memref<512xi32, #tpu.memory_space<vmem>>
    %dma_wait3A_631 = tpu.memref_slice %arg5[%add3A_595] : memref<1605632xi32, #tpu.memory_space<hbm>> -> memref<512xi32, #tpu.memory_space<hbm>>
    tpu.wait_dma2 semaphore(%dma_wait3A_627 : memref<!tpu.dma_semaphore, #tpu.memory_space<semaphore_mem>>) src(%dma_wait3A_631 : memref<512xi32, #tpu.memory_space<hbm>>) dst(%dma_wait3A_630 : memref<512xi32, #tpu.memory_space<vmem>>)
    %eq3A_632 = arith.constant 0 : i32
    %eq3A_633 = arith.cmpi eq, %arg0, %eq3A_632 : i32
    %convert_element_type3A_634 = arith.extui %eq3A_633 : i1 to i32
    %cond3A_635 = arith.constant 0 : i32
    %cond3A_636 = arith.cmpi ne, %convert_element_type3A_634, %cond3A_635 : i32
    scf.if %cond3A_636 {
      %dma_start3A_1294 = arith.constant 0 : i32
      %dma_start3A_1295 = arith.constant 0 : i32
      %dma_start3A_1296 = arith.constant 0 : i32
      %dma_start3A_1297 = arith.constant 0 : i32
      %dma_start3A_1298 = tpu.memref_slice %arg18[%dma_start3A_1296, %dma_start3A_1297] : memref<1024x16xf32, #tpu.memory_space<vmem>> -> memref<512x16xf32, #tpu.memory_space<vmem>>
      %dma_start3A_1299 = arith.constant 0 : i32
      %dma_start3A_1300 = tpu.memref_slice %arg15[%dma_start3A_1294, %dma_start3A_1299] : memref<2x512xi32, #tpu.memory_space<vmem>> -> memref<1x512xi32, #tpu.memory_space<vmem>>
      %dma_start3A_1301 = tpu.memref_squeeze %dma_start3A_1300 : memref<1x512xi32, #tpu.memory_space<vmem>> -> memref<512xi32, #tpu.memory_space<vmem>>
      %dma_start3A_1302 = arith.constant 0 : i32
      %dma_start3A_1303 = arith.constant 0 : i32
      %dma_start3A_1304 = tpu.memref_slice %arg9[%dma_start3A_1302, %dma_start3A_1303] : memref<100352x16xf32, #tpu.memory_space<hbm>> -> memref<100352x16xf32, #tpu.memory_space<hbm>>
      %dma_start3A_1305 = tpu.memref_slice %arg24[%dma_start3A_1295] : memref<2x!tpu.dma_semaphore, #tpu.memory_space<semaphore_mem>> -> memref<1x!tpu.dma_semaphore, #tpu.memory_space<semaphore_mem>>
      %dma_start3A_1306 = tpu.memref_squeeze %dma_start3A_1305 : memref<1x!tpu.dma_semaphore, #tpu.memory_space<semaphore_mem>> -> memref<!tpu.dma_semaphore, #tpu.memory_space<semaphore_mem>>
      tpu.enqueue_indirect_dma source(%dma_start3A_1304 : memref<100352x16xf32, #tpu.memory_space<hbm>>) target(%dma_start3A_1298 : memref<512x16xf32, #tpu.memory_space<vmem>>) offsets(%dma_start3A_1301 : memref<512xi32, #tpu.memory_space<vmem>>) semaphore(%dma_start3A_1306 : memref<!tpu.dma_semaphore, #tpu.memory_space<semaphore_mem>>)
    } else {
    }
    %eq3A_637 = arith.constant 1 : i32
    %eq3A_638 = arith.cmpi eq, %arg0, %eq3A_637 : i32
    %convert_element_type3A_639 = arith.extui %eq3A_638 : i1 to i32
    %cond3A_640 = arith.constant 0 : i32
    %cond3A_641 = arith.cmpi ne, %convert_element_type3A_639, %cond3A_640 : i32
    scf.if %cond3A_641 {
      %dma_start3A_1294 = arith.constant 0 : i32
      %dma_start3A_1295 = arith.constant 0 : i32
      %dma_start3A_1296 = arith.constant 0 : i32
      %dma_start3A_1297 = arith.constant 0 : i32
      %dma_start3A_1298 = tpu.memref_slice %arg18[%dma_start3A_1296, %dma_start3A_1297] : memref<1024x16xf32, #tpu.memory_space<vmem>> -> memref<512x16xf32, #tpu.memory_space<vmem>>
      %dma_start3A_1299 = arith.constant 0 : i32
      %dma_start3A_1300 = tpu.memref_slice %arg15[%dma_start3A_1294, %dma_start3A_1299] : memref<2x512xi32, #tpu.memory_space<vmem>> -> memref<1x512xi32, #tpu.memory_space<vmem>>
      %dma_start3A_1301 = tpu.memref_squeeze %dma_start3A_1300 : memref<1x512xi32, #tpu.memory_space<vmem>> -> memref<512xi32, #tpu.memory_space<vmem>>
      %dma_start3A_1302 = arith.constant 0 : i32
      %dma_start3A_1303 = arith.constant 0 : i32
      %dma_start3A_1304 = tpu.memref_slice %arg10[%dma_start3A_1302, %dma_start3A_1303] : memref<100352x16xf32, #tpu.memory_space<hbm>> -> memref<100352x16xf32, #tpu.memory_space<hbm>>
      %dma_start3A_1305 = tpu.memref_slice %arg24[%dma_start3A_1295] : memref<2x!tpu.dma_semaphore, #tpu.memory_space<semaphore_mem>> -> memref<1x!tpu.dma_semaphore, #tpu.memory_space<semaphore_mem>>
      %dma_start3A_1306 = tpu.memref_squeeze %dma_start3A_1305 : memref<1x!tpu.dma_semaphore, #tpu.memory_space<semaphore_mem>> -> memref<!tpu.dma_semaphore, #tpu.memory_space<semaphore_mem>>
      tpu.enqueue_indirect_dma source(%dma_start3A_1304 : memref<100352x16xf32, #tpu.memory_space<hbm>>) target(%dma_start3A_1298 : memref<512x16xf32, #tpu.memory_space<vmem>>) offsets(%dma_start3A_1301 : memref<512xi32, #tpu.memory_space<vmem>>) semaphore(%dma_start3A_1306 : memref<!tpu.dma_semaphore, #tpu.memory_space<semaphore_mem>>)
    } else {
    }
    %mul3A_642 = arith.constant 100352 : i32
    %mul3A_643 = arith.muli %arg1, %mul3A_642 : i32
    %add3A_644 = arith.constant 512 : i32
    %add3A_645 = arith.addi %mul3A_643, %add3A_644 : i32
    %dma_start3A_646 = arith.constant 1 : i32
    %dma_start3A_647 = arith.constant 1 : i32
    %dma_start3A_648 = arith.constant 0 : i32
    %dma_start3A_649 = tpu.memref_slice %arg15[%dma_start3A_646, %dma_start3A_648] : memref<2x512xi32, #tpu.memory_space<vmem>> -> memref<1x512xi32, #tpu.memory_space<vmem>>
    %dma_start3A_650 = tpu.memref_squeeze %dma_start3A_649 : memref<1x512xi32, #tpu.memory_space<vmem>> -> memref<512xi32, #tpu.memory_space<vmem>>
    %dma_start3A_651 = tpu.memref_slice %arg4[%add3A_645] : memref<1605632xi32, #tpu.memory_space<hbm>> -> memref<512xi32, #tpu.memory_space<hbm>>
    %dma_start3A_652 = tpu.memref_slice %arg22[%dma_start3A_647] : memref<2x!tpu.dma_semaphore, #tpu.memory_space<semaphore_mem>> -> memref<1x!tpu.dma_semaphore, #tpu.memory_space<semaphore_mem>>
    %dma_start3A_653 = tpu.memref_squeeze %dma_start3A_652 : memref<1x!tpu.dma_semaphore, #tpu.memory_space<semaphore_mem>> -> memref<!tpu.dma_semaphore, #tpu.memory_space<semaphore_mem>>
    %dma_start3A_654 = arith.constant 0 : i32
    %dma_start3A_655 = tpu.memref_slice %arg15[%dma_start3A_646, %dma_start3A_654] : memref<2x512xi32, #tpu.memory_space<vmem>> -> memref<1x512xi32, #tpu.memory_space<vmem>>
    %dma_start3A_656 = tpu.memref_squeeze %dma_start3A_655 : memref<1x512xi32, #tpu.memory_space<vmem>> -> memref<512xi32, #tpu.memory_space<vmem>>
    %dma_start3A_657 = tpu.memref_slice %arg4[%add3A_645] : memref<1605632xi32, #tpu.memory_space<hbm>> -> memref<512xi32, #tpu.memory_space<hbm>>
    tpu.enqueue_dma source(%dma_start3A_657 : memref<512xi32, #tpu.memory_space<hbm>>) target(%dma_start3A_656 : memref<512xi32, #tpu.memory_space<vmem>>) target_semaphore(%dma_start3A_653 : memref<!tpu.dma_semaphore, #tpu.memory_space<semaphore_mem>>)
    %dma_start3A_658 = arith.constant 1 : i32
    %dma_start3A_659 = arith.constant 1 : i32
    %dma_start3A_660 = arith.constant 0 : i32
    %dma_start3A_661 = tpu.memref_slice %arg17[%dma_start3A_658, %dma_start3A_660] : memref<2x512xf32, #tpu.memory_space<vmem>> -> memref<1x512xf32, #tpu.memory_space<vmem>>
    %dma_start3A_662 = tpu.memref_squeeze %dma_start3A_661 : memref<1x512xf32, #tpu.memory_space<vmem>> -> memref<512xf32, #tpu.memory_space<vmem>>
    %dma_start3A_663 = tpu.memref_slice %arg6[%add3A_645] : memref<1605632xf32, #tpu.memory_space<hbm>> -> memref<512xf32, #tpu.memory_space<hbm>>
    %dma_start3A_664 = tpu.memref_slice %arg22[%dma_start3A_659] : memref<2x!tpu.dma_semaphore, #tpu.memory_space<semaphore_mem>> -> memref<1x!tpu.dma_semaphore, #tpu.memory_space<semaphore_mem>>
    %dma_start3A_665 = tpu.memref_squeeze %dma_start3A_664 : memref<1x!tpu.dma_semaphore, #tpu.memory_space<semaphore_mem>> -> memref<!tpu.dma_semaphore, #tpu.memory_space<semaphore_mem>>
    %dma_start3A_666 = arith.constant 0 : i32
    %dma_start3A_667 = tpu.memref_slice %arg17[%dma_start3A_658, %dma_start3A_666] : memref<2x512xf32, #tpu.memory_space<vmem>> -> memref<1x512xf32, #tpu.memory_space<vmem>>
    %dma_start3A_668 = tpu.memref_squeeze %dma_start3A_667 : memref<1x512xf32, #tpu.memory_space<vmem>> -> memref<512xf32, #tpu.memory_space<vmem>>
    %dma_start3A_669 = tpu.memref_slice %arg6[%add3A_645] : memref<1605632xf32, #tpu.memory_space<hbm>> -> memref<512xf32, #tpu.memory_space<hbm>>
    tpu.enqueue_dma source(%dma_start3A_669 : memref<512xf32, #tpu.memory_space<hbm>>) target(%dma_start3A_668 : memref<512xf32, #tpu.memory_space<vmem>>) target_semaphore(%dma_start3A_665 : memref<!tpu.dma_semaphore, #tpu.memory_space<semaphore_mem>>)
    %dma_start3A_670 = arith.constant 1 : i32
    %dma_start3A_671 = arith.constant 1 : i32
    %dma_start3A_672 = arith.constant 0 : i32
    %dma_start3A_673 = tpu.memref_slice %arg16[%dma_start3A_670, %dma_start3A_672] : memref<3x512xi32, #tpu.memory_space<vmem>> -> memref<1x512xi32, #tpu.memory_space<vmem>>
    %dma_start3A_674 = tpu.memref_squeeze %dma_start3A_673 : memref<1x512xi32, #tpu.memory_space<vmem>> -> memref<512xi32, #tpu.memory_space<vmem>>
    %dma_start3A_675 = tpu.memref_slice %arg5[%add3A_645] : memref<1605632xi32, #tpu.memory_space<hbm>> -> memref<512xi32, #tpu.memory_space<hbm>>
    %dma_start3A_676 = tpu.memref_slice %arg23[%dma_start3A_671] : memref<3x!tpu.dma_semaphore, #tpu.memory_space<semaphore_mem>> -> memref<1x!tpu.dma_semaphore, #tpu.memory_space<semaphore_mem>>
    %dma_start3A_677 = tpu.memref_squeeze %dma_start3A_676 : memref<1x!tpu.dma_semaphore, #tpu.memory_space<semaphore_mem>> -> memref<!tpu.dma_semaphore, #tpu.memory_space<semaphore_mem>>
    %dma_start3A_678 = arith.constant 0 : i32
    %dma_start3A_679 = tpu.memref_slice %arg16[%dma_start3A_670, %dma_start3A_678] : memref<3x512xi32, #tpu.memory_space<vmem>> -> memref<1x512xi32, #tpu.memory_space<vmem>>
    %dma_start3A_680 = tpu.memref_squeeze %dma_start3A_679 : memref<1x512xi32, #tpu.memory_space<vmem>> -> memref<512xi32, #tpu.memory_space<vmem>>
    %dma_start3A_681 = tpu.memref_slice %arg5[%add3A_645] : memref<1605632xi32, #tpu.memory_space<hbm>> -> memref<512xi32, #tpu.memory_space<hbm>>
    tpu.enqueue_dma source(%dma_start3A_681 : memref<512xi32, #tpu.memory_space<hbm>>) target(%dma_start3A_680 : memref<512xi32, #tpu.memory_space<vmem>>) target_semaphore(%dma_start3A_677 : memref<!tpu.dma_semaphore, #tpu.memory_space<semaphore_mem>>)
    %scan3A_682 = arith.constant 0 : i32
    %scan3A_683 = arith.constant 0 : i32
    %scan3A_684 = arith.constant 196 : i32
    %scan3A_685 = arith.addi %scan3A_683, %scan3A_684 : i32
    %scan3A_686 = arith.constant 1 : i32
    scf.for %scan3A_1294 = %scan3A_683 to %scan3A_685 step %scan3A_686  : i32 {
      %and3A = arith.constant 1 : i32
      %and3A_1295 = arith.andi %scan3A_1294, %and3A : i32
      %sub3A = arith.constant 1 : i32
      %sub3A_1296 = arith.subi %sub3A, %and3A_1295 : i32
      %rem3A = arith.constant 3 : i32
      %rem3A_1297 = arith.remsi %scan3A_1294, %rem3A : i32
      %add3A_1298 = arith.constant 1 : i32
      %add3A_1299 = arith.addi %scan3A_1294, %add3A_1298 : i32
      %rem3A_1300 = arith.constant 3 : i32
      %rem3A_1301 = arith.remsi %add3A_1299, %rem3A_1300 : i32
      %add3A_1302 = arith.constant 2 : i32
      %add3A_1303 = arith.addi %scan3A_1294, %add3A_1302 : i32
      %rem3A_1304 = arith.constant 3 : i32
      %rem3A_1305 = arith.remsi %add3A_1303, %rem3A_1304 : i32
      %ge3A = arith.constant 1 : i32
      %ge3A_1306 = arith.cmpi sge, %scan3A_1294, %ge3A : i32
      %convert_element_type3A_1307 = arith.extui %ge3A_1306 : i1 to i32
      %cond3A_1308 = arith.constant 0 : i32
      %cond3A_1309 = arith.cmpi ne, %convert_element_type3A_1307, %cond3A_1308 : i32
      scf.if %cond3A_1309 {
        %mul3A_1351 = arith.constant 512 : i32
        %mul3A_1352 = arith.muli %sub3A_1296, %mul3A_1351 : i32
        %dma_wait3A_1353 = arith.constant 0 : i32
        %dma_wait3A_1354 = tpu.memref_slice %arg18[%mul3A_1352, %dma_wait3A_1353] : memref<1024x16xf32, #tpu.memory_space<vmem>> -> memref<512x16xf32, #tpu.memory_space<vmem>>
        %dma_wait3A_1355 = arith.constant 0 : i32
        %dma_wait3A_1356 = tpu.memref_slice %arg16[%rem3A_1305, %dma_wait3A_1355] : memref<3x512xi32, #tpu.memory_space<vmem>> -> memref<1x512xi32, #tpu.memory_space<vmem>>
        %dma_wait3A_1357 = tpu.memref_squeeze %dma_wait3A_1356 : memref<1x512xi32, #tpu.memory_space<vmem>> -> memref<512xi32, #tpu.memory_space<vmem>>
        %dma_wait3A_1358 = arith.constant 0 : i32
        %dma_wait3A_1359 = arith.constant 0 : i32
        %dma_wait3A_1360 = tpu.memref_slice %arg21[%dma_wait3A_1358, %dma_wait3A_1359] : memref<100352x16xf32, #tpu.memory_space<vmem_shared>> -> memref<100352x16xf32, #tpu.memory_space<vmem_shared>>
        %dma_wait3A_1361 = tpu.memref_slice %arg25[%sub3A_1296] : memref<2x!tpu.dma_semaphore, #tpu.memory_space<semaphore_mem>> -> memref<1x!tpu.dma_semaphore, #tpu.memory_space<semaphore_mem>>
        %dma_wait3A_1362 = tpu.memref_squeeze %dma_wait3A_1361 : memref<1x!tpu.dma_semaphore, #tpu.memory_space<semaphore_mem>> -> memref<!tpu.dma_semaphore, #tpu.memory_space<semaphore_mem>>
        tpu.wait_indirect_dma semaphore(%dma_wait3A_1362 : memref<!tpu.dma_semaphore, #tpu.memory_space<semaphore_mem>>) src(%dma_wait3A_1354 : memref<512x16xf32, #tpu.memory_space<vmem>>) dst(%dma_wait3A_1360 : memref<100352x16xf32, #tpu.memory_space<vmem_shared>>)
      } else {
      }
      %add3A_1310 = arith.constant 1 : i32
      %add3A_1311 = arith.addi %scan3A_1294, %add3A_1310 : i32
      %lt3A = arith.constant 196 : i32
      %lt3A_1312 = arith.cmpi slt, %add3A_1311, %lt3A : i32
      %convert_element_type3A_1313 = arith.extui %lt3A_1312 : i1 to i32
      %cond3A_1314 = arith.constant 0 : i32
      %cond3A_1315 = arith.cmpi ne, %convert_element_type3A_1313, %cond3A_1314 : i32
      scf.if %cond3A_1315 {
        %add3A_1351 = arith.constant 1 : i32
        %add3A_1352 = arith.addi %scan3A_1294, %add3A_1351 : i32
        %mul3A_1353 = arith.constant 100352 : i32
        %mul3A_1354 = arith.muli %arg1, %mul3A_1353 : i32
        %mul3A_1355 = arith.constant 512 : i32
        %mul3A_1356 = arith.muli %add3A_1352, %mul3A_1355 : i32
        %add3A_1357 = arith.addi %mul3A_1354, %mul3A_1356 : i32
        %dma_wait3A_1358 = arith.constant 0 : i32
        %dma_wait3A_1359 = tpu.memref_slice %arg15[%sub3A_1296, %dma_wait3A_1358] : memref<2x512xi32, #tpu.memory_space<vmem>> -> memref<1x512xi32, #tpu.memory_space<vmem>>
        %dma_wait3A_1360 = tpu.memref_squeeze %dma_wait3A_1359 : memref<1x512xi32, #tpu.memory_space<vmem>> -> memref<512xi32, #tpu.memory_space<vmem>>
        %dma_wait3A_1361 = tpu.memref_slice %arg4[%add3A_1357] : memref<1605632xi32, #tpu.memory_space<hbm>> -> memref<512xi32, #tpu.memory_space<hbm>>
        %dma_wait3A_1362 = tpu.memref_slice %arg22[%sub3A_1296] : memref<2x!tpu.dma_semaphore, #tpu.memory_space<semaphore_mem>> -> memref<1x!tpu.dma_semaphore, #tpu.memory_space<semaphore_mem>>
        %dma_wait3A_1363 = tpu.memref_squeeze %dma_wait3A_1362 : memref<1x!tpu.dma_semaphore, #tpu.memory_space<semaphore_mem>> -> memref<!tpu.dma_semaphore, #tpu.memory_space<semaphore_mem>>
        %dma_wait3A_1364 = arith.constant 0 : i32
        %dma_wait3A_1365 = tpu.memref_slice %arg15[%sub3A_1296, %dma_wait3A_1364] : memref<2x512xi32, #tpu.memory_space<vmem>> -> memref<1x512xi32, #tpu.memory_space<vmem>>
        %dma_wait3A_1366 = tpu.memref_squeeze %dma_wait3A_1365 : memref<1x512xi32, #tpu.memory_space<vmem>> -> memref<512xi32, #tpu.memory_space<vmem>>
        %dma_wait3A_1367 = tpu.memref_slice %arg4[%add3A_1357] : memref<1605632xi32, #tpu.memory_space<hbm>> -> memref<512xi32, #tpu.memory_space<hbm>>
        tpu.wait_dma2 semaphore(%dma_wait3A_1363 : memref<!tpu.dma_semaphore, #tpu.memory_space<semaphore_mem>>) src(%dma_wait3A_1367 : memref<512xi32, #tpu.memory_space<hbm>>) dst(%dma_wait3A_1366 : memref<512xi32, #tpu.memory_space<vmem>>)
        %dma_wait3A_1368 = arith.constant 0 : i32
        %dma_wait3A_1369 = tpu.memref_slice %arg17[%sub3A_1296, %dma_wait3A_1368] : memref<2x512xf32, #tpu.memory_space<vmem>> -> memref<1x512xf32, #tpu.memory_space<vmem>>
        %dma_wait3A_1370 = tpu.memref_squeeze %dma_wait3A_1369 : memref<1x512xf32, #tpu.memory_space<vmem>> -> memref<512xf32, #tpu.memory_space<vmem>>
        %dma_wait3A_1371 = tpu.memref_slice %arg6[%add3A_1357] : memref<1605632xf32, #tpu.memory_space<hbm>> -> memref<512xf32, #tpu.memory_space<hbm>>
        %dma_wait3A_1372 = tpu.memref_slice %arg22[%sub3A_1296] : memref<2x!tpu.dma_semaphore, #tpu.memory_space<semaphore_mem>> -> memref<1x!tpu.dma_semaphore, #tpu.memory_space<semaphore_mem>>
        %dma_wait3A_1373 = tpu.memref_squeeze %dma_wait3A_1372 : memref<1x!tpu.dma_semaphore, #tpu.memory_space<semaphore_mem>> -> memref<!tpu.dma_semaphore, #tpu.memory_space<semaphore_mem>>
        %dma_wait3A_1374 = arith.constant 0 : i32
        %dma_wait3A_1375 = tpu.memref_slice %arg17[%sub3A_1296, %dma_wait3A_1374] : memref<2x512xf32, #tpu.memory_space<vmem>> -> memref<1x512xf32, #tpu.memory_space<vmem>>
        %dma_wait3A_1376 = tpu.memref_squeeze %dma_wait3A_1375 : memref<1x512xf32, #tpu.memory_space<vmem>> -> memref<512xf32, #tpu.memory_space<vmem>>
        %dma_wait3A_1377 = tpu.memref_slice %arg6[%add3A_1357] : memref<1605632xf32, #tpu.memory_space<hbm>> -> memref<512xf32, #tpu.memory_space<hbm>>
        tpu.wait_dma2 semaphore(%dma_wait3A_1373 : memref<!tpu.dma_semaphore, #tpu.memory_space<semaphore_mem>>) src(%dma_wait3A_1377 : memref<512xf32, #tpu.memory_space<hbm>>) dst(%dma_wait3A_1376 : memref<512xf32, #tpu.memory_space<vmem>>)
        %dma_wait3A_1378 = arith.constant 0 : i32
        %dma_wait3A_1379 = tpu.memref_slice %arg16[%rem3A_1301, %dma_wait3A_1378] : memref<3x512xi32, #tpu.memory_space<vmem>> -> memref<1x512xi32, #tpu.memory_space<vmem>>
        %dma_wait3A_1380 = tpu.memref_squeeze %dma_wait3A_1379 : memref<1x512xi32, #tpu.memory_space<vmem>> -> memref<512xi32, #tpu.memory_space<vmem>>
        %dma_wait3A_1381 = tpu.memref_slice %arg5[%add3A_1357] : memref<1605632xi32, #tpu.memory_space<hbm>> -> memref<512xi32, #tpu.memory_space<hbm>>
        %dma_wait3A_1382 = tpu.memref_slice %arg23[%rem3A_1301] : memref<3x!tpu.dma_semaphore, #tpu.memory_space<semaphore_mem>> -> memref<1x!tpu.dma_semaphore, #tpu.memory_space<semaphore_mem>>
        %dma_wait3A_1383 = tpu.memref_squeeze %dma_wait3A_1382 : memref<1x!tpu.dma_semaphore, #tpu.memory_space<semaphore_mem>> -> memref<!tpu.dma_semaphore, #tpu.memory_space<semaphore_mem>>
        %dma_wait3A_1384 = arith.constant 0 : i32
        %dma_wait3A_1385 = tpu.memref_slice %arg16[%rem3A_1301, %dma_wait3A_1384] : memref<3x512xi32, #tpu.memory_space<vmem>> -> memref<1x512xi32, #tpu.memory_space<vmem>>
        %dma_wait3A_1386 = tpu.memref_squeeze %dma_wait3A_1385 : memref<1x512xi32, #tpu.memory_space<vmem>> -> memref<512xi32, #tpu.memory_space<vmem>>
        %dma_wait3A_1387 = tpu.memref_slice %arg5[%add3A_1357] : memref<1605632xi32, #tpu.memory_space<hbm>> -> memref<512xi32, #tpu.memory_space<hbm>>
        tpu.wait_dma2 semaphore(%dma_wait3A_1383 : memref<!tpu.dma_semaphore, #tpu.memory_space<semaphore_mem>>) src(%dma_wait3A_1387 : memref<512xi32, #tpu.memory_space<hbm>>) dst(%dma_wait3A_1386 : memref<512xi32, #tpu.memory_space<vmem>>)
        %eq3A_1388 = arith.constant 0 : i32
        %eq3A_1389 = arith.cmpi eq, %arg0, %eq3A_1388 : i32
        %convert_element_type3A_1390 = arith.extui %eq3A_1389 : i1 to i32
        %cond3A_1391 = arith.constant 0 : i32
        %cond3A_1392 = arith.cmpi ne, %convert_element_type3A_1390, %cond3A_1391 : i32
        scf.if %cond3A_1392 {
          %mul3A_1398 = arith.constant 512 : i32
          %mul3A_1399 = arith.muli %sub3A_1296, %mul3A_1398 : i32
          %dma_start3A_1400 = arith.constant 0 : i32
          %dma_start3A_1401 = tpu.memref_slice %arg18[%mul3A_1399, %dma_start3A_1400] : memref<1024x16xf32, #tpu.memory_space<vmem>> -> memref<512x16xf32, #tpu.memory_space<vmem>>
          %dma_start3A_1402 = arith.constant 0 : i32
          %dma_start3A_1403 = tpu.memref_slice %arg15[%sub3A_1296, %dma_start3A_1402] : memref<2x512xi32, #tpu.memory_space<vmem>> -> memref<1x512xi32, #tpu.memory_space<vmem>>
          %dma_start3A_1404 = tpu.memref_squeeze %dma_start3A_1403 : memref<1x512xi32, #tpu.memory_space<vmem>> -> memref<512xi32, #tpu.memory_space<vmem>>
          %dma_start3A_1405 = arith.constant 0 : i32
          %dma_start3A_1406 = arith.constant 0 : i32
          %dma_start3A_1407 = tpu.memref_slice %arg9[%dma_start3A_1405, %dma_start3A_1406] : memref<100352x16xf32, #tpu.memory_space<hbm>> -> memref<100352x16xf32, #tpu.memory_space<hbm>>
          %dma_start3A_1408 = tpu.memref_slice %arg24[%sub3A_1296] : memref<2x!tpu.dma_semaphore, #tpu.memory_space<semaphore_mem>> -> memref<1x!tpu.dma_semaphore, #tpu.memory_space<semaphore_mem>>
          %dma_start3A_1409 = tpu.memref_squeeze %dma_start3A_1408 : memref<1x!tpu.dma_semaphore, #tpu.memory_space<semaphore_mem>> -> memref<!tpu.dma_semaphore, #tpu.memory_space<semaphore_mem>>
          tpu.enqueue_indirect_dma source(%dma_start3A_1407 : memref<100352x16xf32, #tpu.memory_space<hbm>>) target(%dma_start3A_1401 : memref<512x16xf32, #tpu.memory_space<vmem>>) offsets(%dma_start3A_1404 : memref<512xi32, #tpu.memory_space<vmem>>) semaphore(%dma_start3A_1409 : memref<!tpu.dma_semaphore, #tpu.memory_space<semaphore_mem>>)
        } else {
        }
        %eq3A_1393 = arith.constant 1 : i32
        %eq3A_1394 = arith.cmpi eq, %arg0, %eq3A_1393 : i32
        %convert_element_type3A_1395 = arith.extui %eq3A_1394 : i1 to i32
        %cond3A_1396 = arith.constant 0 : i32
        %cond3A_1397 = arith.cmpi ne, %convert_element_type3A_1395, %cond3A_1396 : i32
        scf.if %cond3A_1397 {
          %mul3A_1398 = arith.constant 512 : i32
          %mul3A_1399 = arith.muli %sub3A_1296, %mul3A_1398 : i32
          %dma_start3A_1400 = arith.constant 0 : i32
          %dma_start3A_1401 = tpu.memref_slice %arg18[%mul3A_1399, %dma_start3A_1400] : memref<1024x16xf32, #tpu.memory_space<vmem>> -> memref<512x16xf32, #tpu.memory_space<vmem>>
          %dma_start3A_1402 = arith.constant 0 : i32
          %dma_start3A_1403 = tpu.memref_slice %arg15[%sub3A_1296, %dma_start3A_1402] : memref<2x512xi32, #tpu.memory_space<vmem>> -> memref<1x512xi32, #tpu.memory_space<vmem>>
          %dma_start3A_1404 = tpu.memref_squeeze %dma_start3A_1403 : memref<1x512xi32, #tpu.memory_space<vmem>> -> memref<512xi32, #tpu.memory_space<vmem>>
          %dma_start3A_1405 = arith.constant 0 : i32
          %dma_start3A_1406 = arith.constant 0 : i32
          %dma_start3A_1407 = tpu.memref_slice %arg10[%dma_start3A_1405, %dma_start3A_1406] : memref<100352x16xf32, #tpu.memory_space<hbm>> -> memref<100352x16xf32, #tpu.memory_space<hbm>>
          %dma_start3A_1408 = tpu.memref_slice %arg24[%sub3A_1296] : memref<2x!tpu.dma_semaphore, #tpu.memory_space<semaphore_mem>> -> memref<1x!tpu.dma_semaphore, #tpu.memory_space<semaphore_mem>>
          %dma_start3A_1409 = tpu.memref_squeeze %dma_start3A_1408 : memref<1x!tpu.dma_semaphore, #tpu.memory_space<semaphore_mem>> -> memref<!tpu.dma_semaphore, #tpu.memory_space<semaphore_mem>>
          tpu.enqueue_indirect_dma source(%dma_start3A_1407 : memref<100352x16xf32, #tpu.memory_space<hbm>>) target(%dma_start3A_1401 : memref<512x16xf32, #tpu.memory_space<vmem>>) offsets(%dma_start3A_1404 : memref<512xi32, #tpu.memory_space<vmem>>) semaphore(%dma_start3A_1409 : memref<!tpu.dma_semaphore, #tpu.memory_space<semaphore_mem>>)
        } else {
        }
      } else {
      }
      %mul3A_1316 = arith.constant 512 : i32
      %mul3A_1317 = arith.muli %and3A_1295, %mul3A_1316 : i32
      %dma_wait3A_1318 = arith.constant 0 : i32
      %dma_wait3A_1319 = tpu.memref_slice %arg18[%mul3A_1317, %dma_wait3A_1318] : memref<1024x16xf32, #tpu.memory_space<vmem>> -> memref<512x16xf32, #tpu.memory_space<vmem>>
      %dma_wait3A_1320 = arith.constant 0 : i32
      %dma_wait3A_1321 = tpu.memref_slice %arg15[%and3A_1295, %dma_wait3A_1320] : memref<2x512xi32, #tpu.memory_space<vmem>> -> memref<1x512xi32, #tpu.memory_space<vmem>>
      %dma_wait3A_1322 = tpu.memref_squeeze %dma_wait3A_1321 : memref<1x512xi32, #tpu.memory_space<vmem>> -> memref<512xi32, #tpu.memory_space<vmem>>
      %dma_wait3A_1323 = arith.constant 0 : i32
      %dma_wait3A_1324 = arith.constant 0 : i32
      %dma_wait3A_1325 = tpu.memref_slice %arg9[%dma_wait3A_1323, %dma_wait3A_1324] : memref<100352x16xf32, #tpu.memory_space<hbm>> -> memref<100352x16xf32, #tpu.memory_space<hbm>>
      %dma_wait3A_1326 = tpu.memref_slice %arg24[%and3A_1295] : memref<2x!tpu.dma_semaphore, #tpu.memory_space<semaphore_mem>> -> memref<1x!tpu.dma_semaphore, #tpu.memory_space<semaphore_mem>>
      %dma_wait3A_1327 = tpu.memref_squeeze %dma_wait3A_1326 : memref<1x!tpu.dma_semaphore, #tpu.memory_space<semaphore_mem>> -> memref<!tpu.dma_semaphore, #tpu.memory_space<semaphore_mem>>
      tpu.wait_indirect_dma semaphore(%dma_wait3A_1327 : memref<!tpu.dma_semaphore, #tpu.memory_space<semaphore_mem>>) src(%dma_wait3A_1325 : memref<100352x16xf32, #tpu.memory_space<hbm>>) dst(%dma_wait3A_1319 : memref<512x16xf32, #tpu.memory_space<vmem>>)
      %mul3A_1328 = arith.constant 512 : i32
      %mul3A_1329 = arith.muli %and3A_1295, %mul3A_1328 : i32
      %parallel_loop3A = arith.constant 0 : i32
      %parallel_loop3A_1330 = arith.constant 32 : i32
      %parallel_loop3A_1331 = arith.constant 1 : i32
      scf.for %parallel_loop3A_1351 = %parallel_loop3A to %parallel_loop3A_1330 step %parallel_loop3A_1331  : i32 {
        %parallel_loop3A_1352 = arith.constant 16 : i32
        %parallel_loop3A_1353 = arith.muli %parallel_loop3A_1351, %parallel_loop3A_1352 : i32
        %parallel_loop3A_1354 = arith.index_cast %and3A_1295 : i32 to index
        %parallel_loop3A_1355 = arith.index_cast %parallel_loop3A_1353 : i32 to index
        %parallel_loop3A_1356 = tpu.vector_load %arg17[%parallel_loop3A_1354, %parallel_loop3A_1355] {strides = array<i32>} : memref<2x512xf32, #tpu.memory_space<vmem>>, vector<1x16xf32>,
        %parallel_loop3A_1357 = vector.shape_cast %parallel_loop3A_1356 : vector<1x16xf32> to vector<16xf32>
        %parallel_loop3A_1358 = arith.constant 16 : i32
        %parallel_loop3A_1359 = arith.muli %parallel_loop3A_1351, %parallel_loop3A_1358 : i32
        %parallel_loop3A_1360 = arith.addi %mul3A_1329, %parallel_loop3A_1359 : i32
        %parallel_loop3A_1361 = arith.constant 0 : i32
        %parallel_loop3A_1362 = arith.addi %parallel_loop3A_1360, %parallel_loop3A_1361 : i32
        %parallel_loop3A_1363 = arith.index_cast %parallel_loop3A_1362 : i32 to index
        %parallel_loop3A_1364 = arith.constant 0 : index
        %parallel_loop3A_1365 = tpu.vector_load %arg18[%parallel_loop3A_1363, %parallel_loop3A_1364] {strides = array<i32>} : memref<1024x16xf32, #tpu.memory_space<vmem>>, vector<1x16xf32>,
        %parallel_loop3A_1366 = vector.shape_cast %parallel_loop3A_1365 : vector<1x16xf32> to vector<16xf32>
        %parallel_loop3A_1367 = vector.extract_strided_slice %parallel_loop3A_1357 {offsets = [0], sizes = [1], strides = [1]} : vector<16xf32> to vector<1xf32>
        %parallel_loop3A_1368 = vector.extract %parallel_loop3A_1367[0] : f32 from vector<1xf32>
        %parallel_loop3A_1369 = vector.broadcast %parallel_loop3A_1368 : f32 to vector<16xf32>
        %parallel_loop3A_1370 = arith.mulf %parallel_loop3A_1366, %parallel_loop3A_1369 : vector<16xf32>
        %parallel_loop3A_1371 = arith.index_cast %parallel_loop3A_1362 : i32 to index
        %parallel_loop3A_1372 = arith.constant 0 : index
        %parallel_loop3A_1373 = tpu.vector_load %arg18[%parallel_loop3A_1371, %parallel_loop3A_1372] {strides = array<i32>} : memref<1024x16xf32, #tpu.memory_space<vmem>>, vector<1x16xf32>,
        %parallel_loop3A_1374 = vector.shape_cast %parallel_loop3A_1373 : vector<1x16xf32> to vector<16xf32>
        %parallel_loop3A_1375 = vector.shape_cast %parallel_loop3A_1370 : vector<16xf32> to vector<1x16xf32>
        tpu.vector_store %arg18[%parallel_loop3A_1371, %parallel_loop3A_1372], %parallel_loop3A_1375 {strides = array<i32>} : memref<1024x16xf32, #tpu.memory_space<vmem>>, vector<1x16xf32>,
        %parallel_loop3A_1376 = arith.constant 16 : i32
        %parallel_loop3A_1377 = arith.muli %parallel_loop3A_1351, %parallel_loop3A_1376 : i32
        %parallel_loop3A_1378 = arith.addi %mul3A_1329, %parallel_loop3A_1377 : i32
        %parallel_loop3A_1379 = arith.constant 1 : i32
        %parallel_loop3A_1380 = arith.addi %parallel_loop3A_1378, %parallel_loop3A_1379 : i32
        %parallel_loop3A_1381 = arith.index_cast %parallel_loop3A_1380 : i32 to index
        %parallel_loop3A_1382 = arith.constant 0 : index
        %parallel_loop3A_1383 = tpu.vector_load %arg18[%parallel_loop3A_1381, %parallel_loop3A_1382] {strides = array<i32>} : memref<1024x16xf32, #tpu.memory_space<vmem>>, vector<1x16xf32>,
        %parallel_loop3A_1384 = vector.shape_cast %parallel_loop3A_1383 : vector<1x16xf32> to vector<16xf32>
        %parallel_loop3A_1385 = vector.extract_strided_slice %parallel_loop3A_1357 {offsets = [1], sizes = [1], strides = [1]} : vector<16xf32> to vector<1xf32>
        %parallel_loop3A_1386 = vector.extract %parallel_loop3A_1385[0] : f32 from vector<1xf32>
        %parallel_loop3A_1387 = vector.broadcast %parallel_loop3A_1386 : f32 to vector<16xf32>
        %parallel_loop3A_1388 = arith.mulf %parallel_loop3A_1384, %parallel_loop3A_1387 : vector<16xf32>
        %parallel_loop3A_1389 = arith.index_cast %parallel_loop3A_1380 : i32 to index
        %parallel_loop3A_1390 = arith.constant 0 : index
        %parallel_loop3A_1391 = tpu.vector_load %arg18[%parallel_loop3A_1389, %parallel_loop3A_1390] {strides = array<i32>} : memref<1024x16xf32, #tpu.memory_space<vmem>>, vector<1x16xf32>,
        %parallel_loop3A_1392 = vector.shape_cast %parallel_loop3A_1391 : vector<1x16xf32> to vector<16xf32>
        %parallel_loop3A_1393 = vector.shape_cast %parallel_loop3A_1388 : vector<16xf32> to vector<1x16xf32>
        tpu.vector_store %arg18[%parallel_loop3A_1389, %parallel_loop3A_1390], %parallel_loop3A_1393 {strides = array<i32>} : memref<1024x16xf32, #tpu.memory_space<vmem>>, vector<1x16xf32>,
        %parallel_loop3A_1394 = arith.constant 16 : i32
        %parallel_loop3A_1395 = arith.muli %parallel_loop3A_1351, %parallel_loop3A_1394 : i32
        %parallel_loop3A_1396 = arith.addi %mul3A_1329, %parallel_loop3A_1395 : i32
        %parallel_loop3A_1397 = arith.constant 2 : i32
        %parallel_loop3A_1398 = arith.addi %parallel_loop3A_1396, %parallel_loop3A_1397 : i32
        %parallel_loop3A_1399 = arith.index_cast %parallel_loop3A_1398 : i32 to index
        %parallel_loop3A_1400 = arith.constant 0 : index
        %parallel_loop3A_1401 = tpu.vector_load %arg18[%parallel_loop3A_1399, %parallel_loop3A_1400] {strides = array<i32>} : memref<1024x16xf32, #tpu.memory_space<vmem>>, vector<1x16xf32>,
        %parallel_loop3A_1402 = vector.shape_cast %parallel_loop3A_1401 : vector<1x16xf32> to vector<16xf32>
        %parallel_loop3A_1403 = vector.extract_strided_slice %parallel_loop3A_1357 {offsets = [2], sizes = [1], strides = [1]} : vector<16xf32> to vector<1xf32>
        %parallel_loop3A_1404 = vector.extract %parallel_loop3A_1403[0] : f32 from vector<1xf32>
        %parallel_loop3A_1405 = vector.broadcast %parallel_loop3A_1404 : f32 to vector<16xf32>
        %parallel_loop3A_1406 = arith.mulf %parallel_loop3A_1402, %parallel_loop3A_1405 : vector<16xf32>
        %parallel_loop3A_1407 = arith.index_cast %parallel_loop3A_1398 : i32 to index
        %parallel_loop3A_1408 = arith.constant 0 : index
        %parallel_loop3A_1409 = tpu.vector_load %arg18[%parallel_loop3A_1407, %parallel_loop3A_1408] {strides = array<i32>} : memref<1024x16xf32, #tpu.memory_space<vmem>>, vector<1x16xf32>,
        %parallel_loop3A_1410 = vector.shape_cast %parallel_loop3A_1409 : vector<1x16xf32> to vector<16xf32>
        %parallel_loop3A_1411 = vector.shape_cast %parallel_loop3A_1406 : vector<16xf32> to vector<1x16xf32>
        tpu.vector_store %arg18[%parallel_loop3A_1407, %parallel_loop3A_1408], %parallel_loop3A_1411 {strides = array<i32>} : memref<1024x16xf32, #tpu.memory_space<vmem>>, vector<1x16xf32>,
        %parallel_loop3A_1412 = arith.constant 16 : i32
        %parallel_loop3A_1413 = arith.muli %parallel_loop3A_1351, %parallel_loop3A_1412 : i32
        %parallel_loop3A_1414 = arith.addi %mul3A_1329, %parallel_loop3A_1413 : i32
        %parallel_loop3A_1415 = arith.constant 3 : i32
        %parallel_loop3A_1416 = arith.addi %parallel_loop3A_1414, %parallel_loop3A_1415 : i32
        %parallel_loop3A_1417 = arith.index_cast %parallel_loop3A_1416 : i32 to index
        %parallel_loop3A_1418 = arith.constant 0 : index
        %parallel_loop3A_1419 = tpu.vector_load %arg18[%parallel_loop3A_1417, %parallel_loop3A_1418] {strides = array<i32>} : memref<1024x16xf32, #tpu.memory_space<vmem>>, vector<1x16xf32>,
        %parallel_loop3A_1420 = vector.shape_cast %parallel_loop3A_1419 : vector<1x16xf32> to vector<16xf32>
        %parallel_loop3A_1421 = vector.extract_strided_slice %parallel_loop3A_1357 {offsets = [3], sizes = [1], strides = [1]} : vector<16xf32> to vector<1xf32>
        %parallel_loop3A_1422 = vector.extract %parallel_loop3A_1421[0] : f32 from vector<1xf32>
        %parallel_loop3A_1423 = vector.broadcast %parallel_loop3A_1422 : f32 to vector<16xf32>
        %parallel_loop3A_1424 = arith.mulf %parallel_loop3A_1420, %parallel_loop3A_1423 : vector<16xf32>
        %parallel_loop3A_1425 = arith.index_cast %parallel_loop3A_1416 : i32 to index
        %parallel_loop3A_1426 = arith.constant 0 : index
        %parallel_loop3A_1427 = tpu.vector_load %arg18[%parallel_loop3A_1425, %parallel_loop3A_1426] {strides = array<i32>} : memref<1024x16xf32, #tpu.memory_space<vmem>>, vector<1x16xf32>,
        %parallel_loop3A_1428 = vector.shape_cast %parallel_loop3A_1427 : vector<1x16xf32> to vector<16xf32>
        %parallel_loop3A_1429 = vector.shape_cast %parallel_loop3A_1424 : vector<16xf32> to vector<1x16xf32>
        tpu.vector_store %arg18[%parallel_loop3A_1425, %parallel_loop3A_1426], %parallel_loop3A_1429 {strides = array<i32>} : memref<1024x16xf32, #tpu.memory_space<vmem>>, vector<1x16xf32>,
        %parallel_loop3A_1430 = arith.constant 16 : i32
        %parallel_loop3A_1431 = arith.muli %parallel_loop3A_1351, %parallel_loop3A_1430 : i32
        %parallel_loop3A_1432 = arith.addi %mul3A_1329, %parallel_loop3A_1431 : i32
        %parallel_loop3A_1433 = arith.constant 4 : i32
        %parallel_loop3A_1434 = arith.addi %parallel_loop3A_1432, %parallel_loop3A_1433 : i32
        %parallel_loop3A_1435 = arith.index_cast %parallel_loop3A_1434 : i32 to index
        %parallel_loop3A_1436 = arith.constant 0 : index
        %parallel_loop3A_1437 = tpu.vector_load %arg18[%parallel_loop3A_1435, %parallel_loop3A_1436] {strides = array<i32>} : memref<1024x16xf32, #tpu.memory_space<vmem>>, vector<1x16xf32>,
        %parallel_loop3A_1438 = vector.shape_cast %parallel_loop3A_1437 : vector<1x16xf32> to vector<16xf32>
        %parallel_loop3A_1439 = vector.extract_strided_slice %parallel_loop3A_1357 {offsets = [4], sizes = [1], strides = [1]} : vector<16xf32> to vector<1xf32>
        %parallel_loop3A_1440 = vector.extract %parallel_loop3A_1439[0] : f32 from vector<1xf32>
        %parallel_loop3A_1441 = vector.broadcast %parallel_loop3A_1440 : f32 to vector<16xf32>
        %parallel_loop3A_1442 = arith.mulf %parallel_loop3A_1438, %parallel_loop3A_1441 : vector<16xf32>
        %parallel_loop3A_1443 = arith.index_cast %parallel_loop3A_1434 : i32 to index
        %parallel_loop3A_1444 = arith.constant 0 : index
        %parallel_loop3A_1445 = tpu.vector_load %arg18[%parallel_loop3A_1443, %parallel_loop3A_1444] {strides = array<i32>} : memref<1024x16xf32, #tpu.memory_space<vmem>>, vector<1x16xf32>,
        %parallel_loop3A_1446 = vector.shape_cast %parallel_loop3A_1445 : vector<1x16xf32> to vector<16xf32>
        %parallel_loop3A_1447 = vector.shape_cast %parallel_loop3A_1442 : vector<16xf32> to vector<1x16xf32>
        tpu.vector_store %arg18[%parallel_loop3A_1443, %parallel_loop3A_1444], %parallel_loop3A_1447 {strides = array<i32>} : memref<1024x16xf32, #tpu.memory_space<vmem>>, vector<1x16xf32>,
        %parallel_loop3A_1448 = arith.constant 16 : i32
        %parallel_loop3A_1449 = arith.muli %parallel_loop3A_1351, %parallel_loop3A_1448 : i32
        %parallel_loop3A_1450 = arith.addi %mul3A_1329, %parallel_loop3A_1449 : i32
        %parallel_loop3A_1451 = arith.constant 5 : i32
        %parallel_loop3A_1452 = arith.addi %parallel_loop3A_1450, %parallel_loop3A_1451 : i32
        %parallel_loop3A_1453 = arith.index_cast %parallel_loop3A_1452 : i32 to index
        %parallel_loop3A_1454 = arith.constant 0 : index
        %parallel_loop3A_1455 = tpu.vector_load %arg18[%parallel_loop3A_1453, %parallel_loop3A_1454] {strides = array<i32>} : memref<1024x16xf32, #tpu.memory_space<vmem>>, vector<1x16xf32>,
        %parallel_loop3A_1456 = vector.shape_cast %parallel_loop3A_1455 : vector<1x16xf32> to vector<16xf32>
        %parallel_loop3A_1457 = vector.extract_strided_slice %parallel_loop3A_1357 {offsets = [5], sizes = [1], strides = [1]} : vector<16xf32> to vector<1xf32>
        %parallel_loop3A_1458 = vector.extract %parallel_loop3A_1457[0] : f32 from vector<1xf32>
        %parallel_loop3A_1459 = vector.broadcast %parallel_loop3A_1458 : f32 to vector<16xf32>
        %parallel_loop3A_1460 = arith.mulf %parallel_loop3A_1456, %parallel_loop3A_1459 : vector<16xf32>
        %parallel_loop3A_1461 = arith.index_cast %parallel_loop3A_1452 : i32 to index
        %parallel_loop3A_1462 = arith.constant 0 : index
        %parallel_loop3A_1463 = tpu.vector_load %arg18[%parallel_loop3A_1461, %parallel_loop3A_1462] {strides = array<i32>} : memref<1024x16xf32, #tpu.memory_space<vmem>>, vector<1x16xf32>,
        %parallel_loop3A_1464 = vector.shape_cast %parallel_loop3A_1463 : vector<1x16xf32> to vector<16xf32>
        %parallel_loop3A_1465 = vector.shape_cast %parallel_loop3A_1460 : vector<16xf32> to vector<1x16xf32>
        tpu.vector_store %arg18[%parallel_loop3A_1461, %parallel_loop3A_1462], %parallel_loop3A_1465 {strides = array<i32>} : memref<1024x16xf32, #tpu.memory_space<vmem>>, vector<1x16xf32>,
        %parallel_loop3A_1466 = arith.constant 16 : i32
        %parallel_loop3A_1467 = arith.muli %parallel_loop3A_1351, %parallel_loop3A_1466 : i32
        %parallel_loop3A_1468 = arith.addi %mul3A_1329, %parallel_loop3A_1467 : i32
        %parallel_loop3A_1469 = arith.constant 6 : i32
        %parallel_loop3A_1470 = arith.addi %parallel_loop3A_1468, %parallel_loop3A_1469 : i32
        %parallel_loop3A_1471 = arith.index_cast %parallel_loop3A_1470 : i32 to index
        %parallel_loop3A_1472 = arith.constant 0 : index
        %parallel_loop3A_1473 = tpu.vector_load %arg18[%parallel_loop3A_1471, %parallel_loop3A_1472] {strides = array<i32>} : memref<1024x16xf32, #tpu.memory_space<vmem>>, vector<1x16xf32>,
        %parallel_loop3A_1474 = vector.shape_cast %parallel_loop3A_1473 : vector<1x16xf32> to vector<16xf32>
        %parallel_loop3A_1475 = vector.extract_strided_slice %parallel_loop3A_1357 {offsets = [6], sizes = [1], strides = [1]} : vector<16xf32> to vector<1xf32>
        %parallel_loop3A_1476 = vector.extract %parallel_loop3A_1475[0] : f32 from vector<1xf32>
        %parallel_loop3A_1477 = vector.broadcast %parallel_loop3A_1476 : f32 to vector<16xf32>
        %parallel_loop3A_1478 = arith.mulf %parallel_loop3A_1474, %parallel_loop3A_1477 : vector<16xf32>
        %parallel_loop3A_1479 = arith.index_cast %parallel_loop3A_1470 : i32 to index
        %parallel_loop3A_1480 = arith.constant 0 : index
        %parallel_loop3A_1481 = tpu.vector_load %arg18[%parallel_loop3A_1479, %parallel_loop3A_1480] {strides = array<i32>} : memref<1024x16xf32, #tpu.memory_space<vmem>>, vector<1x16xf32>,
        %parallel_loop3A_1482 = vector.shape_cast %parallel_loop3A_1481 : vector<1x16xf32> to vector<16xf32>
        %parallel_loop3A_1483 = vector.shape_cast %parallel_loop3A_1478 : vector<16xf32> to vector<1x16xf32>
        tpu.vector_store %arg18[%parallel_loop3A_1479, %parallel_loop3A_1480], %parallel_loop3A_1483 {strides = array<i32>} : memref<1024x16xf32, #tpu.memory_space<vmem>>, vector<1x16xf32>,
        %parallel_loop3A_1484 = arith.constant 16 : i32
        %parallel_loop3A_1485 = arith.muli %parallel_loop3A_1351, %parallel_loop3A_1484 : i32
        %parallel_loop3A_1486 = arith.addi %mul3A_1329, %parallel_loop3A_1485 : i32
        %parallel_loop3A_1487 = arith.constant 7 : i32
        %parallel_loop3A_1488 = arith.addi %parallel_loop3A_1486, %parallel_loop3A_1487 : i32
        %parallel_loop3A_1489 = arith.index_cast %parallel_loop3A_1488 : i32 to index
        %parallel_loop3A_1490 = arith.constant 0 : index
        %parallel_loop3A_1491 = tpu.vector_load %arg18[%parallel_loop3A_1489, %parallel_loop3A_1490] {strides = array<i32>} : memref<1024x16xf32, #tpu.memory_space<vmem>>, vector<1x16xf32>,
        %parallel_loop3A_1492 = vector.shape_cast %parallel_loop3A_1491 : vector<1x16xf32> to vector<16xf32>
        %parallel_loop3A_1493 = vector.extract_strided_slice %parallel_loop3A_1357 {offsets = [7], sizes = [1], strides = [1]} : vector<16xf32> to vector<1xf32>
        %parallel_loop3A_1494 = vector.extract %parallel_loop3A_1493[0] : f32 from vector<1xf32>
        %parallel_loop3A_1495 = vector.broadcast %parallel_loop3A_1494 : f32 to vector<16xf32>
        %parallel_loop3A_1496 = arith.mulf %parallel_loop3A_1492, %parallel_loop3A_1495 : vector<16xf32>
        %parallel_loop3A_1497 = arith.index_cast %parallel_loop3A_1488 : i32 to index
        %parallel_loop3A_1498 = arith.constant 0 : index
        %parallel_loop3A_1499 = tpu.vector_load %arg18[%parallel_loop3A_1497, %parallel_loop3A_1498] {strides = array<i32>} : memref<1024x16xf32, #tpu.memory_space<vmem>>, vector<1x16xf32>,
        %parallel_loop3A_1500 = vector.shape_cast %parallel_loop3A_1499 : vector<1x16xf32> to vector<16xf32>
        %parallel_loop3A_1501 = vector.shape_cast %parallel_loop3A_1496 : vector<16xf32> to vector<1x16xf32>
        tpu.vector_store %arg18[%parallel_loop3A_1497, %parallel_loop3A_1498], %parallel_loop3A_1501 {strides = array<i32>} : memref<1024x16xf32, #tpu.memory_space<vmem>>, vector<1x16xf32>,
        %parallel_loop3A_1502 = arith.constant 16 : i32
        %parallel_loop3A_1503 = arith.muli %parallel_loop3A_1351, %parallel_loop3A_1502 : i32
        %parallel_loop3A_1504 = arith.addi %mul3A_1329, %parallel_loop3A_1503 : i32
        %parallel_loop3A_1505 = arith.constant 8 : i32
        %parallel_loop3A_1506 = arith.addi %parallel_loop3A_1504, %parallel_loop3A_1505 : i32
        %parallel_loop3A_1507 = arith.index_cast %parallel_loop3A_1506 : i32 to index
        %parallel_loop3A_1508 = arith.constant 0 : index
        %parallel_loop3A_1509 = tpu.vector_load %arg18[%parallel_loop3A_1507, %parallel_loop3A_1508] {strides = array<i32>} : memref<1024x16xf32, #tpu.memory_space<vmem>>, vector<1x16xf32>,
        %parallel_loop3A_1510 = vector.shape_cast %parallel_loop3A_1509 : vector<1x16xf32> to vector<16xf32>
        %parallel_loop3A_1511 = vector.extract_strided_slice %parallel_loop3A_1357 {offsets = [8], sizes = [1], strides = [1]} : vector<16xf32> to vector<1xf32>
        %parallel_loop3A_1512 = vector.extract %parallel_loop3A_1511[0] : f32 from vector<1xf32>
        %parallel_loop3A_1513 = vector.broadcast %parallel_loop3A_1512 : f32 to vector<16xf32>
        %parallel_loop3A_1514 = arith.mulf %parallel_loop3A_1510, %parallel_loop3A_1513 : vector<16xf32>
        %parallel_loop3A_1515 = arith.index_cast %parallel_loop3A_1506 : i32 to index
        %parallel_loop3A_1516 = arith.constant 0 : index
        %parallel_loop3A_1517 = tpu.vector_load %arg18[%parallel_loop3A_1515, %parallel_loop3A_1516] {strides = array<i32>} : memref<1024x16xf32, #tpu.memory_space<vmem>>, vector<1x16xf32>,
        %parallel_loop3A_1518 = vector.shape_cast %parallel_loop3A_1517 : vector<1x16xf32> to vector<16xf32>
        %parallel_loop3A_1519 = vector.shape_cast %parallel_loop3A_1514 : vector<16xf32> to vector<1x16xf32>
        tpu.vector_store %arg18[%parallel_loop3A_1515, %parallel_loop3A_1516], %parallel_loop3A_1519 {strides = array<i32>} : memref<1024x16xf32, #tpu.memory_space<vmem>>, vector<1x16xf32>,
        %parallel_loop3A_1520 = arith.constant 16 : i32
        %parallel_loop3A_1521 = arith.muli %parallel_loop3A_1351, %parallel_loop3A_1520 : i32
        %parallel_loop3A_1522 = arith.addi %mul3A_1329, %parallel_loop3A_1521 : i32
        %parallel_loop3A_1523 = arith.constant 9 : i32
        %parallel_loop3A_1524 = arith.addi %parallel_loop3A_1522, %parallel_loop3A_1523 : i32
        %parallel_loop3A_1525 = arith.index_cast %parallel_loop3A_1524 : i32 to index
        %parallel_loop3A_1526 = arith.constant 0 : index
        %parallel_loop3A_1527 = tpu.vector_load %arg18[%parallel_loop3A_1525, %parallel_loop3A_1526] {strides = array<i32>} : memref<1024x16xf32, #tpu.memory_space<vmem>>, vector<1x16xf32>,
        %parallel_loop3A_1528 = vector.shape_cast %parallel_loop3A_1527 : vector<1x16xf32> to vector<16xf32>
        %parallel_loop3A_1529 = vector.extract_strided_slice %parallel_loop3A_1357 {offsets = [9], sizes = [1], strides = [1]} : vector<16xf32> to vector<1xf32>
        %parallel_loop3A_1530 = vector.extract %parallel_loop3A_1529[0] : f32 from vector<1xf32>
        %parallel_loop3A_1531 = vector.broadcast %parallel_loop3A_1530 : f32 to vector<16xf32>
        %parallel_loop3A_1532 = arith.mulf %parallel_loop3A_1528, %parallel_loop3A_1531 : vector<16xf32>
        %parallel_loop3A_1533 = arith.index_cast %parallel_loop3A_1524 : i32 to index
        %parallel_loop3A_1534 = arith.constant 0 : index
        %parallel_loop3A_1535 = tpu.vector_load %arg18[%parallel_loop3A_1533, %parallel_loop3A_1534] {strides = array<i32>} : memref<1024x16xf32, #tpu.memory_space<vmem>>, vector<1x16xf32>,
        %parallel_loop3A_1536 = vector.shape_cast %parallel_loop3A_1535 : vector<1x16xf32> to vector<16xf32>
        %parallel_loop3A_1537 = vector.shape_cast %parallel_loop3A_1532 : vector<16xf32> to vector<1x16xf32>
        tpu.vector_store %arg18[%parallel_loop3A_1533, %parallel_loop3A_1534], %parallel_loop3A_1537 {strides = array<i32>} : memref<1024x16xf32, #tpu.memory_space<vmem>>, vector<1x16xf32>,
        %parallel_loop3A_1538 = arith.constant 16 : i32
        %parallel_loop3A_1539 = arith.muli %parallel_loop3A_1351, %parallel_loop3A_1538 : i32
        %parallel_loop3A_1540 = arith.addi %mul3A_1329, %parallel_loop3A_1539 : i32
        %parallel_loop3A_1541 = arith.constant 10 : i32
        %parallel_loop3A_1542 = arith.addi %parallel_loop3A_1540, %parallel_loop3A_1541 : i32
        %parallel_loop3A_1543 = arith.index_cast %parallel_loop3A_1542 : i32 to index
        %parallel_loop3A_1544 = arith.constant 0 : index
        %parallel_loop3A_1545 = tpu.vector_load %arg18[%parallel_loop3A_1543, %parallel_loop3A_1544] {strides = array<i32>} : memref<1024x16xf32, #tpu.memory_space<vmem>>, vector<1x16xf32>,
        %parallel_loop3A_1546 = vector.shape_cast %parallel_loop3A_1545 : vector<1x16xf32> to vector<16xf32>
        %parallel_loop3A_1547 = vector.extract_strided_slice %parallel_loop3A_1357 {offsets = [10], sizes = [1], strides = [1]} : vector<16xf32> to vector<1xf32>
        %parallel_loop3A_1548 = vector.extract %parallel_loop3A_1547[0] : f32 from vector<1xf32>
        %parallel_loop3A_1549 = vector.broadcast %parallel_loop3A_1548 : f32 to vector<16xf32>
        %parallel_loop3A_1550 = arith.mulf %parallel_loop3A_1546, %parallel_loop3A_1549 : vector<16xf32>
        %parallel_loop3A_1551 = arith.index_cast %parallel_loop3A_1542 : i32 to index
        %parallel_loop3A_1552 = arith.constant 0 : index
        %parallel_loop3A_1553 = tpu.vector_load %arg18[%parallel_loop3A_1551, %parallel_loop3A_1552] {strides = array<i32>} : memref<1024x16xf32, #tpu.memory_space<vmem>>, vector<1x16xf32>,
        %parallel_loop3A_1554 = vector.shape_cast %parallel_loop3A_1553 : vector<1x16xf32> to vector<16xf32>
        %parallel_loop3A_1555 = vector.shape_cast %parallel_loop3A_1550 : vector<16xf32> to vector<1x16xf32>
        tpu.vector_store %arg18[%parallel_loop3A_1551, %parallel_loop3A_1552], %parallel_loop3A_1555 {strides = array<i32>} : memref<1024x16xf32, #tpu.memory_space<vmem>>, vector<1x16xf32>,
        %parallel_loop3A_1556 = arith.constant 16 : i32
        %parallel_loop3A_1557 = arith.muli %parallel_loop3A_1351, %parallel_loop3A_1556 : i32
        %parallel_loop3A_1558 = arith.addi %mul3A_1329, %parallel_loop3A_1557 : i32
        %parallel_loop3A_1559 = arith.constant 11 : i32
        %parallel_loop3A_1560 = arith.addi %parallel_loop3A_1558, %parallel_loop3A_1559 : i32
        %parallel_loop3A_1561 = arith.index_cast %parallel_loop3A_1560 : i32 to index
        %parallel_loop3A_1562 = arith.constant 0 : index
        %parallel_loop3A_1563 = tpu.vector_load %arg18[%parallel_loop3A_1561, %parallel_loop3A_1562] {strides = array<i32>} : memref<1024x16xf32, #tpu.memory_space<vmem>>, vector<1x16xf32>,
        %parallel_loop3A_1564 = vector.shape_cast %parallel_loop3A_1563 : vector<1x16xf32> to vector<16xf32>
        %parallel_loop3A_1565 = vector.extract_strided_slice %parallel_loop3A_1357 {offsets = [11], sizes = [1], strides = [1]} : vector<16xf32> to vector<1xf32>
        %parallel_loop3A_1566 = vector.extract %parallel_loop3A_1565[0] : f32 from vector<1xf32>
        %parallel_loop3A_1567 = vector.broadcast %parallel_loop3A_1566 : f32 to vector<16xf32>
        %parallel_loop3A_1568 = arith.mulf %parallel_loop3A_1564, %parallel_loop3A_1567 : vector<16xf32>
        %parallel_loop3A_1569 = arith.index_cast %parallel_loop3A_1560 : i32 to index
        %parallel_loop3A_1570 = arith.constant 0 : index
        %parallel_loop3A_1571 = tpu.vector_load %arg18[%parallel_loop3A_1569, %parallel_loop3A_1570] {strides = array<i32>} : memref<1024x16xf32, #tpu.memory_space<vmem>>, vector<1x16xf32>,
        %parallel_loop3A_1572 = vector.shape_cast %parallel_loop3A_1571 : vector<1x16xf32> to vector<16xf32>
        %parallel_loop3A_1573 = vector.shape_cast %parallel_loop3A_1568 : vector<16xf32> to vector<1x16xf32>
        tpu.vector_store %arg18[%parallel_loop3A_1569, %parallel_loop3A_1570], %parallel_loop3A_1573 {strides = array<i32>} : memref<1024x16xf32, #tpu.memory_space<vmem>>, vector<1x16xf32>,
        %parallel_loop3A_1574 = arith.constant 16 : i32
        %parallel_loop3A_1575 = arith.muli %parallel_loop3A_1351, %parallel_loop3A_1574 : i32
        %parallel_loop3A_1576 = arith.addi %mul3A_1329, %parallel_loop3A_1575 : i32
        %parallel_loop3A_1577 = arith.constant 12 : i32
        %parallel_loop3A_1578 = arith.addi %parallel_loop3A_1576, %parallel_loop3A_1577 : i32
        %parallel_loop3A_1579 = arith.index_cast %parallel_loop3A_1578 : i32 to index
        %parallel_loop3A_1580 = arith.constant 0 : index
        %parallel_loop3A_1581 = tpu.vector_load %arg18[%parallel_loop3A_1579, %parallel_loop3A_1580] {strides = array<i32>} : memref<1024x16xf32, #tpu.memory_space<vmem>>, vector<1x16xf32>,
        %parallel_loop3A_1582 = vector.shape_cast %parallel_loop3A_1581 : vector<1x16xf32> to vector<16xf32>
        %parallel_loop3A_1583 = vector.extract_strided_slice %parallel_loop3A_1357 {offsets = [12], sizes = [1], strides = [1]} : vector<16xf32> to vector<1xf32>
        %parallel_loop3A_1584 = vector.extract %parallel_loop3A_1583[0] : f32 from vector<1xf32>
        %parallel_loop3A_1585 = vector.broadcast %parallel_loop3A_1584 : f32 to vector<16xf32>
        %parallel_loop3A_1586 = arith.mulf %parallel_loop3A_1582, %parallel_loop3A_1585 : vector<16xf32>
        %parallel_loop3A_1587 = arith.index_cast %parallel_loop3A_1578 : i32 to index
        %parallel_loop3A_1588 = arith.constant 0 : index
        %parallel_loop3A_1589 = tpu.vector_load %arg18[%parallel_loop3A_1587, %parallel_loop3A_1588] {strides = array<i32>} : memref<1024x16xf32, #tpu.memory_space<vmem>>, vector<1x16xf32>,
        %parallel_loop3A_1590 = vector.shape_cast %parallel_loop3A_1589 : vector<1x16xf32> to vector<16xf32>
        %parallel_loop3A_1591 = vector.shape_cast %parallel_loop3A_1586 : vector<16xf32> to vector<1x16xf32>
        tpu.vector_store %arg18[%parallel_loop3A_1587, %parallel_loop3A_1588], %parallel_loop3A_1591 {strides = array<i32>} : memref<1024x16xf32, #tpu.memory_space<vmem>>, vector<1x16xf32>,
        %parallel_loop3A_1592 = arith.constant 16 : i32
        %parallel_loop3A_1593 = arith.muli %parallel_loop3A_1351, %parallel_loop3A_1592 : i32
        %parallel_loop3A_1594 = arith.addi %mul3A_1329, %parallel_loop3A_1593 : i32
        %parallel_loop3A_1595 = arith.constant 13 : i32
        %parallel_loop3A_1596 = arith.addi %parallel_loop3A_1594, %parallel_loop3A_1595 : i32
        %parallel_loop3A_1597 = arith.index_cast %parallel_loop3A_1596 : i32 to index
        %parallel_loop3A_1598 = arith.constant 0 : index
        %parallel_loop3A_1599 = tpu.vector_load %arg18[%parallel_loop3A_1597, %parallel_loop3A_1598] {strides = array<i32>} : memref<1024x16xf32, #tpu.memory_space<vmem>>, vector<1x16xf32>,
        %parallel_loop3A_1600 = vector.shape_cast %parallel_loop3A_1599 : vector<1x16xf32> to vector<16xf32>
        %parallel_loop3A_1601 = vector.extract_strided_slice %parallel_loop3A_1357 {offsets = [13], sizes = [1], strides = [1]} : vector<16xf32> to vector<1xf32>
        %parallel_loop3A_1602 = vector.extract %parallel_loop3A_1601[0] : f32 from vector<1xf32>
        %parallel_loop3A_1603 = vector.broadcast %parallel_loop3A_1602 : f32 to vector<16xf32>
        %parallel_loop3A_1604 = arith.mulf %parallel_loop3A_1600, %parallel_loop3A_1603 : vector<16xf32>
        %parallel_loop3A_1605 = arith.index_cast %parallel_loop3A_1596 : i32 to index
        %parallel_loop3A_1606 = arith.constant 0 : index
        %parallel_loop3A_1607 = tpu.vector_load %arg18[%parallel_loop3A_1605, %parallel_loop3A_1606] {strides = array<i32>} : memref<1024x16xf32, #tpu.memory_space<vmem>>, vector<1x16xf32>,
        %parallel_loop3A_1608 = vector.shape_cast %parallel_loop3A_1607 : vector<1x16xf32> to vector<16xf32>
        %parallel_loop3A_1609 = vector.shape_cast %parallel_loop3A_1604 : vector<16xf32> to vector<1x16xf32>
        tpu.vector_store %arg18[%parallel_loop3A_1605, %parallel_loop3A_1606], %parallel_loop3A_1609 {strides = array<i32>} : memref<1024x16xf32, #tpu.memory_space<vmem>>, vector<1x16xf32>,
        %parallel_loop3A_1610 = arith.constant 16 : i32
        %parallel_loop3A_1611 = arith.muli %parallel_loop3A_1351, %parallel_loop3A_1610 : i32
        %parallel_loop3A_1612 = arith.addi %mul3A_1329, %parallel_loop3A_1611 : i32
        %parallel_loop3A_1613 = arith.constant 14 : i32
        %parallel_loop3A_1614 = arith.addi %parallel_loop3A_1612, %parallel_loop3A_1613 : i32
        %parallel_loop3A_1615 = arith.index_cast %parallel_loop3A_1614 : i32 to index
        %parallel_loop3A_1616 = arith.constant 0 : index
        %parallel_loop3A_1617 = tpu.vector_load %arg18[%parallel_loop3A_1615, %parallel_loop3A_1616] {strides = array<i32>} : memref<1024x16xf32, #tpu.memory_space<vmem>>, vector<1x16xf32>,
        %parallel_loop3A_1618 = vector.shape_cast %parallel_loop3A_1617 : vector<1x16xf32> to vector<16xf32>
        %parallel_loop3A_1619 = vector.extract_strided_slice %parallel_loop3A_1357 {offsets = [14], sizes = [1], strides = [1]} : vector<16xf32> to vector<1xf32>
        %parallel_loop3A_1620 = vector.extract %parallel_loop3A_1619[0] : f32 from vector<1xf32>
        %parallel_loop3A_1621 = vector.broadcast %parallel_loop3A_1620 : f32 to vector<16xf32>
        %parallel_loop3A_1622 = arith.mulf %parallel_loop3A_1618, %parallel_loop3A_1621 : vector<16xf32>
        %parallel_loop3A_1623 = arith.index_cast %parallel_loop3A_1614 : i32 to index
        %parallel_loop3A_1624 = arith.constant 0 : index
        %parallel_loop3A_1625 = tpu.vector_load %arg18[%parallel_loop3A_1623, %parallel_loop3A_1624] {strides = array<i32>} : memref<1024x16xf32, #tpu.memory_space<vmem>>, vector<1x16xf32>,
        %parallel_loop3A_1626 = vector.shape_cast %parallel_loop3A_1625 : vector<1x16xf32> to vector<16xf32>
        %parallel_loop3A_1627 = vector.shape_cast %parallel_loop3A_1622 : vector<16xf32> to vector<1x16xf32>
        tpu.vector_store %arg18[%parallel_loop3A_1623, %parallel_loop3A_1624], %parallel_loop3A_1627 {strides = array<i32>} : memref<1024x16xf32, #tpu.memory_space<vmem>>, vector<1x16xf32>,
        %parallel_loop3A_1628 = arith.constant 16 : i32
        %parallel_loop3A_1629 = arith.muli %parallel_loop3A_1351, %parallel_loop3A_1628 : i32
        %parallel_loop3A_1630 = arith.addi %mul3A_1329, %parallel_loop3A_1629 : i32
        %parallel_loop3A_1631 = arith.constant 15 : i32
        %parallel_loop3A_1632 = arith.addi %parallel_loop3A_1630, %parallel_loop3A_1631 : i32
        %parallel_loop3A_1633 = arith.index_cast %parallel_loop3A_1632 : i32 to index
        %parallel_loop3A_1634 = arith.constant 0 : index
        %parallel_loop3A_1635 = tpu.vector_load %arg18[%parallel_loop3A_1633, %parallel_loop3A_1634] {strides = array<i32>} : memref<1024x16xf32, #tpu.memory_space<vmem>>, vector<1x16xf32>,
        %parallel_loop3A_1636 = vector.shape_cast %parallel_loop3A_1635 : vector<1x16xf32> to vector<16xf32>
        %parallel_loop3A_1637 = vector.extract_strided_slice %parallel_loop3A_1357 {offsets = [15], sizes = [1], strides = [1]} : vector<16xf32> to vector<1xf32>
        %parallel_loop3A_1638 = vector.extract %parallel_loop3A_1637[0] : f32 from vector<1xf32>
        %parallel_loop3A_1639 = vector.broadcast %parallel_loop3A_1638 : f32 to vector<16xf32>
        %parallel_loop3A_1640 = arith.mulf %parallel_loop3A_1636, %parallel_loop3A_1639 : vector<16xf32>
        %parallel_loop3A_1641 = arith.index_cast %parallel_loop3A_1632 : i32 to index
        %parallel_loop3A_1642 = arith.constant 0 : index
        %parallel_loop3A_1643 = tpu.vector_load %arg18[%parallel_loop3A_1641, %parallel_loop3A_1642] {strides = array<i32>} : memref<1024x16xf32, #tpu.memory_space<vmem>>, vector<1x16xf32>,
        %parallel_loop3A_1644 = vector.shape_cast %parallel_loop3A_1643 : vector<1x16xf32> to vector<16xf32>
        %parallel_loop3A_1645 = vector.shape_cast %parallel_loop3A_1640 : vector<16xf32> to vector<1x16xf32>
        tpu.vector_store %arg18[%parallel_loop3A_1641, %parallel_loop3A_1642], %parallel_loop3A_1645 {strides = array<i32>} : memref<1024x16xf32, #tpu.memory_space<vmem>>, vector<1x16xf32>,
      } {sc.loop_unroll_factor = 4 : i64, sc.parallel_access}
      %mul3A_1332 = arith.constant 512 : i32
      %mul3A_1333 = arith.muli %and3A_1295, %mul3A_1332 : i32
      %dma_start3A_1334 = arith.constant 0 : i32
      %dma_start3A_1335 = tpu.memref_slice %arg18[%mul3A_1333, %dma_start3A_1334] : memref<1024x16xf32, #tpu.memory_space<vmem>> -> memref<512x16xf32, #tpu.memory_space<vmem>>
      %dma_start3A_1336 = arith.constant 0 : i32
      %dma_start3A_1337 = tpu.memref_slice %arg16[%rem3A_1297, %dma_start3A_1336] : memref<3x512xi32, #tpu.memory_space<vmem>> -> memref<1x512xi32, #tpu.memory_space<vmem>>
      %dma_start3A_1338 = tpu.memref_squeeze %dma_start3A_1337 : memref<1x512xi32, #tpu.memory_space<vmem>> -> memref<512xi32, #tpu.memory_space<vmem>>
      %dma_start3A_1339 = arith.constant 0 : i32
      %dma_start3A_1340 = arith.constant 0 : i32
      %dma_start3A_1341 = tpu.memref_slice %arg21[%dma_start3A_1339, %dma_start3A_1340] : memref<100352x16xf32, #tpu.memory_space<vmem_shared>> -> memref<100352x16xf32, #tpu.memory_space<vmem_shared>>
      %dma_start3A_1342 = tpu.memref_slice %arg25[%and3A_1295] : memref<2x!tpu.dma_semaphore, #tpu.memory_space<semaphore_mem>> -> memref<1x!tpu.dma_semaphore, #tpu.memory_space<semaphore_mem>>
      %dma_start3A_1343 = tpu.memref_squeeze %dma_start3A_1342 : memref<1x!tpu.dma_semaphore, #tpu.memory_space<semaphore_mem>> -> memref<!tpu.dma_semaphore, #tpu.memory_space<semaphore_mem>>
      tpu.enqueue_indirect_dma source(%dma_start3A_1335 : memref<512x16xf32, #tpu.memory_space<vmem>>) target(%dma_start3A_1341 : memref<100352x16xf32, #tpu.memory_space<vmem_shared>>) offsets(%dma_start3A_1338 : memref<512xi32, #tpu.memory_space<vmem>>) semaphore(%dma_start3A_1343 : memref<!tpu.dma_semaphore, #tpu.memory_space<semaphore_mem>>) {add = true}
      %add3A_1344 = arith.constant 2 : i32
      %add3A_1345 = arith.addi %scan3A_1294, %add3A_1344 : i32
      %lt3A_1346 = arith.constant 196 : i32
      %lt3A_1347 = arith.cmpi slt, %add3A_1345, %lt3A_1346 : i32
      %convert_element_type3A_1348 = arith.extui %lt3A_1347 : i1 to i32
      %cond3A_1349 = arith.constant 0 : i32
      %cond3A_1350 = arith.cmpi ne, %convert_element_type3A_1348, %cond3A_1349 : i32
      scf.if %cond3A_1350 {
        %add3A_1351 = arith.constant 2 : i32
        %add3A_1352 = arith.addi %scan3A_1294, %add3A_1351 : i32
        %mul3A_1353 = arith.constant 100352 : i32
        %mul3A_1354 = arith.muli %arg1, %mul3A_1353 : i32
        %mul3A_1355 = arith.constant 512 : i32
        %mul3A_1356 = arith.muli %add3A_1352, %mul3A_1355 : i32
        %add3A_1357 = arith.addi %mul3A_1354, %mul3A_1356 : i32
        %dma_start3A_1358 = arith.constant 0 : i32
        %dma_start3A_1359 = tpu.memref_slice %arg15[%and3A_1295, %dma_start3A_1358] : memref<2x512xi32, #tpu.memory_space<vmem>> -> memref<1x512xi32, #tpu.memory_space<vmem>>
        %dma_start3A_1360 = tpu.memref_squeeze %dma_start3A_1359 : memref<1x512xi32, #tpu.memory_space<vmem>> -> memref<512xi32, #tpu.memory_space<vmem>>
        %dma_start3A_1361 = tpu.memref_slice %arg4[%add3A_1357] : memref<1605632xi32, #tpu.memory_space<hbm>> -> memref<512xi32, #tpu.memory_space<hbm>>
        %dma_start3A_1362 = tpu.memref_slice %arg22[%and3A_1295] : memref<2x!tpu.dma_semaphore, #tpu.memory_space<semaphore_mem>> -> memref<1x!tpu.dma_semaphore, #tpu.memory_space<semaphore_mem>>
        %dma_start3A_1363 = tpu.memref_squeeze %dma_start3A_1362 : memref<1x!tpu.dma_semaphore, #tpu.memory_space<semaphore_mem>> -> memref<!tpu.dma_semaphore, #tpu.memory_space<semaphore_mem>>
        %dma_start3A_1364 = arith.constant 0 : i32
        %dma_start3A_1365 = tpu.memref_slice %arg15[%and3A_1295, %dma_start3A_1364] : memref<2x512xi32, #tpu.memory_space<vmem>> -> memref<1x512xi32, #tpu.memory_space<vmem>>
        %dma_start3A_1366 = tpu.memref_squeeze %dma_start3A_1365 : memref<1x512xi32, #tpu.memory_space<vmem>> -> memref<512xi32, #tpu.memory_space<vmem>>
        %dma_start3A_1367 = tpu.memref_slice %arg4[%add3A_1357] : memref<1605632xi32, #tpu.memory_space<hbm>> -> memref<512xi32, #tpu.memory_space<hbm>>
        tpu.enqueue_dma source(%dma_start3A_1367 : memref<512xi32, #tpu.memory_space<hbm>>) target(%dma_start3A_1366 : memref<512xi32, #tpu.memory_space<vmem>>) target_semaphore(%dma_start3A_1363 : memref<!tpu.dma_semaphore, #tpu.memory_space<semaphore_mem>>)
        %dma_start3A_1368 = arith.constant 0 : i32
        %dma_start3A_1369 = tpu.memref_slice %arg17[%and3A_1295, %dma_start3A_1368] : memref<2x512xf32, #tpu.memory_space<vmem>> -> memref<1x512xf32, #tpu.memory_space<vmem>>
        %dma_start3A_1370 = tpu.memref_squeeze %dma_start3A_1369 : memref<1x512xf32, #tpu.memory_space<vmem>> -> memref<512xf32, #tpu.memory_space<vmem>>
        %dma_start3A_1371 = tpu.memref_slice %arg6[%add3A_1357] : memref<1605632xf32, #tpu.memory_space<hbm>> -> memref<512xf32, #tpu.memory_space<hbm>>
        %dma_start3A_1372 = tpu.memref_slice %arg22[%and3A_1295] : memref<2x!tpu.dma_semaphore, #tpu.memory_space<semaphore_mem>> -> memref<1x!tpu.dma_semaphore, #tpu.memory_space<semaphore_mem>>
        %dma_start3A_1373 = tpu.memref_squeeze %dma_start3A_1372 : memref<1x!tpu.dma_semaphore, #tpu.memory_space<semaphore_mem>> -> memref<!tpu.dma_semaphore, #tpu.memory_space<semaphore_mem>>
        %dma_start3A_1374 = arith.constant 0 : i32
        %dma_start3A_1375 = tpu.memref_slice %arg17[%and3A_1295, %dma_start3A_1374] : memref<2x512xf32, #tpu.memory_space<vmem>> -> memref<1x512xf32, #tpu.memory_space<vmem>>
        %dma_start3A_1376 = tpu.memref_squeeze %dma_start3A_1375 : memref<1x512xf32, #tpu.memory_space<vmem>> -> memref<512xf32, #tpu.memory_space<vmem>>
        %dma_start3A_1377 = tpu.memref_slice %arg6[%add3A_1357] : memref<1605632xf32, #tpu.memory_space<hbm>> -> memref<512xf32, #tpu.memory_space<hbm>>
        tpu.enqueue_dma source(%dma_start3A_1377 : memref<512xf32, #tpu.memory_space<hbm>>) target(%dma_start3A_1376 : memref<512xf32, #tpu.memory_space<vmem>>) target_semaphore(%dma_start3A_1373 : memref<!tpu.dma_semaphore, #tpu.memory_space<semaphore_mem>>)
        %dma_start3A_1378 = arith.constant 0 : i32
        %dma_start3A_1379 = tpu.memref_slice %arg16[%rem3A_1305, %dma_start3A_1378] : memref<3x512xi32, #tpu.memory_space<vmem>> -> memref<1x512xi32, #tpu.memory_space<vmem>>
        %dma_start3A_1380 = tpu.memref_squeeze %dma_start3A_1379 : memref<1x512xi32, #tpu.memory_space<vmem>> -> memref<512xi32, #tpu.memory_space<vmem>>
        %dma_start3A_1381 = tpu.memref_slice %arg5[%add3A_1357] : memref<1605632xi32, #tpu.memory_space<hbm>> -> memref<512xi32, #tpu.memory_space<hbm>>
        %dma_start3A_1382 = tpu.memref_slice %arg23[%rem3A_1305] : memref<3x!tpu.dma_semaphore, #tpu.memory_space<semaphore_mem>> -> memref<1x!tpu.dma_semaphore, #tpu.memory_space<semaphore_mem>>
        %dma_start3A_1383 = tpu.memref_squeeze %dma_start3A_1382 : memref<1x!tpu.dma_semaphore, #tpu.memory_space<semaphore_mem>> -> memref<!tpu.dma_semaphore, #tpu.memory_space<semaphore_mem>>
        %dma_start3A_1384 = arith.constant 0 : i32
        %dma_start3A_1385 = tpu.memref_slice %arg16[%rem3A_1305, %dma_start3A_1384] : memref<3x512xi32, #tpu.memory_space<vmem>> -> memref<1x512xi32, #tpu.memory_space<vmem>>
        %dma_start3A_1386 = tpu.memref_squeeze %dma_start3A_1385 : memref<1x512xi32, #tpu.memory_space<vmem>> -> memref<512xi32, #tpu.memory_space<vmem>>
        %dma_start3A_1387 = tpu.memref_slice %arg5[%add3A_1357] : memref<1605632xi32, #tpu.memory_space<hbm>> -> memref<512xi32, #tpu.memory_space<hbm>>
        tpu.enqueue_dma source(%dma_start3A_1387 : memref<512xi32, #tpu.memory_space<hbm>>) target(%dma_start3A_1386 : memref<512xi32, #tpu.memory_space<vmem>>) target_semaphore(%dma_start3A_1383 : memref<!tpu.dma_semaphore, #tpu.memory_space<semaphore_mem>>)
      } else {
      }
    }
    %scan3A_687 = arith.constant 196 : i32
    %dma_wait3A_688 = arith.constant 0 : i32
    %dma_wait3A_689 = arith.constant 1 : i32
    %dma_wait3A_690 = arith.constant 512 : i32
    %dma_wait3A_691 = arith.constant 0 : i32
    %dma_wait3A_692 = tpu.memref_slice %arg18[%dma_wait3A_690, %dma_wait3A_691] : memref<1024x16xf32, #tpu.memory_space<vmem>> -> memref<512x16xf32, #tpu.memory_space<vmem>>
    %dma_wait3A_693 = arith.constant 0 : i32
    %dma_wait3A_694 = tpu.memref_slice %arg16[%dma_wait3A_688, %dma_wait3A_693] : memref<3x512xi32, #tpu.memory_space<vmem>> -> memref<1x512xi32, #tpu.memory_space<vmem>>
    %dma_wait3A_695 = tpu.memref_squeeze %dma_wait3A_694 : memref<1x512xi32, #tpu.memory_space<vmem>> -> memref<512xi32, #tpu.memory_space<vmem>>
    %dma_wait3A_696 = arith.constant 0 : i32
    %dma_wait3A_697 = arith.constant 0 : i32
    %dma_wait3A_698 = tpu.memref_slice %arg21[%dma_wait3A_696, %dma_wait3A_697] : memref<100352x16xf32, #tpu.memory_space<vmem_shared>> -> memref<100352x16xf32, #tpu.memory_space<vmem_shared>>
    %dma_wait3A_699 = tpu.memref_slice %arg25[%dma_wait3A_689] : memref<2x!tpu.dma_semaphore, #tpu.memory_space<semaphore_mem>> -> memref<1x!tpu.dma_semaphore, #tpu.memory_space<semaphore_mem>>
    %dma_wait3A_700 = tpu.memref_squeeze %dma_wait3A_699 : memref<1x!tpu.dma_semaphore, #tpu.memory_space<semaphore_mem>> -> memref<!tpu.dma_semaphore, #tpu.memory_space<semaphore_mem>>
    tpu.wait_indirect_dma semaphore(%dma_wait3A_700 : memref<!tpu.dma_semaphore, #tpu.memory_space<semaphore_mem>>) src(%dma_wait3A_692 : memref<512x16xf32, #tpu.memory_space<vmem>>) dst(%dma_wait3A_698 : memref<100352x16xf32, #tpu.memory_space<vmem_shared>>)
    %barrier3A_701 = arith.constant 0 : index
    tpu.barrier barrier_id(%barrier3A_701)
    %mul3A_702 = arith.constant 6272 : i32
    %mul3A_703 = arith.muli %arg1, %mul3A_702 : i32
    %eq3A_704 = arith.constant 0 : i32
    %eq3A_705 = arith.cmpi eq, %arg0, %eq3A_704 : i32
    %convert_element_type3A_706 = arith.extui %eq3A_705 : i1 to i32
    %cond3A_707 = arith.constant 0 : i32
    %cond3A_708 = arith.cmpi ne, %convert_element_type3A_706, %cond3A_707 : i32
    scf.if %cond3A_708 {
      "tpu.region"() ({
        %run_scoped3A = tpu.sem_alloc : memref<!tpu.dma_semaphore, #tpu.memory_space<semaphore_mem>>
        %dma_start3A_1294 = arith.constant 0 : i32
        %dma_start3A_1295 = tpu.memref_slice %arg11[%mul3A_703, %dma_start3A_1294] : memref<100352x16xf32, #tpu.memory_space<hbm>> -> memref<6272x16xf32, #tpu.memory_space<hbm>>
        %dma_start3A_1296 = arith.constant 0 : i32
        %dma_start3A_1297 = tpu.memref_slice %arg21[%mul3A_703, %dma_start3A_1296] : memref<100352x16xf32, #tpu.memory_space<vmem_shared>> -> memref<6272x16xf32, #tpu.memory_space<vmem_shared>>
        tpu.enqueue_dma source(%dma_start3A_1297 : memref<6272x16xf32, #tpu.memory_space<vmem_shared>>) target(%dma_start3A_1295 : memref<6272x16xf32, #tpu.memory_space<hbm>>) target_semaphore(%run_scoped3A : memref<!tpu.dma_semaphore, #tpu.memory_space<semaphore_mem>>)
        %dma_wait3A_1298 = arith.constant 0 : i32
        %dma_wait3A_1299 = tpu.memref_slice %arg11[%mul3A_703, %dma_wait3A_1298] : memref<100352x16xf32, #tpu.memory_space<hbm>> -> memref<6272x16xf32, #tpu.memory_space<hbm>>
        %dma_wait3A_1300 = arith.constant 0 : i32
        %dma_wait3A_1301 = tpu.memref_slice %arg21[%mul3A_703, %dma_wait3A_1300] : memref<100352x16xf32, #tpu.memory_space<vmem_shared>> -> memref<6272x16xf32, #tpu.memory_space<vmem_shared>>
        tpu.wait_dma2 semaphore(%run_scoped3A : memref<!tpu.dma_semaphore, #tpu.memory_space<semaphore_mem>>) src(%dma_wait3A_1301 : memref<6272x16xf32, #tpu.memory_space<vmem_shared>>) dst(%dma_wait3A_1299 : memref<6272x16xf32, #tpu.memory_space<hbm>>)
        tpu.yield
      }) : () -> ()
    } else {
    }
    %eq3A_709 = arith.constant 1 : i32
    %eq3A_710 = arith.cmpi eq, %arg0, %eq3A_709 : i32
    %convert_element_type3A_711 = arith.extui %eq3A_710 : i1 to i32
    %cond3A_712 = arith.constant 0 : i32
    %cond3A_713 = arith.cmpi ne, %convert_element_type3A_711, %cond3A_712 : i32
    scf.if %cond3A_713 {
      "tpu.region"() ({
        %run_scoped3A = tpu.sem_alloc : memref<!tpu.dma_semaphore, #tpu.memory_space<semaphore_mem>>
        %dma_start3A_1294 = arith.constant 0 : i32
        %dma_start3A_1295 = tpu.memref_slice %arg12[%mul3A_703, %dma_start3A_1294] : memref<100352x16xf32, #tpu.memory_space<hbm>> -> memref<6272x16xf32, #tpu.memory_space<hbm>>
        %dma_start3A_1296 = arith.constant 0 : i32
        %dma_start3A_1297 = tpu.memref_slice %arg21[%mul3A_703, %dma_start3A_1296] : memref<100352x16xf32, #tpu.memory_space<vmem_shared>> -> memref<6272x16xf32, #tpu.memory_space<vmem_shared>>
        tpu.enqueue_dma source(%dma_start3A_1297 : memref<6272x16xf32, #tpu.memory_space<vmem_shared>>) target(%dma_start3A_1295 : memref<6272x16xf32, #tpu.memory_space<hbm>>) target_semaphore(%run_scoped3A : memref<!tpu.dma_semaphore, #tpu.memory_space<semaphore_mem>>)
        %dma_wait3A_1298 = arith.constant 0 : i32
        %dma_wait3A_1299 = tpu.memref_slice %arg12[%mul3A_703, %dma_wait3A_1298] : memref<100352x16xf32, #tpu.memory_space<hbm>> -> memref<6272x16xf32, #tpu.memory_space<hbm>>
        %dma_wait3A_1300 = arith.constant 0 : i32
        %dma_wait3A_1301 = tpu.memref_slice %arg21[%mul3A_703, %dma_wait3A_1300] : memref<100352x16xf32, #tpu.memory_space<vmem_shared>> -> memref<6272x16xf32, #tpu.memory_space<vmem_shared>>
        tpu.wait_dma2 semaphore(%run_scoped3A : memref<!tpu.dma_semaphore, #tpu.memory_space<semaphore_mem>>) src(%dma_wait3A_1301 : memref<6272x16xf32, #tpu.memory_space<vmem_shared>>) dst(%dma_wait3A_1299 : memref<6272x16xf32, #tpu.memory_space<hbm>>)
        tpu.yield
      }) : () -> ()
    } else {
    }
    %barrier3A_714 = arith.constant 0 : index
    tpu.barrier barrier_id(%barrier3A_714)
    %scan3A_715 = arith.constant 0 : i32
    %scan3A_716 = arith.constant 0 : i32
    %scan3A_717 = arith.constant 784 : i32
    %scan3A_718 = arith.addi %scan3A_716, %scan3A_717 : i32
    %scan3A_719 = arith.constant 1 : i32
    scf.for %scan3A_1294 = %scan3A_716 to %scan3A_718 step %scan3A_719  : i32 {
      %broadcast_in_dim3A = arith.constant 0.000000e+00 : f32
      %broadcast_in_dim3A_1295 = vector.broadcast %broadcast_in_dim3A : f32 to vector<16xf32>
      %swap3A = arith.index_cast %scan3A_1294 : i32 to index
      %swap3A_1296 = arith.constant 0 : index
      %swap3A_1297 = tpu.vector_load %arg18[%swap3A, %swap3A_1296] {strides = array<i32>} : memref<1024x16xf32, #tpu.memory_space<vmem>>, vector<1x16xf32>,
      %swap3A_1298 = vector.shape_cast %swap3A_1297 : vector<1x16xf32> to vector<16xf32>
      %swap3A_1299 = vector.shape_cast %broadcast_in_dim3A_1295 : vector<16xf32> to vector<1x16xf32>
      tpu.vector_store %arg18[%swap3A, %swap3A_1296], %swap3A_1299 {strides = array<i32>} : memref<1024x16xf32, #tpu.memory_space<vmem>>, vector<1x16xf32>,
    }
    %scan3A_720 = arith.constant 784 : i32
    %mul3A_721 = arith.constant 6272 : i32
    %mul3A_722 = arith.muli %arg1, %mul3A_721 : i32
    %add3A_723 = arith.constant 0 : i32
    %add3A_724 = arith.addi %mul3A_722, %add3A_723 : i32
    %dma_start3A_725 = arith.constant 0 : i32
    %dma_start3A_726 = arith.constant 0 : i32
    %dma_start3A_727 = tpu.memref_slice %arg18[%dma_start3A_725, %dma_start3A_726] : memref<1024x16xf32, #tpu.memory_space<vmem>> -> memref<784x16xf32, #tpu.memory_space<vmem>>
    %dma_start3A_728 = arith.constant 0 : i32
    %dma_start3A_729 = tpu.memref_slice %arg21[%add3A_724, %dma_start3A_728] : memref<100352x16xf32, #tpu.memory_space<vmem_shared>> -> memref<784x16xf32, #tpu.memory_space<vmem_shared>>
    %dma_start3A_730 = arith.constant 0 : i32
    %dma_start3A_731 = tpu.memref_slice %arg21[%add3A_724, %dma_start3A_730] : memref<100352x16xf32, #tpu.memory_space<vmem_shared>> -> memref<784x16xf32, #tpu.memory_space<vmem_shared>>
    %dma_start3A_732 = arith.constant 0 : i32
    %dma_start3A_733 = arith.constant 0 : i32
    %dma_start3A_734 = tpu.memref_slice %arg18[%dma_start3A_732, %dma_start3A_733] : memref<1024x16xf32, #tpu.memory_space<vmem>> -> memref<784x16xf32, #tpu.memory_space<vmem>>
    tpu.enqueue_dma source(%dma_start3A_734 : memref<784x16xf32, #tpu.memory_space<vmem>>) target(%dma_start3A_731 : memref<784x16xf32, #tpu.memory_space<vmem_shared>>) target_semaphore(%arg26 : memref<!tpu.dma_semaphore, #tpu.memory_space<semaphore_mem>>)
    %mul3A_735 = arith.constant 6272 : i32
    %mul3A_736 = arith.muli %arg1, %mul3A_735 : i32
    %add3A_737 = arith.constant 784 : i32
    %add3A_738 = arith.addi %mul3A_736, %add3A_737 : i32
    %dma_start3A_739 = arith.constant 0 : i32
    %dma_start3A_740 = arith.constant 0 : i32
    %dma_start3A_741 = tpu.memref_slice %arg18[%dma_start3A_739, %dma_start3A_740] : memref<1024x16xf32, #tpu.memory_space<vmem>> -> memref<784x16xf32, #tpu.memory_space<vmem>>
    %dma_start3A_742 = arith.constant 0 : i32
    %dma_start3A_743 = tpu.memref_slice %arg21[%add3A_738, %dma_start3A_742] : memref<100352x16xf32, #tpu.memory_space<vmem_shared>> -> memref<784x16xf32, #tpu.memory_space<vmem_shared>>
    %dma_start3A_744 = arith.constant 0 : i32
    %dma_start3A_745 = tpu.memref_slice %arg21[%add3A_738, %dma_start3A_744] : memref<100352x16xf32, #tpu.memory_space<vmem_shared>> -> memref<784x16xf32, #tpu.memory_space<vmem_shared>>
    %dma_start3A_746 = arith.constant 0 : i32
    %dma_start3A_747 = arith.constant 0 : i32
    %dma_start3A_748 = tpu.memref_slice %arg18[%dma_start3A_746, %dma_start3A_747] : memref<1024x16xf32, #tpu.memory_space<vmem>> -> memref<784x16xf32, #tpu.memory_space<vmem>>
    tpu.enqueue_dma source(%dma_start3A_748 : memref<784x16xf32, #tpu.memory_space<vmem>>) target(%dma_start3A_745 : memref<784x16xf32, #tpu.memory_space<vmem_shared>>) target_semaphore(%arg26 : memref<!tpu.dma_semaphore, #tpu.memory_space<semaphore_mem>>)
    %mul3A_749 = arith.constant 6272 : i32
    %mul3A_750 = arith.muli %arg1, %mul3A_749 : i32
    %add3A_751 = arith.constant 1568 : i32
    %add3A_752 = arith.addi %mul3A_750, %add3A_751 : i32
    %dma_start3A_753 = arith.constant 0 : i32
    %dma_start3A_754 = arith.constant 0 : i32
    %dma_start3A_755 = tpu.memref_slice %arg18[%dma_start3A_753, %dma_start3A_754] : memref<1024x16xf32, #tpu.memory_space<vmem>> -> memref<784x16xf32, #tpu.memory_space<vmem>>
    %dma_start3A_756 = arith.constant 0 : i32
    %dma_start3A_757 = tpu.memref_slice %arg21[%add3A_752, %dma_start3A_756] : memref<100352x16xf32, #tpu.memory_space<vmem_shared>> -> memref<784x16xf32, #tpu.memory_space<vmem_shared>>
    %dma_start3A_758 = arith.constant 0 : i32
    %dma_start3A_759 = tpu.memref_slice %arg21[%add3A_752, %dma_start3A_758] : memref<100352x16xf32, #tpu.memory_space<vmem_shared>> -> memref<784x16xf32, #tpu.memory_space<vmem_shared>>
    %dma_start3A_760 = arith.constant 0 : i32
    %dma_start3A_761 = arith.constant 0 : i32
    %dma_start3A_762 = tpu.memref_slice %arg18[%dma_start3A_760, %dma_start3A_761] : memref<1024x16xf32, #tpu.memory_space<vmem>> -> memref<784x16xf32, #tpu.memory_space<vmem>>
    tpu.enqueue_dma source(%dma_start3A_762 : memref<784x16xf32, #tpu.memory_space<vmem>>) target(%dma_start3A_759 : memref<784x16xf32, #tpu.memory_space<vmem_shared>>) target_semaphore(%arg26 : memref<!tpu.dma_semaphore, #tpu.memory_space<semaphore_mem>>)
    %mul3A_763 = arith.constant 6272 : i32
    %mul3A_764 = arith.muli %arg1, %mul3A_763 : i32
    %add3A_765 = arith.constant 2352 : i32
    %add3A_766 = arith.addi %mul3A_764, %add3A_765 : i32
    %dma_start3A_767 = arith.constant 0 : i32
    %dma_start3A_768 = arith.constant 0 : i32
    %dma_start3A_769 = tpu.memref_slice %arg18[%dma_start3A_767, %dma_start3A_768] : memref<1024x16xf32, #tpu.memory_space<vmem>> -> memref<784x16xf32, #tpu.memory_space<vmem>>
    %dma_start3A_770 = arith.constant 0 : i32
    %dma_start3A_771 = tpu.memref_slice %arg21[%add3A_766, %dma_start3A_770] : memref<100352x16xf32, #tpu.memory_space<vmem_shared>> -> memref<784x16xf32, #tpu.memory_space<vmem_shared>>
    %dma_start3A_772 = arith.constant 0 : i32
    %dma_start3A_773 = tpu.memref_slice %arg21[%add3A_766, %dma_start3A_772] : memref<100352x16xf32, #tpu.memory_space<vmem_shared>> -> memref<784x16xf32, #tpu.memory_space<vmem_shared>>
    %dma_start3A_774 = arith.constant 0 : i32
    %dma_start3A_775 = arith.constant 0 : i32
    %dma_start3A_776 = tpu.memref_slice %arg18[%dma_start3A_774, %dma_start3A_775] : memref<1024x16xf32, #tpu.memory_space<vmem>> -> memref<784x16xf32, #tpu.memory_space<vmem>>
    tpu.enqueue_dma source(%dma_start3A_776 : memref<784x16xf32, #tpu.memory_space<vmem>>) target(%dma_start3A_773 : memref<784x16xf32, #tpu.memory_space<vmem_shared>>) target_semaphore(%arg26 : memref<!tpu.dma_semaphore, #tpu.memory_space<semaphore_mem>>)
    %mul3A_777 = arith.constant 6272 : i32
    %mul3A_778 = arith.muli %arg1, %mul3A_777 : i32
    %add3A_779 = arith.constant 3136 : i32
    %add3A_780 = arith.addi %mul3A_778, %add3A_779 : i32
    %dma_start3A_781 = arith.constant 0 : i32
    %dma_start3A_782 = arith.constant 0 : i32
    %dma_start3A_783 = tpu.memref_slice %arg18[%dma_start3A_781, %dma_start3A_782] : memref<1024x16xf32, #tpu.memory_space<vmem>> -> memref<784x16xf32, #tpu.memory_space<vmem>>
    %dma_start3A_784 = arith.constant 0 : i32
    %dma_start3A_785 = tpu.memref_slice %arg21[%add3A_780, %dma_start3A_784] : memref<100352x16xf32, #tpu.memory_space<vmem_shared>> -> memref<784x16xf32, #tpu.memory_space<vmem_shared>>
    %dma_start3A_786 = arith.constant 0 : i32
    %dma_start3A_787 = tpu.memref_slice %arg21[%add3A_780, %dma_start3A_786] : memref<100352x16xf32, #tpu.memory_space<vmem_shared>> -> memref<784x16xf32, #tpu.memory_space<vmem_shared>>
    %dma_start3A_788 = arith.constant 0 : i32
    %dma_start3A_789 = arith.constant 0 : i32
    %dma_start3A_790 = tpu.memref_slice %arg18[%dma_start3A_788, %dma_start3A_789] : memref<1024x16xf32, #tpu.memory_space<vmem>> -> memref<784x16xf32, #tpu.memory_space<vmem>>
    tpu.enqueue_dma source(%dma_start3A_790 : memref<784x16xf32, #tpu.memory_space<vmem>>) target(%dma_start3A_787 : memref<784x16xf32, #tpu.memory_space<vmem_shared>>) target_semaphore(%arg26 : memref<!tpu.dma_semaphore, #tpu.memory_space<semaphore_mem>>)
    %mul3A_791 = arith.constant 6272 : i32
    %mul3A_792 = arith.muli %arg1, %mul3A_791 : i32
    %add3A_793 = arith.constant 3920 : i32
    %add3A_794 = arith.addi %mul3A_792, %add3A_793 : i32
    %dma_start3A_795 = arith.constant 0 : i32
    %dma_start3A_796 = arith.constant 0 : i32
    %dma_start3A_797 = tpu.memref_slice %arg18[%dma_start3A_795, %dma_start3A_796] : memref<1024x16xf32, #tpu.memory_space<vmem>> -> memref<784x16xf32, #tpu.memory_space<vmem>>
    %dma_start3A_798 = arith.constant 0 : i32
    %dma_start3A_799 = tpu.memref_slice %arg21[%add3A_794, %dma_start3A_798] : memref<100352x16xf32, #tpu.memory_space<vmem_shared>> -> memref<784x16xf32, #tpu.memory_space<vmem_shared>>
    %dma_start3A_800 = arith.constant 0 : i32
    %dma_start3A_801 = tpu.memref_slice %arg21[%add3A_794, %dma_start3A_800] : memref<100352x16xf32, #tpu.memory_space<vmem_shared>> -> memref<784x16xf32, #tpu.memory_space<vmem_shared>>
    %dma_start3A_802 = arith.constant 0 : i32
    %dma_start3A_803 = arith.constant 0 : i32
    %dma_start3A_804 = tpu.memref_slice %arg18[%dma_start3A_802, %dma_start3A_803] : memref<1024x16xf32, #tpu.memory_space<vmem>> -> memref<784x16xf32, #tpu.memory_space<vmem>>
    tpu.enqueue_dma source(%dma_start3A_804 : memref<784x16xf32, #tpu.memory_space<vmem>>) target(%dma_start3A_801 : memref<784x16xf32, #tpu.memory_space<vmem_shared>>) target_semaphore(%arg26 : memref<!tpu.dma_semaphore, #tpu.memory_space<semaphore_mem>>)
    %mul3A_805 = arith.constant 6272 : i32
    %mul3A_806 = arith.muli %arg1, %mul3A_805 : i32
    %add3A_807 = arith.constant 4704 : i32
    %add3A_808 = arith.addi %mul3A_806, %add3A_807 : i32
    %dma_start3A_809 = arith.constant 0 : i32
    %dma_start3A_810 = arith.constant 0 : i32
    %dma_start3A_811 = tpu.memref_slice %arg18[%dma_start3A_809, %dma_start3A_810] : memref<1024x16xf32, #tpu.memory_space<vmem>> -> memref<784x16xf32, #tpu.memory_space<vmem>>
    %dma_start3A_812 = arith.constant 0 : i32
    %dma_start3A_813 = tpu.memref_slice %arg21[%add3A_808, %dma_start3A_812] : memref<100352x16xf32, #tpu.memory_space<vmem_shared>> -> memref<784x16xf32, #tpu.memory_space<vmem_shared>>
    %dma_start3A_814 = arith.constant 0 : i32
    %dma_start3A_815 = tpu.memref_slice %arg21[%add3A_808, %dma_start3A_814] : memref<100352x16xf32, #tpu.memory_space<vmem_shared>> -> memref<784x16xf32, #tpu.memory_space<vmem_shared>>
    %dma_start3A_816 = arith.constant 0 : i32
    %dma_start3A_817 = arith.constant 0 : i32
    %dma_start3A_818 = tpu.memref_slice %arg18[%dma_start3A_816, %dma_start3A_817] : memref<1024x16xf32, #tpu.memory_space<vmem>> -> memref<784x16xf32, #tpu.memory_space<vmem>>
    tpu.enqueue_dma source(%dma_start3A_818 : memref<784x16xf32, #tpu.memory_space<vmem>>) target(%dma_start3A_815 : memref<784x16xf32, #tpu.memory_space<vmem_shared>>) target_semaphore(%arg26 : memref<!tpu.dma_semaphore, #tpu.memory_space<semaphore_mem>>)
    %mul3A_819 = arith.constant 6272 : i32
    %mul3A_820 = arith.muli %arg1, %mul3A_819 : i32
    %add3A_821 = arith.constant 5488 : i32
    %add3A_822 = arith.addi %mul3A_820, %add3A_821 : i32
    %dma_start3A_823 = arith.constant 0 : i32
    %dma_start3A_824 = arith.constant 0 : i32
    %dma_start3A_825 = tpu.memref_slice %arg18[%dma_start3A_823, %dma_start3A_824] : memref<1024x16xf32, #tpu.memory_space<vmem>> -> memref<784x16xf32, #tpu.memory_space<vmem>>
    %dma_start3A_826 = arith.constant 0 : i32
    %dma_start3A_827 = tpu.memref_slice %arg21[%add3A_822, %dma_start3A_826] : memref<100352x16xf32, #tpu.memory_space<vmem_shared>> -> memref<784x16xf32, #tpu.memory_space<vmem_shared>>
    %dma_start3A_828 = arith.constant 0 : i32
    %dma_start3A_829 = tpu.memref_slice %arg21[%add3A_822, %dma_start3A_828] : memref<100352x16xf32, #tpu.memory_space<vmem_shared>> -> memref<784x16xf32, #tpu.memory_space<vmem_shared>>
    %dma_start3A_830 = arith.constant 0 : i32
    %dma_start3A_831 = arith.constant 0 : i32
    %dma_start3A_832 = tpu.memref_slice %arg18[%dma_start3A_830, %dma_start3A_831] : memref<1024x16xf32, #tpu.memory_space<vmem>> -> memref<784x16xf32, #tpu.memory_space<vmem>>
    tpu.enqueue_dma source(%dma_start3A_832 : memref<784x16xf32, #tpu.memory_space<vmem>>) target(%dma_start3A_829 : memref<784x16xf32, #tpu.memory_space<vmem_shared>>) target_semaphore(%arg26 : memref<!tpu.dma_semaphore, #tpu.memory_space<semaphore_mem>>)
    %dma_wait3A_833 = arith.constant 0 : i32
    %dma_wait3A_834 = arith.constant 0 : i32
    %dma_wait3A_835 = tpu.memref_slice %arg18[%dma_wait3A_833, %dma_wait3A_834] : memref<1024x16xf32, #tpu.memory_space<vmem>> -> memref<784x16xf32, #tpu.memory_space<vmem>>
    %dma_wait3A_836 = arith.constant 0 : i32
    %dma_wait3A_837 = tpu.memref_slice %arg21[%add3A_724, %dma_wait3A_836] : memref<100352x16xf32, #tpu.memory_space<vmem_shared>> -> memref<784x16xf32, #tpu.memory_space<vmem_shared>>
    %dma_wait3A_838 = arith.constant 0 : i32
    %dma_wait3A_839 = tpu.memref_slice %arg21[%add3A_724, %dma_wait3A_838] : memref<100352x16xf32, #tpu.memory_space<vmem_shared>> -> memref<784x16xf32, #tpu.memory_space<vmem_shared>>
    %dma_wait3A_840 = arith.constant 0 : i32
    %dma_wait3A_841 = arith.constant 0 : i32
    %dma_wait3A_842 = tpu.memref_slice %arg18[%dma_wait3A_840, %dma_wait3A_841] : memref<1024x16xf32, #tpu.memory_space<vmem>> -> memref<784x16xf32, #tpu.memory_space<vmem>>
    tpu.wait_dma2 semaphore(%arg26 : memref<!tpu.dma_semaphore, #tpu.memory_space<semaphore_mem>>) src(%dma_wait3A_842 : memref<784x16xf32, #tpu.memory_space<vmem>>) dst(%dma_wait3A_839 : memref<784x16xf32, #tpu.memory_space<vmem_shared>>)
    %dma_wait3A_843 = arith.constant 0 : i32
    %dma_wait3A_844 = arith.constant 0 : i32
    %dma_wait3A_845 = tpu.memref_slice %arg18[%dma_wait3A_843, %dma_wait3A_844] : memref<1024x16xf32, #tpu.memory_space<vmem>> -> memref<784x16xf32, #tpu.memory_space<vmem>>
    %dma_wait3A_846 = arith.constant 0 : i32
    %dma_wait3A_847 = tpu.memref_slice %arg21[%add3A_738, %dma_wait3A_846] : memref<100352x16xf32, #tpu.memory_space<vmem_shared>> -> memref<784x16xf32, #tpu.memory_space<vmem_shared>>
    %dma_wait3A_848 = arith.constant 0 : i32
    %dma_wait3A_849 = tpu.memref_slice %arg21[%add3A_738, %dma_wait3A_848] : memref<100352x16xf32, #tpu.memory_space<vmem_shared>> -> memref<784x16xf32, #tpu.memory_space<vmem_shared>>
    %dma_wait3A_850 = arith.constant 0 : i32
    %dma_wait3A_851 = arith.constant 0 : i32
    %dma_wait3A_852 = tpu.memref_slice %arg18[%dma_wait3A_850, %dma_wait3A_851] : memref<1024x16xf32, #tpu.memory_space<vmem>> -> memref<784x16xf32, #tpu.memory_space<vmem>>
    tpu.wait_dma2 semaphore(%arg26 : memref<!tpu.dma_semaphore, #tpu.memory_space<semaphore_mem>>) src(%dma_wait3A_852 : memref<784x16xf32, #tpu.memory_space<vmem>>) dst(%dma_wait3A_849 : memref<784x16xf32, #tpu.memory_space<vmem_shared>>)
    %dma_wait3A_853 = arith.constant 0 : i32
    %dma_wait3A_854 = arith.constant 0 : i32
    %dma_wait3A_855 = tpu.memref_slice %arg18[%dma_wait3A_853, %dma_wait3A_854] : memref<1024x16xf32, #tpu.memory_space<vmem>> -> memref<784x16xf32, #tpu.memory_space<vmem>>
    %dma_wait3A_856 = arith.constant 0 : i32
    %dma_wait3A_857 = tpu.memref_slice %arg21[%add3A_752, %dma_wait3A_856] : memref<100352x16xf32, #tpu.memory_space<vmem_shared>> -> memref<784x16xf32, #tpu.memory_space<vmem_shared>>
    %dma_wait3A_858 = arith.constant 0 : i32
    %dma_wait3A_859 = tpu.memref_slice %arg21[%add3A_752, %dma_wait3A_858] : memref<100352x16xf32, #tpu.memory_space<vmem_shared>> -> memref<784x16xf32, #tpu.memory_space<vmem_shared>>
    %dma_wait3A_860 = arith.constant 0 : i32
    %dma_wait3A_861 = arith.constant 0 : i32
    %dma_wait3A_862 = tpu.memref_slice %arg18[%dma_wait3A_860, %dma_wait3A_861] : memref<1024x16xf32, #tpu.memory_space<vmem>> -> memref<784x16xf32, #tpu.memory_space<vmem>>
    tpu.wait_dma2 semaphore(%arg26 : memref<!tpu.dma_semaphore, #tpu.memory_space<semaphore_mem>>) src(%dma_wait3A_862 : memref<784x16xf32, #tpu.memory_space<vmem>>) dst(%dma_wait3A_859 : memref<784x16xf32, #tpu.memory_space<vmem_shared>>)
    %dma_wait3A_863 = arith.constant 0 : i32
    %dma_wait3A_864 = arith.constant 0 : i32
    %dma_wait3A_865 = tpu.memref_slice %arg18[%dma_wait3A_863, %dma_wait3A_864] : memref<1024x16xf32, #tpu.memory_space<vmem>> -> memref<784x16xf32, #tpu.memory_space<vmem>>
    %dma_wait3A_866 = arith.constant 0 : i32
    %dma_wait3A_867 = tpu.memref_slice %arg21[%add3A_766, %dma_wait3A_866] : memref<100352x16xf32, #tpu.memory_space<vmem_shared>> -> memref<784x16xf32, #tpu.memory_space<vmem_shared>>
    %dma_wait3A_868 = arith.constant 0 : i32
    %dma_wait3A_869 = tpu.memref_slice %arg21[%add3A_766, %dma_wait3A_868] : memref<100352x16xf32, #tpu.memory_space<vmem_shared>> -> memref<784x16xf32, #tpu.memory_space<vmem_shared>>
    %dma_wait3A_870 = arith.constant 0 : i32
    %dma_wait3A_871 = arith.constant 0 : i32
    %dma_wait3A_872 = tpu.memref_slice %arg18[%dma_wait3A_870, %dma_wait3A_871] : memref<1024x16xf32, #tpu.memory_space<vmem>> -> memref<784x16xf32, #tpu.memory_space<vmem>>
    tpu.wait_dma2 semaphore(%arg26 : memref<!tpu.dma_semaphore, #tpu.memory_space<semaphore_mem>>) src(%dma_wait3A_872 : memref<784x16xf32, #tpu.memory_space<vmem>>) dst(%dma_wait3A_869 : memref<784x16xf32, #tpu.memory_space<vmem_shared>>)
    %dma_wait3A_873 = arith.constant 0 : i32
    %dma_wait3A_874 = arith.constant 0 : i32
    %dma_wait3A_875 = tpu.memref_slice %arg18[%dma_wait3A_873, %dma_wait3A_874] : memref<1024x16xf32, #tpu.memory_space<vmem>> -> memref<784x16xf32, #tpu.memory_space<vmem>>
    %dma_wait3A_876 = arith.constant 0 : i32
    %dma_wait3A_877 = tpu.memref_slice %arg21[%add3A_780, %dma_wait3A_876] : memref<100352x16xf32, #tpu.memory_space<vmem_shared>> -> memref<784x16xf32, #tpu.memory_space<vmem_shared>>
    %dma_wait3A_878 = arith.constant 0 : i32
    %dma_wait3A_879 = tpu.memref_slice %arg21[%add3A_780, %dma_wait3A_878] : memref<100352x16xf32, #tpu.memory_space<vmem_shared>> -> memref<784x16xf32, #tpu.memory_space<vmem_shared>>
    %dma_wait3A_880 = arith.constant 0 : i32
    %dma_wait3A_881 = arith.constant 0 : i32
    %dma_wait3A_882 = tpu.memref_slice %arg18[%dma_wait3A_880, %dma_wait3A_881] : memref<1024x16xf32, #tpu.memory_space<vmem>> -> memref<784x16xf32, #tpu.memory_space<vmem>>
    tpu.wait_dma2 semaphore(%arg26 : memref<!tpu.dma_semaphore, #tpu.memory_space<semaphore_mem>>) src(%dma_wait3A_882 : memref<784x16xf32, #tpu.memory_space<vmem>>) dst(%dma_wait3A_879 : memref<784x16xf32, #tpu.memory_space<vmem_shared>>)
    %dma_wait3A_883 = arith.constant 0 : i32
    %dma_wait3A_884 = arith.constant 0 : i32
    %dma_wait3A_885 = tpu.memref_slice %arg18[%dma_wait3A_883, %dma_wait3A_884] : memref<1024x16xf32, #tpu.memory_space<vmem>> -> memref<784x16xf32, #tpu.memory_space<vmem>>
    %dma_wait3A_886 = arith.constant 0 : i32
    %dma_wait3A_887 = tpu.memref_slice %arg21[%add3A_794, %dma_wait3A_886] : memref<100352x16xf32, #tpu.memory_space<vmem_shared>> -> memref<784x16xf32, #tpu.memory_space<vmem_shared>>
    %dma_wait3A_888 = arith.constant 0 : i32
    %dma_wait3A_889 = tpu.memref_slice %arg21[%add3A_794, %dma_wait3A_888] : memref<100352x16xf32, #tpu.memory_space<vmem_shared>> -> memref<784x16xf32, #tpu.memory_space<vmem_shared>>
    %dma_wait3A_890 = arith.constant 0 : i32
    %dma_wait3A_891 = arith.constant 0 : i32
    %dma_wait3A_892 = tpu.memref_slice %arg18[%dma_wait3A_890, %dma_wait3A_891] : memref<1024x16xf32, #tpu.memory_space<vmem>> -> memref<784x16xf32, #tpu.memory_space<vmem>>
    tpu.wait_dma2 semaphore(%arg26 : memref<!tpu.dma_semaphore, #tpu.memory_space<semaphore_mem>>) src(%dma_wait3A_892 : memref<784x16xf32, #tpu.memory_space<vmem>>) dst(%dma_wait3A_889 : memref<784x16xf32, #tpu.memory_space<vmem_shared>>)
    %dma_wait3A_893 = arith.constant 0 : i32
    %dma_wait3A_894 = arith.constant 0 : i32
    %dma_wait3A_895 = tpu.memref_slice %arg18[%dma_wait3A_893, %dma_wait3A_894] : memref<1024x16xf32, #tpu.memory_space<vmem>> -> memref<784x16xf32, #tpu.memory_space<vmem>>
    %dma_wait3A_896 = arith.constant 0 : i32
    %dma_wait3A_897 = tpu.memref_slice %arg21[%add3A_808, %dma_wait3A_896] : memref<100352x16xf32, #tpu.memory_space<vmem_shared>> -> memref<784x16xf32, #tpu.memory_space<vmem_shared>>
    %dma_wait3A_898 = arith.constant 0 : i32
    %dma_wait3A_899 = tpu.memref_slice %arg21[%add3A_808, %dma_wait3A_898] : memref<100352x16xf32, #tpu.memory_space<vmem_shared>> -> memref<784x16xf32, #tpu.memory_space<vmem_shared>>
    %dma_wait3A_900 = arith.constant 0 : i32
    %dma_wait3A_901 = arith.constant 0 : i32
    %dma_wait3A_902 = tpu.memref_slice %arg18[%dma_wait3A_900, %dma_wait3A_901] : memref<1024x16xf32, #tpu.memory_space<vmem>> -> memref<784x16xf32, #tpu.memory_space<vmem>>
    tpu.wait_dma2 semaphore(%arg26 : memref<!tpu.dma_semaphore, #tpu.memory_space<semaphore_mem>>) src(%dma_wait3A_902 : memref<784x16xf32, #tpu.memory_space<vmem>>) dst(%dma_wait3A_899 : memref<784x16xf32, #tpu.memory_space<vmem_shared>>)
    %dma_wait3A_903 = arith.constant 0 : i32
    %dma_wait3A_904 = arith.constant 0 : i32
    %dma_wait3A_905 = tpu.memref_slice %arg18[%dma_wait3A_903, %dma_wait3A_904] : memref<1024x16xf32, #tpu.memory_space<vmem>> -> memref<784x16xf32, #tpu.memory_space<vmem>>
    %dma_wait3A_906 = arith.constant 0 : i32
    %dma_wait3A_907 = tpu.memref_slice %arg21[%add3A_822, %dma_wait3A_906] : memref<100352x16xf32, #tpu.memory_space<vmem_shared>> -> memref<784x16xf32, #tpu.memory_space<vmem_shared>>
    %dma_wait3A_908 = arith.constant 0 : i32
    %dma_wait3A_909 = tpu.memref_slice %arg21[%add3A_822, %dma_wait3A_908] : memref<100352x16xf32, #tpu.memory_space<vmem_shared>> -> memref<784x16xf32, #tpu.memory_space<vmem_shared>>
    %dma_wait3A_910 = arith.constant 0 : i32
    %dma_wait3A_911 = arith.constant 0 : i32
    %dma_wait3A_912 = tpu.memref_slice %arg18[%dma_wait3A_910, %dma_wait3A_911] : memref<1024x16xf32, #tpu.memory_space<vmem>> -> memref<784x16xf32, #tpu.memory_space<vmem>>
    tpu.wait_dma2 semaphore(%arg26 : memref<!tpu.dma_semaphore, #tpu.memory_space<semaphore_mem>>) src(%dma_wait3A_912 : memref<784x16xf32, #tpu.memory_space<vmem>>) dst(%dma_wait3A_909 : memref<784x16xf32, #tpu.memory_space<vmem_shared>>)
    %barrier3A_913 = arith.constant 0 : index
    tpu.barrier barrier_id(%barrier3A_913)
    %mul3A_914 = arith.constant 100352 : i32
    %mul3A_915 = arith.muli %arg1, %mul3A_914 : i32
    %add3A_916 = arith.constant 0 : i32
    %add3A_917 = arith.addi %mul3A_915, %add3A_916 : i32
    %dma_start3A_918 = arith.constant 0 : i32
    %dma_start3A_919 = arith.constant 0 : i32
    %dma_start3A_920 = arith.constant 0 : i32
    %dma_start3A_921 = tpu.memref_slice %arg15[%dma_start3A_918, %dma_start3A_920] : memref<2x512xi32, #tpu.memory_space<vmem>> -> memref<1x512xi32, #tpu.memory_space<vmem>>
    %dma_start3A_922 = tpu.memref_squeeze %dma_start3A_921 : memref<1x512xi32, #tpu.memory_space<vmem>> -> memref<512xi32, #tpu.memory_space<vmem>>
    %dma_start3A_923 = tpu.memref_slice %arg4[%add3A_917] : memref<1605632xi32, #tpu.memory_space<hbm>> -> memref<512xi32, #tpu.memory_space<hbm>>
    %dma_start3A_924 = tpu.memref_slice %arg22[%dma_start3A_919] : memref<2x!tpu.dma_semaphore, #tpu.memory_space<semaphore_mem>> -> memref<1x!tpu.dma_semaphore, #tpu.memory_space<semaphore_mem>>
    %dma_start3A_925 = tpu.memref_squeeze %dma_start3A_924 : memref<1x!tpu.dma_semaphore, #tpu.memory_space<semaphore_mem>> -> memref<!tpu.dma_semaphore, #tpu.memory_space<semaphore_mem>>
    %dma_start3A_926 = arith.constant 0 : i32
    %dma_start3A_927 = tpu.memref_slice %arg15[%dma_start3A_918, %dma_start3A_926] : memref<2x512xi32, #tpu.memory_space<vmem>> -> memref<1x512xi32, #tpu.memory_space<vmem>>
    %dma_start3A_928 = tpu.memref_squeeze %dma_start3A_927 : memref<1x512xi32, #tpu.memory_space<vmem>> -> memref<512xi32, #tpu.memory_space<vmem>>
    %dma_start3A_929 = tpu.memref_slice %arg4[%add3A_917] : memref<1605632xi32, #tpu.memory_space<hbm>> -> memref<512xi32, #tpu.memory_space<hbm>>
    tpu.enqueue_dma source(%dma_start3A_929 : memref<512xi32, #tpu.memory_space<hbm>>) target(%dma_start3A_928 : memref<512xi32, #tpu.memory_space<vmem>>) target_semaphore(%dma_start3A_925 : memref<!tpu.dma_semaphore, #tpu.memory_space<semaphore_mem>>)
    %dma_start3A_930 = arith.constant 0 : i32
    %dma_start3A_931 = arith.constant 0 : i32
    %dma_start3A_932 = arith.constant 0 : i32
    %dma_start3A_933 = tpu.memref_slice %arg17[%dma_start3A_930, %dma_start3A_932] : memref<2x512xf32, #tpu.memory_space<vmem>> -> memref<1x512xf32, #tpu.memory_space<vmem>>
    %dma_start3A_934 = tpu.memref_squeeze %dma_start3A_933 : memref<1x512xf32, #tpu.memory_space<vmem>> -> memref<512xf32, #tpu.memory_space<vmem>>
    %dma_start3A_935 = tpu.memref_slice %arg6[%add3A_917] : memref<1605632xf32, #tpu.memory_space<hbm>> -> memref<512xf32, #tpu.memory_space<hbm>>
    %dma_start3A_936 = tpu.memref_slice %arg22[%dma_start3A_931] : memref<2x!tpu.dma_semaphore, #tpu.memory_space<semaphore_mem>> -> memref<1x!tpu.dma_semaphore, #tpu.memory_space<semaphore_mem>>
    %dma_start3A_937 = tpu.memref_squeeze %dma_start3A_936 : memref<1x!tpu.dma_semaphore, #tpu.memory_space<semaphore_mem>> -> memref<!tpu.dma_semaphore, #tpu.memory_space<semaphore_mem>>
    %dma_start3A_938 = arith.constant 0 : i32
    %dma_start3A_939 = tpu.memref_slice %arg17[%dma_start3A_930, %dma_start3A_938] : memref<2x512xf32, #tpu.memory_space<vmem>> -> memref<1x512xf32, #tpu.memory_space<vmem>>
    %dma_start3A_940 = tpu.memref_squeeze %dma_start3A_939 : memref<1x512xf32, #tpu.memory_space<vmem>> -> memref<512xf32, #tpu.memory_space<vmem>>
    %dma_start3A_941 = tpu.memref_slice %arg6[%add3A_917] : memref<1605632xf32, #tpu.memory_space<hbm>> -> memref<512xf32, #tpu.memory_space<hbm>>
    tpu.enqueue_dma source(%dma_start3A_941 : memref<512xf32, #tpu.memory_space<hbm>>) target(%dma_start3A_940 : memref<512xf32, #tpu.memory_space<vmem>>) target_semaphore(%dma_start3A_937 : memref<!tpu.dma_semaphore, #tpu.memory_space<semaphore_mem>>)
    %dma_start3A_942 = arith.constant 0 : i32
    %dma_start3A_943 = arith.constant 0 : i32
    %dma_start3A_944 = arith.constant 0 : i32
    %dma_start3A_945 = tpu.memref_slice %arg16[%dma_start3A_942, %dma_start3A_944] : memref<3x512xi32, #tpu.memory_space<vmem>> -> memref<1x512xi32, #tpu.memory_space<vmem>>
    %dma_start3A_946 = tpu.memref_squeeze %dma_start3A_945 : memref<1x512xi32, #tpu.memory_space<vmem>> -> memref<512xi32, #tpu.memory_space<vmem>>
    %dma_start3A_947 = tpu.memref_slice %arg5[%add3A_917] : memref<1605632xi32, #tpu.memory_space<hbm>> -> memref<512xi32, #tpu.memory_space<hbm>>
    %dma_start3A_948 = tpu.memref_slice %arg23[%dma_start3A_943] : memref<3x!tpu.dma_semaphore, #tpu.memory_space<semaphore_mem>> -> memref<1x!tpu.dma_semaphore, #tpu.memory_space<semaphore_mem>>
    %dma_start3A_949 = tpu.memref_squeeze %dma_start3A_948 : memref<1x!tpu.dma_semaphore, #tpu.memory_space<semaphore_mem>> -> memref<!tpu.dma_semaphore, #tpu.memory_space<semaphore_mem>>
    %dma_start3A_950 = arith.constant 0 : i32
    %dma_start3A_951 = tpu.memref_slice %arg16[%dma_start3A_942, %dma_start3A_950] : memref<3x512xi32, #tpu.memory_space<vmem>> -> memref<1x512xi32, #tpu.memory_space<vmem>>
    %dma_start3A_952 = tpu.memref_squeeze %dma_start3A_951 : memref<1x512xi32, #tpu.memory_space<vmem>> -> memref<512xi32, #tpu.memory_space<vmem>>
    %dma_start3A_953 = tpu.memref_slice %arg5[%add3A_917] : memref<1605632xi32, #tpu.memory_space<hbm>> -> memref<512xi32, #tpu.memory_space<hbm>>
    tpu.enqueue_dma source(%dma_start3A_953 : memref<512xi32, #tpu.memory_space<hbm>>) target(%dma_start3A_952 : memref<512xi32, #tpu.memory_space<vmem>>) target_semaphore(%dma_start3A_949 : memref<!tpu.dma_semaphore, #tpu.memory_space<semaphore_mem>>)
    %mul3A_954 = arith.constant 100352 : i32
    %mul3A_955 = arith.muli %arg1, %mul3A_954 : i32
    %add3A_956 = arith.constant 0 : i32
    %add3A_957 = arith.addi %mul3A_955, %add3A_956 : i32
    %dma_wait3A_958 = arith.constant 0 : i32
    %dma_wait3A_959 = arith.constant 0 : i32
    %dma_wait3A_960 = arith.constant 0 : i32
    %dma_wait3A_961 = tpu.memref_slice %arg15[%dma_wait3A_958, %dma_wait3A_960] : memref<2x512xi32, #tpu.memory_space<vmem>> -> memref<1x512xi32, #tpu.memory_space<vmem>>
    %dma_wait3A_962 = tpu.memref_squeeze %dma_wait3A_961 : memref<1x512xi32, #tpu.memory_space<vmem>> -> memref<512xi32, #tpu.memory_space<vmem>>
    %dma_wait3A_963 = tpu.memref_slice %arg4[%add3A_957] : memref<1605632xi32, #tpu.memory_space<hbm>> -> memref<512xi32, #tpu.memory_space<hbm>>
    %dma_wait3A_964 = tpu.memref_slice %arg22[%dma_wait3A_959] : memref<2x!tpu.dma_semaphore, #tpu.memory_space<semaphore_mem>> -> memref<1x!tpu.dma_semaphore, #tpu.memory_space<semaphore_mem>>
    %dma_wait3A_965 = tpu.memref_squeeze %dma_wait3A_964 : memref<1x!tpu.dma_semaphore, #tpu.memory_space<semaphore_mem>> -> memref<!tpu.dma_semaphore, #tpu.memory_space<semaphore_mem>>
    %dma_wait3A_966 = arith.constant 0 : i32
    %dma_wait3A_967 = tpu.memref_slice %arg15[%dma_wait3A_958, %dma_wait3A_966] : memref<2x512xi32, #tpu.memory_space<vmem>> -> memref<1x512xi32, #tpu.memory_space<vmem>>
    %dma_wait3A_968 = tpu.memref_squeeze %dma_wait3A_967 : memref<1x512xi32, #tpu.memory_space<vmem>> -> memref<512xi32, #tpu.memory_space<vmem>>
    %dma_wait3A_969 = tpu.memref_slice %arg4[%add3A_957] : memref<1605632xi32, #tpu.memory_space<hbm>> -> memref<512xi32, #tpu.memory_space<hbm>>
    tpu.wait_dma2 semaphore(%dma_wait3A_965 : memref<!tpu.dma_semaphore, #tpu.memory_space<semaphore_mem>>) src(%dma_wait3A_969 : memref<512xi32, #tpu.memory_space<hbm>>) dst(%dma_wait3A_968 : memref<512xi32, #tpu.memory_space<vmem>>)
    %dma_wait3A_970 = arith.constant 0 : i32
    %dma_wait3A_971 = arith.constant 0 : i32
    %dma_wait3A_972 = arith.constant 0 : i32
    %dma_wait3A_973 = tpu.memref_slice %arg17[%dma_wait3A_970, %dma_wait3A_972] : memref<2x512xf32, #tpu.memory_space<vmem>> -> memref<1x512xf32, #tpu.memory_space<vmem>>
    %dma_wait3A_974 = tpu.memref_squeeze %dma_wait3A_973 : memref<1x512xf32, #tpu.memory_space<vmem>> -> memref<512xf32, #tpu.memory_space<vmem>>
    %dma_wait3A_975 = tpu.memref_slice %arg6[%add3A_957] : memref<1605632xf32, #tpu.memory_space<hbm>> -> memref<512xf32, #tpu.memory_space<hbm>>
    %dma_wait3A_976 = tpu.memref_slice %arg22[%dma_wait3A_971] : memref<2x!tpu.dma_semaphore, #tpu.memory_space<semaphore_mem>> -> memref<1x!tpu.dma_semaphore, #tpu.memory_space<semaphore_mem>>
    %dma_wait3A_977 = tpu.memref_squeeze %dma_wait3A_976 : memref<1x!tpu.dma_semaphore, #tpu.memory_space<semaphore_mem>> -> memref<!tpu.dma_semaphore, #tpu.memory_space<semaphore_mem>>
    %dma_wait3A_978 = arith.constant 0 : i32
    %dma_wait3A_979 = tpu.memref_slice %arg17[%dma_wait3A_970, %dma_wait3A_978] : memref<2x512xf32, #tpu.memory_space<vmem>> -> memref<1x512xf32, #tpu.memory_space<vmem>>
    %dma_wait3A_980 = tpu.memref_squeeze %dma_wait3A_979 : memref<1x512xf32, #tpu.memory_space<vmem>> -> memref<512xf32, #tpu.memory_space<vmem>>
    %dma_wait3A_981 = tpu.memref_slice %arg6[%add3A_957] : memref<1605632xf32, #tpu.memory_space<hbm>> -> memref<512xf32, #tpu.memory_space<hbm>>
    tpu.wait_dma2 semaphore(%dma_wait3A_977 : memref<!tpu.dma_semaphore, #tpu.memory_space<semaphore_mem>>) src(%dma_wait3A_981 : memref<512xf32, #tpu.memory_space<hbm>>) dst(%dma_wait3A_980 : memref<512xf32, #tpu.memory_space<vmem>>)
    %dma_wait3A_982 = arith.constant 0 : i32
    %dma_wait3A_983 = arith.constant 0 : i32
    %dma_wait3A_984 = arith.constant 0 : i32
    %dma_wait3A_985 = tpu.memref_slice %arg16[%dma_wait3A_982, %dma_wait3A_984] : memref<3x512xi32, #tpu.memory_space<vmem>> -> memref<1x512xi32, #tpu.memory_space<vmem>>
    %dma_wait3A_986 = tpu.memref_squeeze %dma_wait3A_985 : memref<1x512xi32, #tpu.memory_space<vmem>> -> memref<512xi32, #tpu.memory_space<vmem>>
    %dma_wait3A_987 = tpu.memref_slice %arg5[%add3A_957] : memref<1605632xi32, #tpu.memory_space<hbm>> -> memref<512xi32, #tpu.memory_space<hbm>>
    %dma_wait3A_988 = tpu.memref_slice %arg23[%dma_wait3A_983] : memref<3x!tpu.dma_semaphore, #tpu.memory_space<semaphore_mem>> -> memref<1x!tpu.dma_semaphore, #tpu.memory_space<semaphore_mem>>
    %dma_wait3A_989 = tpu.memref_squeeze %dma_wait3A_988 : memref<1x!tpu.dma_semaphore, #tpu.memory_space<semaphore_mem>> -> memref<!tpu.dma_semaphore, #tpu.memory_space<semaphore_mem>>
    %dma_wait3A_990 = arith.constant 0 : i32
    %dma_wait3A_991 = tpu.memref_slice %arg16[%dma_wait3A_982, %dma_wait3A_990] : memref<3x512xi32, #tpu.memory_space<vmem>> -> memref<1x512xi32, #tpu.memory_space<vmem>>
    %dma_wait3A_992 = tpu.memref_squeeze %dma_wait3A_991 : memref<1x512xi32, #tpu.memory_space<vmem>> -> memref<512xi32, #tpu.memory_space<vmem>>
    %dma_wait3A_993 = tpu.memref_slice %arg5[%add3A_957] : memref<1605632xi32, #tpu.memory_space<hbm>> -> memref<512xi32, #tpu.memory_space<hbm>>
    tpu.wait_dma2 semaphore(%dma_wait3A_989 : memref<!tpu.dma_semaphore, #tpu.memory_space<semaphore_mem>>) src(%dma_wait3A_993 : memref<512xi32, #tpu.memory_space<hbm>>) dst(%dma_wait3A_992 : memref<512xi32, #tpu.memory_space<vmem>>)
    %eq3A_994 = arith.constant 0 : i32
    %eq3A_995 = arith.cmpi eq, %arg0, %eq3A_994 : i32
    %convert_element_type3A_996 = arith.extui %eq3A_995 : i1 to i32
    %cond3A_997 = arith.constant 0 : i32
    %cond3A_998 = arith.cmpi ne, %convert_element_type3A_996, %cond3A_997 : i32
    scf.if %cond3A_998 {
      %dma_start3A_1294 = arith.constant 0 : i32
      %dma_start3A_1295 = arith.constant 0 : i32
      %dma_start3A_1296 = arith.constant 0 : i32
      %dma_start3A_1297 = arith.constant 0 : i32
      %dma_start3A_1298 = tpu.memref_slice %arg18[%dma_start3A_1296, %dma_start3A_1297] : memref<1024x16xf32, #tpu.memory_space<vmem>> -> memref<512x16xf32, #tpu.memory_space<vmem>>
      %dma_start3A_1299 = arith.constant 0 : i32
      %dma_start3A_1300 = tpu.memref_slice %arg15[%dma_start3A_1294, %dma_start3A_1299] : memref<2x512xi32, #tpu.memory_space<vmem>> -> memref<1x512xi32, #tpu.memory_space<vmem>>
      %dma_start3A_1301 = tpu.memref_squeeze %dma_start3A_1300 : memref<1x512xi32, #tpu.memory_space<vmem>> -> memref<512xi32, #tpu.memory_space<vmem>>
      %dma_start3A_1302 = arith.constant 0 : i32
      %dma_start3A_1303 = arith.constant 0 : i32
      %dma_start3A_1304 = tpu.memref_slice %arg11[%dma_start3A_1302, %dma_start3A_1303] : memref<100352x16xf32, #tpu.memory_space<hbm>> -> memref<100352x16xf32, #tpu.memory_space<hbm>>
      %dma_start3A_1305 = tpu.memref_slice %arg24[%dma_start3A_1295] : memref<2x!tpu.dma_semaphore, #tpu.memory_space<semaphore_mem>> -> memref<1x!tpu.dma_semaphore, #tpu.memory_space<semaphore_mem>>
      %dma_start3A_1306 = tpu.memref_squeeze %dma_start3A_1305 : memref<1x!tpu.dma_semaphore, #tpu.memory_space<semaphore_mem>> -> memref<!tpu.dma_semaphore, #tpu.memory_space<semaphore_mem>>
      tpu.enqueue_indirect_dma source(%dma_start3A_1304 : memref<100352x16xf32, #tpu.memory_space<hbm>>) target(%dma_start3A_1298 : memref<512x16xf32, #tpu.memory_space<vmem>>) offsets(%dma_start3A_1301 : memref<512xi32, #tpu.memory_space<vmem>>) semaphore(%dma_start3A_1306 : memref<!tpu.dma_semaphore, #tpu.memory_space<semaphore_mem>>)
    } else {
    }
    %eq3A_999 = arith.constant 1 : i32
    %eq3A_1000 = arith.cmpi eq, %arg0, %eq3A_999 : i32
    %convert_element_type3A_1001 = arith.extui %eq3A_1000 : i1 to i32
    %cond3A_1002 = arith.constant 0 : i32
    %cond3A_1003 = arith.cmpi ne, %convert_element_type3A_1001, %cond3A_1002 : i32
    scf.if %cond3A_1003 {
      %dma_start3A_1294 = arith.constant 0 : i32
      %dma_start3A_1295 = arith.constant 0 : i32
      %dma_start3A_1296 = arith.constant 0 : i32
      %dma_start3A_1297 = arith.constant 0 : i32
      %dma_start3A_1298 = tpu.memref_slice %arg18[%dma_start3A_1296, %dma_start3A_1297] : memref<1024x16xf32, #tpu.memory_space<vmem>> -> memref<512x16xf32, #tpu.memory_space<vmem>>
      %dma_start3A_1299 = arith.constant 0 : i32
      %dma_start3A_1300 = tpu.memref_slice %arg15[%dma_start3A_1294, %dma_start3A_1299] : memref<2x512xi32, #tpu.memory_space<vmem>> -> memref<1x512xi32, #tpu.memory_space<vmem>>
      %dma_start3A_1301 = tpu.memref_squeeze %dma_start3A_1300 : memref<1x512xi32, #tpu.memory_space<vmem>> -> memref<512xi32, #tpu.memory_space<vmem>>
      %dma_start3A_1302 = arith.constant 0 : i32
      %dma_start3A_1303 = arith.constant 0 : i32
      %dma_start3A_1304 = tpu.memref_slice %arg12[%dma_start3A_1302, %dma_start3A_1303] : memref<100352x16xf32, #tpu.memory_space<hbm>> -> memref<100352x16xf32, #tpu.memory_space<hbm>>
      %dma_start3A_1305 = tpu.memref_slice %arg24[%dma_start3A_1295] : memref<2x!tpu.dma_semaphore, #tpu.memory_space<semaphore_mem>> -> memref<1x!tpu.dma_semaphore, #tpu.memory_space<semaphore_mem>>
      %dma_start3A_1306 = tpu.memref_squeeze %dma_start3A_1305 : memref<1x!tpu.dma_semaphore, #tpu.memory_space<semaphore_mem>> -> memref<!tpu.dma_semaphore, #tpu.memory_space<semaphore_mem>>
      tpu.enqueue_indirect_dma source(%dma_start3A_1304 : memref<100352x16xf32, #tpu.memory_space<hbm>>) target(%dma_start3A_1298 : memref<512x16xf32, #tpu.memory_space<vmem>>) offsets(%dma_start3A_1301 : memref<512xi32, #tpu.memory_space<vmem>>) semaphore(%dma_start3A_1306 : memref<!tpu.dma_semaphore, #tpu.memory_space<semaphore_mem>>)
    } else {
    }
    %mul3A_1004 = arith.constant 100352 : i32
    %mul3A_1005 = arith.muli %arg1, %mul3A_1004 : i32
    %add3A_1006 = arith.constant 512 : i32
    %add3A_1007 = arith.addi %mul3A_1005, %add3A_1006 : i32
    %dma_start3A_1008 = arith.constant 1 : i32
    %dma_start3A_1009 = arith.constant 1 : i32
    %dma_start3A_1010 = arith.constant 0 : i32
    %dma_start3A_1011 = tpu.memref_slice %arg15[%dma_start3A_1008, %dma_start3A_1010] : memref<2x512xi32, #tpu.memory_space<vmem>> -> memref<1x512xi32, #tpu.memory_space<vmem>>
    %dma_start3A_1012 = tpu.memref_squeeze %dma_start3A_1011 : memref<1x512xi32, #tpu.memory_space<vmem>> -> memref<512xi32, #tpu.memory_space<vmem>>
    %dma_start3A_1013 = tpu.memref_slice %arg4[%add3A_1007] : memref<1605632xi32, #tpu.memory_space<hbm>> -> memref<512xi32, #tpu.memory_space<hbm>>
    %dma_start3A_1014 = tpu.memref_slice %arg22[%dma_start3A_1009] : memref<2x!tpu.dma_semaphore, #tpu.memory_space<semaphore_mem>> -> memref<1x!tpu.dma_semaphore, #tpu.memory_space<semaphore_mem>>
    %dma_start3A_1015 = tpu.memref_squeeze %dma_start3A_1014 : memref<1x!tpu.dma_semaphore, #tpu.memory_space<semaphore_mem>> -> memref<!tpu.dma_semaphore, #tpu.memory_space<semaphore_mem>>
    %dma_start3A_1016 = arith.constant 0 : i32
    %dma_start3A_1017 = tpu.memref_slice %arg15[%dma_start3A_1008, %dma_start3A_1016] : memref<2x512xi32, #tpu.memory_space<vmem>> -> memref<1x512xi32, #tpu.memory_space<vmem>>
    %dma_start3A_1018 = tpu.memref_squeeze %dma_start3A_1017 : memref<1x512xi32, #tpu.memory_space<vmem>> -> memref<512xi32, #tpu.memory_space<vmem>>
    %dma_start3A_1019 = tpu.memref_slice %arg4[%add3A_1007] : memref<1605632xi32, #tpu.memory_space<hbm>> -> memref<512xi32, #tpu.memory_space<hbm>>
    tpu.enqueue_dma source(%dma_start3A_1019 : memref<512xi32, #tpu.memory_space<hbm>>) target(%dma_start3A_1018 : memref<512xi32, #tpu.memory_space<vmem>>) target_semaphore(%dma_start3A_1015 : memref<!tpu.dma_semaphore, #tpu.memory_space<semaphore_mem>>)
    %dma_start3A_1020 = arith.constant 1 : i32
    %dma_start3A_1021 = arith.constant 1 : i32
    %dma_start3A_1022 = arith.constant 0 : i32
    %dma_start3A_1023 = tpu.memref_slice %arg17[%dma_start3A_1020, %dma_start3A_1022] : memref<2x512xf32, #tpu.memory_space<vmem>> -> memref<1x512xf32, #tpu.memory_space<vmem>>
    %dma_start3A_1024 = tpu.memref_squeeze %dma_start3A_1023 : memref<1x512xf32, #tpu.memory_space<vmem>> -> memref<512xf32, #tpu.memory_space<vmem>>
    %dma_start3A_1025 = tpu.memref_slice %arg6[%add3A_1007] : memref<1605632xf32, #tpu.memory_space<hbm>> -> memref<512xf32, #tpu.memory_space<hbm>>
    %dma_start3A_1026 = tpu.memref_slice %arg22[%dma_start3A_1021] : memref<2x!tpu.dma_semaphore, #tpu.memory_space<semaphore_mem>> -> memref<1x!tpu.dma_semaphore, #tpu.memory_space<semaphore_mem>>
    %dma_start3A_1027 = tpu.memref_squeeze %dma_start3A_1026 : memref<1x!tpu.dma_semaphore, #tpu.memory_space<semaphore_mem>> -> memref<!tpu.dma_semaphore, #tpu.memory_space<semaphore_mem>>
    %dma_start3A_1028 = arith.constant 0 : i32
    %dma_start3A_1029 = tpu.memref_slice %arg17[%dma_start3A_1020, %dma_start3A_1028] : memref<2x512xf32, #tpu.memory_space<vmem>> -> memref<1x512xf32, #tpu.memory_space<vmem>>
    %dma_start3A_1030 = tpu.memref_squeeze %dma_start3A_1029 : memref<1x512xf32, #tpu.memory_space<vmem>> -> memref<512xf32, #tpu.memory_space<vmem>>
    %dma_start3A_1031 = tpu.memref_slice %arg6[%add3A_1007] : memref<1605632xf32, #tpu.memory_space<hbm>> -> memref<512xf32, #tpu.memory_space<hbm>>
    tpu.enqueue_dma source(%dma_start3A_1031 : memref<512xf32, #tpu.memory_space<hbm>>) target(%dma_start3A_1030 : memref<512xf32, #tpu.memory_space<vmem>>) target_semaphore(%dma_start3A_1027 : memref<!tpu.dma_semaphore, #tpu.memory_space<semaphore_mem>>)
    %dma_start3A_1032 = arith.constant 1 : i32
    %dma_start3A_1033 = arith.constant 1 : i32
    %dma_start3A_1034 = arith.constant 0 : i32
    %dma_start3A_1035 = tpu.memref_slice %arg16[%dma_start3A_1032, %dma_start3A_1034] : memref<3x512xi32, #tpu.memory_space<vmem>> -> memref<1x512xi32, #tpu.memory_space<vmem>>
    %dma_start3A_1036 = tpu.memref_squeeze %dma_start3A_1035 : memref<1x512xi32, #tpu.memory_space<vmem>> -> memref<512xi32, #tpu.memory_space<vmem>>
    %dma_start3A_1037 = tpu.memref_slice %arg5[%add3A_1007] : memref<1605632xi32, #tpu.memory_space<hbm>> -> memref<512xi32, #tpu.memory_space<hbm>>
    %dma_start3A_1038 = tpu.memref_slice %arg23[%dma_start3A_1033] : memref<3x!tpu.dma_semaphore, #tpu.memory_space<semaphore_mem>> -> memref<1x!tpu.dma_semaphore, #tpu.memory_space<semaphore_mem>>
    %dma_start3A_1039 = tpu.memref_squeeze %dma_start3A_1038 : memref<1x!tpu.dma_semaphore, #tpu.memory_space<semaphore_mem>> -> memref<!tpu.dma_semaphore, #tpu.memory_space<semaphore_mem>>
    %dma_start3A_1040 = arith.constant 0 : i32
    %dma_start3A_1041 = tpu.memref_slice %arg16[%dma_start3A_1032, %dma_start3A_1040] : memref<3x512xi32, #tpu.memory_space<vmem>> -> memref<1x512xi32, #tpu.memory_space<vmem>>
    %dma_start3A_1042 = tpu.memref_squeeze %dma_start3A_1041 : memref<1x512xi32, #tpu.memory_space<vmem>> -> memref<512xi32, #tpu.memory_space<vmem>>
    %dma_start3A_1043 = tpu.memref_slice %arg5[%add3A_1007] : memref<1605632xi32, #tpu.memory_space<hbm>> -> memref<512xi32, #tpu.memory_space<hbm>>
    tpu.enqueue_dma source(%dma_start3A_1043 : memref<512xi32, #tpu.memory_space<hbm>>) target(%dma_start3A_1042 : memref<512xi32, #tpu.memory_space<vmem>>) target_semaphore(%dma_start3A_1039 : memref<!tpu.dma_semaphore, #tpu.memory_space<semaphore_mem>>)
    %scan3A_1044 = arith.constant 0 : i32
    %scan3A_1045 = arith.constant 0 : i32
    %scan3A_1046 = arith.constant 196 : i32
    %scan3A_1047 = arith.addi %scan3A_1045, %scan3A_1046 : i32
    %scan3A_1048 = arith.constant 1 : i32
    scf.for %scan3A_1294 = %scan3A_1045 to %scan3A_1047 step %scan3A_1048  : i32 {
      %and3A = arith.constant 1 : i32
      %and3A_1295 = arith.andi %scan3A_1294, %and3A : i32
      %sub3A = arith.constant 1 : i32
      %sub3A_1296 = arith.subi %sub3A, %and3A_1295 : i32
      %rem3A = arith.constant 3 : i32
      %rem3A_1297 = arith.remsi %scan3A_1294, %rem3A : i32
      %add3A_1298 = arith.constant 1 : i32
      %add3A_1299 = arith.addi %scan3A_1294, %add3A_1298 : i32
      %rem3A_1300 = arith.constant 3 : i32
      %rem3A_1301 = arith.remsi %add3A_1299, %rem3A_1300 : i32
      %add3A_1302 = arith.constant 2 : i32
      %add3A_1303 = arith.addi %scan3A_1294, %add3A_1302 : i32
      %rem3A_1304 = arith.constant 3 : i32
      %rem3A_1305 = arith.remsi %add3A_1303, %rem3A_1304 : i32
      %ge3A = arith.constant 1 : i32
      %ge3A_1306 = arith.cmpi sge, %scan3A_1294, %ge3A : i32
      %convert_element_type3A_1307 = arith.extui %ge3A_1306 : i1 to i32
      %cond3A_1308 = arith.constant 0 : i32
      %cond3A_1309 = arith.cmpi ne, %convert_element_type3A_1307, %cond3A_1308 : i32
      scf.if %cond3A_1309 {
        %mul3A_1351 = arith.constant 512 : i32
        %mul3A_1352 = arith.muli %sub3A_1296, %mul3A_1351 : i32
        %dma_wait3A_1353 = arith.constant 0 : i32
        %dma_wait3A_1354 = tpu.memref_slice %arg18[%mul3A_1352, %dma_wait3A_1353] : memref<1024x16xf32, #tpu.memory_space<vmem>> -> memref<512x16xf32, #tpu.memory_space<vmem>>
        %dma_wait3A_1355 = arith.constant 0 : i32
        %dma_wait3A_1356 = tpu.memref_slice %arg16[%rem3A_1305, %dma_wait3A_1355] : memref<3x512xi32, #tpu.memory_space<vmem>> -> memref<1x512xi32, #tpu.memory_space<vmem>>
        %dma_wait3A_1357 = tpu.memref_squeeze %dma_wait3A_1356 : memref<1x512xi32, #tpu.memory_space<vmem>> -> memref<512xi32, #tpu.memory_space<vmem>>
        %dma_wait3A_1358 = arith.constant 0 : i32
        %dma_wait3A_1359 = arith.constant 0 : i32
        %dma_wait3A_1360 = tpu.memref_slice %arg21[%dma_wait3A_1358, %dma_wait3A_1359] : memref<100352x16xf32, #tpu.memory_space<vmem_shared>> -> memref<100352x16xf32, #tpu.memory_space<vmem_shared>>
        %dma_wait3A_1361 = tpu.memref_slice %arg25[%sub3A_1296] : memref<2x!tpu.dma_semaphore, #tpu.memory_space<semaphore_mem>> -> memref<1x!tpu.dma_semaphore, #tpu.memory_space<semaphore_mem>>
        %dma_wait3A_1362 = tpu.memref_squeeze %dma_wait3A_1361 : memref<1x!tpu.dma_semaphore, #tpu.memory_space<semaphore_mem>> -> memref<!tpu.dma_semaphore, #tpu.memory_space<semaphore_mem>>
        tpu.wait_indirect_dma semaphore(%dma_wait3A_1362 : memref<!tpu.dma_semaphore, #tpu.memory_space<semaphore_mem>>) src(%dma_wait3A_1354 : memref<512x16xf32, #tpu.memory_space<vmem>>) dst(%dma_wait3A_1360 : memref<100352x16xf32, #tpu.memory_space<vmem_shared>>)
      } else {
      }
      %add3A_1310 = arith.constant 1 : i32
      %add3A_1311 = arith.addi %scan3A_1294, %add3A_1310 : i32
      %lt3A = arith.constant 196 : i32
      %lt3A_1312 = arith.cmpi slt, %add3A_1311, %lt3A : i32
      %convert_element_type3A_1313 = arith.extui %lt3A_1312 : i1 to i32
      %cond3A_1314 = arith.constant 0 : i32
      %cond3A_1315 = arith.cmpi ne, %convert_element_type3A_1313, %cond3A_1314 : i32
      scf.if %cond3A_1315 {
        %add3A_1351 = arith.constant 1 : i32
        %add3A_1352 = arith.addi %scan3A_1294, %add3A_1351 : i32
        %mul3A_1353 = arith.constant 100352 : i32
        %mul3A_1354 = arith.muli %arg1, %mul3A_1353 : i32
        %mul3A_1355 = arith.constant 512 : i32
        %mul3A_1356 = arith.muli %add3A_1352, %mul3A_1355 : i32
        %add3A_1357 = arith.addi %mul3A_1354, %mul3A_1356 : i32
        %dma_wait3A_1358 = arith.constant 0 : i32
        %dma_wait3A_1359 = tpu.memref_slice %arg15[%sub3A_1296, %dma_wait3A_1358] : memref<2x512xi32, #tpu.memory_space<vmem>> -> memref<1x512xi32, #tpu.memory_space<vmem>>
        %dma_wait3A_1360 = tpu.memref_squeeze %dma_wait3A_1359 : memref<1x512xi32, #tpu.memory_space<vmem>> -> memref<512xi32, #tpu.memory_space<vmem>>
        %dma_wait3A_1361 = tpu.memref_slice %arg4[%add3A_1357] : memref<1605632xi32, #tpu.memory_space<hbm>> -> memref<512xi32, #tpu.memory_space<hbm>>
        %dma_wait3A_1362 = tpu.memref_slice %arg22[%sub3A_1296] : memref<2x!tpu.dma_semaphore, #tpu.memory_space<semaphore_mem>> -> memref<1x!tpu.dma_semaphore, #tpu.memory_space<semaphore_mem>>
        %dma_wait3A_1363 = tpu.memref_squeeze %dma_wait3A_1362 : memref<1x!tpu.dma_semaphore, #tpu.memory_space<semaphore_mem>> -> memref<!tpu.dma_semaphore, #tpu.memory_space<semaphore_mem>>
        %dma_wait3A_1364 = arith.constant 0 : i32
        %dma_wait3A_1365 = tpu.memref_slice %arg15[%sub3A_1296, %dma_wait3A_1364] : memref<2x512xi32, #tpu.memory_space<vmem>> -> memref<1x512xi32, #tpu.memory_space<vmem>>
        %dma_wait3A_1366 = tpu.memref_squeeze %dma_wait3A_1365 : memref<1x512xi32, #tpu.memory_space<vmem>> -> memref<512xi32, #tpu.memory_space<vmem>>
        %dma_wait3A_1367 = tpu.memref_slice %arg4[%add3A_1357] : memref<1605632xi32, #tpu.memory_space<hbm>> -> memref<512xi32, #tpu.memory_space<hbm>>
        tpu.wait_dma2 semaphore(%dma_wait3A_1363 : memref<!tpu.dma_semaphore, #tpu.memory_space<semaphore_mem>>) src(%dma_wait3A_1367 : memref<512xi32, #tpu.memory_space<hbm>>) dst(%dma_wait3A_1366 : memref<512xi32, #tpu.memory_space<vmem>>)
        %dma_wait3A_1368 = arith.constant 0 : i32
        %dma_wait3A_1369 = tpu.memref_slice %arg17[%sub3A_1296, %dma_wait3A_1368] : memref<2x512xf32, #tpu.memory_space<vmem>> -> memref<1x512xf32, #tpu.memory_space<vmem>>
        %dma_wait3A_1370 = tpu.memref_squeeze %dma_wait3A_1369 : memref<1x512xf32, #tpu.memory_space<vmem>> -> memref<512xf32, #tpu.memory_space<vmem>>
        %dma_wait3A_1371 = tpu.memref_slice %arg6[%add3A_1357] : memref<1605632xf32, #tpu.memory_space<hbm>> -> memref<512xf32, #tpu.memory_space<hbm>>
        %dma_wait3A_1372 = tpu.memref_slice %arg22[%sub3A_1296] : memref<2x!tpu.dma_semaphore, #tpu.memory_space<semaphore_mem>> -> memref<1x!tpu.dma_semaphore, #tpu.memory_space<semaphore_mem>>
        %dma_wait3A_1373 = tpu.memref_squeeze %dma_wait3A_1372 : memref<1x!tpu.dma_semaphore, #tpu.memory_space<semaphore_mem>> -> memref<!tpu.dma_semaphore, #tpu.memory_space<semaphore_mem>>
        %dma_wait3A_1374 = arith.constant 0 : i32
        %dma_wait3A_1375 = tpu.memref_slice %arg17[%sub3A_1296, %dma_wait3A_1374] : memref<2x512xf32, #tpu.memory_space<vmem>> -> memref<1x512xf32, #tpu.memory_space<vmem>>
        %dma_wait3A_1376 = tpu.memref_squeeze %dma_wait3A_1375 : memref<1x512xf32, #tpu.memory_space<vmem>> -> memref<512xf32, #tpu.memory_space<vmem>>
        %dma_wait3A_1377 = tpu.memref_slice %arg6[%add3A_1357] : memref<1605632xf32, #tpu.memory_space<hbm>> -> memref<512xf32, #tpu.memory_space<hbm>>
        tpu.wait_dma2 semaphore(%dma_wait3A_1373 : memref<!tpu.dma_semaphore, #tpu.memory_space<semaphore_mem>>) src(%dma_wait3A_1377 : memref<512xf32, #tpu.memory_space<hbm>>) dst(%dma_wait3A_1376 : memref<512xf32, #tpu.memory_space<vmem>>)
        %dma_wait3A_1378 = arith.constant 0 : i32
        %dma_wait3A_1379 = tpu.memref_slice %arg16[%rem3A_1301, %dma_wait3A_1378] : memref<3x512xi32, #tpu.memory_space<vmem>> -> memref<1x512xi32, #tpu.memory_space<vmem>>
        %dma_wait3A_1380 = tpu.memref_squeeze %dma_wait3A_1379 : memref<1x512xi32, #tpu.memory_space<vmem>> -> memref<512xi32, #tpu.memory_space<vmem>>
        %dma_wait3A_1381 = tpu.memref_slice %arg5[%add3A_1357] : memref<1605632xi32, #tpu.memory_space<hbm>> -> memref<512xi32, #tpu.memory_space<hbm>>
        %dma_wait3A_1382 = tpu.memref_slice %arg23[%rem3A_1301] : memref<3x!tpu.dma_semaphore, #tpu.memory_space<semaphore_mem>> -> memref<1x!tpu.dma_semaphore, #tpu.memory_space<semaphore_mem>>
        %dma_wait3A_1383 = tpu.memref_squeeze %dma_wait3A_1382 : memref<1x!tpu.dma_semaphore, #tpu.memory_space<semaphore_mem>> -> memref<!tpu.dma_semaphore, #tpu.memory_space<semaphore_mem>>
        %dma_wait3A_1384 = arith.constant 0 : i32
        %dma_wait3A_1385 = tpu.memref_slice %arg16[%rem3A_1301, %dma_wait3A_1384] : memref<3x512xi32, #tpu.memory_space<vmem>> -> memref<1x512xi32, #tpu.memory_space<vmem>>
        %dma_wait3A_1386 = tpu.memref_squeeze %dma_wait3A_1385 : memref<1x512xi32, #tpu.memory_space<vmem>> -> memref<512xi32, #tpu.memory_space<vmem>>
        %dma_wait3A_1387 = tpu.memref_slice %arg5[%add3A_1357] : memref<1605632xi32, #tpu.memory_space<hbm>> -> memref<512xi32, #tpu.memory_space<hbm>>
        tpu.wait_dma2 semaphore(%dma_wait3A_1383 : memref<!tpu.dma_semaphore, #tpu.memory_space<semaphore_mem>>) src(%dma_wait3A_1387 : memref<512xi32, #tpu.memory_space<hbm>>) dst(%dma_wait3A_1386 : memref<512xi32, #tpu.memory_space<vmem>>)
        %eq3A_1388 = arith.constant 0 : i32
        %eq3A_1389 = arith.cmpi eq, %arg0, %eq3A_1388 : i32
        %convert_element_type3A_1390 = arith.extui %eq3A_1389 : i1 to i32
        %cond3A_1391 = arith.constant 0 : i32
        %cond3A_1392 = arith.cmpi ne, %convert_element_type3A_1390, %cond3A_1391 : i32
        scf.if %cond3A_1392 {
          %mul3A_1398 = arith.constant 512 : i32
          %mul3A_1399 = arith.muli %sub3A_1296, %mul3A_1398 : i32
          %dma_start3A_1400 = arith.constant 0 : i32
          %dma_start3A_1401 = tpu.memref_slice %arg18[%mul3A_1399, %dma_start3A_1400] : memref<1024x16xf32, #tpu.memory_space<vmem>> -> memref<512x16xf32, #tpu.memory_space<vmem>>
          %dma_start3A_1402 = arith.constant 0 : i32
          %dma_start3A_1403 = tpu.memref_slice %arg15[%sub3A_1296, %dma_start3A_1402] : memref<2x512xi32, #tpu.memory_space<vmem>> -> memref<1x512xi32, #tpu.memory_space<vmem>>
          %dma_start3A_1404 = tpu.memref_squeeze %dma_start3A_1403 : memref<1x512xi32, #tpu.memory_space<vmem>> -> memref<512xi32, #tpu.memory_space<vmem>>
          %dma_start3A_1405 = arith.constant 0 : i32
          %dma_start3A_1406 = arith.constant 0 : i32
          %dma_start3A_1407 = tpu.memref_slice %arg11[%dma_start3A_1405, %dma_start3A_1406] : memref<100352x16xf32, #tpu.memory_space<hbm>> -> memref<100352x16xf32, #tpu.memory_space<hbm>>
          %dma_start3A_1408 = tpu.memref_slice %arg24[%sub3A_1296] : memref<2x!tpu.dma_semaphore, #tpu.memory_space<semaphore_mem>> -> memref<1x!tpu.dma_semaphore, #tpu.memory_space<semaphore_mem>>
          %dma_start3A_1409 = tpu.memref_squeeze %dma_start3A_1408 : memref<1x!tpu.dma_semaphore, #tpu.memory_space<semaphore_mem>> -> memref<!tpu.dma_semaphore, #tpu.memory_space<semaphore_mem>>
          tpu.enqueue_indirect_dma source(%dma_start3A_1407 : memref<100352x16xf32, #tpu.memory_space<hbm>>) target(%dma_start3A_1401 : memref<512x16xf32, #tpu.memory_space<vmem>>) offsets(%dma_start3A_1404 : memref<512xi32, #tpu.memory_space<vmem>>) semaphore(%dma_start3A_1409 : memref<!tpu.dma_semaphore, #tpu.memory_space<semaphore_mem>>)
        } else {
        }
        %eq3A_1393 = arith.constant 1 : i32
        %eq3A_1394 = arith.cmpi eq, %arg0, %eq3A_1393 : i32
        %convert_element_type3A_1395 = arith.extui %eq3A_1394 : i1 to i32
        %cond3A_1396 = arith.constant 0 : i32
        %cond3A_1397 = arith.cmpi ne, %convert_element_type3A_1395, %cond3A_1396 : i32
        scf.if %cond3A_1397 {
          %mul3A_1398 = arith.constant 512 : i32
          %mul3A_1399 = arith.muli %sub3A_1296, %mul3A_1398 : i32
          %dma_start3A_1400 = arith.constant 0 : i32
          %dma_start3A_1401 = tpu.memref_slice %arg18[%mul3A_1399, %dma_start3A_1400] : memref<1024x16xf32, #tpu.memory_space<vmem>> -> memref<512x16xf32, #tpu.memory_space<vmem>>
          %dma_start3A_1402 = arith.constant 0 : i32
          %dma_start3A_1403 = tpu.memref_slice %arg15[%sub3A_1296, %dma_start3A_1402] : memref<2x512xi32, #tpu.memory_space<vmem>> -> memref<1x512xi32, #tpu.memory_space<vmem>>
          %dma_start3A_1404 = tpu.memref_squeeze %dma_start3A_1403 : memref<1x512xi32, #tpu.memory_space<vmem>> -> memref<512xi32, #tpu.memory_space<vmem>>
          %dma_start3A_1405 = arith.constant 0 : i32
          %dma_start3A_1406 = arith.constant 0 : i32
          %dma_start3A_1407 = tpu.memref_slice %arg12[%dma_start3A_1405, %dma_start3A_1406] : memref<100352x16xf32, #tpu.memory_space<hbm>> -> memref<100352x16xf32, #tpu.memory_space<hbm>>
          %dma_start3A_1408 = tpu.memref_slice %arg24[%sub3A_1296] : memref<2x!tpu.dma_semaphore, #tpu.memory_space<semaphore_mem>> -> memref<1x!tpu.dma_semaphore, #tpu.memory_space<semaphore_mem>>
          %dma_start3A_1409 = tpu.memref_squeeze %dma_start3A_1408 : memref<1x!tpu.dma_semaphore, #tpu.memory_space<semaphore_mem>> -> memref<!tpu.dma_semaphore, #tpu.memory_space<semaphore_mem>>
          tpu.enqueue_indirect_dma source(%dma_start3A_1407 : memref<100352x16xf32, #tpu.memory_space<hbm>>) target(%dma_start3A_1401 : memref<512x16xf32, #tpu.memory_space<vmem>>) offsets(%dma_start3A_1404 : memref<512xi32, #tpu.memory_space<vmem>>) semaphore(%dma_start3A_1409 : memref<!tpu.dma_semaphore, #tpu.memory_space<semaphore_mem>>)
        } else {
        }
      } else {
      }
      %mul3A_1316 = arith.constant 512 : i32
      %mul3A_1317 = arith.muli %and3A_1295, %mul3A_1316 : i32
      %dma_wait3A_1318 = arith.constant 0 : i32
      %dma_wait3A_1319 = tpu.memref_slice %arg18[%mul3A_1317, %dma_wait3A_1318] : memref<1024x16xf32, #tpu.memory_space<vmem>> -> memref<512x16xf32, #tpu.memory_space<vmem>>
      %dma_wait3A_1320 = arith.constant 0 : i32
      %dma_wait3A_1321 = tpu.memref_slice %arg15[%and3A_1295, %dma_wait3A_1320] : memref<2x512xi32, #tpu.memory_space<vmem>> -> memref<1x512xi32, #tpu.memory_space<vmem>>
      %dma_wait3A_1322 = tpu.memref_squeeze %dma_wait3A_1321 : memref<1x512xi32, #tpu.memory_space<vmem>> -> memref<512xi32, #tpu.memory_space<vmem>>
      %dma_wait3A_1323 = arith.constant 0 : i32
      %dma_wait3A_1324 = arith.constant 0 : i32
      %dma_wait3A_1325 = tpu.memref_slice %arg11[%dma_wait3A_1323, %dma_wait3A_1324] : memref<100352x16xf32, #tpu.memory_space<hbm>> -> memref<100352x16xf32, #tpu.memory_space<hbm>>
      %dma_wait3A_1326 = tpu.memref_slice %arg24[%and3A_1295] : memref<2x!tpu.dma_semaphore, #tpu.memory_space<semaphore_mem>> -> memref<1x!tpu.dma_semaphore, #tpu.memory_space<semaphore_mem>>
      %dma_wait3A_1327 = tpu.memref_squeeze %dma_wait3A_1326 : memref<1x!tpu.dma_semaphore, #tpu.memory_space<semaphore_mem>> -> memref<!tpu.dma_semaphore, #tpu.memory_space<semaphore_mem>>
      tpu.wait_indirect_dma semaphore(%dma_wait3A_1327 : memref<!tpu.dma_semaphore, #tpu.memory_space<semaphore_mem>>) src(%dma_wait3A_1325 : memref<100352x16xf32, #tpu.memory_space<hbm>>) dst(%dma_wait3A_1319 : memref<512x16xf32, #tpu.memory_space<vmem>>)
      %mul3A_1328 = arith.constant 512 : i32
      %mul3A_1329 = arith.muli %and3A_1295, %mul3A_1328 : i32
      %parallel_loop3A = arith.constant 0 : i32
      %parallel_loop3A_1330 = arith.constant 32 : i32
      %parallel_loop3A_1331 = arith.constant 1 : i32
      scf.for %parallel_loop3A_1351 = %parallel_loop3A to %parallel_loop3A_1330 step %parallel_loop3A_1331  : i32 {
        %parallel_loop3A_1352 = arith.constant 16 : i32
        %parallel_loop3A_1353 = arith.muli %parallel_loop3A_1351, %parallel_loop3A_1352 : i32
        %parallel_loop3A_1354 = arith.index_cast %and3A_1295 : i32 to index
        %parallel_loop3A_1355 = arith.index_cast %parallel_loop3A_1353 : i32 to index
        %parallel_loop3A_1356 = tpu.vector_load %arg17[%parallel_loop3A_1354, %parallel_loop3A_1355] {strides = array<i32>} : memref<2x512xf32, #tpu.memory_space<vmem>>, vector<1x16xf32>,
        %parallel_loop3A_1357 = vector.shape_cast %parallel_loop3A_1356 : vector<1x16xf32> to vector<16xf32>
        %parallel_loop3A_1358 = arith.constant 16 : i32
        %parallel_loop3A_1359 = arith.muli %parallel_loop3A_1351, %parallel_loop3A_1358 : i32
        %parallel_loop3A_1360 = arith.addi %mul3A_1329, %parallel_loop3A_1359 : i32
        %parallel_loop3A_1361 = arith.constant 0 : i32
        %parallel_loop3A_1362 = arith.addi %parallel_loop3A_1360, %parallel_loop3A_1361 : i32
        %parallel_loop3A_1363 = arith.index_cast %parallel_loop3A_1362 : i32 to index
        %parallel_loop3A_1364 = arith.constant 0 : index
        %parallel_loop3A_1365 = tpu.vector_load %arg18[%parallel_loop3A_1363, %parallel_loop3A_1364] {strides = array<i32>} : memref<1024x16xf32, #tpu.memory_space<vmem>>, vector<1x16xf32>,
        %parallel_loop3A_1366 = vector.shape_cast %parallel_loop3A_1365 : vector<1x16xf32> to vector<16xf32>
        %parallel_loop3A_1367 = vector.extract_strided_slice %parallel_loop3A_1357 {offsets = [0], sizes = [1], strides = [1]} : vector<16xf32> to vector<1xf32>
        %parallel_loop3A_1368 = vector.extract %parallel_loop3A_1367[0] : f32 from vector<1xf32>
        %parallel_loop3A_1369 = vector.broadcast %parallel_loop3A_1368 : f32 to vector<16xf32>
        %parallel_loop3A_1370 = arith.mulf %parallel_loop3A_1366, %parallel_loop3A_1369 : vector<16xf32>
        %parallel_loop3A_1371 = arith.index_cast %parallel_loop3A_1362 : i32 to index
        %parallel_loop3A_1372 = arith.constant 0 : index
        %parallel_loop3A_1373 = tpu.vector_load %arg18[%parallel_loop3A_1371, %parallel_loop3A_1372] {strides = array<i32>} : memref<1024x16xf32, #tpu.memory_space<vmem>>, vector<1x16xf32>,
        %parallel_loop3A_1374 = vector.shape_cast %parallel_loop3A_1373 : vector<1x16xf32> to vector<16xf32>
        %parallel_loop3A_1375 = vector.shape_cast %parallel_loop3A_1370 : vector<16xf32> to vector<1x16xf32>
        tpu.vector_store %arg18[%parallel_loop3A_1371, %parallel_loop3A_1372], %parallel_loop3A_1375 {strides = array<i32>} : memref<1024x16xf32, #tpu.memory_space<vmem>>, vector<1x16xf32>,
        %parallel_loop3A_1376 = arith.constant 16 : i32
        %parallel_loop3A_1377 = arith.muli %parallel_loop3A_1351, %parallel_loop3A_1376 : i32
        %parallel_loop3A_1378 = arith.addi %mul3A_1329, %parallel_loop3A_1377 : i32
        %parallel_loop3A_1379 = arith.constant 1 : i32
        %parallel_loop3A_1380 = arith.addi %parallel_loop3A_1378, %parallel_loop3A_1379 : i32
        %parallel_loop3A_1381 = arith.index_cast %parallel_loop3A_1380 : i32 to index
        %parallel_loop3A_1382 = arith.constant 0 : index
        %parallel_loop3A_1383 = tpu.vector_load %arg18[%parallel_loop3A_1381, %parallel_loop3A_1382] {strides = array<i32>} : memref<1024x16xf32, #tpu.memory_space<vmem>>, vector<1x16xf32>,
        %parallel_loop3A_1384 = vector.shape_cast %parallel_loop3A_1383 : vector<1x16xf32> to vector<16xf32>
        %parallel_loop3A_1385 = vector.extract_strided_slice %parallel_loop3A_1357 {offsets = [1], sizes = [1], strides = [1]} : vector<16xf32> to vector<1xf32>
        %parallel_loop3A_1386 = vector.extract %parallel_loop3A_1385[0] : f32 from vector<1xf32>
        %parallel_loop3A_1387 = vector.broadcast %parallel_loop3A_1386 : f32 to vector<16xf32>
        %parallel_loop3A_1388 = arith.mulf %parallel_loop3A_1384, %parallel_loop3A_1387 : vector<16xf32>
        %parallel_loop3A_1389 = arith.index_cast %parallel_loop3A_1380 : i32 to index
        %parallel_loop3A_1390 = arith.constant 0 : index
        %parallel_loop3A_1391 = tpu.vector_load %arg18[%parallel_loop3A_1389, %parallel_loop3A_1390] {strides = array<i32>} : memref<1024x16xf32, #tpu.memory_space<vmem>>, vector<1x16xf32>,
        %parallel_loop3A_1392 = vector.shape_cast %parallel_loop3A_1391 : vector<1x16xf32> to vector<16xf32>
        %parallel_loop3A_1393 = vector.shape_cast %parallel_loop3A_1388 : vector<16xf32> to vector<1x16xf32>
        tpu.vector_store %arg18[%parallel_loop3A_1389, %parallel_loop3A_1390], %parallel_loop3A_1393 {strides = array<i32>} : memref<1024x16xf32, #tpu.memory_space<vmem>>, vector<1x16xf32>,
        %parallel_loop3A_1394 = arith.constant 16 : i32
        %parallel_loop3A_1395 = arith.muli %parallel_loop3A_1351, %parallel_loop3A_1394 : i32
        %parallel_loop3A_1396 = arith.addi %mul3A_1329, %parallel_loop3A_1395 : i32
        %parallel_loop3A_1397 = arith.constant 2 : i32
        %parallel_loop3A_1398 = arith.addi %parallel_loop3A_1396, %parallel_loop3A_1397 : i32
        %parallel_loop3A_1399 = arith.index_cast %parallel_loop3A_1398 : i32 to index
        %parallel_loop3A_1400 = arith.constant 0 : index
        %parallel_loop3A_1401 = tpu.vector_load %arg18[%parallel_loop3A_1399, %parallel_loop3A_1400] {strides = array<i32>} : memref<1024x16xf32, #tpu.memory_space<vmem>>, vector<1x16xf32>,
        %parallel_loop3A_1402 = vector.shape_cast %parallel_loop3A_1401 : vector<1x16xf32> to vector<16xf32>
        %parallel_loop3A_1403 = vector.extract_strided_slice %parallel_loop3A_1357 {offsets = [2], sizes = [1], strides = [1]} : vector<16xf32> to vector<1xf32>
        %parallel_loop3A_1404 = vector.extract %parallel_loop3A_1403[0] : f32 from vector<1xf32>
        %parallel_loop3A_1405 = vector.broadcast %parallel_loop3A_1404 : f32 to vector<16xf32>
        %parallel_loop3A_1406 = arith.mulf %parallel_loop3A_1402, %parallel_loop3A_1405 : vector<16xf32>
        %parallel_loop3A_1407 = arith.index_cast %parallel_loop3A_1398 : i32 to index
        %parallel_loop3A_1408 = arith.constant 0 : index
        %parallel_loop3A_1409 = tpu.vector_load %arg18[%parallel_loop3A_1407, %parallel_loop3A_1408] {strides = array<i32>} : memref<1024x16xf32, #tpu.memory_space<vmem>>, vector<1x16xf32>,
        %parallel_loop3A_1410 = vector.shape_cast %parallel_loop3A_1409 : vector<1x16xf32> to vector<16xf32>
        %parallel_loop3A_1411 = vector.shape_cast %parallel_loop3A_1406 : vector<16xf32> to vector<1x16xf32>
        tpu.vector_store %arg18[%parallel_loop3A_1407, %parallel_loop3A_1408], %parallel_loop3A_1411 {strides = array<i32>} : memref<1024x16xf32, #tpu.memory_space<vmem>>, vector<1x16xf32>,
        %parallel_loop3A_1412 = arith.constant 16 : i32
        %parallel_loop3A_1413 = arith.muli %parallel_loop3A_1351, %parallel_loop3A_1412 : i32
        %parallel_loop3A_1414 = arith.addi %mul3A_1329, %parallel_loop3A_1413 : i32
        %parallel_loop3A_1415 = arith.constant 3 : i32
        %parallel_loop3A_1416 = arith.addi %parallel_loop3A_1414, %parallel_loop3A_1415 : i32
        %parallel_loop3A_1417 = arith.index_cast %parallel_loop3A_1416 : i32 to index
        %parallel_loop3A_1418 = arith.constant 0 : index
        %parallel_loop3A_1419 = tpu.vector_load %arg18[%parallel_loop3A_1417, %parallel_loop3A_1418] {strides = array<i32>} : memref<1024x16xf32, #tpu.memory_space<vmem>>, vector<1x16xf32>,
        %parallel_loop3A_1420 = vector.shape_cast %parallel_loop3A_1419 : vector<1x16xf32> to vector<16xf32>
        %parallel_loop3A_1421 = vector.extract_strided_slice %parallel_loop3A_1357 {offsets = [3], sizes = [1], strides = [1]} : vector<16xf32> to vector<1xf32>
        %parallel_loop3A_1422 = vector.extract %parallel_loop3A_1421[0] : f32 from vector<1xf32>
        %parallel_loop3A_1423 = vector.broadcast %parallel_loop3A_1422 : f32 to vector<16xf32>
        %parallel_loop3A_1424 = arith.mulf %parallel_loop3A_1420, %parallel_loop3A_1423 : vector<16xf32>
        %parallel_loop3A_1425 = arith.index_cast %parallel_loop3A_1416 : i32 to index
        %parallel_loop3A_1426 = arith.constant 0 : index
        %parallel_loop3A_1427 = tpu.vector_load %arg18[%parallel_loop3A_1425, %parallel_loop3A_1426] {strides = array<i32>} : memref<1024x16xf32, #tpu.memory_space<vmem>>, vector<1x16xf32>,
        %parallel_loop3A_1428 = vector.shape_cast %parallel_loop3A_1427 : vector<1x16xf32> to vector<16xf32>
        %parallel_loop3A_1429 = vector.shape_cast %parallel_loop3A_1424 : vector<16xf32> to vector<1x16xf32>
        tpu.vector_store %arg18[%parallel_loop3A_1425, %parallel_loop3A_1426], %parallel_loop3A_1429 {strides = array<i32>} : memref<1024x16xf32, #tpu.memory_space<vmem>>, vector<1x16xf32>,
        %parallel_loop3A_1430 = arith.constant 16 : i32
        %parallel_loop3A_1431 = arith.muli %parallel_loop3A_1351, %parallel_loop3A_1430 : i32
        %parallel_loop3A_1432 = arith.addi %mul3A_1329, %parallel_loop3A_1431 : i32
        %parallel_loop3A_1433 = arith.constant 4 : i32
        %parallel_loop3A_1434 = arith.addi %parallel_loop3A_1432, %parallel_loop3A_1433 : i32
        %parallel_loop3A_1435 = arith.index_cast %parallel_loop3A_1434 : i32 to index
        %parallel_loop3A_1436 = arith.constant 0 : index
        %parallel_loop3A_1437 = tpu.vector_load %arg18[%parallel_loop3A_1435, %parallel_loop3A_1436] {strides = array<i32>} : memref<1024x16xf32, #tpu.memory_space<vmem>>, vector<1x16xf32>,
        %parallel_loop3A_1438 = vector.shape_cast %parallel_loop3A_1437 : vector<1x16xf32> to vector<16xf32>
        %parallel_loop3A_1439 = vector.extract_strided_slice %parallel_loop3A_1357 {offsets = [4], sizes = [1], strides = [1]} : vector<16xf32> to vector<1xf32>
        %parallel_loop3A_1440 = vector.extract %parallel_loop3A_1439[0] : f32 from vector<1xf32>
        %parallel_loop3A_1441 = vector.broadcast %parallel_loop3A_1440 : f32 to vector<16xf32>
        %parallel_loop3A_1442 = arith.mulf %parallel_loop3A_1438, %parallel_loop3A_1441 : vector<16xf32>
        %parallel_loop3A_1443 = arith.index_cast %parallel_loop3A_1434 : i32 to index
        %parallel_loop3A_1444 = arith.constant 0 : index
        %parallel_loop3A_1445 = tpu.vector_load %arg18[%parallel_loop3A_1443, %parallel_loop3A_1444] {strides = array<i32>} : memref<1024x16xf32, #tpu.memory_space<vmem>>, vector<1x16xf32>,
        %parallel_loop3A_1446 = vector.shape_cast %parallel_loop3A_1445 : vector<1x16xf32> to vector<16xf32>
        %parallel_loop3A_1447 = vector.shape_cast %parallel_loop3A_1442 : vector<16xf32> to vector<1x16xf32>
        tpu.vector_store %arg18[%parallel_loop3A_1443, %parallel_loop3A_1444], %parallel_loop3A_1447 {strides = array<i32>} : memref<1024x16xf32, #tpu.memory_space<vmem>>, vector<1x16xf32>,
        %parallel_loop3A_1448 = arith.constant 16 : i32
        %parallel_loop3A_1449 = arith.muli %parallel_loop3A_1351, %parallel_loop3A_1448 : i32
        %parallel_loop3A_1450 = arith.addi %mul3A_1329, %parallel_loop3A_1449 : i32
        %parallel_loop3A_1451 = arith.constant 5 : i32
        %parallel_loop3A_1452 = arith.addi %parallel_loop3A_1450, %parallel_loop3A_1451 : i32
        %parallel_loop3A_1453 = arith.index_cast %parallel_loop3A_1452 : i32 to index
        %parallel_loop3A_1454 = arith.constant 0 : index
        %parallel_loop3A_1455 = tpu.vector_load %arg18[%parallel_loop3A_1453, %parallel_loop3A_1454] {strides = array<i32>} : memref<1024x16xf32, #tpu.memory_space<vmem>>, vector<1x16xf32>,
        %parallel_loop3A_1456 = vector.shape_cast %parallel_loop3A_1455 : vector<1x16xf32> to vector<16xf32>
        %parallel_loop3A_1457 = vector.extract_strided_slice %parallel_loop3A_1357 {offsets = [5], sizes = [1], strides = [1]} : vector<16xf32> to vector<1xf32>
        %parallel_loop3A_1458 = vector.extract %parallel_loop3A_1457[0] : f32 from vector<1xf32>
        %parallel_loop3A_1459 = vector.broadcast %parallel_loop3A_1458 : f32 to vector<16xf32>
        %parallel_loop3A_1460 = arith.mulf %parallel_loop3A_1456, %parallel_loop3A_1459 : vector<16xf32>
        %parallel_loop3A_1461 = arith.index_cast %parallel_loop3A_1452 : i32 to index
        %parallel_loop3A_1462 = arith.constant 0 : index
        %parallel_loop3A_1463 = tpu.vector_load %arg18[%parallel_loop3A_1461, %parallel_loop3A_1462] {strides = array<i32>} : memref<1024x16xf32, #tpu.memory_space<vmem>>, vector<1x16xf32>,
        %parallel_loop3A_1464 = vector.shape_cast %parallel_loop3A_1463 : vector<1x16xf32> to vector<16xf32>
        %parallel_loop3A_1465 = vector.shape_cast %parallel_loop3A_1460 : vector<16xf32> to vector<1x16xf32>
        tpu.vector_store %arg18[%parallel_loop3A_1461, %parallel_loop3A_1462], %parallel_loop3A_1465 {strides = array<i32>} : memref<1024x16xf32, #tpu.memory_space<vmem>>, vector<1x16xf32>,
        %parallel_loop3A_1466 = arith.constant 16 : i32
        %parallel_loop3A_1467 = arith.muli %parallel_loop3A_1351, %parallel_loop3A_1466 : i32
        %parallel_loop3A_1468 = arith.addi %mul3A_1329, %parallel_loop3A_1467 : i32
        %parallel_loop3A_1469 = arith.constant 6 : i32
        %parallel_loop3A_1470 = arith.addi %parallel_loop3A_1468, %parallel_loop3A_1469 : i32
        %parallel_loop3A_1471 = arith.index_cast %parallel_loop3A_1470 : i32 to index
        %parallel_loop3A_1472 = arith.constant 0 : index
        %parallel_loop3A_1473 = tpu.vector_load %arg18[%parallel_loop3A_1471, %parallel_loop3A_1472] {strides = array<i32>} : memref<1024x16xf32, #tpu.memory_space<vmem>>, vector<1x16xf32>,
        %parallel_loop3A_1474 = vector.shape_cast %parallel_loop3A_1473 : vector<1x16xf32> to vector<16xf32>
        %parallel_loop3A_1475 = vector.extract_strided_slice %parallel_loop3A_1357 {offsets = [6], sizes = [1], strides = [1]} : vector<16xf32> to vector<1xf32>
        %parallel_loop3A_1476 = vector.extract %parallel_loop3A_1475[0] : f32 from vector<1xf32>
        %parallel_loop3A_1477 = vector.broadcast %parallel_loop3A_1476 : f32 to vector<16xf32>
        %parallel_loop3A_1478 = arith.mulf %parallel_loop3A_1474, %parallel_loop3A_1477 : vector<16xf32>
        %parallel_loop3A_1479 = arith.index_cast %parallel_loop3A_1470 : i32 to index
        %parallel_loop3A_1480 = arith.constant 0 : index
        %parallel_loop3A_1481 = tpu.vector_load %arg18[%parallel_loop3A_1479, %parallel_loop3A_1480] {strides = array<i32>} : memref<1024x16xf32, #tpu.memory_space<vmem>>, vector<1x16xf32>,
        %parallel_loop3A_1482 = vector.shape_cast %parallel_loop3A_1481 : vector<1x16xf32> to vector<16xf32>
        %parallel_loop3A_1483 = vector.shape_cast %parallel_loop3A_1478 : vector<16xf32> to vector<1x16xf32>
        tpu.vector_store %arg18[%parallel_loop3A_1479, %parallel_loop3A_1480], %parallel_loop3A_1483 {strides = array<i32>} : memref<1024x16xf32, #tpu.memory_space<vmem>>, vector<1x16xf32>,
        %parallel_loop3A_1484 = arith.constant 16 : i32
        %parallel_loop3A_1485 = arith.muli %parallel_loop3A_1351, %parallel_loop3A_1484 : i32
        %parallel_loop3A_1486 = arith.addi %mul3A_1329, %parallel_loop3A_1485 : i32
        %parallel_loop3A_1487 = arith.constant 7 : i32
        %parallel_loop3A_1488 = arith.addi %parallel_loop3A_1486, %parallel_loop3A_1487 : i32
        %parallel_loop3A_1489 = arith.index_cast %parallel_loop3A_1488 : i32 to index
        %parallel_loop3A_1490 = arith.constant 0 : index
        %parallel_loop3A_1491 = tpu.vector_load %arg18[%parallel_loop3A_1489, %parallel_loop3A_1490] {strides = array<i32>} : memref<1024x16xf32, #tpu.memory_space<vmem>>, vector<1x16xf32>,
        %parallel_loop3A_1492 = vector.shape_cast %parallel_loop3A_1491 : vector<1x16xf32> to vector<16xf32>
        %parallel_loop3A_1493 = vector.extract_strided_slice %parallel_loop3A_1357 {offsets = [7], sizes = [1], strides = [1]} : vector<16xf32> to vector<1xf32>
        %parallel_loop3A_1494 = vector.extract %parallel_loop3A_1493[0] : f32 from vector<1xf32>
        %parallel_loop3A_1495 = vector.broadcast %parallel_loop3A_1494 : f32 to vector<16xf32>
        %parallel_loop3A_1496 = arith.mulf %parallel_loop3A_1492, %parallel_loop3A_1495 : vector<16xf32>
        %parallel_loop3A_1497 = arith.index_cast %parallel_loop3A_1488 : i32 to index
        %parallel_loop3A_1498 = arith.constant 0 : index
        %parallel_loop3A_1499 = tpu.vector_load %arg18[%parallel_loop3A_1497, %parallel_loop3A_1498] {strides = array<i32>} : memref<1024x16xf32, #tpu.memory_space<vmem>>, vector<1x16xf32>,
        %parallel_loop3A_1500 = vector.shape_cast %parallel_loop3A_1499 : vector<1x16xf32> to vector<16xf32>
        %parallel_loop3A_1501 = vector.shape_cast %parallel_loop3A_1496 : vector<16xf32> to vector<1x16xf32>
        tpu.vector_store %arg18[%parallel_loop3A_1497, %parallel_loop3A_1498], %parallel_loop3A_1501 {strides = array<i32>} : memref<1024x16xf32, #tpu.memory_space<vmem>>, vector<1x16xf32>,
        %parallel_loop3A_1502 = arith.constant 16 : i32
        %parallel_loop3A_1503 = arith.muli %parallel_loop3A_1351, %parallel_loop3A_1502 : i32
        %parallel_loop3A_1504 = arith.addi %mul3A_1329, %parallel_loop3A_1503 : i32
        %parallel_loop3A_1505 = arith.constant 8 : i32
        %parallel_loop3A_1506 = arith.addi %parallel_loop3A_1504, %parallel_loop3A_1505 : i32
        %parallel_loop3A_1507 = arith.index_cast %parallel_loop3A_1506 : i32 to index
        %parallel_loop3A_1508 = arith.constant 0 : index
        %parallel_loop3A_1509 = tpu.vector_load %arg18[%parallel_loop3A_1507, %parallel_loop3A_1508] {strides = array<i32>} : memref<1024x16xf32, #tpu.memory_space<vmem>>, vector<1x16xf32>,
        %parallel_loop3A_1510 = vector.shape_cast %parallel_loop3A_1509 : vector<1x16xf32> to vector<16xf32>
        %parallel_loop3A_1511 = vector.extract_strided_slice %parallel_loop3A_1357 {offsets = [8], sizes = [1], strides = [1]} : vector<16xf32> to vector<1xf32>
        %parallel_loop3A_1512 = vector.extract %parallel_loop3A_1511[0] : f32 from vector<1xf32>
        %parallel_loop3A_1513 = vector.broadcast %parallel_loop3A_1512 : f32 to vector<16xf32>
        %parallel_loop3A_1514 = arith.mulf %parallel_loop3A_1510, %parallel_loop3A_1513 : vector<16xf32>
        %parallel_loop3A_1515 = arith.index_cast %parallel_loop3A_1506 : i32 to index
        %parallel_loop3A_1516 = arith.constant 0 : index
        %parallel_loop3A_1517 = tpu.vector_load %arg18[%parallel_loop3A_1515, %parallel_loop3A_1516] {strides = array<i32>} : memref<1024x16xf32, #tpu.memory_space<vmem>>, vector<1x16xf32>,
        %parallel_loop3A_1518 = vector.shape_cast %parallel_loop3A_1517 : vector<1x16xf32> to vector<16xf32>
        %parallel_loop3A_1519 = vector.shape_cast %parallel_loop3A_1514 : vector<16xf32> to vector<1x16xf32>
        tpu.vector_store %arg18[%parallel_loop3A_1515, %parallel_loop3A_1516], %parallel_loop3A_1519 {strides = array<i32>} : memref<1024x16xf32, #tpu.memory_space<vmem>>, vector<1x16xf32>,
        %parallel_loop3A_1520 = arith.constant 16 : i32
        %parallel_loop3A_1521 = arith.muli %parallel_loop3A_1351, %parallel_loop3A_1520 : i32
        %parallel_loop3A_1522 = arith.addi %mul3A_1329, %parallel_loop3A_1521 : i32
        %parallel_loop3A_1523 = arith.constant 9 : i32
        %parallel_loop3A_1524 = arith.addi %parallel_loop3A_1522, %parallel_loop3A_1523 : i32
        %parallel_loop3A_1525 = arith.index_cast %parallel_loop3A_1524 : i32 to index
        %parallel_loop3A_1526 = arith.constant 0 : index
        %parallel_loop3A_1527 = tpu.vector_load %arg18[%parallel_loop3A_1525, %parallel_loop3A_1526] {strides = array<i32>} : memref<1024x16xf32, #tpu.memory_space<vmem>>, vector<1x16xf32>,
        %parallel_loop3A_1528 = vector.shape_cast %parallel_loop3A_1527 : vector<1x16xf32> to vector<16xf32>
        %parallel_loop3A_1529 = vector.extract_strided_slice %parallel_loop3A_1357 {offsets = [9], sizes = [1], strides = [1]} : vector<16xf32> to vector<1xf32>
        %parallel_loop3A_1530 = vector.extract %parallel_loop3A_1529[0] : f32 from vector<1xf32>
        %parallel_loop3A_1531 = vector.broadcast %parallel_loop3A_1530 : f32 to vector<16xf32>
        %parallel_loop3A_1532 = arith.mulf %parallel_loop3A_1528, %parallel_loop3A_1531 : vector<16xf32>
        %parallel_loop3A_1533 = arith.index_cast %parallel_loop3A_1524 : i32 to index
        %parallel_loop3A_1534 = arith.constant 0 : index
        %parallel_loop3A_1535 = tpu.vector_load %arg18[%parallel_loop3A_1533, %parallel_loop3A_1534] {strides = array<i32>} : memref<1024x16xf32, #tpu.memory_space<vmem>>, vector<1x16xf32>,
        %parallel_loop3A_1536 = vector.shape_cast %parallel_loop3A_1535 : vector<1x16xf32> to vector<16xf32>
        %parallel_loop3A_1537 = vector.shape_cast %parallel_loop3A_1532 : vector<16xf32> to vector<1x16xf32>
        tpu.vector_store %arg18[%parallel_loop3A_1533, %parallel_loop3A_1534], %parallel_loop3A_1537 {strides = array<i32>} : memref<1024x16xf32, #tpu.memory_space<vmem>>, vector<1x16xf32>,
        %parallel_loop3A_1538 = arith.constant 16 : i32
        %parallel_loop3A_1539 = arith.muli %parallel_loop3A_1351, %parallel_loop3A_1538 : i32
        %parallel_loop3A_1540 = arith.addi %mul3A_1329, %parallel_loop3A_1539 : i32
        %parallel_loop3A_1541 = arith.constant 10 : i32
        %parallel_loop3A_1542 = arith.addi %parallel_loop3A_1540, %parallel_loop3A_1541 : i32
        %parallel_loop3A_1543 = arith.index_cast %parallel_loop3A_1542 : i32 to index
        %parallel_loop3A_1544 = arith.constant 0 : index
        %parallel_loop3A_1545 = tpu.vector_load %arg18[%parallel_loop3A_1543, %parallel_loop3A_1544] {strides = array<i32>} : memref<1024x16xf32, #tpu.memory_space<vmem>>, vector<1x16xf32>,
        %parallel_loop3A_1546 = vector.shape_cast %parallel_loop3A_1545 : vector<1x16xf32> to vector<16xf32>
        %parallel_loop3A_1547 = vector.extract_strided_slice %parallel_loop3A_1357 {offsets = [10], sizes = [1], strides = [1]} : vector<16xf32> to vector<1xf32>
        %parallel_loop3A_1548 = vector.extract %parallel_loop3A_1547[0] : f32 from vector<1xf32>
        %parallel_loop3A_1549 = vector.broadcast %parallel_loop3A_1548 : f32 to vector<16xf32>
        %parallel_loop3A_1550 = arith.mulf %parallel_loop3A_1546, %parallel_loop3A_1549 : vector<16xf32>
        %parallel_loop3A_1551 = arith.index_cast %parallel_loop3A_1542 : i32 to index
        %parallel_loop3A_1552 = arith.constant 0 : index
        %parallel_loop3A_1553 = tpu.vector_load %arg18[%parallel_loop3A_1551, %parallel_loop3A_1552] {strides = array<i32>} : memref<1024x16xf32, #tpu.memory_space<vmem>>, vector<1x16xf32>,
        %parallel_loop3A_1554 = vector.shape_cast %parallel_loop3A_1553 : vector<1x16xf32> to vector<16xf32>
        %parallel_loop3A_1555 = vector.shape_cast %parallel_loop3A_1550 : vector<16xf32> to vector<1x16xf32>
        tpu.vector_store %arg18[%parallel_loop3A_1551, %parallel_loop3A_1552], %parallel_loop3A_1555 {strides = array<i32>} : memref<1024x16xf32, #tpu.memory_space<vmem>>, vector<1x16xf32>,
        %parallel_loop3A_1556 = arith.constant 16 : i32
        %parallel_loop3A_1557 = arith.muli %parallel_loop3A_1351, %parallel_loop3A_1556 : i32
        %parallel_loop3A_1558 = arith.addi %mul3A_1329, %parallel_loop3A_1557 : i32
        %parallel_loop3A_1559 = arith.constant 11 : i32
        %parallel_loop3A_1560 = arith.addi %parallel_loop3A_1558, %parallel_loop3A_1559 : i32
        %parallel_loop3A_1561 = arith.index_cast %parallel_loop3A_1560 : i32 to index
        %parallel_loop3A_1562 = arith.constant 0 : index
        %parallel_loop3A_1563 = tpu.vector_load %arg18[%parallel_loop3A_1561, %parallel_loop3A_1562] {strides = array<i32>} : memref<1024x16xf32, #tpu.memory_space<vmem>>, vector<1x16xf32>,
        %parallel_loop3A_1564 = vector.shape_cast %parallel_loop3A_1563 : vector<1x16xf32> to vector<16xf32>
        %parallel_loop3A_1565 = vector.extract_strided_slice %parallel_loop3A_1357 {offsets = [11], sizes = [1], strides = [1]} : vector<16xf32> to vector<1xf32>
        %parallel_loop3A_1566 = vector.extract %parallel_loop3A_1565[0] : f32 from vector<1xf32>
        %parallel_loop3A_1567 = vector.broadcast %parallel_loop3A_1566 : f32 to vector<16xf32>
        %parallel_loop3A_1568 = arith.mulf %parallel_loop3A_1564, %parallel_loop3A_1567 : vector<16xf32>
        %parallel_loop3A_1569 = arith.index_cast %parallel_loop3A_1560 : i32 to index
        %parallel_loop3A_1570 = arith.constant 0 : index
        %parallel_loop3A_1571 = tpu.vector_load %arg18[%parallel_loop3A_1569, %parallel_loop3A_1570] {strides = array<i32>} : memref<1024x16xf32, #tpu.memory_space<vmem>>, vector<1x16xf32>,
        %parallel_loop3A_1572 = vector.shape_cast %parallel_loop3A_1571 : vector<1x16xf32> to vector<16xf32>
        %parallel_loop3A_1573 = vector.shape_cast %parallel_loop3A_1568 : vector<16xf32> to vector<1x16xf32>
        tpu.vector_store %arg18[%parallel_loop3A_1569, %parallel_loop3A_1570], %parallel_loop3A_1573 {strides = array<i32>} : memref<1024x16xf32, #tpu.memory_space<vmem>>, vector<1x16xf32>,
        %parallel_loop3A_1574 = arith.constant 16 : i32
        %parallel_loop3A_1575 = arith.muli %parallel_loop3A_1351, %parallel_loop3A_1574 : i32
        %parallel_loop3A_1576 = arith.addi %mul3A_1329, %parallel_loop3A_1575 : i32
        %parallel_loop3A_1577 = arith.constant 12 : i32
        %parallel_loop3A_1578 = arith.addi %parallel_loop3A_1576, %parallel_loop3A_1577 : i32
        %parallel_loop3A_1579 = arith.index_cast %parallel_loop3A_1578 : i32 to index
        %parallel_loop3A_1580 = arith.constant 0 : index
        %parallel_loop3A_1581 = tpu.vector_load %arg18[%parallel_loop3A_1579, %parallel_loop3A_1580] {strides = array<i32>} : memref<1024x16xf32, #tpu.memory_space<vmem>>, vector<1x16xf32>,
        %parallel_loop3A_1582 = vector.shape_cast %parallel_loop3A_1581 : vector<1x16xf32> to vector<16xf32>
        %parallel_loop3A_1583 = vector.extract_strided_slice %parallel_loop3A_1357 {offsets = [12], sizes = [1], strides = [1]} : vector<16xf32> to vector<1xf32>
        %parallel_loop3A_1584 = vector.extract %parallel_loop3A_1583[0] : f32 from vector<1xf32>
        %parallel_loop3A_1585 = vector.broadcast %parallel_loop3A_1584 : f32 to vector<16xf32>
        %parallel_loop3A_1586 = arith.mulf %parallel_loop3A_1582, %parallel_loop3A_1585 : vector<16xf32>
        %parallel_loop3A_1587 = arith.index_cast %parallel_loop3A_1578 : i32 to index
        %parallel_loop3A_1588 = arith.constant 0 : index
        %parallel_loop3A_1589 = tpu.vector_load %arg18[%parallel_loop3A_1587, %parallel_loop3A_1588] {strides = array<i32>} : memref<1024x16xf32, #tpu.memory_space<vmem>>, vector<1x16xf32>,
        %parallel_loop3A_1590 = vector.shape_cast %parallel_loop3A_1589 : vector<1x16xf32> to vector<16xf32>
        %parallel_loop3A_1591 = vector.shape_cast %parallel_loop3A_1586 : vector<16xf32> to vector<1x16xf32>
        tpu.vector_store %arg18[%parallel_loop3A_1587, %parallel_loop3A_1588], %parallel_loop3A_1591 {strides = array<i32>} : memref<1024x16xf32, #tpu.memory_space<vmem>>, vector<1x16xf32>,
        %parallel_loop3A_1592 = arith.constant 16 : i32
        %parallel_loop3A_1593 = arith.muli %parallel_loop3A_1351, %parallel_loop3A_1592 : i32
        %parallel_loop3A_1594 = arith.addi %mul3A_1329, %parallel_loop3A_1593 : i32
        %parallel_loop3A_1595 = arith.constant 13 : i32
        %parallel_loop3A_1596 = arith.addi %parallel_loop3A_1594, %parallel_loop3A_1595 : i32
        %parallel_loop3A_1597 = arith.index_cast %parallel_loop3A_1596 : i32 to index
        %parallel_loop3A_1598 = arith.constant 0 : index
        %parallel_loop3A_1599 = tpu.vector_load %arg18[%parallel_loop3A_1597, %parallel_loop3A_1598] {strides = array<i32>} : memref<1024x16xf32, #tpu.memory_space<vmem>>, vector<1x16xf32>,
        %parallel_loop3A_1600 = vector.shape_cast %parallel_loop3A_1599 : vector<1x16xf32> to vector<16xf32>
        %parallel_loop3A_1601 = vector.extract_strided_slice %parallel_loop3A_1357 {offsets = [13], sizes = [1], strides = [1]} : vector<16xf32> to vector<1xf32>
        %parallel_loop3A_1602 = vector.extract %parallel_loop3A_1601[0] : f32 from vector<1xf32>
        %parallel_loop3A_1603 = vector.broadcast %parallel_loop3A_1602 : f32 to vector<16xf32>
        %parallel_loop3A_1604 = arith.mulf %parallel_loop3A_1600, %parallel_loop3A_1603 : vector<16xf32>
        %parallel_loop3A_1605 = arith.index_cast %parallel_loop3A_1596 : i32 to index
        %parallel_loop3A_1606 = arith.constant 0 : index
        %parallel_loop3A_1607 = tpu.vector_load %arg18[%parallel_loop3A_1605, %parallel_loop3A_1606] {strides = array<i32>} : memref<1024x16xf32, #tpu.memory_space<vmem>>, vector<1x16xf32>,
        %parallel_loop3A_1608 = vector.shape_cast %parallel_loop3A_1607 : vector<1x16xf32> to vector<16xf32>
        %parallel_loop3A_1609 = vector.shape_cast %parallel_loop3A_1604 : vector<16xf32> to vector<1x16xf32>
        tpu.vector_store %arg18[%parallel_loop3A_1605, %parallel_loop3A_1606], %parallel_loop3A_1609 {strides = array<i32>} : memref<1024x16xf32, #tpu.memory_space<vmem>>, vector<1x16xf32>,
        %parallel_loop3A_1610 = arith.constant 16 : i32
        %parallel_loop3A_1611 = arith.muli %parallel_loop3A_1351, %parallel_loop3A_1610 : i32
        %parallel_loop3A_1612 = arith.addi %mul3A_1329, %parallel_loop3A_1611 : i32
        %parallel_loop3A_1613 = arith.constant 14 : i32
        %parallel_loop3A_1614 = arith.addi %parallel_loop3A_1612, %parallel_loop3A_1613 : i32
        %parallel_loop3A_1615 = arith.index_cast %parallel_loop3A_1614 : i32 to index
        %parallel_loop3A_1616 = arith.constant 0 : index
        %parallel_loop3A_1617 = tpu.vector_load %arg18[%parallel_loop3A_1615, %parallel_loop3A_1616] {strides = array<i32>} : memref<1024x16xf32, #tpu.memory_space<vmem>>, vector<1x16xf32>,
        %parallel_loop3A_1618 = vector.shape_cast %parallel_loop3A_1617 : vector<1x16xf32> to vector<16xf32>
        %parallel_loop3A_1619 = vector.extract_strided_slice %parallel_loop3A_1357 {offsets = [14], sizes = [1], strides = [1]} : vector<16xf32> to vector<1xf32>
        %parallel_loop3A_1620 = vector.extract %parallel_loop3A_1619[0] : f32 from vector<1xf32>
        %parallel_loop3A_1621 = vector.broadcast %parallel_loop3A_1620 : f32 to vector<16xf32>
        %parallel_loop3A_1622 = arith.mulf %parallel_loop3A_1618, %parallel_loop3A_1621 : vector<16xf32>
        %parallel_loop3A_1623 = arith.index_cast %parallel_loop3A_1614 : i32 to index
        %parallel_loop3A_1624 = arith.constant 0 : index
        %parallel_loop3A_1625 = tpu.vector_load %arg18[%parallel_loop3A_1623, %parallel_loop3A_1624] {strides = array<i32>} : memref<1024x16xf32, #tpu.memory_space<vmem>>, vector<1x16xf32>,
        %parallel_loop3A_1626 = vector.shape_cast %parallel_loop3A_1625 : vector<1x16xf32> to vector<16xf32>
        %parallel_loop3A_1627 = vector.shape_cast %parallel_loop3A_1622 : vector<16xf32> to vector<1x16xf32>
        tpu.vector_store %arg18[%parallel_loop3A_1623, %parallel_loop3A_1624], %parallel_loop3A_1627 {strides = array<i32>} : memref<1024x16xf32, #tpu.memory_space<vmem>>, vector<1x16xf32>,
        %parallel_loop3A_1628 = arith.constant 16 : i32
        %parallel_loop3A_1629 = arith.muli %parallel_loop3A_1351, %parallel_loop3A_1628 : i32
        %parallel_loop3A_1630 = arith.addi %mul3A_1329, %parallel_loop3A_1629 : i32
        %parallel_loop3A_1631 = arith.constant 15 : i32
        %parallel_loop3A_1632 = arith.addi %parallel_loop3A_1630, %parallel_loop3A_1631 : i32
        %parallel_loop3A_1633 = arith.index_cast %parallel_loop3A_1632 : i32 to index
        %parallel_loop3A_1634 = arith.constant 0 : index
        %parallel_loop3A_1635 = tpu.vector_load %arg18[%parallel_loop3A_1633, %parallel_loop3A_1634] {strides = array<i32>} : memref<1024x16xf32, #tpu.memory_space<vmem>>, vector<1x16xf32>,
        %parallel_loop3A_1636 = vector.shape_cast %parallel_loop3A_1635 : vector<1x16xf32> to vector<16xf32>
        %parallel_loop3A_1637 = vector.extract_strided_slice %parallel_loop3A_1357 {offsets = [15], sizes = [1], strides = [1]} : vector<16xf32> to vector<1xf32>
        %parallel_loop3A_1638 = vector.extract %parallel_loop3A_1637[0] : f32 from vector<1xf32>
        %parallel_loop3A_1639 = vector.broadcast %parallel_loop3A_1638 : f32 to vector<16xf32>
        %parallel_loop3A_1640 = arith.mulf %parallel_loop3A_1636, %parallel_loop3A_1639 : vector<16xf32>
        %parallel_loop3A_1641 = arith.index_cast %parallel_loop3A_1632 : i32 to index
        %parallel_loop3A_1642 = arith.constant 0 : index
        %parallel_loop3A_1643 = tpu.vector_load %arg18[%parallel_loop3A_1641, %parallel_loop3A_1642] {strides = array<i32>} : memref<1024x16xf32, #tpu.memory_space<vmem>>, vector<1x16xf32>,
        %parallel_loop3A_1644 = vector.shape_cast %parallel_loop3A_1643 : vector<1x16xf32> to vector<16xf32>
        %parallel_loop3A_1645 = vector.shape_cast %parallel_loop3A_1640 : vector<16xf32> to vector<1x16xf32>
        tpu.vector_store %arg18[%parallel_loop3A_1641, %parallel_loop3A_1642], %parallel_loop3A_1645 {strides = array<i32>} : memref<1024x16xf32, #tpu.memory_space<vmem>>, vector<1x16xf32>,
      } {sc.loop_unroll_factor = 4 : i64, sc.parallel_access}
      %mul3A_1332 = arith.constant 512 : i32
      %mul3A_1333 = arith.muli %and3A_1295, %mul3A_1332 : i32
      %dma_start3A_1334 = arith.constant 0 : i32
      %dma_start3A_1335 = tpu.memref_slice %arg18[%mul3A_1333, %dma_start3A_1334] : memref<1024x16xf32, #tpu.memory_space<vmem>> -> memref<512x16xf32, #tpu.memory_space<vmem>>
      %dma_start3A_1336 = arith.constant 0 : i32
      %dma_start3A_1337 = tpu.memref_slice %arg16[%rem3A_1297, %dma_start3A_1336] : memref<3x512xi32, #tpu.memory_space<vmem>> -> memref<1x512xi32, #tpu.memory_space<vmem>>
      %dma_start3A_1338 = tpu.memref_squeeze %dma_start3A_1337 : memref<1x512xi32, #tpu.memory_space<vmem>> -> memref<512xi32, #tpu.memory_space<vmem>>
      %dma_start3A_1339 = arith.constant 0 : i32
      %dma_start3A_1340 = arith.constant 0 : i32
      %dma_start3A_1341 = tpu.memref_slice %arg21[%dma_start3A_1339, %dma_start3A_1340] : memref<100352x16xf32, #tpu.memory_space<vmem_shared>> -> memref<100352x16xf32, #tpu.memory_space<vmem_shared>>
      %dma_start3A_1342 = tpu.memref_slice %arg25[%and3A_1295] : memref<2x!tpu.dma_semaphore, #tpu.memory_space<semaphore_mem>> -> memref<1x!tpu.dma_semaphore, #tpu.memory_space<semaphore_mem>>
      %dma_start3A_1343 = tpu.memref_squeeze %dma_start3A_1342 : memref<1x!tpu.dma_semaphore, #tpu.memory_space<semaphore_mem>> -> memref<!tpu.dma_semaphore, #tpu.memory_space<semaphore_mem>>
      tpu.enqueue_indirect_dma source(%dma_start3A_1335 : memref<512x16xf32, #tpu.memory_space<vmem>>) target(%dma_start3A_1341 : memref<100352x16xf32, #tpu.memory_space<vmem_shared>>) offsets(%dma_start3A_1338 : memref<512xi32, #tpu.memory_space<vmem>>) semaphore(%dma_start3A_1343 : memref<!tpu.dma_semaphore, #tpu.memory_space<semaphore_mem>>) {add = true}
      %add3A_1344 = arith.constant 2 : i32
      %add3A_1345 = arith.addi %scan3A_1294, %add3A_1344 : i32
      %lt3A_1346 = arith.constant 196 : i32
      %lt3A_1347 = arith.cmpi slt, %add3A_1345, %lt3A_1346 : i32
      %convert_element_type3A_1348 = arith.extui %lt3A_1347 : i1 to i32
      %cond3A_1349 = arith.constant 0 : i32
      %cond3A_1350 = arith.cmpi ne, %convert_element_type3A_1348, %cond3A_1349 : i32
      scf.if %cond3A_1350 {
        %add3A_1351 = arith.constant 2 : i32
        %add3A_1352 = arith.addi %scan3A_1294, %add3A_1351 : i32
        %mul3A_1353 = arith.constant 100352 : i32
        %mul3A_1354 = arith.muli %arg1, %mul3A_1353 : i32
        %mul3A_1355 = arith.constant 512 : i32
        %mul3A_1356 = arith.muli %add3A_1352, %mul3A_1355 : i32
        %add3A_1357 = arith.addi %mul3A_1354, %mul3A_1356 : i32
        %dma_start3A_1358 = arith.constant 0 : i32
        %dma_start3A_1359 = tpu.memref_slice %arg15[%and3A_1295, %dma_start3A_1358] : memref<2x512xi32, #tpu.memory_space<vmem>> -> memref<1x512xi32, #tpu.memory_space<vmem>>
        %dma_start3A_1360 = tpu.memref_squeeze %dma_start3A_1359 : memref<1x512xi32, #tpu.memory_space<vmem>> -> memref<512xi32, #tpu.memory_space<vmem>>
        %dma_start3A_1361 = tpu.memref_slice %arg4[%add3A_1357] : memref<1605632xi32, #tpu.memory_space<hbm>> -> memref<512xi32, #tpu.memory_space<hbm>>
        %dma_start3A_1362 = tpu.memref_slice %arg22[%and3A_1295] : memref<2x!tpu.dma_semaphore, #tpu.memory_space<semaphore_mem>> -> memref<1x!tpu.dma_semaphore, #tpu.memory_space<semaphore_mem>>
        %dma_start3A_1363 = tpu.memref_squeeze %dma_start3A_1362 : memref<1x!tpu.dma_semaphore, #tpu.memory_space<semaphore_mem>> -> memref<!tpu.dma_semaphore, #tpu.memory_space<semaphore_mem>>
        %dma_start3A_1364 = arith.constant 0 : i32
        %dma_start3A_1365 = tpu.memref_slice %arg15[%and3A_1295, %dma_start3A_1364] : memref<2x512xi32, #tpu.memory_space<vmem>> -> memref<1x512xi32, #tpu.memory_space<vmem>>
        %dma_start3A_1366 = tpu.memref_squeeze %dma_start3A_1365 : memref<1x512xi32, #tpu.memory_space<vmem>> -> memref<512xi32, #tpu.memory_space<vmem>>
        %dma_start3A_1367 = tpu.memref_slice %arg4[%add3A_1357] : memref<1605632xi32, #tpu.memory_space<hbm>> -> memref<512xi32, #tpu.memory_space<hbm>>
        tpu.enqueue_dma source(%dma_start3A_1367 : memref<512xi32, #tpu.memory_space<hbm>>) target(%dma_start3A_1366 : memref<512xi32, #tpu.memory_space<vmem>>) target_semaphore(%dma_start3A_1363 : memref<!tpu.dma_semaphore, #tpu.memory_space<semaphore_mem>>)
        %dma_start3A_1368 = arith.constant 0 : i32
        %dma_start3A_1369 = tpu.memref_slice %arg17[%and3A_1295, %dma_start3A_1368] : memref<2x512xf32, #tpu.memory_space<vmem>> -> memref<1x512xf32, #tpu.memory_space<vmem>>
        %dma_start3A_1370 = tpu.memref_squeeze %dma_start3A_1369 : memref<1x512xf32, #tpu.memory_space<vmem>> -> memref<512xf32, #tpu.memory_space<vmem>>
        %dma_start3A_1371 = tpu.memref_slice %arg6[%add3A_1357] : memref<1605632xf32, #tpu.memory_space<hbm>> -> memref<512xf32, #tpu.memory_space<hbm>>
        %dma_start3A_1372 = tpu.memref_slice %arg22[%and3A_1295] : memref<2x!tpu.dma_semaphore, #tpu.memory_space<semaphore_mem>> -> memref<1x!tpu.dma_semaphore, #tpu.memory_space<semaphore_mem>>
        %dma_start3A_1373 = tpu.memref_squeeze %dma_start3A_1372 : memref<1x!tpu.dma_semaphore, #tpu.memory_space<semaphore_mem>> -> memref<!tpu.dma_semaphore, #tpu.memory_space<semaphore_mem>>
        %dma_start3A_1374 = arith.constant 0 : i32
        %dma_start3A_1375 = tpu.memref_slice %arg17[%and3A_1295, %dma_start3A_1374] : memref<2x512xf32, #tpu.memory_space<vmem>> -> memref<1x512xf32, #tpu.memory_space<vmem>>
        %dma_start3A_1376 = tpu.memref_squeeze %dma_start3A_1375 : memref<1x512xf32, #tpu.memory_space<vmem>> -> memref<512xf32, #tpu.memory_space<vmem>>
        %dma_start3A_1377 = tpu.memref_slice %arg6[%add3A_1357] : memref<1605632xf32, #tpu.memory_space<hbm>> -> memref<512xf32, #tpu.memory_space<hbm>>
        tpu.enqueue_dma source(%dma_start3A_1377 : memref<512xf32, #tpu.memory_space<hbm>>) target(%dma_start3A_1376 : memref<512xf32, #tpu.memory_space<vmem>>) target_semaphore(%dma_start3A_1373 : memref<!tpu.dma_semaphore, #tpu.memory_space<semaphore_mem>>)
        %dma_start3A_1378 = arith.constant 0 : i32
        %dma_start3A_1379 = tpu.memref_slice %arg16[%rem3A_1305, %dma_start3A_1378] : memref<3x512xi32, #tpu.memory_space<vmem>> -> memref<1x512xi32, #tpu.memory_space<vmem>>
        %dma_start3A_1380 = tpu.memref_squeeze %dma_start3A_1379 : memref<1x512xi32, #tpu.memory_space<vmem>> -> memref<512xi32, #tpu.memory_space<vmem>>
        %dma_start3A_1381 = tpu.memref_slice %arg5[%add3A_1357] : memref<1605632xi32, #tpu.memory_space<hbm>> -> memref<512xi32, #tpu.memory_space<hbm>>
        %dma_start3A_1382 = tpu.memref_slice %arg23[%rem3A_1305] : memref<3x!tpu.dma_semaphore, #tpu.memory_space<semaphore_mem>> -> memref<1x!tpu.dma_semaphore, #tpu.memory_space<semaphore_mem>>
        %dma_start3A_1383 = tpu.memref_squeeze %dma_start3A_1382 : memref<1x!tpu.dma_semaphore, #tpu.memory_space<semaphore_mem>> -> memref<!tpu.dma_semaphore, #tpu.memory_space<semaphore_mem>>
        %dma_start3A_1384 = arith.constant 0 : i32
        %dma_start3A_1385 = tpu.memref_slice %arg16[%rem3A_1305, %dma_start3A_1384] : memref<3x512xi32, #tpu.memory_space<vmem>> -> memref<1x512xi32, #tpu.memory_space<vmem>>
        %dma_start3A_1386 = tpu.memref_squeeze %dma_start3A_1385 : memref<1x512xi32, #tpu.memory_space<vmem>> -> memref<512xi32, #tpu.memory_space<vmem>>
        %dma_start3A_1387 = tpu.memref_slice %arg5[%add3A_1357] : memref<1605632xi32, #tpu.memory_space<hbm>> -> memref<512xi32, #tpu.memory_space<hbm>>
        tpu.enqueue_dma source(%dma_start3A_1387 : memref<512xi32, #tpu.memory_space<hbm>>) target(%dma_start3A_1386 : memref<512xi32, #tpu.memory_space<vmem>>) target_semaphore(%dma_start3A_1383 : memref<!tpu.dma_semaphore, #tpu.memory_space<semaphore_mem>>)
      } else {
      }
    }
    %scan3A_1049 = arith.constant 196 : i32
    %dma_wait3A_1050 = arith.constant 0 : i32
    %dma_wait3A_1051 = arith.constant 1 : i32
    %dma_wait3A_1052 = arith.constant 512 : i32
    %dma_wait3A_1053 = arith.constant 0 : i32
    %dma_wait3A_1054 = tpu.memref_slice %arg18[%dma_wait3A_1052, %dma_wait3A_1053] : memref<1024x16xf32, #tpu.memory_space<vmem>> -> memref<512x16xf32, #tpu.memory_space<vmem>>
    %dma_wait3A_1055 = arith.constant 0 : i32
    %dma_wait3A_1056 = tpu.memref_slice %arg16[%dma_wait3A_1050, %dma_wait3A_1055] : memref<3x512xi32, #tpu.memory_space<vmem>> -> memref<1x512xi32, #tpu.memory_space<vmem>>
    %dma_wait3A_1057 = tpu.memref_squeeze %dma_wait3A_1056 : memref<1x512xi32, #tpu.memory_space<vmem>> -> memref<512xi32, #tpu.memory_space<vmem>>
    %dma_wait3A_1058 = arith.constant 0 : i32
    %dma_wait3A_1059 = arith.constant 0 : i32
    %dma_wait3A_1060 = tpu.memref_slice %arg21[%dma_wait3A_1058, %dma_wait3A_1059] : memref<100352x16xf32, #tpu.memory_space<vmem_shared>> -> memref<100352x16xf32, #tpu.memory_space<vmem_shared>>
    %dma_wait3A_1061 = tpu.memref_slice %arg25[%dma_wait3A_1051] : memref<2x!tpu.dma_semaphore, #tpu.memory_space<semaphore_mem>> -> memref<1x!tpu.dma_semaphore, #tpu.memory_space<semaphore_mem>>
    %dma_wait3A_1062 = tpu.memref_squeeze %dma_wait3A_1061 : memref<1x!tpu.dma_semaphore, #tpu.memory_space<semaphore_mem>> -> memref<!tpu.dma_semaphore, #tpu.memory_space<semaphore_mem>>
    tpu.wait_indirect_dma semaphore(%dma_wait3A_1062 : memref<!tpu.dma_semaphore, #tpu.memory_space<semaphore_mem>>) src(%dma_wait3A_1054 : memref<512x16xf32, #tpu.memory_space<vmem>>) dst(%dma_wait3A_1060 : memref<100352x16xf32, #tpu.memory_space<vmem_shared>>)
    %barrier3A_1063 = arith.constant 0 : index
    tpu.barrier barrier_id(%barrier3A_1063)
    %mul3A_1064 = arith.constant 6272 : i32
    %mul3A_1065 = arith.muli %arg1, %mul3A_1064 : i32
    %eq3A_1066 = arith.constant 0 : i32
    %eq3A_1067 = arith.cmpi eq, %arg0, %eq3A_1066 : i32
    %convert_element_type3A_1068 = arith.extui %eq3A_1067 : i1 to i32
    %cond3A_1069 = arith.constant 0 : i32
    %cond3A_1070 = arith.cmpi ne, %convert_element_type3A_1068, %cond3A_1069 : i32
    scf.if %cond3A_1070 {
      "tpu.region"() ({
        %run_scoped3A = tpu.sem_alloc : memref<!tpu.dma_semaphore, #tpu.memory_space<semaphore_mem>>
        %dma_start3A_1294 = arith.constant 0 : i32
        %dma_start3A_1295 = tpu.memref_slice %arg13[%mul3A_1065, %dma_start3A_1294] : memref<100352x16xf32, #tpu.memory_space<hbm>> -> memref<6272x16xf32, #tpu.memory_space<hbm>>
        %dma_start3A_1296 = arith.constant 0 : i32
        %dma_start3A_1297 = tpu.memref_slice %arg21[%mul3A_1065, %dma_start3A_1296] : memref<100352x16xf32, #tpu.memory_space<vmem_shared>> -> memref<6272x16xf32, #tpu.memory_space<vmem_shared>>
        tpu.enqueue_dma source(%dma_start3A_1297 : memref<6272x16xf32, #tpu.memory_space<vmem_shared>>) target(%dma_start3A_1295 : memref<6272x16xf32, #tpu.memory_space<hbm>>) target_semaphore(%run_scoped3A : memref<!tpu.dma_semaphore, #tpu.memory_space<semaphore_mem>>)
        %dma_wait3A_1298 = arith.constant 0 : i32
        %dma_wait3A_1299 = tpu.memref_slice %arg13[%mul3A_1065, %dma_wait3A_1298] : memref<100352x16xf32, #tpu.memory_space<hbm>> -> memref<6272x16xf32, #tpu.memory_space<hbm>>
        %dma_wait3A_1300 = arith.constant 0 : i32
        %dma_wait3A_1301 = tpu.memref_slice %arg21[%mul3A_1065, %dma_wait3A_1300] : memref<100352x16xf32, #tpu.memory_space<vmem_shared>> -> memref<6272x16xf32, #tpu.memory_space<vmem_shared>>
        tpu.wait_dma2 semaphore(%run_scoped3A : memref<!tpu.dma_semaphore, #tpu.memory_space<semaphore_mem>>) src(%dma_wait3A_1301 : memref<6272x16xf32, #tpu.memory_space<vmem_shared>>) dst(%dma_wait3A_1299 : memref<6272x16xf32, #tpu.memory_space<hbm>>)
        tpu.yield
      }) : () -> ()
    } else {
    }
    %eq3A_1071 = arith.constant 1 : i32
    %eq3A_1072 = arith.cmpi eq, %arg0, %eq3A_1071 : i32
    %convert_element_type3A_1073 = arith.extui %eq3A_1072 : i1 to i32
    %cond3A_1074 = arith.constant 0 : i32
    %cond3A_1075 = arith.cmpi ne, %convert_element_type3A_1073, %cond3A_1074 : i32
    scf.if %cond3A_1075 {
      "tpu.region"() ({
        %run_scoped3A = tpu.sem_alloc : memref<!tpu.dma_semaphore, #tpu.memory_space<semaphore_mem>>
        %dma_start3A_1294 = arith.constant 0 : i32
        %dma_start3A_1295 = tpu.memref_slice %arg14[%mul3A_1065, %dma_start3A_1294] : memref<100352x16xf32, #tpu.memory_space<hbm>> -> memref<6272x16xf32, #tpu.memory_space<hbm>>
        %dma_start3A_1296 = arith.constant 0 : i32
        %dma_start3A_1297 = tpu.memref_slice %arg21[%mul3A_1065, %dma_start3A_1296] : memref<100352x16xf32, #tpu.memory_space<vmem_shared>> -> memref<6272x16xf32, #tpu.memory_space<vmem_shared>>
        tpu.enqueue_dma source(%dma_start3A_1297 : memref<6272x16xf32, #tpu.memory_space<vmem_shared>>) target(%dma_start3A_1295 : memref<6272x16xf32, #tpu.memory_space<hbm>>) target_semaphore(%run_scoped3A : memref<!tpu.dma_semaphore, #tpu.memory_space<semaphore_mem>>)
        %dma_wait3A_1298 = arith.constant 0 : i32
        %dma_wait3A_1299 = tpu.memref_slice %arg14[%mul3A_1065, %dma_wait3A_1298] : memref<100352x16xf32, #tpu.memory_space<hbm>> -> memref<6272x16xf32, #tpu.memory_space<hbm>>
        %dma_wait3A_1300 = arith.constant 0 : i32
        %dma_wait3A_1301 = tpu.memref_slice %arg21[%mul3A_1065, %dma_wait3A_1300] : memref<100352x16xf32, #tpu.memory_space<vmem_shared>> -> memref<6272x16xf32, #tpu.memory_space<vmem_shared>>
        tpu.wait_dma2 semaphore(%run_scoped3A : memref<!tpu.dma_semaphore, #tpu.memory_space<semaphore_mem>>) src(%dma_wait3A_1301 : memref<6272x16xf32, #tpu.memory_space<vmem_shared>>) dst(%dma_wait3A_1299 : memref<6272x16xf32, #tpu.memory_space<hbm>>)
        tpu.yield
      }) : () -> ()
    } else {
    }
    %barrier3A_1076 = arith.constant 0 : index
    tpu.barrier barrier_id(%barrier3A_1076)
    %mul3A_1077 = arith.constant 2 : i32
    %mul3A_1078 = arith.muli %arg1, %mul3A_1077 : i32
    "tpu.region"() ({
      %run_scoped3A = tpu.sem_alloc : memref<!tpu.dma_semaphore, #tpu.memory_space<semaphore_mem>>
      %dma_start3A_1294 = arith.constant 0 : i32
      %dma_start3A_1295 = tpu.memref_slice %arg7[%mul3A_1078, %dma_start3A_1294] : memref<64x128xi32, #tpu.memory_space<hbm>> -> memref<2x128xi32, #tpu.memory_space<hbm>>
      %dma_start3A_1296 = arith.constant 0 : i32
      %dma_start3A_1297 = tpu.memref_slice %arg7[%mul3A_1078, %dma_start3A_1296] : memref<64x128xi32, #tpu.memory_space<hbm>> -> memref<2x128xi32, #tpu.memory_space<hbm>>
      tpu.enqueue_dma source(%dma_start3A_1297 : memref<2x128xi32, #tpu.memory_space<hbm>>) target(%arg19 : memref<2x128xi32, #tpu.memory_space<vmem>>) target_semaphore(%run_scoped3A : memref<!tpu.dma_semaphore, #tpu.memory_space<semaphore_mem>>)
      %dma_wait3A_1298 = arith.constant 0 : i32
      %dma_wait3A_1299 = tpu.memref_slice %arg7[%mul3A_1078, %dma_wait3A_1298] : memref<64x128xi32, #tpu.memory_space<hbm>> -> memref<2x128xi32, #tpu.memory_space<hbm>>
      %dma_wait3A_1300 = arith.constant 0 : i32
      %dma_wait3A_1301 = tpu.memref_slice %arg7[%mul3A_1078, %dma_wait3A_1300] : memref<64x128xi32, #tpu.memory_space<hbm>> -> memref<2x128xi32, #tpu.memory_space<hbm>>
      tpu.wait_dma2 semaphore(%run_scoped3A : memref<!tpu.dma_semaphore, #tpu.memory_space<semaphore_mem>>) src(%dma_wait3A_1301 : memref<2x128xi32, #tpu.memory_space<hbm>>) dst(%arg19 : memref<2x128xi32, #tpu.memory_space<vmem>>)
      tpu.yield
    }) : () -> ()
    %mul3A_1079 = arith.constant 2 : i32
    %mul3A_1080 = arith.muli %arg1, %mul3A_1079 : i32
    %add3A_1081 = arith.constant 32 : i32
    %add3A_1082 = arith.addi %add3A_1081, %mul3A_1080 : i32
    "tpu.region"() ({
      %run_scoped3A = tpu.sem_alloc : memref<!tpu.dma_semaphore, #tpu.memory_space<semaphore_mem>>
      %dma_start3A_1294 = arith.constant 0 : i32
      %dma_start3A_1295 = tpu.memref_slice %arg7[%add3A_1082, %dma_start3A_1294] : memref<64x128xi32, #tpu.memory_space<hbm>> -> memref<2x128xi32, #tpu.memory_space<hbm>>
      %dma_start3A_1296 = arith.constant 0 : i32
      %dma_start3A_1297 = tpu.memref_slice %arg7[%add3A_1082, %dma_start3A_1296] : memref<64x128xi32, #tpu.memory_space<hbm>> -> memref<2x128xi32, #tpu.memory_space<hbm>>
      tpu.enqueue_dma source(%dma_start3A_1297 : memref<2x128xi32, #tpu.memory_space<hbm>>) target(%arg20 : memref<2x128xi32, #tpu.memory_space<vmem>>) target_semaphore(%run_scoped3A : memref<!tpu.dma_semaphore, #tpu.memory_space<semaphore_mem>>)
      %dma_wait3A_1298 = arith.constant 0 : i32
      %dma_wait3A_1299 = tpu.memref_slice %arg7[%add3A_1082, %dma_wait3A_1298] : memref<64x128xi32, #tpu.memory_space<hbm>> -> memref<2x128xi32, #tpu.memory_space<hbm>>
      %dma_wait3A_1300 = arith.constant 0 : i32
      %dma_wait3A_1301 = tpu.memref_slice %arg7[%add3A_1082, %dma_wait3A_1300] : memref<64x128xi32, #tpu.memory_space<hbm>> -> memref<2x128xi32, #tpu.memory_space<hbm>>
      tpu.wait_dma2 semaphore(%run_scoped3A : memref<!tpu.dma_semaphore, #tpu.memory_space<semaphore_mem>>) src(%dma_wait3A_1301 : memref<2x128xi32, #tpu.memory_space<hbm>>) dst(%arg20 : memref<2x128xi32, #tpu.memory_space<vmem>>)
      tpu.yield
    }) : () -> ()
    %eq3A_1083 = arith.constant 0 : i32
    %eq3A_1084 = arith.cmpi eq, %arg0, %eq3A_1083 : i32
    %convert_element_type3A_1085 = arith.extui %eq3A_1084 : i1 to i32
    %cond3A_1086 = arith.constant 0 : i32
    %cond3A_1087 = arith.cmpi ne, %convert_element_type3A_1085, %cond3A_1086 : i32
    scf.if %cond3A_1087 {
      %dma_start3A_1294 = arith.constant 0 : i32
      %dma_start3A_1295 = arith.constant 0 : i32
      %dma_start3A_1296 = arith.constant 0 : i32
      %dma_start3A_1297 = tpu.memref_slice %arg18[%dma_start3A_1295, %dma_start3A_1296] : memref<1024x16xf32, #tpu.memory_space<vmem>> -> memref<128x16xf32, #tpu.memory_space<vmem>>
      %dma_start3A_1298 = arith.constant 0 : i32
      %dma_start3A_1299 = tpu.memref_slice %arg19[%dma_start3A_1294, %dma_start3A_1298] : memref<2x128xi32, #tpu.memory_space<vmem>> -> memref<1x128xi32, #tpu.memory_space<vmem>>
      %dma_start3A_1300 = tpu.memref_squeeze %dma_start3A_1299 : memref<1x128xi32, #tpu.memory_space<vmem>> -> memref<128xi32, #tpu.memory_space<vmem>>
      %dma_start3A_1301 = arith.constant 0 : i32
      %dma_start3A_1302 = arith.constant 0 : i32
      %dma_start3A_1303 = tpu.memref_slice %arg2[%dma_start3A_1301, %dma_start3A_1302] : memref<100352x16xf32, #tpu.memory_space<hbm>> -> memref<100352x16xf32, #tpu.memory_space<hbm>>
      tpu.enqueue_indirect_dma source(%dma_start3A_1303 : memref<100352x16xf32, #tpu.memory_space<hbm>>) target(%dma_start3A_1297 : memref<128x16xf32, #tpu.memory_space<vmem>>) offsets(%dma_start3A_1300 : memref<128xi32, #tpu.memory_space<vmem>>) semaphore(%arg26 : memref<!tpu.dma_semaphore, #tpu.memory_space<semaphore_mem>>)
      %dma_start3A_1304 = arith.constant 0 : i32
      %dma_start3A_1305 = arith.constant 256 : i32
      %dma_start3A_1306 = arith.constant 0 : i32
      %dma_start3A_1307 = tpu.memref_slice %arg18[%dma_start3A_1305, %dma_start3A_1306] : memref<1024x16xf32, #tpu.memory_space<vmem>> -> memref<128x16xf32, #tpu.memory_space<vmem>>
      %dma_start3A_1308 = arith.constant 0 : i32
      %dma_start3A_1309 = tpu.memref_slice %arg20[%dma_start3A_1304, %dma_start3A_1308] : memref<2x128xi32, #tpu.memory_space<vmem>> -> memref<1x128xi32, #tpu.memory_space<vmem>>
      %dma_start3A_1310 = tpu.memref_squeeze %dma_start3A_1309 : memref<1x128xi32, #tpu.memory_space<vmem>> -> memref<128xi32, #tpu.memory_space<vmem>>
      %dma_start3A_1311 = arith.constant 0 : i32
      %dma_start3A_1312 = arith.constant 0 : i32
      %dma_start3A_1313 = tpu.memref_slice %arg2[%dma_start3A_1311, %dma_start3A_1312] : memref<100352x16xf32, #tpu.memory_space<hbm>> -> memref<100352x16xf32, #tpu.memory_space<hbm>>
      tpu.enqueue_indirect_dma source(%dma_start3A_1313 : memref<100352x16xf32, #tpu.memory_space<hbm>>) target(%dma_start3A_1307 : memref<128x16xf32, #tpu.memory_space<vmem>>) offsets(%dma_start3A_1310 : memref<128xi32, #tpu.memory_space<vmem>>) semaphore(%arg26 : memref<!tpu.dma_semaphore, #tpu.memory_space<semaphore_mem>>)
      %dma_start3A_1314 = arith.constant 1 : i32
      %dma_start3A_1315 = arith.constant 128 : i32
      %dma_start3A_1316 = arith.constant 0 : i32
      %dma_start3A_1317 = tpu.memref_slice %arg18[%dma_start3A_1315, %dma_start3A_1316] : memref<1024x16xf32, #tpu.memory_space<vmem>> -> memref<128x16xf32, #tpu.memory_space<vmem>>
      %dma_start3A_1318 = arith.constant 0 : i32
      %dma_start3A_1319 = tpu.memref_slice %arg19[%dma_start3A_1314, %dma_start3A_1318] : memref<2x128xi32, #tpu.memory_space<vmem>> -> memref<1x128xi32, #tpu.memory_space<vmem>>
      %dma_start3A_1320 = tpu.memref_squeeze %dma_start3A_1319 : memref<1x128xi32, #tpu.memory_space<vmem>> -> memref<128xi32, #tpu.memory_space<vmem>>
      %dma_start3A_1321 = arith.constant 0 : i32
      %dma_start3A_1322 = arith.constant 0 : i32
      %dma_start3A_1323 = tpu.memref_slice %arg2[%dma_start3A_1321, %dma_start3A_1322] : memref<100352x16xf32, #tpu.memory_space<hbm>> -> memref<100352x16xf32, #tpu.memory_space<hbm>>
      tpu.enqueue_indirect_dma source(%dma_start3A_1323 : memref<100352x16xf32, #tpu.memory_space<hbm>>) target(%dma_start3A_1317 : memref<128x16xf32, #tpu.memory_space<vmem>>) offsets(%dma_start3A_1320 : memref<128xi32, #tpu.memory_space<vmem>>) semaphore(%arg26 : memref<!tpu.dma_semaphore, #tpu.memory_space<semaphore_mem>>)
      %dma_start3A_1324 = arith.constant 1 : i32
      %dma_start3A_1325 = arith.constant 384 : i32
      %dma_start3A_1326 = arith.constant 0 : i32
      %dma_start3A_1327 = tpu.memref_slice %arg18[%dma_start3A_1325, %dma_start3A_1326] : memref<1024x16xf32, #tpu.memory_space<vmem>> -> memref<128x16xf32, #tpu.memory_space<vmem>>
      %dma_start3A_1328 = arith.constant 0 : i32
      %dma_start3A_1329 = tpu.memref_slice %arg20[%dma_start3A_1324, %dma_start3A_1328] : memref<2x128xi32, #tpu.memory_space<vmem>> -> memref<1x128xi32, #tpu.memory_space<vmem>>
      %dma_start3A_1330 = tpu.memref_squeeze %dma_start3A_1329 : memref<1x128xi32, #tpu.memory_space<vmem>> -> memref<128xi32, #tpu.memory_space<vmem>>
      %dma_start3A_1331 = arith.constant 0 : i32
      %dma_start3A_1332 = arith.constant 0 : i32
      %dma_start3A_1333 = tpu.memref_slice %arg2[%dma_start3A_1331, %dma_start3A_1332] : memref<100352x16xf32, #tpu.memory_space<hbm>> -> memref<100352x16xf32, #tpu.memory_space<hbm>>
      tpu.enqueue_indirect_dma source(%dma_start3A_1333 : memref<100352x16xf32, #tpu.memory_space<hbm>>) target(%dma_start3A_1327 : memref<128x16xf32, #tpu.memory_space<vmem>>) offsets(%dma_start3A_1330 : memref<128xi32, #tpu.memory_space<vmem>>) semaphore(%arg26 : memref<!tpu.dma_semaphore, #tpu.memory_space<semaphore_mem>>)
    } else {
    }
    %eq3A_1088 = arith.constant 1 : i32
    %eq3A_1089 = arith.cmpi eq, %arg0, %eq3A_1088 : i32
    %convert_element_type3A_1090 = arith.extui %eq3A_1089 : i1 to i32
    %cond3A_1091 = arith.constant 0 : i32
    %cond3A_1092 = arith.cmpi ne, %convert_element_type3A_1090, %cond3A_1091 : i32
    scf.if %cond3A_1092 {
      %dma_start3A_1294 = arith.constant 0 : i32
      %dma_start3A_1295 = arith.constant 0 : i32
      %dma_start3A_1296 = arith.constant 0 : i32
      %dma_start3A_1297 = tpu.memref_slice %arg18[%dma_start3A_1295, %dma_start3A_1296] : memref<1024x16xf32, #tpu.memory_space<vmem>> -> memref<128x16xf32, #tpu.memory_space<vmem>>
      %dma_start3A_1298 = arith.constant 0 : i32
      %dma_start3A_1299 = tpu.memref_slice %arg19[%dma_start3A_1294, %dma_start3A_1298] : memref<2x128xi32, #tpu.memory_space<vmem>> -> memref<1x128xi32, #tpu.memory_space<vmem>>
      %dma_start3A_1300 = tpu.memref_squeeze %dma_start3A_1299 : memref<1x128xi32, #tpu.memory_space<vmem>> -> memref<128xi32, #tpu.memory_space<vmem>>
      %dma_start3A_1301 = arith.constant 0 : i32
      %dma_start3A_1302 = arith.constant 0 : i32
      %dma_start3A_1303 = tpu.memref_slice %arg3[%dma_start3A_1301, %dma_start3A_1302] : memref<100352x16xf32, #tpu.memory_space<hbm>> -> memref<100352x16xf32, #tpu.memory_space<hbm>>
      tpu.enqueue_indirect_dma source(%dma_start3A_1303 : memref<100352x16xf32, #tpu.memory_space<hbm>>) target(%dma_start3A_1297 : memref<128x16xf32, #tpu.memory_space<vmem>>) offsets(%dma_start3A_1300 : memref<128xi32, #tpu.memory_space<vmem>>) semaphore(%arg26 : memref<!tpu.dma_semaphore, #tpu.memory_space<semaphore_mem>>)
      %dma_start3A_1304 = arith.constant 0 : i32
      %dma_start3A_1305 = arith.constant 256 : i32
      %dma_start3A_1306 = arith.constant 0 : i32
      %dma_start3A_1307 = tpu.memref_slice %arg18[%dma_start3A_1305, %dma_start3A_1306] : memref<1024x16xf32, #tpu.memory_space<vmem>> -> memref<128x16xf32, #tpu.memory_space<vmem>>
      %dma_start3A_1308 = arith.constant 0 : i32
      %dma_start3A_1309 = tpu.memref_slice %arg20[%dma_start3A_1304, %dma_start3A_1308] : memref<2x128xi32, #tpu.memory_space<vmem>> -> memref<1x128xi32, #tpu.memory_space<vmem>>
      %dma_start3A_1310 = tpu.memref_squeeze %dma_start3A_1309 : memref<1x128xi32, #tpu.memory_space<vmem>> -> memref<128xi32, #tpu.memory_space<vmem>>
      %dma_start3A_1311 = arith.constant 0 : i32
      %dma_start3A_1312 = arith.constant 0 : i32
      %dma_start3A_1313 = tpu.memref_slice %arg3[%dma_start3A_1311, %dma_start3A_1312] : memref<100352x16xf32, #tpu.memory_space<hbm>> -> memref<100352x16xf32, #tpu.memory_space<hbm>>
      tpu.enqueue_indirect_dma source(%dma_start3A_1313 : memref<100352x16xf32, #tpu.memory_space<hbm>>) target(%dma_start3A_1307 : memref<128x16xf32, #tpu.memory_space<vmem>>) offsets(%dma_start3A_1310 : memref<128xi32, #tpu.memory_space<vmem>>) semaphore(%arg26 : memref<!tpu.dma_semaphore, #tpu.memory_space<semaphore_mem>>)
      %dma_start3A_1314 = arith.constant 1 : i32
      %dma_start3A_1315 = arith.constant 128 : i32
      %dma_start3A_1316 = arith.constant 0 : i32
      %dma_start3A_1317 = tpu.memref_slice %arg18[%dma_start3A_1315, %dma_start3A_1316] : memref<1024x16xf32, #tpu.memory_space<vmem>> -> memref<128x16xf32, #tpu.memory_space<vmem>>
      %dma_start3A_1318 = arith.constant 0 : i32
      %dma_start3A_1319 = tpu.memref_slice %arg19[%dma_start3A_1314, %dma_start3A_1318] : memref<2x128xi32, #tpu.memory_space<vmem>> -> memref<1x128xi32, #tpu.memory_space<vmem>>
      %dma_start3A_1320 = tpu.memref_squeeze %dma_start3A_1319 : memref<1x128xi32, #tpu.memory_space<vmem>> -> memref<128xi32, #tpu.memory_space<vmem>>
      %dma_start3A_1321 = arith.constant 0 : i32
      %dma_start3A_1322 = arith.constant 0 : i32
      %dma_start3A_1323 = tpu.memref_slice %arg3[%dma_start3A_1321, %dma_start3A_1322] : memref<100352x16xf32, #tpu.memory_space<hbm>> -> memref<100352x16xf32, #tpu.memory_space<hbm>>
      tpu.enqueue_indirect_dma source(%dma_start3A_1323 : memref<100352x16xf32, #tpu.memory_space<hbm>>) target(%dma_start3A_1317 : memref<128x16xf32, #tpu.memory_space<vmem>>) offsets(%dma_start3A_1320 : memref<128xi32, #tpu.memory_space<vmem>>) semaphore(%arg26 : memref<!tpu.dma_semaphore, #tpu.memory_space<semaphore_mem>>)
      %dma_start3A_1324 = arith.constant 1 : i32
      %dma_start3A_1325 = arith.constant 384 : i32
      %dma_start3A_1326 = arith.constant 0 : i32
      %dma_start3A_1327 = tpu.memref_slice %arg18[%dma_start3A_1325, %dma_start3A_1326] : memref<1024x16xf32, #tpu.memory_space<vmem>> -> memref<128x16xf32, #tpu.memory_space<vmem>>
      %dma_start3A_1328 = arith.constant 0 : i32
      %dma_start3A_1329 = tpu.memref_slice %arg20[%dma_start3A_1324, %dma_start3A_1328] : memref<2x128xi32, #tpu.memory_space<vmem>> -> memref<1x128xi32, #tpu.memory_space<vmem>>
      %dma_start3A_1330 = tpu.memref_squeeze %dma_start3A_1329 : memref<1x128xi32, #tpu.memory_space<vmem>> -> memref<128xi32, #tpu.memory_space<vmem>>
      %dma_start3A_1331 = arith.constant 0 : i32
      %dma_start3A_1332 = arith.constant 0 : i32
      %dma_start3A_1333 = tpu.memref_slice %arg3[%dma_start3A_1331, %dma_start3A_1332] : memref<100352x16xf32, #tpu.memory_space<hbm>> -> memref<100352x16xf32, #tpu.memory_space<hbm>>
      tpu.enqueue_indirect_dma source(%dma_start3A_1333 : memref<100352x16xf32, #tpu.memory_space<hbm>>) target(%dma_start3A_1327 : memref<128x16xf32, #tpu.memory_space<vmem>>) offsets(%dma_start3A_1330 : memref<128xi32, #tpu.memory_space<vmem>>) semaphore(%arg26 : memref<!tpu.dma_semaphore, #tpu.memory_space<semaphore_mem>>)
    } else {
    }
    %dma_wait3A_1093 = arith.constant 0 : i32
    %dma_wait3A_1094 = arith.constant 0 : i32
    %dma_wait3A_1095 = arith.constant 0 : i32
    %dma_wait3A_1096 = tpu.memref_slice %arg18[%dma_wait3A_1094, %dma_wait3A_1095] : memref<1024x16xf32, #tpu.memory_space<vmem>> -> memref<128x16xf32, #tpu.memory_space<vmem>>
    %dma_wait3A_1097 = arith.constant 0 : i32
    %dma_wait3A_1098 = tpu.memref_slice %arg19[%dma_wait3A_1093, %dma_wait3A_1097] : memref<2x128xi32, #tpu.memory_space<vmem>> -> memref<1x128xi32, #tpu.memory_space<vmem>>
    %dma_wait3A_1099 = tpu.memref_squeeze %dma_wait3A_1098 : memref<1x128xi32, #tpu.memory_space<vmem>> -> memref<128xi32, #tpu.memory_space<vmem>>
    %dma_wait3A_1100 = arith.constant 0 : i32
    %dma_wait3A_1101 = arith.constant 0 : i32
    %dma_wait3A_1102 = tpu.memref_slice %arg2[%dma_wait3A_1100, %dma_wait3A_1101] : memref<100352x16xf32, #tpu.memory_space<hbm>> -> memref<100352x16xf32, #tpu.memory_space<hbm>>
    tpu.wait_indirect_dma semaphore(%arg26 : memref<!tpu.dma_semaphore, #tpu.memory_space<semaphore_mem>>) src(%dma_wait3A_1102 : memref<100352x16xf32, #tpu.memory_space<hbm>>) dst(%dma_wait3A_1096 : memref<128x16xf32, #tpu.memory_space<vmem>>)
    %dma_wait3A_1103 = arith.constant 0 : i32
    %dma_wait3A_1104 = arith.constant 256 : i32
    %dma_wait3A_1105 = arith.constant 0 : i32
    %dma_wait3A_1106 = tpu.memref_slice %arg18[%dma_wait3A_1104, %dma_wait3A_1105] : memref<1024x16xf32, #tpu.memory_space<vmem>> -> memref<128x16xf32, #tpu.memory_space<vmem>>
    %dma_wait3A_1107 = arith.constant 0 : i32
    %dma_wait3A_1108 = tpu.memref_slice %arg20[%dma_wait3A_1103, %dma_wait3A_1107] : memref<2x128xi32, #tpu.memory_space<vmem>> -> memref<1x128xi32, #tpu.memory_space<vmem>>
    %dma_wait3A_1109 = tpu.memref_squeeze %dma_wait3A_1108 : memref<1x128xi32, #tpu.memory_space<vmem>> -> memref<128xi32, #tpu.memory_space<vmem>>
    %dma_wait3A_1110 = arith.constant 0 : i32
    %dma_wait3A_1111 = arith.constant 0 : i32
    %dma_wait3A_1112 = tpu.memref_slice %arg2[%dma_wait3A_1110, %dma_wait3A_1111] : memref<100352x16xf32, #tpu.memory_space<hbm>> -> memref<100352x16xf32, #tpu.memory_space<hbm>>
    tpu.wait_indirect_dma semaphore(%arg26 : memref<!tpu.dma_semaphore, #tpu.memory_space<semaphore_mem>>) src(%dma_wait3A_1112 : memref<100352x16xf32, #tpu.memory_space<hbm>>) dst(%dma_wait3A_1106 : memref<128x16xf32, #tpu.memory_space<vmem>>)
    %dma_wait3A_1113 = arith.constant 1 : i32
    %dma_wait3A_1114 = arith.constant 128 : i32
    %dma_wait3A_1115 = arith.constant 0 : i32
    %dma_wait3A_1116 = tpu.memref_slice %arg18[%dma_wait3A_1114, %dma_wait3A_1115] : memref<1024x16xf32, #tpu.memory_space<vmem>> -> memref<128x16xf32, #tpu.memory_space<vmem>>
    %dma_wait3A_1117 = arith.constant 0 : i32
    %dma_wait3A_1118 = tpu.memref_slice %arg19[%dma_wait3A_1113, %dma_wait3A_1117] : memref<2x128xi32, #tpu.memory_space<vmem>> -> memref<1x128xi32, #tpu.memory_space<vmem>>
    %dma_wait3A_1119 = tpu.memref_squeeze %dma_wait3A_1118 : memref<1x128xi32, #tpu.memory_space<vmem>> -> memref<128xi32, #tpu.memory_space<vmem>>
    %dma_wait3A_1120 = arith.constant 0 : i32
    %dma_wait3A_1121 = arith.constant 0 : i32
    %dma_wait3A_1122 = tpu.memref_slice %arg2[%dma_wait3A_1120, %dma_wait3A_1121] : memref<100352x16xf32, #tpu.memory_space<hbm>> -> memref<100352x16xf32, #tpu.memory_space<hbm>>
    tpu.wait_indirect_dma semaphore(%arg26 : memref<!tpu.dma_semaphore, #tpu.memory_space<semaphore_mem>>) src(%dma_wait3A_1122 : memref<100352x16xf32, #tpu.memory_space<hbm>>) dst(%dma_wait3A_1116 : memref<128x16xf32, #tpu.memory_space<vmem>>)
    %dma_wait3A_1123 = arith.constant 1 : i32
    %dma_wait3A_1124 = arith.constant 384 : i32
    %dma_wait3A_1125 = arith.constant 0 : i32
    %dma_wait3A_1126 = tpu.memref_slice %arg18[%dma_wait3A_1124, %dma_wait3A_1125] : memref<1024x16xf32, #tpu.memory_space<vmem>> -> memref<128x16xf32, #tpu.memory_space<vmem>>
    %dma_wait3A_1127 = arith.constant 0 : i32
    %dma_wait3A_1128 = tpu.memref_slice %arg20[%dma_wait3A_1123, %dma_wait3A_1127] : memref<2x128xi32, #tpu.memory_space<vmem>> -> memref<1x128xi32, #tpu.memory_space<vmem>>
    %dma_wait3A_1129 = tpu.memref_squeeze %dma_wait3A_1128 : memref<1x128xi32, #tpu.memory_space<vmem>> -> memref<128xi32, #tpu.memory_space<vmem>>
    %dma_wait3A_1130 = arith.constant 0 : i32
    %dma_wait3A_1131 = arith.constant 0 : i32
    %dma_wait3A_1132 = tpu.memref_slice %arg2[%dma_wait3A_1130, %dma_wait3A_1131] : memref<100352x16xf32, #tpu.memory_space<hbm>> -> memref<100352x16xf32, #tpu.memory_space<hbm>>
    tpu.wait_indirect_dma semaphore(%arg26 : memref<!tpu.dma_semaphore, #tpu.memory_space<semaphore_mem>>) src(%dma_wait3A_1132 : memref<100352x16xf32, #tpu.memory_space<hbm>>) dst(%dma_wait3A_1126 : memref<128x16xf32, #tpu.memory_space<vmem>>)
    %eq3A_1133 = arith.constant 0 : i32
    %eq3A_1134 = arith.cmpi eq, %arg0, %eq3A_1133 : i32
    %convert_element_type3A_1135 = arith.extui %eq3A_1134 : i1 to i32
    %cond3A_1136 = arith.constant 0 : i32
    %cond3A_1137 = arith.cmpi ne, %convert_element_type3A_1135, %cond3A_1136 : i32
    scf.if %cond3A_1137 {
      %dma_start3A_1294 = arith.constant 0 : i32
      %dma_start3A_1295 = arith.constant 0 : i32
      %dma_start3A_1296 = arith.constant 0 : i32
      %dma_start3A_1297 = tpu.memref_slice %arg18[%dma_start3A_1295, %dma_start3A_1296] : memref<1024x16xf32, #tpu.memory_space<vmem>> -> memref<128x16xf32, #tpu.memory_space<vmem>>
      %dma_start3A_1298 = arith.constant 0 : i32
      %dma_start3A_1299 = tpu.memref_slice %arg19[%dma_start3A_1294, %dma_start3A_1298] : memref<2x128xi32, #tpu.memory_space<vmem>> -> memref<1x128xi32, #tpu.memory_space<vmem>>
      %dma_start3A_1300 = tpu.memref_squeeze %dma_start3A_1299 : memref<1x128xi32, #tpu.memory_space<vmem>> -> memref<128xi32, #tpu.memory_space<vmem>>
      %dma_start3A_1301 = arith.constant 0 : i32
      %dma_start3A_1302 = arith.constant 0 : i32
      %dma_start3A_1303 = tpu.memref_slice %arg9[%dma_start3A_1301, %dma_start3A_1302] : memref<100352x16xf32, #tpu.memory_space<hbm>> -> memref<100352x16xf32, #tpu.memory_space<hbm>>
      tpu.enqueue_indirect_dma source(%dma_start3A_1303 : memref<100352x16xf32, #tpu.memory_space<hbm>>) target(%dma_start3A_1297 : memref<128x16xf32, #tpu.memory_space<vmem>>) offsets(%dma_start3A_1300 : memref<128xi32, #tpu.memory_space<vmem>>) semaphore(%arg26 : memref<!tpu.dma_semaphore, #tpu.memory_space<semaphore_mem>>) {add = true}
      %dma_start3A_1304 = arith.constant 0 : i32
      %dma_start3A_1305 = arith.constant 256 : i32
      %dma_start3A_1306 = arith.constant 0 : i32
      %dma_start3A_1307 = tpu.memref_slice %arg18[%dma_start3A_1305, %dma_start3A_1306] : memref<1024x16xf32, #tpu.memory_space<vmem>> -> memref<128x16xf32, #tpu.memory_space<vmem>>
      %dma_start3A_1308 = arith.constant 0 : i32
      %dma_start3A_1309 = tpu.memref_slice %arg20[%dma_start3A_1304, %dma_start3A_1308] : memref<2x128xi32, #tpu.memory_space<vmem>> -> memref<1x128xi32, #tpu.memory_space<vmem>>
      %dma_start3A_1310 = tpu.memref_squeeze %dma_start3A_1309 : memref<1x128xi32, #tpu.memory_space<vmem>> -> memref<128xi32, #tpu.memory_space<vmem>>
      %dma_start3A_1311 = arith.constant 0 : i32
      %dma_start3A_1312 = arith.constant 0 : i32
      %dma_start3A_1313 = tpu.memref_slice %arg9[%dma_start3A_1311, %dma_start3A_1312] : memref<100352x16xf32, #tpu.memory_space<hbm>> -> memref<100352x16xf32, #tpu.memory_space<hbm>>
      tpu.enqueue_indirect_dma source(%dma_start3A_1313 : memref<100352x16xf32, #tpu.memory_space<hbm>>) target(%dma_start3A_1307 : memref<128x16xf32, #tpu.memory_space<vmem>>) offsets(%dma_start3A_1310 : memref<128xi32, #tpu.memory_space<vmem>>) semaphore(%arg26 : memref<!tpu.dma_semaphore, #tpu.memory_space<semaphore_mem>>) {add = true}
      %dma_start3A_1314 = arith.constant 1 : i32
      %dma_start3A_1315 = arith.constant 128 : i32
      %dma_start3A_1316 = arith.constant 0 : i32
      %dma_start3A_1317 = tpu.memref_slice %arg18[%dma_start3A_1315, %dma_start3A_1316] : memref<1024x16xf32, #tpu.memory_space<vmem>> -> memref<128x16xf32, #tpu.memory_space<vmem>>
      %dma_start3A_1318 = arith.constant 0 : i32
      %dma_start3A_1319 = tpu.memref_slice %arg19[%dma_start3A_1314, %dma_start3A_1318] : memref<2x128xi32, #tpu.memory_space<vmem>> -> memref<1x128xi32, #tpu.memory_space<vmem>>
      %dma_start3A_1320 = tpu.memref_squeeze %dma_start3A_1319 : memref<1x128xi32, #tpu.memory_space<vmem>> -> memref<128xi32, #tpu.memory_space<vmem>>
      %dma_start3A_1321 = arith.constant 0 : i32
      %dma_start3A_1322 = arith.constant 0 : i32
      %dma_start3A_1323 = tpu.memref_slice %arg9[%dma_start3A_1321, %dma_start3A_1322] : memref<100352x16xf32, #tpu.memory_space<hbm>> -> memref<100352x16xf32, #tpu.memory_space<hbm>>
      tpu.enqueue_indirect_dma source(%dma_start3A_1323 : memref<100352x16xf32, #tpu.memory_space<hbm>>) target(%dma_start3A_1317 : memref<128x16xf32, #tpu.memory_space<vmem>>) offsets(%dma_start3A_1320 : memref<128xi32, #tpu.memory_space<vmem>>) semaphore(%arg26 : memref<!tpu.dma_semaphore, #tpu.memory_space<semaphore_mem>>) {add = true}
      %dma_start3A_1324 = arith.constant 1 : i32
      %dma_start3A_1325 = arith.constant 384 : i32
      %dma_start3A_1326 = arith.constant 0 : i32
      %dma_start3A_1327 = tpu.memref_slice %arg18[%dma_start3A_1325, %dma_start3A_1326] : memref<1024x16xf32, #tpu.memory_space<vmem>> -> memref<128x16xf32, #tpu.memory_space<vmem>>
      %dma_start3A_1328 = arith.constant 0 : i32
      %dma_start3A_1329 = tpu.memref_slice %arg20[%dma_start3A_1324, %dma_start3A_1328] : memref<2x128xi32, #tpu.memory_space<vmem>> -> memref<1x128xi32, #tpu.memory_space<vmem>>
      %dma_start3A_1330 = tpu.memref_squeeze %dma_start3A_1329 : memref<1x128xi32, #tpu.memory_space<vmem>> -> memref<128xi32, #tpu.memory_space<vmem>>
      %dma_start3A_1331 = arith.constant 0 : i32
      %dma_start3A_1332 = arith.constant 0 : i32
      %dma_start3A_1333 = tpu.memref_slice %arg9[%dma_start3A_1331, %dma_start3A_1332] : memref<100352x16xf32, #tpu.memory_space<hbm>> -> memref<100352x16xf32, #tpu.memory_space<hbm>>
      tpu.enqueue_indirect_dma source(%dma_start3A_1333 : memref<100352x16xf32, #tpu.memory_space<hbm>>) target(%dma_start3A_1327 : memref<128x16xf32, #tpu.memory_space<vmem>>) offsets(%dma_start3A_1330 : memref<128xi32, #tpu.memory_space<vmem>>) semaphore(%arg26 : memref<!tpu.dma_semaphore, #tpu.memory_space<semaphore_mem>>) {add = true}
    } else {
    }
    %eq3A_1138 = arith.constant 1 : i32
    %eq3A_1139 = arith.cmpi eq, %arg0, %eq3A_1138 : i32
    %convert_element_type3A_1140 = arith.extui %eq3A_1139 : i1 to i32
    %cond3A_1141 = arith.constant 0 : i32
    %cond3A_1142 = arith.cmpi ne, %convert_element_type3A_1140, %cond3A_1141 : i32
    scf.if %cond3A_1142 {
      %dma_start3A_1294 = arith.constant 0 : i32
      %dma_start3A_1295 = arith.constant 0 : i32
      %dma_start3A_1296 = arith.constant 0 : i32
      %dma_start3A_1297 = tpu.memref_slice %arg18[%dma_start3A_1295, %dma_start3A_1296] : memref<1024x16xf32, #tpu.memory_space<vmem>> -> memref<128x16xf32, #tpu.memory_space<vmem>>
      %dma_start3A_1298 = arith.constant 0 : i32
      %dma_start3A_1299 = tpu.memref_slice %arg19[%dma_start3A_1294, %dma_start3A_1298] : memref<2x128xi32, #tpu.memory_space<vmem>> -> memref<1x128xi32, #tpu.memory_space<vmem>>
      %dma_start3A_1300 = tpu.memref_squeeze %dma_start3A_1299 : memref<1x128xi32, #tpu.memory_space<vmem>> -> memref<128xi32, #tpu.memory_space<vmem>>
      %dma_start3A_1301 = arith.constant 0 : i32
      %dma_start3A_1302 = arith.constant 0 : i32
      %dma_start3A_1303 = tpu.memref_slice %arg10[%dma_start3A_1301, %dma_start3A_1302] : memref<100352x16xf32, #tpu.memory_space<hbm>> -> memref<100352x16xf32, #tpu.memory_space<hbm>>
      tpu.enqueue_indirect_dma source(%dma_start3A_1303 : memref<100352x16xf32, #tpu.memory_space<hbm>>) target(%dma_start3A_1297 : memref<128x16xf32, #tpu.memory_space<vmem>>) offsets(%dma_start3A_1300 : memref<128xi32, #tpu.memory_space<vmem>>) semaphore(%arg26 : memref<!tpu.dma_semaphore, #tpu.memory_space<semaphore_mem>>) {add = true}
      %dma_start3A_1304 = arith.constant 0 : i32
      %dma_start3A_1305 = arith.constant 256 : i32
      %dma_start3A_1306 = arith.constant 0 : i32
      %dma_start3A_1307 = tpu.memref_slice %arg18[%dma_start3A_1305, %dma_start3A_1306] : memref<1024x16xf32, #tpu.memory_space<vmem>> -> memref<128x16xf32, #tpu.memory_space<vmem>>
      %dma_start3A_1308 = arith.constant 0 : i32
      %dma_start3A_1309 = tpu.memref_slice %arg20[%dma_start3A_1304, %dma_start3A_1308] : memref<2x128xi32, #tpu.memory_space<vmem>> -> memref<1x128xi32, #tpu.memory_space<vmem>>
      %dma_start3A_1310 = tpu.memref_squeeze %dma_start3A_1309 : memref<1x128xi32, #tpu.memory_space<vmem>> -> memref<128xi32, #tpu.memory_space<vmem>>
      %dma_start3A_1311 = arith.constant 0 : i32
      %dma_start3A_1312 = arith.constant 0 : i32
      %dma_start3A_1313 = tpu.memref_slice %arg10[%dma_start3A_1311, %dma_start3A_1312] : memref<100352x16xf32, #tpu.memory_space<hbm>> -> memref<100352x16xf32, #tpu.memory_space<hbm>>
      tpu.enqueue_indirect_dma source(%dma_start3A_1313 : memref<100352x16xf32, #tpu.memory_space<hbm>>) target(%dma_start3A_1307 : memref<128x16xf32, #tpu.memory_space<vmem>>) offsets(%dma_start3A_1310 : memref<128xi32, #tpu.memory_space<vmem>>) semaphore(%arg26 : memref<!tpu.dma_semaphore, #tpu.memory_space<semaphore_mem>>) {add = true}
      %dma_start3A_1314 = arith.constant 1 : i32
      %dma_start3A_1315 = arith.constant 128 : i32
      %dma_start3A_1316 = arith.constant 0 : i32
      %dma_start3A_1317 = tpu.memref_slice %arg18[%dma_start3A_1315, %dma_start3A_1316] : memref<1024x16xf32, #tpu.memory_space<vmem>> -> memref<128x16xf32, #tpu.memory_space<vmem>>
      %dma_start3A_1318 = arith.constant 0 : i32
      %dma_start3A_1319 = tpu.memref_slice %arg19[%dma_start3A_1314, %dma_start3A_1318] : memref<2x128xi32, #tpu.memory_space<vmem>> -> memref<1x128xi32, #tpu.memory_space<vmem>>
      %dma_start3A_1320 = tpu.memref_squeeze %dma_start3A_1319 : memref<1x128xi32, #tpu.memory_space<vmem>> -> memref<128xi32, #tpu.memory_space<vmem>>
      %dma_start3A_1321 = arith.constant 0 : i32
      %dma_start3A_1322 = arith.constant 0 : i32
      %dma_start3A_1323 = tpu.memref_slice %arg10[%dma_start3A_1321, %dma_start3A_1322] : memref<100352x16xf32, #tpu.memory_space<hbm>> -> memref<100352x16xf32, #tpu.memory_space<hbm>>
      tpu.enqueue_indirect_dma source(%dma_start3A_1323 : memref<100352x16xf32, #tpu.memory_space<hbm>>) target(%dma_start3A_1317 : memref<128x16xf32, #tpu.memory_space<vmem>>) offsets(%dma_start3A_1320 : memref<128xi32, #tpu.memory_space<vmem>>) semaphore(%arg26 : memref<!tpu.dma_semaphore, #tpu.memory_space<semaphore_mem>>) {add = true}
      %dma_start3A_1324 = arith.constant 1 : i32
      %dma_start3A_1325 = arith.constant 384 : i32
      %dma_start3A_1326 = arith.constant 0 : i32
      %dma_start3A_1327 = tpu.memref_slice %arg18[%dma_start3A_1325, %dma_start3A_1326] : memref<1024x16xf32, #tpu.memory_space<vmem>> -> memref<128x16xf32, #tpu.memory_space<vmem>>
      %dma_start3A_1328 = arith.constant 0 : i32
      %dma_start3A_1329 = tpu.memref_slice %arg20[%dma_start3A_1324, %dma_start3A_1328] : memref<2x128xi32, #tpu.memory_space<vmem>> -> memref<1x128xi32, #tpu.memory_space<vmem>>
      %dma_start3A_1330 = tpu.memref_squeeze %dma_start3A_1329 : memref<1x128xi32, #tpu.memory_space<vmem>> -> memref<128xi32, #tpu.memory_space<vmem>>
      %dma_start3A_1331 = arith.constant 0 : i32
      %dma_start3A_1332 = arith.constant 0 : i32
      %dma_start3A_1333 = tpu.memref_slice %arg10[%dma_start3A_1331, %dma_start3A_1332] : memref<100352x16xf32, #tpu.memory_space<hbm>> -> memref<100352x16xf32, #tpu.memory_space<hbm>>
      tpu.enqueue_indirect_dma source(%dma_start3A_1333 : memref<100352x16xf32, #tpu.memory_space<hbm>>) target(%dma_start3A_1327 : memref<128x16xf32, #tpu.memory_space<vmem>>) offsets(%dma_start3A_1330 : memref<128xi32, #tpu.memory_space<vmem>>) semaphore(%arg26 : memref<!tpu.dma_semaphore, #tpu.memory_space<semaphore_mem>>) {add = true}
    } else {
    }
    %dma_wait3A_1143 = arith.constant 0 : i32
    %dma_wait3A_1144 = arith.constant 0 : i32
    %dma_wait3A_1145 = arith.constant 0 : i32
    %dma_wait3A_1146 = tpu.memref_slice %arg18[%dma_wait3A_1144, %dma_wait3A_1145] : memref<1024x16xf32, #tpu.memory_space<vmem>> -> memref<128x16xf32, #tpu.memory_space<vmem>>
    %dma_wait3A_1147 = arith.constant 0 : i32
    %dma_wait3A_1148 = tpu.memref_slice %arg19[%dma_wait3A_1143, %dma_wait3A_1147] : memref<2x128xi32, #tpu.memory_space<vmem>> -> memref<1x128xi32, #tpu.memory_space<vmem>>
    %dma_wait3A_1149 = tpu.memref_squeeze %dma_wait3A_1148 : memref<1x128xi32, #tpu.memory_space<vmem>> -> memref<128xi32, #tpu.memory_space<vmem>>
    %dma_wait3A_1150 = arith.constant 0 : i32
    %dma_wait3A_1151 = arith.constant 0 : i32
    %dma_wait3A_1152 = tpu.memref_slice %arg9[%dma_wait3A_1150, %dma_wait3A_1151] : memref<100352x16xf32, #tpu.memory_space<hbm>> -> memref<100352x16xf32, #tpu.memory_space<hbm>>
    tpu.wait_indirect_dma semaphore(%arg26 : memref<!tpu.dma_semaphore, #tpu.memory_space<semaphore_mem>>) src(%dma_wait3A_1152 : memref<100352x16xf32, #tpu.memory_space<hbm>>) dst(%dma_wait3A_1146 : memref<128x16xf32, #tpu.memory_space<vmem>>)
    %dma_wait3A_1153 = arith.constant 0 : i32
    %dma_wait3A_1154 = arith.constant 256 : i32
    %dma_wait3A_1155 = arith.constant 0 : i32
    %dma_wait3A_1156 = tpu.memref_slice %arg18[%dma_wait3A_1154, %dma_wait3A_1155] : memref<1024x16xf32, #tpu.memory_space<vmem>> -> memref<128x16xf32, #tpu.memory_space<vmem>>
    %dma_wait3A_1157 = arith.constant 0 : i32
    %dma_wait3A_1158 = tpu.memref_slice %arg20[%dma_wait3A_1153, %dma_wait3A_1157] : memref<2x128xi32, #tpu.memory_space<vmem>> -> memref<1x128xi32, #tpu.memory_space<vmem>>
    %dma_wait3A_1159 = tpu.memref_squeeze %dma_wait3A_1158 : memref<1x128xi32, #tpu.memory_space<vmem>> -> memref<128xi32, #tpu.memory_space<vmem>>
    %dma_wait3A_1160 = arith.constant 0 : i32
    %dma_wait3A_1161 = arith.constant 0 : i32
    %dma_wait3A_1162 = tpu.memref_slice %arg9[%dma_wait3A_1160, %dma_wait3A_1161] : memref<100352x16xf32, #tpu.memory_space<hbm>> -> memref<100352x16xf32, #tpu.memory_space<hbm>>
    tpu.wait_indirect_dma semaphore(%arg26 : memref<!tpu.dma_semaphore, #tpu.memory_space<semaphore_mem>>) src(%dma_wait3A_1162 : memref<100352x16xf32, #tpu.memory_space<hbm>>) dst(%dma_wait3A_1156 : memref<128x16xf32, #tpu.memory_space<vmem>>)
    %dma_wait3A_1163 = arith.constant 1 : i32
    %dma_wait3A_1164 = arith.constant 128 : i32
    %dma_wait3A_1165 = arith.constant 0 : i32
    %dma_wait3A_1166 = tpu.memref_slice %arg18[%dma_wait3A_1164, %dma_wait3A_1165] : memref<1024x16xf32, #tpu.memory_space<vmem>> -> memref<128x16xf32, #tpu.memory_space<vmem>>
    %dma_wait3A_1167 = arith.constant 0 : i32
    %dma_wait3A_1168 = tpu.memref_slice %arg19[%dma_wait3A_1163, %dma_wait3A_1167] : memref<2x128xi32, #tpu.memory_space<vmem>> -> memref<1x128xi32, #tpu.memory_space<vmem>>
    %dma_wait3A_1169 = tpu.memref_squeeze %dma_wait3A_1168 : memref<1x128xi32, #tpu.memory_space<vmem>> -> memref<128xi32, #tpu.memory_space<vmem>>
    %dma_wait3A_1170 = arith.constant 0 : i32
    %dma_wait3A_1171 = arith.constant 0 : i32
    %dma_wait3A_1172 = tpu.memref_slice %arg9[%dma_wait3A_1170, %dma_wait3A_1171] : memref<100352x16xf32, #tpu.memory_space<hbm>> -> memref<100352x16xf32, #tpu.memory_space<hbm>>
    tpu.wait_indirect_dma semaphore(%arg26 : memref<!tpu.dma_semaphore, #tpu.memory_space<semaphore_mem>>) src(%dma_wait3A_1172 : memref<100352x16xf32, #tpu.memory_space<hbm>>) dst(%dma_wait3A_1166 : memref<128x16xf32, #tpu.memory_space<vmem>>)
    %dma_wait3A_1173 = arith.constant 1 : i32
    %dma_wait3A_1174 = arith.constant 384 : i32
    %dma_wait3A_1175 = arith.constant 0 : i32
    %dma_wait3A_1176 = tpu.memref_slice %arg18[%dma_wait3A_1174, %dma_wait3A_1175] : memref<1024x16xf32, #tpu.memory_space<vmem>> -> memref<128x16xf32, #tpu.memory_space<vmem>>
    %dma_wait3A_1177 = arith.constant 0 : i32
    %dma_wait3A_1178 = tpu.memref_slice %arg20[%dma_wait3A_1173, %dma_wait3A_1177] : memref<2x128xi32, #tpu.memory_space<vmem>> -> memref<1x128xi32, #tpu.memory_space<vmem>>
    %dma_wait3A_1179 = tpu.memref_squeeze %dma_wait3A_1178 : memref<1x128xi32, #tpu.memory_space<vmem>> -> memref<128xi32, #tpu.memory_space<vmem>>
    %dma_wait3A_1180 = arith.constant 0 : i32
    %dma_wait3A_1181 = arith.constant 0 : i32
    %dma_wait3A_1182 = tpu.memref_slice %arg9[%dma_wait3A_1180, %dma_wait3A_1181] : memref<100352x16xf32, #tpu.memory_space<hbm>> -> memref<100352x16xf32, #tpu.memory_space<hbm>>
    tpu.wait_indirect_dma semaphore(%arg26 : memref<!tpu.dma_semaphore, #tpu.memory_space<semaphore_mem>>) src(%dma_wait3A_1182 : memref<100352x16xf32, #tpu.memory_space<hbm>>) dst(%dma_wait3A_1176 : memref<128x16xf32, #tpu.memory_space<vmem>>)
    %eq3A_1183 = arith.constant 0 : i32
    %eq3A_1184 = arith.cmpi eq, %arg0, %eq3A_1183 : i32
    %convert_element_type3A_1185 = arith.extui %eq3A_1184 : i1 to i32
    %cond3A_1186 = arith.constant 0 : i32
    %cond3A_1187 = arith.cmpi ne, %convert_element_type3A_1185, %cond3A_1186 : i32
    scf.if %cond3A_1187 {
      %dma_start3A_1294 = arith.constant 0 : i32
      %dma_start3A_1295 = arith.constant 0 : i32
      %dma_start3A_1296 = arith.constant 0 : i32
      %dma_start3A_1297 = tpu.memref_slice %arg18[%dma_start3A_1295, %dma_start3A_1296] : memref<1024x16xf32, #tpu.memory_space<vmem>> -> memref<128x16xf32, #tpu.memory_space<vmem>>
      %dma_start3A_1298 = arith.constant 0 : i32
      %dma_start3A_1299 = tpu.memref_slice %arg19[%dma_start3A_1294, %dma_start3A_1298] : memref<2x128xi32, #tpu.memory_space<vmem>> -> memref<1x128xi32, #tpu.memory_space<vmem>>
      %dma_start3A_1300 = tpu.memref_squeeze %dma_start3A_1299 : memref<1x128xi32, #tpu.memory_space<vmem>> -> memref<128xi32, #tpu.memory_space<vmem>>
      %dma_start3A_1301 = arith.constant 0 : i32
      %dma_start3A_1302 = arith.constant 0 : i32
      %dma_start3A_1303 = tpu.memref_slice %arg11[%dma_start3A_1301, %dma_start3A_1302] : memref<100352x16xf32, #tpu.memory_space<hbm>> -> memref<100352x16xf32, #tpu.memory_space<hbm>>
      tpu.enqueue_indirect_dma source(%dma_start3A_1303 : memref<100352x16xf32, #tpu.memory_space<hbm>>) target(%dma_start3A_1297 : memref<128x16xf32, #tpu.memory_space<vmem>>) offsets(%dma_start3A_1300 : memref<128xi32, #tpu.memory_space<vmem>>) semaphore(%arg26 : memref<!tpu.dma_semaphore, #tpu.memory_space<semaphore_mem>>) {add = true}
      %dma_start3A_1304 = arith.constant 0 : i32
      %dma_start3A_1305 = arith.constant 256 : i32
      %dma_start3A_1306 = arith.constant 0 : i32
      %dma_start3A_1307 = tpu.memref_slice %arg18[%dma_start3A_1305, %dma_start3A_1306] : memref<1024x16xf32, #tpu.memory_space<vmem>> -> memref<128x16xf32, #tpu.memory_space<vmem>>
      %dma_start3A_1308 = arith.constant 0 : i32
      %dma_start3A_1309 = tpu.memref_slice %arg20[%dma_start3A_1304, %dma_start3A_1308] : memref<2x128xi32, #tpu.memory_space<vmem>> -> memref<1x128xi32, #tpu.memory_space<vmem>>
      %dma_start3A_1310 = tpu.memref_squeeze %dma_start3A_1309 : memref<1x128xi32, #tpu.memory_space<vmem>> -> memref<128xi32, #tpu.memory_space<vmem>>
      %dma_start3A_1311 = arith.constant 0 : i32
      %dma_start3A_1312 = arith.constant 0 : i32
      %dma_start3A_1313 = tpu.memref_slice %arg11[%dma_start3A_1311, %dma_start3A_1312] : memref<100352x16xf32, #tpu.memory_space<hbm>> -> memref<100352x16xf32, #tpu.memory_space<hbm>>
      tpu.enqueue_indirect_dma source(%dma_start3A_1313 : memref<100352x16xf32, #tpu.memory_space<hbm>>) target(%dma_start3A_1307 : memref<128x16xf32, #tpu.memory_space<vmem>>) offsets(%dma_start3A_1310 : memref<128xi32, #tpu.memory_space<vmem>>) semaphore(%arg26 : memref<!tpu.dma_semaphore, #tpu.memory_space<semaphore_mem>>) {add = true}
      %dma_start3A_1314 = arith.constant 1 : i32
      %dma_start3A_1315 = arith.constant 128 : i32
      %dma_start3A_1316 = arith.constant 0 : i32
      %dma_start3A_1317 = tpu.memref_slice %arg18[%dma_start3A_1315, %dma_start3A_1316] : memref<1024x16xf32, #tpu.memory_space<vmem>> -> memref<128x16xf32, #tpu.memory_space<vmem>>
      %dma_start3A_1318 = arith.constant 0 : i32
      %dma_start3A_1319 = tpu.memref_slice %arg19[%dma_start3A_1314, %dma_start3A_1318] : memref<2x128xi32, #tpu.memory_space<vmem>> -> memref<1x128xi32, #tpu.memory_space<vmem>>
      %dma_start3A_1320 = tpu.memref_squeeze %dma_start3A_1319 : memref<1x128xi32, #tpu.memory_space<vmem>> -> memref<128xi32, #tpu.memory_space<vmem>>
      %dma_start3A_1321 = arith.constant 0 : i32
      %dma_start3A_1322 = arith.constant 0 : i32
      %dma_start3A_1323 = tpu.memref_slice %arg11[%dma_start3A_1321, %dma_start3A_1322] : memref<100352x16xf32, #tpu.memory_space<hbm>> -> memref<100352x16xf32, #tpu.memory_space<hbm>>
      tpu.enqueue_indirect_dma source(%dma_start3A_1323 : memref<100352x16xf32, #tpu.memory_space<hbm>>) target(%dma_start3A_1317 : memref<128x16xf32, #tpu.memory_space<vmem>>) offsets(%dma_start3A_1320 : memref<128xi32, #tpu.memory_space<vmem>>) semaphore(%arg26 : memref<!tpu.dma_semaphore, #tpu.memory_space<semaphore_mem>>) {add = true}
      %dma_start3A_1324 = arith.constant 1 : i32
      %dma_start3A_1325 = arith.constant 384 : i32
      %dma_start3A_1326 = arith.constant 0 : i32
      %dma_start3A_1327 = tpu.memref_slice %arg18[%dma_start3A_1325, %dma_start3A_1326] : memref<1024x16xf32, #tpu.memory_space<vmem>> -> memref<128x16xf32, #tpu.memory_space<vmem>>
      %dma_start3A_1328 = arith.constant 0 : i32
      %dma_start3A_1329 = tpu.memref_slice %arg20[%dma_start3A_1324, %dma_start3A_1328] : memref<2x128xi32, #tpu.memory_space<vmem>> -> memref<1x128xi32, #tpu.memory_space<vmem>>
      %dma_start3A_1330 = tpu.memref_squeeze %dma_start3A_1329 : memref<1x128xi32, #tpu.memory_space<vmem>> -> memref<128xi32, #tpu.memory_space<vmem>>
      %dma_start3A_1331 = arith.constant 0 : i32
      %dma_start3A_1332 = arith.constant 0 : i32
      %dma_start3A_1333 = tpu.memref_slice %arg11[%dma_start3A_1331, %dma_start3A_1332] : memref<100352x16xf32, #tpu.memory_space<hbm>> -> memref<100352x16xf32, #tpu.memory_space<hbm>>
      tpu.enqueue_indirect_dma source(%dma_start3A_1333 : memref<100352x16xf32, #tpu.memory_space<hbm>>) target(%dma_start3A_1327 : memref<128x16xf32, #tpu.memory_space<vmem>>) offsets(%dma_start3A_1330 : memref<128xi32, #tpu.memory_space<vmem>>) semaphore(%arg26 : memref<!tpu.dma_semaphore, #tpu.memory_space<semaphore_mem>>) {add = true}
    } else {
    }
    %eq3A_1188 = arith.constant 1 : i32
    %eq3A_1189 = arith.cmpi eq, %arg0, %eq3A_1188 : i32
    %convert_element_type3A_1190 = arith.extui %eq3A_1189 : i1 to i32
    %cond3A_1191 = arith.constant 0 : i32
    %cond3A_1192 = arith.cmpi ne, %convert_element_type3A_1190, %cond3A_1191 : i32
    scf.if %cond3A_1192 {
      %dma_start3A_1294 = arith.constant 0 : i32
      %dma_start3A_1295 = arith.constant 0 : i32
      %dma_start3A_1296 = arith.constant 0 : i32
      %dma_start3A_1297 = tpu.memref_slice %arg18[%dma_start3A_1295, %dma_start3A_1296] : memref<1024x16xf32, #tpu.memory_space<vmem>> -> memref<128x16xf32, #tpu.memory_space<vmem>>
      %dma_start3A_1298 = arith.constant 0 : i32
      %dma_start3A_1299 = tpu.memref_slice %arg19[%dma_start3A_1294, %dma_start3A_1298] : memref<2x128xi32, #tpu.memory_space<vmem>> -> memref<1x128xi32, #tpu.memory_space<vmem>>
      %dma_start3A_1300 = tpu.memref_squeeze %dma_start3A_1299 : memref<1x128xi32, #tpu.memory_space<vmem>> -> memref<128xi32, #tpu.memory_space<vmem>>
      %dma_start3A_1301 = arith.constant 0 : i32
      %dma_start3A_1302 = arith.constant 0 : i32
      %dma_start3A_1303 = tpu.memref_slice %arg12[%dma_start3A_1301, %dma_start3A_1302] : memref<100352x16xf32, #tpu.memory_space<hbm>> -> memref<100352x16xf32, #tpu.memory_space<hbm>>
      tpu.enqueue_indirect_dma source(%dma_start3A_1303 : memref<100352x16xf32, #tpu.memory_space<hbm>>) target(%dma_start3A_1297 : memref<128x16xf32, #tpu.memory_space<vmem>>) offsets(%dma_start3A_1300 : memref<128xi32, #tpu.memory_space<vmem>>) semaphore(%arg26 : memref<!tpu.dma_semaphore, #tpu.memory_space<semaphore_mem>>) {add = true}
      %dma_start3A_1304 = arith.constant 0 : i32
      %dma_start3A_1305 = arith.constant 256 : i32
      %dma_start3A_1306 = arith.constant 0 : i32
      %dma_start3A_1307 = tpu.memref_slice %arg18[%dma_start3A_1305, %dma_start3A_1306] : memref<1024x16xf32, #tpu.memory_space<vmem>> -> memref<128x16xf32, #tpu.memory_space<vmem>>
      %dma_start3A_1308 = arith.constant 0 : i32
      %dma_start3A_1309 = tpu.memref_slice %arg20[%dma_start3A_1304, %dma_start3A_1308] : memref<2x128xi32, #tpu.memory_space<vmem>> -> memref<1x128xi32, #tpu.memory_space<vmem>>
      %dma_start3A_1310 = tpu.memref_squeeze %dma_start3A_1309 : memref<1x128xi32, #tpu.memory_space<vmem>> -> memref<128xi32, #tpu.memory_space<vmem>>
      %dma_start3A_1311 = arith.constant 0 : i32
      %dma_start3A_1312 = arith.constant 0 : i32
      %dma_start3A_1313 = tpu.memref_slice %arg12[%dma_start3A_1311, %dma_start3A_1312] : memref<100352x16xf32, #tpu.memory_space<hbm>> -> memref<100352x16xf32, #tpu.memory_space<hbm>>
      tpu.enqueue_indirect_dma source(%dma_start3A_1313 : memref<100352x16xf32, #tpu.memory_space<hbm>>) target(%dma_start3A_1307 : memref<128x16xf32, #tpu.memory_space<vmem>>) offsets(%dma_start3A_1310 : memref<128xi32, #tpu.memory_space<vmem>>) semaphore(%arg26 : memref<!tpu.dma_semaphore, #tpu.memory_space<semaphore_mem>>) {add = true}
      %dma_start3A_1314 = arith.constant 1 : i32
      %dma_start3A_1315 = arith.constant 128 : i32
      %dma_start3A_1316 = arith.constant 0 : i32
      %dma_start3A_1317 = tpu.memref_slice %arg18[%dma_start3A_1315, %dma_start3A_1316] : memref<1024x16xf32, #tpu.memory_space<vmem>> -> memref<128x16xf32, #tpu.memory_space<vmem>>
      %dma_start3A_1318 = arith.constant 0 : i32
      %dma_start3A_1319 = tpu.memref_slice %arg19[%dma_start3A_1314, %dma_start3A_1318] : memref<2x128xi32, #tpu.memory_space<vmem>> -> memref<1x128xi32, #tpu.memory_space<vmem>>
      %dma_start3A_1320 = tpu.memref_squeeze %dma_start3A_1319 : memref<1x128xi32, #tpu.memory_space<vmem>> -> memref<128xi32, #tpu.memory_space<vmem>>
      %dma_start3A_1321 = arith.constant 0 : i32
      %dma_start3A_1322 = arith.constant 0 : i32
      %dma_start3A_1323 = tpu.memref_slice %arg12[%dma_start3A_1321, %dma_start3A_1322] : memref<100352x16xf32, #tpu.memory_space<hbm>> -> memref<100352x16xf32, #tpu.memory_space<hbm>>
      tpu.enqueue_indirect_dma source(%dma_start3A_1323 : memref<100352x16xf32, #tpu.memory_space<hbm>>) target(%dma_start3A_1317 : memref<128x16xf32, #tpu.memory_space<vmem>>) offsets(%dma_start3A_1320 : memref<128xi32, #tpu.memory_space<vmem>>) semaphore(%arg26 : memref<!tpu.dma_semaphore, #tpu.memory_space<semaphore_mem>>) {add = true}
      %dma_start3A_1324 = arith.constant 1 : i32
      %dma_start3A_1325 = arith.constant 384 : i32
      %dma_start3A_1326 = arith.constant 0 : i32
      %dma_start3A_1327 = tpu.memref_slice %arg18[%dma_start3A_1325, %dma_start3A_1326] : memref<1024x16xf32, #tpu.memory_space<vmem>> -> memref<128x16xf32, #tpu.memory_space<vmem>>
      %dma_start3A_1328 = arith.constant 0 : i32
      %dma_start3A_1329 = tpu.memref_slice %arg20[%dma_start3A_1324, %dma_start3A_1328] : memref<2x128xi32, #tpu.memory_space<vmem>> -> memref<1x128xi32, #tpu.memory_space<vmem>>
      %dma_start3A_1330 = tpu.memref_squeeze %dma_start3A_1329 : memref<1x128xi32, #tpu.memory_space<vmem>> -> memref<128xi32, #tpu.memory_space<vmem>>
      %dma_start3A_1331 = arith.constant 0 : i32
      %dma_start3A_1332 = arith.constant 0 : i32
      %dma_start3A_1333 = tpu.memref_slice %arg12[%dma_start3A_1331, %dma_start3A_1332] : memref<100352x16xf32, #tpu.memory_space<hbm>> -> memref<100352x16xf32, #tpu.memory_space<hbm>>
      tpu.enqueue_indirect_dma source(%dma_start3A_1333 : memref<100352x16xf32, #tpu.memory_space<hbm>>) target(%dma_start3A_1327 : memref<128x16xf32, #tpu.memory_space<vmem>>) offsets(%dma_start3A_1330 : memref<128xi32, #tpu.memory_space<vmem>>) semaphore(%arg26 : memref<!tpu.dma_semaphore, #tpu.memory_space<semaphore_mem>>) {add = true}
    } else {
    }
    %dma_wait3A_1193 = arith.constant 0 : i32
    %dma_wait3A_1194 = arith.constant 0 : i32
    %dma_wait3A_1195 = arith.constant 0 : i32
    %dma_wait3A_1196 = tpu.memref_slice %arg18[%dma_wait3A_1194, %dma_wait3A_1195] : memref<1024x16xf32, #tpu.memory_space<vmem>> -> memref<128x16xf32, #tpu.memory_space<vmem>>
    %dma_wait3A_1197 = arith.constant 0 : i32
    %dma_wait3A_1198 = tpu.memref_slice %arg19[%dma_wait3A_1193, %dma_wait3A_1197] : memref<2x128xi32, #tpu.memory_space<vmem>> -> memref<1x128xi32, #tpu.memory_space<vmem>>
    %dma_wait3A_1199 = tpu.memref_squeeze %dma_wait3A_1198 : memref<1x128xi32, #tpu.memory_space<vmem>> -> memref<128xi32, #tpu.memory_space<vmem>>
    %dma_wait3A_1200 = arith.constant 0 : i32
    %dma_wait3A_1201 = arith.constant 0 : i32
    %dma_wait3A_1202 = tpu.memref_slice %arg11[%dma_wait3A_1200, %dma_wait3A_1201] : memref<100352x16xf32, #tpu.memory_space<hbm>> -> memref<100352x16xf32, #tpu.memory_space<hbm>>
    tpu.wait_indirect_dma semaphore(%arg26 : memref<!tpu.dma_semaphore, #tpu.memory_space<semaphore_mem>>) src(%dma_wait3A_1202 : memref<100352x16xf32, #tpu.memory_space<hbm>>) dst(%dma_wait3A_1196 : memref<128x16xf32, #tpu.memory_space<vmem>>)
    %dma_wait3A_1203 = arith.constant 0 : i32
    %dma_wait3A_1204 = arith.constant 256 : i32
    %dma_wait3A_1205 = arith.constant 0 : i32
    %dma_wait3A_1206 = tpu.memref_slice %arg18[%dma_wait3A_1204, %dma_wait3A_1205] : memref<1024x16xf32, #tpu.memory_space<vmem>> -> memref<128x16xf32, #tpu.memory_space<vmem>>
    %dma_wait3A_1207 = arith.constant 0 : i32
    %dma_wait3A_1208 = tpu.memref_slice %arg20[%dma_wait3A_1203, %dma_wait3A_1207] : memref<2x128xi32, #tpu.memory_space<vmem>> -> memref<1x128xi32, #tpu.memory_space<vmem>>
    %dma_wait3A_1209 = tpu.memref_squeeze %dma_wait3A_1208 : memref<1x128xi32, #tpu.memory_space<vmem>> -> memref<128xi32, #tpu.memory_space<vmem>>
    %dma_wait3A_1210 = arith.constant 0 : i32
    %dma_wait3A_1211 = arith.constant 0 : i32
    %dma_wait3A_1212 = tpu.memref_slice %arg11[%dma_wait3A_1210, %dma_wait3A_1211] : memref<100352x16xf32, #tpu.memory_space<hbm>> -> memref<100352x16xf32, #tpu.memory_space<hbm>>
    tpu.wait_indirect_dma semaphore(%arg26 : memref<!tpu.dma_semaphore, #tpu.memory_space<semaphore_mem>>) src(%dma_wait3A_1212 : memref<100352x16xf32, #tpu.memory_space<hbm>>) dst(%dma_wait3A_1206 : memref<128x16xf32, #tpu.memory_space<vmem>>)
    %dma_wait3A_1213 = arith.constant 1 : i32
    %dma_wait3A_1214 = arith.constant 128 : i32
    %dma_wait3A_1215 = arith.constant 0 : i32
    %dma_wait3A_1216 = tpu.memref_slice %arg18[%dma_wait3A_1214, %dma_wait3A_1215] : memref<1024x16xf32, #tpu.memory_space<vmem>> -> memref<128x16xf32, #tpu.memory_space<vmem>>
    %dma_wait3A_1217 = arith.constant 0 : i32
    %dma_wait3A_1218 = tpu.memref_slice %arg19[%dma_wait3A_1213, %dma_wait3A_1217] : memref<2x128xi32, #tpu.memory_space<vmem>> -> memref<1x128xi32, #tpu.memory_space<vmem>>
    %dma_wait3A_1219 = tpu.memref_squeeze %dma_wait3A_1218 : memref<1x128xi32, #tpu.memory_space<vmem>> -> memref<128xi32, #tpu.memory_space<vmem>>
    %dma_wait3A_1220 = arith.constant 0 : i32
    %dma_wait3A_1221 = arith.constant 0 : i32
    %dma_wait3A_1222 = tpu.memref_slice %arg11[%dma_wait3A_1220, %dma_wait3A_1221] : memref<100352x16xf32, #tpu.memory_space<hbm>> -> memref<100352x16xf32, #tpu.memory_space<hbm>>
    tpu.wait_indirect_dma semaphore(%arg26 : memref<!tpu.dma_semaphore, #tpu.memory_space<semaphore_mem>>) src(%dma_wait3A_1222 : memref<100352x16xf32, #tpu.memory_space<hbm>>) dst(%dma_wait3A_1216 : memref<128x16xf32, #tpu.memory_space<vmem>>)
    %dma_wait3A_1223 = arith.constant 1 : i32
    %dma_wait3A_1224 = arith.constant 384 : i32
    %dma_wait3A_1225 = arith.constant 0 : i32
    %dma_wait3A_1226 = tpu.memref_slice %arg18[%dma_wait3A_1224, %dma_wait3A_1225] : memref<1024x16xf32, #tpu.memory_space<vmem>> -> memref<128x16xf32, #tpu.memory_space<vmem>>
    %dma_wait3A_1227 = arith.constant 0 : i32
    %dma_wait3A_1228 = tpu.memref_slice %arg20[%dma_wait3A_1223, %dma_wait3A_1227] : memref<2x128xi32, #tpu.memory_space<vmem>> -> memref<1x128xi32, #tpu.memory_space<vmem>>
    %dma_wait3A_1229 = tpu.memref_squeeze %dma_wait3A_1228 : memref<1x128xi32, #tpu.memory_space<vmem>> -> memref<128xi32, #tpu.memory_space<vmem>>
    %dma_wait3A_1230 = arith.constant 0 : i32
    %dma_wait3A_1231 = arith.constant 0 : i32
    %dma_wait3A_1232 = tpu.memref_slice %arg11[%dma_wait3A_1230, %dma_wait3A_1231] : memref<100352x16xf32, #tpu.memory_space<hbm>> -> memref<100352x16xf32, #tpu.memory_space<hbm>>
    tpu.wait_indirect_dma semaphore(%arg26 : memref<!tpu.dma_semaphore, #tpu.memory_space<semaphore_mem>>) src(%dma_wait3A_1232 : memref<100352x16xf32, #tpu.memory_space<hbm>>) dst(%dma_wait3A_1226 : memref<128x16xf32, #tpu.memory_space<vmem>>)
    %eq3A_1233 = arith.constant 0 : i32
    %eq3A_1234 = arith.cmpi eq, %arg0, %eq3A_1233 : i32
    %convert_element_type3A_1235 = arith.extui %eq3A_1234 : i1 to i32
    %cond3A_1236 = arith.constant 0 : i32
    %cond3A_1237 = arith.cmpi ne, %convert_element_type3A_1235, %cond3A_1236 : i32
    scf.if %cond3A_1237 {
      %dma_start3A_1294 = arith.constant 0 : i32
      %dma_start3A_1295 = arith.constant 0 : i32
      %dma_start3A_1296 = arith.constant 0 : i32
      %dma_start3A_1297 = tpu.memref_slice %arg18[%dma_start3A_1295, %dma_start3A_1296] : memref<1024x16xf32, #tpu.memory_space<vmem>> -> memref<128x16xf32, #tpu.memory_space<vmem>>
      %dma_start3A_1298 = arith.constant 0 : i32
      %dma_start3A_1299 = tpu.memref_slice %arg19[%dma_start3A_1294, %dma_start3A_1298] : memref<2x128xi32, #tpu.memory_space<vmem>> -> memref<1x128xi32, #tpu.memory_space<vmem>>
      %dma_start3A_1300 = tpu.memref_squeeze %dma_start3A_1299 : memref<1x128xi32, #tpu.memory_space<vmem>> -> memref<128xi32, #tpu.memory_space<vmem>>
      %dma_start3A_1301 = arith.constant 0 : i32
      %dma_start3A_1302 = arith.constant 0 : i32
      %dma_start3A_1303 = tpu.memref_slice %arg13[%dma_start3A_1301, %dma_start3A_1302] : memref<100352x16xf32, #tpu.memory_space<hbm>> -> memref<100352x16xf32, #tpu.memory_space<hbm>>
      tpu.enqueue_indirect_dma source(%dma_start3A_1303 : memref<100352x16xf32, #tpu.memory_space<hbm>>) target(%dma_start3A_1297 : memref<128x16xf32, #tpu.memory_space<vmem>>) offsets(%dma_start3A_1300 : memref<128xi32, #tpu.memory_space<vmem>>) semaphore(%arg26 : memref<!tpu.dma_semaphore, #tpu.memory_space<semaphore_mem>>) {add = true}
      %dma_start3A_1304 = arith.constant 0 : i32
      %dma_start3A_1305 = arith.constant 256 : i32
      %dma_start3A_1306 = arith.constant 0 : i32
      %dma_start3A_1307 = tpu.memref_slice %arg18[%dma_start3A_1305, %dma_start3A_1306] : memref<1024x16xf32, #tpu.memory_space<vmem>> -> memref<128x16xf32, #tpu.memory_space<vmem>>
      %dma_start3A_1308 = arith.constant 0 : i32
      %dma_start3A_1309 = tpu.memref_slice %arg20[%dma_start3A_1304, %dma_start3A_1308] : memref<2x128xi32, #tpu.memory_space<vmem>> -> memref<1x128xi32, #tpu.memory_space<vmem>>
      %dma_start3A_1310 = tpu.memref_squeeze %dma_start3A_1309 : memref<1x128xi32, #tpu.memory_space<vmem>> -> memref<128xi32, #tpu.memory_space<vmem>>
      %dma_start3A_1311 = arith.constant 0 : i32
      %dma_start3A_1312 = arith.constant 0 : i32
      %dma_start3A_1313 = tpu.memref_slice %arg13[%dma_start3A_1311, %dma_start3A_1312] : memref<100352x16xf32, #tpu.memory_space<hbm>> -> memref<100352x16xf32, #tpu.memory_space<hbm>>
      tpu.enqueue_indirect_dma source(%dma_start3A_1313 : memref<100352x16xf32, #tpu.memory_space<hbm>>) target(%dma_start3A_1307 : memref<128x16xf32, #tpu.memory_space<vmem>>) offsets(%dma_start3A_1310 : memref<128xi32, #tpu.memory_space<vmem>>) semaphore(%arg26 : memref<!tpu.dma_semaphore, #tpu.memory_space<semaphore_mem>>) {add = true}
      %dma_start3A_1314 = arith.constant 1 : i32
      %dma_start3A_1315 = arith.constant 128 : i32
      %dma_start3A_1316 = arith.constant 0 : i32
      %dma_start3A_1317 = tpu.memref_slice %arg18[%dma_start3A_1315, %dma_start3A_1316] : memref<1024x16xf32, #tpu.memory_space<vmem>> -> memref<128x16xf32, #tpu.memory_space<vmem>>
      %dma_start3A_1318 = arith.constant 0 : i32
      %dma_start3A_1319 = tpu.memref_slice %arg19[%dma_start3A_1314, %dma_start3A_1318] : memref<2x128xi32, #tpu.memory_space<vmem>> -> memref<1x128xi32, #tpu.memory_space<vmem>>
      %dma_start3A_1320 = tpu.memref_squeeze %dma_start3A_1319 : memref<1x128xi32, #tpu.memory_space<vmem>> -> memref<128xi32, #tpu.memory_space<vmem>>
      %dma_start3A_1321 = arith.constant 0 : i32
      %dma_start3A_1322 = arith.constant 0 : i32
      %dma_start3A_1323 = tpu.memref_slice %arg13[%dma_start3A_1321, %dma_start3A_1322] : memref<100352x16xf32, #tpu.memory_space<hbm>> -> memref<100352x16xf32, #tpu.memory_space<hbm>>
      tpu.enqueue_indirect_dma source(%dma_start3A_1323 : memref<100352x16xf32, #tpu.memory_space<hbm>>) target(%dma_start3A_1317 : memref<128x16xf32, #tpu.memory_space<vmem>>) offsets(%dma_start3A_1320 : memref<128xi32, #tpu.memory_space<vmem>>) semaphore(%arg26 : memref<!tpu.dma_semaphore, #tpu.memory_space<semaphore_mem>>) {add = true}
      %dma_start3A_1324 = arith.constant 1 : i32
      %dma_start3A_1325 = arith.constant 384 : i32
      %dma_start3A_1326 = arith.constant 0 : i32
      %dma_start3A_1327 = tpu.memref_slice %arg18[%dma_start3A_1325, %dma_start3A_1326] : memref<1024x16xf32, #tpu.memory_space<vmem>> -> memref<128x16xf32, #tpu.memory_space<vmem>>
      %dma_start3A_1328 = arith.constant 0 : i32
      %dma_start3A_1329 = tpu.memref_slice %arg20[%dma_start3A_1324, %dma_start3A_1328] : memref<2x128xi32, #tpu.memory_space<vmem>> -> memref<1x128xi32, #tpu.memory_space<vmem>>
      %dma_start3A_1330 = tpu.memref_squeeze %dma_start3A_1329 : memref<1x128xi32, #tpu.memory_space<vmem>> -> memref<128xi32, #tpu.memory_space<vmem>>
      %dma_start3A_1331 = arith.constant 0 : i32
      %dma_start3A_1332 = arith.constant 0 : i32
      %dma_start3A_1333 = tpu.memref_slice %arg13[%dma_start3A_1331, %dma_start3A_1332] : memref<100352x16xf32, #tpu.memory_space<hbm>> -> memref<100352x16xf32, #tpu.memory_space<hbm>>
      tpu.enqueue_indirect_dma source(%dma_start3A_1333 : memref<100352x16xf32, #tpu.memory_space<hbm>>) target(%dma_start3A_1327 : memref<128x16xf32, #tpu.memory_space<vmem>>) offsets(%dma_start3A_1330 : memref<128xi32, #tpu.memory_space<vmem>>) semaphore(%arg26 : memref<!tpu.dma_semaphore, #tpu.memory_space<semaphore_mem>>) {add = true}
    } else {
    }
    %eq3A_1238 = arith.constant 1 : i32
    %eq3A_1239 = arith.cmpi eq, %arg0, %eq3A_1238 : i32
    %convert_element_type3A_1240 = arith.extui %eq3A_1239 : i1 to i32
    %cond3A_1241 = arith.constant 0 : i32
    %cond3A_1242 = arith.cmpi ne, %convert_element_type3A_1240, %cond3A_1241 : i32
    scf.if %cond3A_1242 {
      %dma_start3A_1294 = arith.constant 0 : i32
      %dma_start3A_1295 = arith.constant 0 : i32
      %dma_start3A_1296 = arith.constant 0 : i32
      %dma_start3A_1297 = tpu.memref_slice %arg18[%dma_start3A_1295, %dma_start3A_1296] : memref<1024x16xf32, #tpu.memory_space<vmem>> -> memref<128x16xf32, #tpu.memory_space<vmem>>
      %dma_start3A_1298 = arith.constant 0 : i32
      %dma_start3A_1299 = tpu.memref_slice %arg19[%dma_start3A_1294, %dma_start3A_1298] : memref<2x128xi32, #tpu.memory_space<vmem>> -> memref<1x128xi32, #tpu.memory_space<vmem>>
      %dma_start3A_1300 = tpu.memref_squeeze %dma_start3A_1299 : memref<1x128xi32, #tpu.memory_space<vmem>> -> memref<128xi32, #tpu.memory_space<vmem>>
      %dma_start3A_1301 = arith.constant 0 : i32
      %dma_start3A_1302 = arith.constant 0 : i32
      %dma_start3A_1303 = tpu.memref_slice %arg14[%dma_start3A_1301, %dma_start3A_1302] : memref<100352x16xf32, #tpu.memory_space<hbm>> -> memref<100352x16xf32, #tpu.memory_space<hbm>>
      tpu.enqueue_indirect_dma source(%dma_start3A_1303 : memref<100352x16xf32, #tpu.memory_space<hbm>>) target(%dma_start3A_1297 : memref<128x16xf32, #tpu.memory_space<vmem>>) offsets(%dma_start3A_1300 : memref<128xi32, #tpu.memory_space<vmem>>) semaphore(%arg26 : memref<!tpu.dma_semaphore, #tpu.memory_space<semaphore_mem>>) {add = true}
      %dma_start3A_1304 = arith.constant 0 : i32
      %dma_start3A_1305 = arith.constant 256 : i32
      %dma_start3A_1306 = arith.constant 0 : i32
      %dma_start3A_1307 = tpu.memref_slice %arg18[%dma_start3A_1305, %dma_start3A_1306] : memref<1024x16xf32, #tpu.memory_space<vmem>> -> memref<128x16xf32, #tpu.memory_space<vmem>>
      %dma_start3A_1308 = arith.constant 0 : i32
      %dma_start3A_1309 = tpu.memref_slice %arg20[%dma_start3A_1304, %dma_start3A_1308] : memref<2x128xi32, #tpu.memory_space<vmem>> -> memref<1x128xi32, #tpu.memory_space<vmem>>
      %dma_start3A_1310 = tpu.memref_squeeze %dma_start3A_1309 : memref<1x128xi32, #tpu.memory_space<vmem>> -> memref<128xi32, #tpu.memory_space<vmem>>
      %dma_start3A_1311 = arith.constant 0 : i32
      %dma_start3A_1312 = arith.constant 0 : i32
      %dma_start3A_1313 = tpu.memref_slice %arg14[%dma_start3A_1311, %dma_start3A_1312] : memref<100352x16xf32, #tpu.memory_space<hbm>> -> memref<100352x16xf32, #tpu.memory_space<hbm>>
      tpu.enqueue_indirect_dma source(%dma_start3A_1313 : memref<100352x16xf32, #tpu.memory_space<hbm>>) target(%dma_start3A_1307 : memref<128x16xf32, #tpu.memory_space<vmem>>) offsets(%dma_start3A_1310 : memref<128xi32, #tpu.memory_space<vmem>>) semaphore(%arg26 : memref<!tpu.dma_semaphore, #tpu.memory_space<semaphore_mem>>) {add = true}
      %dma_start3A_1314 = arith.constant 1 : i32
      %dma_start3A_1315 = arith.constant 128 : i32
      %dma_start3A_1316 = arith.constant 0 : i32
      %dma_start3A_1317 = tpu.memref_slice %arg18[%dma_start3A_1315, %dma_start3A_1316] : memref<1024x16xf32, #tpu.memory_space<vmem>> -> memref<128x16xf32, #tpu.memory_space<vmem>>
      %dma_start3A_1318 = arith.constant 0 : i32
      %dma_start3A_1319 = tpu.memref_slice %arg19[%dma_start3A_1314, %dma_start3A_1318] : memref<2x128xi32, #tpu.memory_space<vmem>> -> memref<1x128xi32, #tpu.memory_space<vmem>>
      %dma_start3A_1320 = tpu.memref_squeeze %dma_start3A_1319 : memref<1x128xi32, #tpu.memory_space<vmem>> -> memref<128xi32, #tpu.memory_space<vmem>>
      %dma_start3A_1321 = arith.constant 0 : i32
      %dma_start3A_1322 = arith.constant 0 : i32
      %dma_start3A_1323 = tpu.memref_slice %arg14[%dma_start3A_1321, %dma_start3A_1322] : memref<100352x16xf32, #tpu.memory_space<hbm>> -> memref<100352x16xf32, #tpu.memory_space<hbm>>
      tpu.enqueue_indirect_dma source(%dma_start3A_1323 : memref<100352x16xf32, #tpu.memory_space<hbm>>) target(%dma_start3A_1317 : memref<128x16xf32, #tpu.memory_space<vmem>>) offsets(%dma_start3A_1320 : memref<128xi32, #tpu.memory_space<vmem>>) semaphore(%arg26 : memref<!tpu.dma_semaphore, #tpu.memory_space<semaphore_mem>>) {add = true}
      %dma_start3A_1324 = arith.constant 1 : i32
      %dma_start3A_1325 = arith.constant 384 : i32
      %dma_start3A_1326 = arith.constant 0 : i32
      %dma_start3A_1327 = tpu.memref_slice %arg18[%dma_start3A_1325, %dma_start3A_1326] : memref<1024x16xf32, #tpu.memory_space<vmem>> -> memref<128x16xf32, #tpu.memory_space<vmem>>
      %dma_start3A_1328 = arith.constant 0 : i32
      %dma_start3A_1329 = tpu.memref_slice %arg20[%dma_start3A_1324, %dma_start3A_1328] : memref<2x128xi32, #tpu.memory_space<vmem>> -> memref<1x128xi32, #tpu.memory_space<vmem>>
      %dma_start3A_1330 = tpu.memref_squeeze %dma_start3A_1329 : memref<1x128xi32, #tpu.memory_space<vmem>> -> memref<128xi32, #tpu.memory_space<vmem>>
      %dma_start3A_1331 = arith.constant 0 : i32
      %dma_start3A_1332 = arith.constant 0 : i32
      %dma_start3A_1333 = tpu.memref_slice %arg14[%dma_start3A_1331, %dma_start3A_1332] : memref<100352x16xf32, #tpu.memory_space<hbm>> -> memref<100352x16xf32, #tpu.memory_space<hbm>>
      tpu.enqueue_indirect_dma source(%dma_start3A_1333 : memref<100352x16xf32, #tpu.memory_space<hbm>>) target(%dma_start3A_1327 : memref<128x16xf32, #tpu.memory_space<vmem>>) offsets(%dma_start3A_1330 : memref<128xi32, #tpu.memory_space<vmem>>) semaphore(%arg26 : memref<!tpu.dma_semaphore, #tpu.memory_space<semaphore_mem>>) {add = true}
    } else {
    }
    %dma_wait3A_1243 = arith.constant 0 : i32
    %dma_wait3A_1244 = arith.constant 0 : i32
    %dma_wait3A_1245 = arith.constant 0 : i32
    %dma_wait3A_1246 = tpu.memref_slice %arg18[%dma_wait3A_1244, %dma_wait3A_1245] : memref<1024x16xf32, #tpu.memory_space<vmem>> -> memref<128x16xf32, #tpu.memory_space<vmem>>
    %dma_wait3A_1247 = arith.constant 0 : i32
    %dma_wait3A_1248 = tpu.memref_slice %arg19[%dma_wait3A_1243, %dma_wait3A_1247] : memref<2x128xi32, #tpu.memory_space<vmem>> -> memref<1x128xi32, #tpu.memory_space<vmem>>
    %dma_wait3A_1249 = tpu.memref_squeeze %dma_wait3A_1248 : memref<1x128xi32, #tpu.memory_space<vmem>> -> memref<128xi32, #tpu.memory_space<vmem>>
    %dma_wait3A_1250 = arith.constant 0 : i32
    %dma_wait3A_1251 = arith.constant 0 : i32
    %dma_wait3A_1252 = tpu.memref_slice %arg13[%dma_wait3A_1250, %dma_wait3A_1251] : memref<100352x16xf32, #tpu.memory_space<hbm>> -> memref<100352x16xf32, #tpu.memory_space<hbm>>
    tpu.wait_indirect_dma semaphore(%arg26 : memref<!tpu.dma_semaphore, #tpu.memory_space<semaphore_mem>>) src(%dma_wait3A_1252 : memref<100352x16xf32, #tpu.memory_space<hbm>>) dst(%dma_wait3A_1246 : memref<128x16xf32, #tpu.memory_space<vmem>>)
    %dma_wait3A_1253 = arith.constant 0 : i32
    %dma_wait3A_1254 = arith.constant 256 : i32
    %dma_wait3A_1255 = arith.constant 0 : i32
    %dma_wait3A_1256 = tpu.memref_slice %arg18[%dma_wait3A_1254, %dma_wait3A_1255] : memref<1024x16xf32, #tpu.memory_space<vmem>> -> memref<128x16xf32, #tpu.memory_space<vmem>>
    %dma_wait3A_1257 = arith.constant 0 : i32
    %dma_wait3A_1258 = tpu.memref_slice %arg20[%dma_wait3A_1253, %dma_wait3A_1257] : memref<2x128xi32, #tpu.memory_space<vmem>> -> memref<1x128xi32, #tpu.memory_space<vmem>>
    %dma_wait3A_1259 = tpu.memref_squeeze %dma_wait3A_1258 : memref<1x128xi32, #tpu.memory_space<vmem>> -> memref<128xi32, #tpu.memory_space<vmem>>
    %dma_wait3A_1260 = arith.constant 0 : i32
    %dma_wait3A_1261 = arith.constant 0 : i32
    %dma_wait3A_1262 = tpu.memref_slice %arg13[%dma_wait3A_1260, %dma_wait3A_1261] : memref<100352x16xf32, #tpu.memory_space<hbm>> -> memref<100352x16xf32, #tpu.memory_space<hbm>>
    tpu.wait_indirect_dma semaphore(%arg26 : memref<!tpu.dma_semaphore, #tpu.memory_space<semaphore_mem>>) src(%dma_wait3A_1262 : memref<100352x16xf32, #tpu.memory_space<hbm>>) dst(%dma_wait3A_1256 : memref<128x16xf32, #tpu.memory_space<vmem>>)
    %dma_wait3A_1263 = arith.constant 1 : i32
    %dma_wait3A_1264 = arith.constant 128 : i32
    %dma_wait3A_1265 = arith.constant 0 : i32
    %dma_wait3A_1266 = tpu.memref_slice %arg18[%dma_wait3A_1264, %dma_wait3A_1265] : memref<1024x16xf32, #tpu.memory_space<vmem>> -> memref<128x16xf32, #tpu.memory_space<vmem>>
    %dma_wait3A_1267 = arith.constant 0 : i32
    %dma_wait3A_1268 = tpu.memref_slice %arg19[%dma_wait3A_1263, %dma_wait3A_1267] : memref<2x128xi32, #tpu.memory_space<vmem>> -> memref<1x128xi32, #tpu.memory_space<vmem>>
    %dma_wait3A_1269 = tpu.memref_squeeze %dma_wait3A_1268 : memref<1x128xi32, #tpu.memory_space<vmem>> -> memref<128xi32, #tpu.memory_space<vmem>>
    %dma_wait3A_1270 = arith.constant 0 : i32
    %dma_wait3A_1271 = arith.constant 0 : i32
    %dma_wait3A_1272 = tpu.memref_slice %arg13[%dma_wait3A_1270, %dma_wait3A_1271] : memref<100352x16xf32, #tpu.memory_space<hbm>> -> memref<100352x16xf32, #tpu.memory_space<hbm>>
    tpu.wait_indirect_dma semaphore(%arg26 : memref<!tpu.dma_semaphore, #tpu.memory_space<semaphore_mem>>) src(%dma_wait3A_1272 : memref<100352x16xf32, #tpu.memory_space<hbm>>) dst(%dma_wait3A_1266 : memref<128x16xf32, #tpu.memory_space<vmem>>)
    %dma_wait3A_1273 = arith.constant 1 : i32
    %dma_wait3A_1274 = arith.constant 384 : i32
    %dma_wait3A_1275 = arith.constant 0 : i32
    %dma_wait3A_1276 = tpu.memref_slice %arg18[%dma_wait3A_1274, %dma_wait3A_1275] : memref<1024x16xf32, #tpu.memory_space<vmem>> -> memref<128x16xf32, #tpu.memory_space<vmem>>
    %dma_wait3A_1277 = arith.constant 0 : i32
    %dma_wait3A_1278 = tpu.memref_slice %arg20[%dma_wait3A_1273, %dma_wait3A_1277] : memref<2x128xi32, #tpu.memory_space<vmem>> -> memref<1x128xi32, #tpu.memory_space<vmem>>
    %dma_wait3A_1279 = tpu.memref_squeeze %dma_wait3A_1278 : memref<1x128xi32, #tpu.memory_space<vmem>> -> memref<128xi32, #tpu.memory_space<vmem>>
    %dma_wait3A_1280 = arith.constant 0 : i32
    %dma_wait3A_1281 = arith.constant 0 : i32
    %dma_wait3A_1282 = tpu.memref_slice %arg13[%dma_wait3A_1280, %dma_wait3A_1281] : memref<100352x16xf32, #tpu.memory_space<hbm>> -> memref<100352x16xf32, #tpu.memory_space<hbm>>
    tpu.wait_indirect_dma semaphore(%arg26 : memref<!tpu.dma_semaphore, #tpu.memory_space<semaphore_mem>>) src(%dma_wait3A_1282 : memref<100352x16xf32, #tpu.memory_space<hbm>>) dst(%dma_wait3A_1276 : memref<128x16xf32, #tpu.memory_space<vmem>>)
    %scan3A_1283 = arith.constant 0 : i32
    %scan3A_1284 = arith.constant 0 : i32
    %scan3A_1285 = arith.constant 256 : i32
    %scan3A_1286 = arith.addi %scan3A_1284, %scan3A_1285 : i32
    %scan3A_1287 = arith.constant 1 : i32
    scf.for %scan3A_1294 = %scan3A_1284 to %scan3A_1286 step %scan3A_1287  : i32 {
      %get3A = arith.index_cast %scan3A_1294 : i32 to index
      %get3A_1295 = arith.constant 0 : index
      %get3A_1296 = tpu.vector_load %arg18[%get3A, %get3A_1295] {strides = array<i32>} : memref<1024x16xf32, #tpu.memory_space<vmem>>, vector<1x16xf32>,
      %get3A_1297 = vector.shape_cast %get3A_1296 : vector<1x16xf32> to vector<16xf32>
      %add3A_1298 = arith.constant 256 : i32
      %add3A_1299 = arith.addi %add3A_1298, %scan3A_1294 : i32
      %get3A_1300 = arith.index_cast %add3A_1299 : i32 to index
      %get3A_1301 = arith.constant 0 : index
      %get3A_1302 = tpu.vector_load %arg18[%get3A_1300, %get3A_1301] {strides = array<i32>} : memref<1024x16xf32, #tpu.memory_space<vmem>>, vector<1x16xf32>,
      %get3A_1303 = vector.shape_cast %get3A_1302 : vector<1x16xf32> to vector<16xf32>
      %mul3A_1304 = arith.mulf %get3A_1297, %get3A_1303 : vector<16xf32>
      %swap3A = arith.index_cast %scan3A_1294 : i32 to index
      %swap3A_1305 = arith.constant 0 : index
      %swap3A_1306 = tpu.vector_load %arg18[%swap3A, %swap3A_1305] {strides = array<i32>} : memref<1024x16xf32, #tpu.memory_space<vmem>>, vector<1x16xf32>,
      %swap3A_1307 = vector.shape_cast %swap3A_1306 : vector<1x16xf32> to vector<16xf32>
      %swap3A_1308 = vector.shape_cast %mul3A_1304 : vector<16xf32> to vector<1x16xf32>
      tpu.vector_store %arg18[%swap3A, %swap3A_1305], %swap3A_1308 {strides = array<i32>} : memref<1024x16xf32, #tpu.memory_space<vmem>>, vector<1x16xf32>,
    }
    %scan3A_1288 = arith.constant 256 : i32
    %mul3A_1289 = arith.constant 4096 : i32
    %mul3A_1290 = arith.muli %arg0, %mul3A_1289 : i32
    %mul3A_1291 = arith.constant 256 : i32
    %mul3A_1292 = arith.muli %arg1, %mul3A_1291 : i32
    %add3A_1293 = arith.addi %mul3A_1290, %mul3A_1292 : i32
    "tpu.region"() ({
      %run_scoped3A = tpu.sem_alloc : memref<!tpu.dma_semaphore, #tpu.memory_space<semaphore_mem>>
      %dma_start3A_1294 = arith.constant 0 : i32
      %dma_start3A_1295 = arith.constant 0 : i32
      %dma_start3A_1296 = tpu.memref_slice %arg18[%dma_start3A_1294, %dma_start3A_1295] : memref<1024x16xf32, #tpu.memory_space<vmem>> -> memref<256x16xf32, #tpu.memory_space<vmem>>
      %dma_start3A_1297 = arith.constant 0 : i32
      %dma_start3A_1298 = tpu.memref_slice %arg8[%add3A_1293, %dma_start3A_1297] : memref<8192x16xf32, #tpu.memory_space<hbm>> -> memref<256x16xf32, #tpu.memory_space<hbm>>
      %dma_start3A_1299 = arith.constant 0 : i32
      %dma_start3A_1300 = tpu.memref_slice %arg8[%add3A_1293, %dma_start3A_1299] : memref<8192x16xf32, #tpu.memory_space<hbm>> -> memref<256x16xf32, #tpu.memory_space<hbm>>
      %dma_start3A_1301 = arith.constant 0 : i32
      %dma_start3A_1302 = arith.constant 0 : i32
      %dma_start3A_1303 = tpu.memref_slice %arg18[%dma_start3A_1301, %dma_start3A_1302] : memref<1024x16xf32, #tpu.memory_space<vmem>> -> memref<256x16xf32, #tpu.memory_space<vmem>>
      tpu.enqueue_dma source(%dma_start3A_1303 : memref<256x16xf32, #tpu.memory_space<vmem>>) target(%dma_start3A_1300 : memref<256x16xf32, #tpu.memory_space<hbm>>) target_semaphore(%run_scoped3A : memref<!tpu.dma_semaphore, #tpu.memory_space<semaphore_mem>>)
      %dma_wait3A_1304 = arith.constant 0 : i32
      %dma_wait3A_1305 = arith.constant 0 : i32
      %dma_wait3A_1306 = tpu.memref_slice %arg18[%dma_wait3A_1304, %dma_wait3A_1305] : memref<1024x16xf32, #tpu.memory_space<vmem>> -> memref<256x16xf32, #tpu.memory_space<vmem>>
      %dma_wait3A_1307 = arith.constant 0 : i32
      %dma_wait3A_1308 = tpu.memref_slice %arg8[%add3A_1293, %dma_wait3A_1307] : memref<8192x16xf32, #tpu.memory_space<hbm>> -> memref<256x16xf32, #tpu.memory_space<hbm>>
      %dma_wait3A_1309 = arith.constant 0 : i32
      %dma_wait3A_1310 = tpu.memref_slice %arg8[%add3A_1293, %dma_wait3A_1309] : memref<8192x16xf32, #tpu.memory_space<hbm>> -> memref<256x16xf32, #tpu.memory_space<hbm>>
      %dma_wait3A_1311 = arith.constant 0 : i32
      %dma_wait3A_1312 = arith.constant 0 : i32
      %dma_wait3A_1313 = tpu.memref_slice %arg18[%dma_wait3A_1311, %dma_wait3A_1312] : memref<1024x16xf32, #tpu.memory_space<vmem>> -> memref<256x16xf32, #tpu.memory_space<vmem>>
      tpu.wait_dma2 semaphore(%run_scoped3A : memref<!tpu.dma_semaphore, #tpu.memory_space<semaphore_mem>>) src(%dma_wait3A_1313 : memref<256x16xf32, #tpu.memory_space<vmem>>) dst(%dma_wait3A_1310 : memref<256x16xf32, #tpu.memory_space<hbm>>)
      tpu.yield
    }) : () -> ()
    return
  }
}

</mosaic_0001>

<sc_bundles>
// kernel: kernel.3.cloned.1.call-start
scs
__scs_entry_jumppad:
0x0: {  	(pc) =	sbr.rel $0x88, $3  }
0x1: {  	(tag) =	ssettag $0x0;
	lr =	simm.s32 $0x1  }
0x2: {  	[smem:$0x3F9B] =	sst lr;
	_ =	strace $0xD0000000  }
0x3: {  	_ = 	snop  }
0x4: {  	_ = 	snop  }
0x5: {  	_ = 	snop  }
0x6: {  	_ = 	snop  }
0x7: {  	_ = 	snop  }
__scs_overlays_trampoline_lowered:
0x8: {  	[smem:$0x3FAA] =	sst s0  }
0x9: {  	[smem:$0x3FAB] =	sst s1  }
0xa: {  	[smem:$0x3FAC] =	sst s2  }
0xb: {  	[smem:$0x3FAD] =	sst s3  }
0xc: {  	[smem:$0x3FAE] =	sst s4  }
0xd: {  	[smem:$0x3FAF] =	sst s5  }
0xe: {  	[smem:$0x3FB0] =	sst s6  }
0xf: {  	[smem:$0x3FB1] =	sst s7  }
0x10: {  	[smem:$0x3FB2] =	sst s8  }
0x11: {  	[smem:$0x3FB3] =	sst s9;
	s0 =	simm.s32 @!p0 $0x0  }
0x12: {  	s1 =	sld [smem:$0x3F99];
	s0 =	simm.s32 @p0 $0x1  }
0x13: {  	[smem:$0x3FB4] =	sst s0;
	s0 =	simm.s32 @!p1 $0x0  }
0x14: {  	s2 =	sld [smem:$0x3F98];
	s0 =	simm.s32 @p1 $0x1  }
0x15: {  	[smem:$0x3FB5] =	sst s0;
	s0 =	simm.s32 @!p2 $0x0  }
0x16: {  	s3 =	sld [smem:$0x3FDB];
	s0 =	simm.s32 @p2 $0x1  }
0x17: {  	s4 =	simm.s32 $0x1BF5;
	[smem:$0x3FB7] =	sst s0  }
0x18: {  	s0 =	sld [smem:$0x3F9A];
	_ =	swait.ge [sflag:s4], $0x0  }
0x19: {  	s7 =	sld [smem:$0x3F9B]  }
0x1a: {  	s8 =	sadd.s32 $0xFFFFE003, lr  }
0x1b: {  	s9 =	sadd.s32 $0xFFFFFEF7, lr;
	s5 =	simm.s32 $0xFFFFFFFF;
	p2 =	slt.u32 s8, $0xFFFFF086  }
0x1c: {  	p1 =	slt.u32 s9, $0xF7A;
	s5 =	simm.s32 @!p2 $0x0  }
0x1d: {  	s5 =	simm.s32 @p1 $0x1;
	p0 =	seq.s32 s7, s2  }
0x1e: {  	s7 =	smul.u32 @!p0 $0xF7A, s2;
	p2 =	seq.s32 @!p0 s5, $0x0  }
0x1f: {  	s9 =	smul.u32 $0xF7A, s1;
	s8 =	simm.s32 @!p0 $0x1BF5;
	p2 =	por !p2, p0  }
0x20: {  	[sflag:s8] =	ssyncset.s32 @!p0 $0xFFFFF086;
	s6 =	sadd.s32 @!p0 s3, s7;
	s7 =	simm.s32 @!p0 $0x108  }
0x21: {  	s3 =	sadd.s32 s3, s9;
	s6 =	sadd.s32 @!p0 $0x88, s6;
	s7 =	simm.s32 @p2 $0x1082  }
0x22: {  	[simem:s7], [sflag:s8] =	dma.local @!p0 [hbm:s6], $0xF7A  }
0x23: {  	s9 =	sor.u32 $0xD0000000, s2;
	s6 =	simm.s32 $0x108;
	_ =	swait.ge @!p0 [sflag:s8], $0x0  }
0x24: {  	s3 =	sadd.s32 $0x88, s3;
	s6 =	simm.s32 @!p1 $0x1082;
	[sflag:s4] =	ssyncset.s32 $0xFFFFF086  }
0x25: {  	[simem:s6], [sflag:s4] =	dma.local [hbm:s3], $0xF7A  }
0x26: {  	[smem:$0x3F9B] =	sst s1;
	(tag) =	ssettag s2;
	_ =	strace s9  }
0x27: {  	s1 =	sld [smem:$0x3FAB]  }
0x28: {  	s2 =	sld [smem:$0x3FAC]  }
0x29: {  	s4 =	sld [smem:$0x3FAE]  }
0x2a: {  	p0 =	seq.s32 s5, $0x0;
	s5 =	sld [smem:$0x3FAF]  }
0x2b: {  	s6 =	sld [smem:$0x3FB0]  }
0x2c: {  	s7 =	sld [smem:$0x3FB1]  }
0x2d: {  	s3 =	simm.s32 $0x108;
	s8 =	sld [smem:$0x3FB2]  }
0x2e: {  	s3 =	simm.s32 @!p0 $0x1082;
	s9 =	sld [smem:$0x3FB3]  }
0x2f: {  	lr =	sadd.s32 s0, s3;
	s0 =	sld [smem:$0x3FAA]  }
0x30: {  	s3 =	sld [smem:$0x3FAD]  }
0x31: {  	[smem:$0x3FB6] =	sst s10  }
0x32: {  	s10 =	sld [smem:$0x3FB4];
	_ =	sdelay $0x3  }
0x33: {  	p0 =	seq.s32 s10, $0x1;
	s10 =	sld [smem:$0x3FB6];
	_ =	sdelay $0x3  }
0x34: {  	[smem:$0x3FB6] =	sst s10  }
0x35: {  	s10 =	sld [smem:$0x3FB5];
	_ =	sdelay $0x3  }
0x36: {  	p1 =	seq.s32 s10, $0x1;
	s10 =	sld [smem:$0x3FB6];
	_ =	sdelay $0x3  }
0x37: {  	[smem:$0x3FB6] =	sst s10  }
0x38: {  	s10 =	sld [smem:$0x3FB7]  }
0x39: {  	_ = 	snop;
	(pc) =	sbr.ind lr, $3  }
0x3a: {  	_ = 	snop  }
0x3b: {  	_ = 	snop  }
0x3c: {  	p2 =	seq.s32 s10, $0x1;
	s10 =	sld [smem:$0x3FB6]  }
0x3d: {  	_ =	shalt  }
0x3e: {  	_ =	shalt  }
0x3f: {  	_ =	shalt  }
0x40: {  	_ =	shalt  }
0x41: {  	_ =	shalt  }
0x42: {  	_ =	shalt  }
0x43: {  	_ =	shalt  }
0x44: {  	_ =	shalt  }
0x45: {  	_ =	shalt  }
0x46: {  	_ =	shalt  }
0x47: {  	_ =	shalt  }
0x48: {  	_ =	shalt  }
0x49: {  	_ =	shalt  }
0x4a: {  	_ =	shalt  }
0x4b: {  	_ =	shalt  }
0x4c: {  	_ =	shalt  }
0x4d: {  	_ =	shalt  }
0x4e: {  	_ =	shalt  }
0x4f: {  	_ =	shalt  }
0x50: {  	_ =	shalt  }
0x51: {  	_ =	shalt  }
0x52: {  	_ =	shalt  }
0x53: {  	_ =	shalt  }
0x54: {  	_ =	shalt  }
0x55: {  	_ =	shalt  }
0x56: {  	_ =	shalt  }
0x57: {  	_ =	shalt  }
0x58: {  	_ =	shalt  }
0x59: {  	_ =	shalt  }
0x5a: {  	_ =	shalt  }
0x5b: {  	_ =	shalt  }
0x5c: {  	_ =	shalt  }
0x5d: {  	_ =	shalt  }
0x5e: {  	_ =	shalt  }
0x5f: {  	_ =	shalt  }
0x60: {  	_ =	shalt  }
0x61: {  	_ =	shalt  }
0x62: {  	_ =	shalt  }
0x63: {  	_ =	shalt  }
0x64: {  	_ =	shalt  }
0x65: {  	_ =	shalt  }
0x66: {  	_ =	shalt  }
0x67: {  	_ =	shalt  }
0x68: {  	_ =	shalt  }
0x69: {  	_ =	shalt  }
0x6a: {  	_ =	shalt  }
0x6b: {  	_ =	shalt  }
0x6c: {  	_ =	shalt  }
0x6d: {  	_ =	shalt  }
0x6e: {  	_ =	shalt  }
0x6f: {  	_ =	shalt  }
0x70: {  	_ =	shalt  }
0x71: {  	_ =	shalt  }
0x72: {  	_ =	shalt  }
0x73: {  	_ =	shalt  }
0x74: {  	_ =	shalt  }
0x75: {  	_ =	shalt  }
0x76: {  	_ =	shalt  }
0x77: {  	_ =	shalt  }
0x78: {  	_ =	shalt  }
0x79: {  	_ =	shalt  }
0x7a: {  	_ =	shalt  }
0x7b: {  	_ =	shalt  }
0x7c: {  	_ =	shalt  }
0x7d: {  	_ =	shalt  }
0x7e: {  	_ =	shalt  }
0x7f: {  	_ =	shalt  }
0x80: {  	_ =	shalt  }
0x81: {  	_ =	shalt  }
0x82: {  	_ =	shalt  }
0x83: {  	_ =	shalt  }
0x84: {  	_ =	shalt  }
0x85: {  	_ =	shalt  }
0x86: {  	_ =	shalt  }
0x87: {  	_ =	shalt  }
.Lfunc_end0:
.L_simem_size_0:
called_computation_lowered:
.L_overlay_start_0:
0x88: {  	s2 =	sld [smem:$0x3FD9]  }
0x89: {  	s3 =	sld [smem:$0x3FFE];
	_ =	sdelay $0x1  }
0x8a: {  	s1 =	srdreg.scid  }
0x8b: {  	s0 =	sand.u32 $0x1, s1  }
0x8c: {  	s16 =	sshll.u32 s0, $0xA;
	s2 =	sadd.s32 s3, s2  }
0x8d: {  	s2 =	sadd.s32 s2, s16  }
0x8e: {  	[smem:$0x3FC2] =	sst s2  }
0x8f: {  	_ = 	snop  }
0x90: {  	(tm) =	ssettm $0x1  }
0x91: {  	s17 =	sld [smem:$0x3FFB];
	_ =	sdelay $0x3  }
0x92: {  	_ =	strace s17  }
0x93: {  	s2 =	sld [smem:$0x3FFC];
	_ =	sdelay $0x3  }
0x94: {  	_ =	strace s2  }
0x95: {  	s2 =	sld [smem:$0x3FFD];
	_ =	sdelay $0x3  }
0x96: {  	_ =	strace s2  }
0x97: {  	_ =	strace $0x8FFFFFFF  }
0x98: {  	s18 =	sld [smem:$0x3FDB];
	_ =	sdelay $0x1  }
0x99: {  	s19 =	simm.s32 $_scs_section_size  }
0x9a: {  	s4 =	simm.s32 $_size__tile_overlayer_lowered;
	s5 =	simm.s32 $_tile_overlayer_lowered  }
0x9b: {  	s22 =	simm.s32 $0x1BFF;
	s21 =	sshll.u32 s5, $0x1;
	s2 =	sadd.s32 s19, s18  }
0x9c: {  	s6 =	simm.s32 $0x0;
	s20 =	sshll.u32 s4, $0x1;
	s4 =	sadd.s32 s21, s2  }
0x9d: {  	[timem:s6], [sflag:s22] =	dma.local [hbm:s4], s20  }
0x9e: {  	_ =	swait.ge [sflag:s22], s20  }
0x9f: {  	s3 =	ssub.s32 $0x0, s20;
	[sflag:s22] =	ssyncset.done $0x0  }
0xa0: {  	[sflag:s22] =	ssyncadd.s32 s3;
	_ =	sdelay $0x1  }
0xa1: {  	s23 =	simm.s32 $0x1B8B  }
0xa2: {  	_ =	swait.ge [sflag:s23], $0x1  }
0xa3: {  	[sflag:s23] =	ssyncset.done $0x0  }
0xa4: {  	s25 =	simm.s32 $0x1B8E;
	s24 =	sld [smem:$0x3FFE];
	[sflag:s23] =	ssyncadd.s32 $0xFFFFFFFF  }
0xa5: {  	s26 =	simm.s32 $execute0_lowered;
	[smem:$0x3FD2] =	sst s25  }
0xa6: {  	s4 =	sshll.u32 s26, $0x1;
	_ =	strace $0x80000046;
	[dreg:$0x1] =	wrdreg $0xFFFFFFFF  }
0xa7: {  	s28 =	simm.s32 $_size_execute0_lowered;
	s2 =	sadd.s32 s2, s4;
	[dreg:$0x0] =	wrdreg $0x0  }
0xa8: {  	s4 =	sshll.u32 s28, $0x1;
	[dreg:$0x2] =	wrdreg s2  }
0xa9: {  	[dreg:$0x3] =	wrdreg s4  }
0xaa: {  	[dreg:$0x4] =	wrdreg $0xC0  }
0xab: {  	_ =	task [dreg:s6], $0x5FFFF  }
0xac: {  	[dreg:$0x1] =	wrdreg $0xFFFFFFFF  }
0xad: {  	[dreg:$0x0] =	wrdreg $0x60  }
0xae: {  	[dreg:$0x2] =	wrdreg s24  }
0xaf: {  	[dreg:$0x3] =	wrdreg $0x50000  }
0xb0: {  	[dreg:$0x4] =	wrdreg $0x9  }
0xb1: {  	_ =	task.clear_ibuf [dreg:s6], $0x5FFFF;
	_ =	strace $0x90000046  }
0xb2: {  	s29 =	simm.s32 $0x9;
	_ =	strace $0x80000048  }
0xb3: {  	_ =	swait.ge [sflag:s29], $0x1  }
0xb4: {  	[sflag:s29] =	ssyncadd.s32 $0xFFFFFFFF  }
0xb5: {  	_ =	strace $0x90000048  }
0xb6: {  	_ =	sfence  }
0xb7: {  	s30 =	sld [smem:$0x0];
	_ =	sdelay $0x2  }
0xb8: {  	s31 =	sshll.u32 s1, $0xD;
	s1 =	sshrl.u32 s1, $0x2  }
0xb9: {  	s3 =	sand.u32 $0x4000, s31;
	s1 =	sadd.s32 s1, s30  }
0xba: {  	s0 =	sor.u32 s3, s0;
	s1 =	sshll.u32 s1, $0x11  }
0xbb: {  	s0 =	sor.u32 s1, s0  }
0xbc: {  	s0 =	sadd.s32 $0x8F2B, s0  }
0xbd: {  	[sflag:s0] =	ssyncadd.remote.s32 $0x1  }
0xbe: {  	_ =	sfence.sel $0xFFFF  }
0xbf: {  	[dreg:$0x0] =	wrdreg $0xFFFFFFFF;
	(pc) =	sbr.abs _section_cstart, $3  }
0xc0: {  	[dreg:$0x1] =	wrdreg $0xFFFFFFFF  }
0xc1: {  	_ =	task.clear_ibuf [dreg:s6], $0x2FFFF;
	_ =	strace $0x9FFFFFFF  }
0xc2: {  	(tm) =	ssettm $0x7FFFFFFF  }
0xc3: {  	_ =	shalt  }
tec
execute0_lowered:
.L_overlay_start_1:
0x0: {  	(tag) =	ssettag $0x1  }
0x1: {  	s0 =	rddreg [dreg:$0x0]  }
0x2: {  	s1 =	rddreg [dreg:$0x1];
	s2 =	simm.s32 $0x0;
	s18 =	stileid.u32  }
0x3: {  	s9 =	srdreg.scid;
	[smem:$0x7FF] =	sst s2;
	s2 =	sadd.s32 $0x1BA400, s0  }
0x4: {  	s30 =	simm.s32 $0x3;
	s4 =	sadd.s32 $0x189400, s0;
	s5 =	sadd.s32 $0x32400, s0  }
0x5: {  	s6 =	sadd.s32 $0x1400, s0;
	s3 =	sshll.u32 s18, $0x5;
	s7 =	sadd.s32 $0x63400, s0  }
0x6: {  	s8 =	sshll.u32 s18, $0x9;
	s12 =	sadd.s32 $0x94800, s0;
	s11 =	smul.u32 $0x62000, s18  }
0x7: {  	s13 =	sand.u32 $0x1, s9;
	s14 =	sadd.s32 $0xF6800, s0;
	s16 =	sadd.s32 $0x1EB400, s0  }
0x8: {  	s19 =	sadd.s32 $0x21C400, s0;
	p0 =	seq.s32 s13, $0x0;
	s11 =	sshrl.u32 s11, $0x2  }
0x9: {  	s9 =	sadd.s32 $0x127800, s0;
	s19 =	smov.u32 @p0 s16;
	s28 =	sadd.s32 s11, s1  }
0xa: {  	_ =	strace $0x80000047;
	[dreg:$0x3] =	wrdreg s19;
	s20 =	sadd.s32 $0x3100, s28  }
0xb: {  	s3 =	sadd.s32 s3, s0;
	s21 =	sadd.s32 $0x6200, s28;
	[dreg:$0x4] =	wrdreg s20  }
0xc: {  	s10 =	sadd.s32 s8, s0;
	s22 =	sadd.s32 $0x9300, s28;
	[dreg:$0x5] =	wrdreg s21  }
0xd: {  	s8 =	sadd.s32 $0xC5800, s0;
	s23 =	sadd.s32 $0xC400, s28;
	[dreg:$0x6] =	wrdreg s22  }
0xe: {  	s15 =	ssub.s32 $0x2, s13;
	s25 =	sadd.s32 $0xF500, s28;
	[dreg:$0x7] =	wrdreg s23  }
0xf: {  	s17 =	sshrl.u32 s15, $0x1;
	s26 =	sadd.s32 $0x12600, s28;
	[dreg:$0x8] =	wrdreg s25  }
0x10: {  	s0 =	ssub.s32 s15, s17;
	s28 =	sadd.s32 $0x15700, s28;
	[dreg:$0x9] =	wrdreg s26  }
0x11: {  	s24 =	sshll.u32 s13, $0xD;
	s0 =	smax.u32 s0, $0x1;
	[dreg:$0xa] =	wrdreg s28  }
0x12: {  	s10 =	sadd.s32 s24, s10;
	s20 =	sadd.s32 $0x94400, s3;
	[dreg:$0x11] =	wrdreg s0  }
0x13: {  	s11 =	smul.u32 $0x18800, s18;
	s3 =	sadd.s32 $0x94600, s3;
	[dreg:$0xe] =	wrdreg s20  }
0x14: {  	s4 =	smov.u32 @p0 s2;
	s21 =	sadd.s32 $0x158800, s10;
	[dreg:$0xf] =	wrdreg s3  }
0x15: {  	s2 =	sshrl.u32 s11, $0x3;
	s29 =	sadd.s32 s11, s1;
	[dreg:$0x10] =	wrdreg s21  }
0x16: {  	s31 =	simm.s32 $0x200;
	s22 =	sadd.s32 s5, s2;
	[dreg:$0x18] =	wrdreg s29  }
0x17: {  	s8 =	smov.u32 @p0 s12;
	s23 =	sadd.s32 s7, s2;
	[dreg:$0x12] =	wrdreg s22  }
0x18: {  	s9 =	smov.u32 @p0 s14;
	s24 =	sadd.s32 s6, s2;
	[dreg:$0x13] =	wrdreg s23  }
0x19: {  	s0 =	simm.s32 $0xB;
	s25 =	sadd.s32 s8, s2;
	[dreg:$0x14] =	wrdreg s24  }
0x1a: {  	s15 =	sor.u32 $0x40, s2;
	s26 =	sadd.s32 s9, s2;
	[dreg:$0x15] =	wrdreg s25  }
0x1b: {  	s28 =	sadd.s32 s19, s2;
	s3 =	simm.s32 $0xE00;
	[dreg:$0x16] =	wrdreg s26  }
0x1c: {  	s17 =	sadd.s32 s5, s15;
	s18 =	sadd.s32 s7, s15;
	[dreg:$0x17] =	wrdreg s28  }
0x1d: {  	s12 =	sadd.s32 s6, s15;
	s22 =	simm.s32 $0xA;
	[dreg:$0xb] =	wrdreg s17  }
0x1e: {  	s25 =	simm.s32 $0x1;
	s24 =	simm.s32 $0x9;
	[dreg:$0xc] =	wrdreg s18  }
0x1f: {  	v0 =	vimm.f32 $0.0e+00;
	s23 =	simm.s32 $0x80;
	[dreg:$0xd] =	wrdreg s12;
	s12 =	simm.s32 $0x0  }
.LBB2_1:
0x20: {  	s2 =	simm.s32 $0x40;
	s10 =	simm.s32 $0x0  }
.LBB2_2:
0x21: {  	p0 =	sne.s32 s2, $0xC3C0;
	[tilespmem:s10+$0xE00] =	vst v0;
	s10 =	smov.u32 s2;
	s2 =	sadd.s32 $0x40, s2  }
.Ltmp0:
0x22: {  	(pc) =	sbr.rel @p0 .LBB2_2-.Ltmp0, $2  }
0x23: {  	_ =	sdelay $0x2  }
0x24: {  	s10 =	sshra.s32 s10, $0x2  }
0x25: {  	[tilespmem:s10+$0xE00] =	vst v0  }
0x26: {  	[spmem:s29] =	stream.linear.scatter [tilespmem:s3], [sflag:$0xA], $0x3100, $0x38;
	[tilespmem:$0x1D800] =	vst v63  }
0x27: {  	s2 =	rddreg [dreg:$0x4]  }
0x28: {  	[spmem:s2] =	stream.linear.scatter [tilespmem:s3], [sflag:$0xA], $0x3100, $0x38;
	[tilespmem:$0x1D800] =	vst v63  }
0x29: {  	s20 =	rddreg [dreg:$0x5]  }
0x2a: {  	[spmem:s20] =	stream.linear.scatter [tilespmem:s3], [sflag:$0xA], $0x3100, $0x38;
	[tilespmem:$0x1D800] =	vst v63  }
0x2b: {  	s21 =	rddreg [dreg:$0x6]  }
0x2c: {  	[spmem:s21] =	stream.linear.scatter [tilespmem:s3], [sflag:$0xA], $0x3100, $0x38;
	[tilespmem:$0x1D800] =	vst v63  }
0x2d: {  	s26 =	rddreg [dreg:$0x7]  }
0x2e: {  	[spmem:s26] =	stream.linear.scatter [tilespmem:s3], [sflag:$0xA], $0x3100, $0x38;
	[tilespmem:$0x1D800] =	vst v63  }
0x2f: {  	s28 =	rddreg [dreg:$0x8]  }
0x30: {  	[spmem:s28] =	stream.linear.scatter [tilespmem:s3], [sflag:$0xA], $0x3100, $0x38;
	[tilespmem:$0x1D800] =	vst v63  }
0x31: {  	s10 =	rddreg [dreg:$0x9]  }
0x32: {  	[spmem:s10] =	stream.linear.scatter [tilespmem:s3], [sflag:$0xA], $0x3100, $0x38;
	[tilespmem:$0x1D800] =	vst v63  }
0x33: {  	s13 =	rddreg [dreg:$0xa]  }
0x34: {  	[spmem:s13] =	stream.linear.scatter [tilespmem:s3], [sflag:$0xA], $0x3100, $0x38;
	[tilespmem:$0x1D800] =	vst v63  }
0x35: {  	_ =	swait.ge [sflag:s22], $0x3100  }
0x36: {  	[sflag:s22] =	ssyncset.done $0x0  }
0x37: {  	[sflag:s22] =	ssyncadd.s32 $0xFFFFCF00  }
0x38: {  	_ =	swait.ge [sflag:s22], $0x3100  }
0x39: {  	[sflag:s22] =	ssyncset.done $0x0  }
0x3a: {  	[sflag:s22] =	ssyncadd.s32 $0xFFFFCF00  }
0x3b: {  	_ =	swait.ge [sflag:s22], $0x3100  }
0x3c: {  	[sflag:s22] =	ssyncset.done $0x0  }
0x3d: {  	[sflag:s22] =	ssyncadd.s32 $0xFFFFCF00  }
0x3e: {  	_ =	swait.ge [sflag:s22], $0x3100  }
0x3f: {  	[sflag:s22] =	ssyncset.done $0x0  }
0x40: {  	[sflag:s22] =	ssyncadd.s32 $0xFFFFCF00  }
0x41: {  	_ =	swait.ge [sflag:s22], $0x3100  }
0x42: {  	[sflag:s22] =	ssyncset.done $0x0  }
0x43: {  	[sflag:s22] =	ssyncadd.s32 $0xFFFFCF00  }
0x44: {  	_ =	swait.ge [sflag:s22], $0x3100  }
0x45: {  	[sflag:s22] =	ssyncset.done $0x0  }
0x46: {  	[sflag:s22] =	ssyncadd.s32 $0xFFFFCF00  }
0x47: {  	_ =	swait.ge [sflag:s22], $0x3100  }
0x48: {  	[sflag:s22] =	ssyncset.done $0x0  }
0x49: {  	[sflag:s22] =	ssyncadd.s32 $0xFFFFCF00  }
0x4a: {  	_ =	swait.ge [sflag:s22], $0x3100  }
0x4b: {  	[sflag:s22] =	ssyncset.done $0x0  }
0x4c: {  	[sflag:s22] =	ssyncadd.s32 $0xFFFFCF00  }
0x4d: {  	[bflag:$0x0] =	sbarrier.arrive $0xFFFF  }
0x4e: {  	s13 =	simm.s32 $0x0;
	s14 =	rddreg [dreg:$0x12]  }
0x4f: {  	[tilespmem:s13], [sflag:$0x1] =	stream.linear.gather [hbm4b:s14+s13], $0x200, $0x38;
	[tilespmem:$0x1D800] =	vst v63  }
0x50: {  	s16 =	simm.s32 $0xA00;
	s15 =	rddreg [dreg:$0x13]  }
0x51: {  	[tilespmem:s16], [sflag:$0x1] =	stream.linear.gather [hbm4b:s15+s13], $0x200, $0x38;
	[tilespmem:$0x1D800] =	vst v63  }
0x52: {  	s18 =	simm.s32 $0x400;
	s17 =	rddreg [dreg:$0x14]  }
0x53: {  	[tilespmem:s18], [sflag:$0x3] =	stream.linear.gather [hbm4b:s17+s13], $0x200, $0x38;
	[tilespmem:$0x1D800] =	vst v63  }
0x54: {  	_ =	swait.ge [sflag:s25], $0x200  }
0x55: {  	[sflag:s25] =	ssyncset.done $0x0  }
0x56: {  	[sflag:s25] =	ssyncadd.s32 $0xFFFFFE00  }
0x57: {  	_ =	swait.ge [sflag:s25], $0x200  }
0x58: {  	[sflag:s25] =	ssyncset.done $0x0  }
0x59: {  	[sflag:s25] =	ssyncadd.s32 $0xFFFFFE00  }
0x5a: {  	_ =	swait.ge [sflag:s30], $0x200  }
0x5b: {  	[sflag:s30] =	ssyncset.done $0x0  }
0x5c: {  	[sflag:s30] =	ssyncadd.s32 $0xFFFFFE00  }
0x5d: {  	[tilespmem:s3], [sflag:$0x6] =	stream.indirect.gather [hbm4b:s4+s31], $0x10, s13, s31, $0xb8;
	[tilespmem:$0x1D800] =	vst v63  }
0x5e: {  	s19 =	rddreg [dreg:$0xb]  }
0x5f: {  	[tilespmem:s31], [sflag:$0x2] =	stream.linear.gather [hbm4b:s19+s13], $0x200, $0x38;
	[tilespmem:$0x1D800] =	vst v63  }
0x60: {  	s21 =	simm.s32 $0xC00;
	s20 =	rddreg [dreg:$0xc]  }
0x61: {  	[tilespmem:s21], [sflag:$0x2] =	stream.linear.gather [hbm4b:s20+s13], $0x200, $0x38;
	[tilespmem:$0x1D800] =	vst v63  }
0x62: {  	p0 =	por $0x0, $0x0;
	s28 =	simm.s32 $0x600;
	s26 =	rddreg [dreg:$0xd]  }
0x63: {  	[tilespmem:s28], [sflag:$0x4] =	stream.linear.gather [hbm4b:s26+s13], $0x200, $0x38;
	[tilespmem:$0x1D800] =	vst v63  }
.LBB2_4:
0x64: {  	s15 =	sand.u32 $0x1, s13  }
0x65: {  	p1 =	seq.s32 s13, $0x0;
	s2 =	sxor.u32 $0x1, s15  }
0x66: {  	s10 =	sor.u32 @!p1 $0x8, s2  }
0x67: {  	p2 =	seq.s32 @!p1 s13, $0xC3;
	_ =	swait.ge @!p1 [sflag:s10], $0x2000  }
0x68: {  	s14 =	sadd.s32 $0x1, s13;
	p2 =	por p1, !p2;
	[sflag:s10] =	ssyncset.done @!p1 $0x0  }
0x69: {  	[sflag:s10] =	ssyncadd.s32 @!p1 $0xFFFFE000;
	s10 =	sand.u32 @p2 $0xFF, s14  }
0x6a: {  	s10 =	smul.u32 @p2 $0xAB, s10  }
0x6b: {  	s16 =	sadd.s32 @p2 $0x1, s2  }
0x6c: {  	_ =	swait.ge @p2 [sflag:s16], $0x200;
	s10 =	sshrl.u32 @p2 s10, $0x9  }
0x6d: {  	[sflag:s16] =	ssyncset.done @p2 $0x0;
	s10 =	smul.u32 @p2 $0x3, s10  }
0x6e: {  	[sflag:s16] =	ssyncadd.s32 @p2 $0xFFFFFE00  }
0x6f: {  	_ =	swait.ge @p2 [sflag:s16], $0x200;
	s10 =	ssub.s32 @p2 s14, s10  }
0x70: {  	[sflag:s16] =	ssyncset.done @p2 $0x0;
	s10 =	sand.u32 @p2 $0xFF, s10  }
0x71: {  	[sflag:s16] =	ssyncadd.s32 @p2 $0xFFFFFE00;
	s10 =	sadd.s32 @p2 $0x3, s10  }
0x72: {  	_ =	swait.ge @p2 [sflag:s10], $0x200  }
0x73: {  	s17 =	sshll.u32 @p2 s2, $0xD;
	s16 =	sshll.u32 @p2 s2, $0x9;
	[sflag:s10] =	ssyncset.done @p2 $0x0  }
0x74: {  	s2 =	sor.u32 @p2 $0x6, s2;
	[sflag:s10] =	ssyncadd.s32 @p2 $0xFFFFFE00;
	s10 =	sor.u32 @p2 $0xE00, s17  }
0x75: {  	[tilespmem:s10], [sflag:s2] =	stream.indirect.gather @p2 [hbm4b:s4+s31], $0x10, s16, s31, $0xb8;
	[tilespmem:$0x1D800] =	vst v63  }
0x76: {  	s20 =	sor.u32 $0x6, s15;
	s10 =	simm.s32 $0x1  }
0x77: {  	s10 =	simm.s32 @!p0 $0x0;
	_ =	swait.ge [sflag:s20], $0x2000  }
0x78: {  	s21 =	sshll.u32 s10, $0x9;
	[sflag:s20] =	ssyncset.done $0x0  }
0x79: {  	s2 =	sadd.s32 $0xA20, s21;
	[sflag:s20] =	ssyncadd.s32 $0xFFFFE000  }
0x7a: {  	s10 =	sshll.u32 s10, $0xD;
	v1 =	vld [tilespmem:s2+$0x10]  }
0x7b: {  	s16 =	sor.u32 $0x1000, s10;
	v0 =	vld [tilespmem:s2+$0xFFFFFFF0]  }
0x7c: {  	v4 =	vld [tilespmem:s16+$0x1F0]  }
0x7d: {  	v3 =	vld [tilespmem:s2+$0x0]  }
0x7e: {  	v5 =	vld [tilespmem:s2+$0xFFFFFFE0]  }
0x7f: {  	v6 =	vld [tilespmem:s16+$0xFFFFFE00]  }
0x80: {  	v7 =	vld [tilespmem:s16+$0xFFFFFE10]  }
0x81: {  	v10 =	vld [tilespmem:s16+$0xFFFFFE20];
	v2 =	vbroadcast v1, $0x0  }
0x82: {  	v13 =	vld [tilespmem:s16+$0xFFFFFE30];
	v8 =	vbroadcast v1, $0xF;
	v9 =	vbroadcast v0, $0x0  }
0x83: {  	v14 =	vld [tilespmem:s16+$0xFFFFFE40];
	v11 =	vbroadcast v0, $0x1;
	v12 =	vbroadcast v0, $0x2  }
0x84: {  	v17 =	vld [tilespmem:s16+$0xFFFFFE50];
	v15 =	vbroadcast v0, $0x4;
	v16 =	vbroadcast v5, $0x0  }
0x85: {  	v20 =	vld [tilespmem:s16+$0xFFFFFE60];
	v18 =	vbroadcast v5, $0x1;
	v19 =	vbroadcast v5, $0x2  }
0x86: {  	v23 =	vld [tilespmem:s16+$0xFFFFFE70];
	v21 =	vbroadcast v5, $0x3;
	v22 =	vbroadcast v5, $0x4  }
0x87: {  	v26 =	vld [tilespmem:s16+$0xFFFFFE80];
	v24 =	vbroadcast v5, $0x5;
	v25 =	vbroadcast v5, $0x6  }
0x88: {  	v29 =	vld [tilespmem:s16+$0xFFFFFE90];
	v27 =	vbroadcast v5, $0x7;
	v28 =	vbroadcast v5, $0x8  }
0x89: {  	v32 =	vld [tilespmem:s16+$0xFFFFFEA0];
	v30 =	vbroadcast v5, $0x9;
	v31 =	vbroadcast v5, $0xA  }
0x8a: {  	v35 =	vld [tilespmem:s16+$0xFFFFFEB0];
	v33 =	vbroadcast v5, $0xB;
	v34 =	vbroadcast v5, $0xC  }
0x8b: {  	v38 =	vld [tilespmem:s16+$0xFFFFFEC0];
	v36 =	vbroadcast v5, $0xD;
	v37 =	vbroadcast v5, $0xE  }
0x8c: {  	v40 =	vld [tilespmem:s16+$0xFFFFFED0];
	v5 =	vbroadcast v5, $0xF;
	v39 =	vbroadcast v0, $0x5  }
0x8d: {  	v52 =	vld [tilespmem:s16+$0xFFFFFF50];
	v51 =	vbroadcast v0, $0x9;
	v54 =	vbroadcast v0, $0xA  }
0x8e: {  	v53 =	vld [tilespmem:s16+$0xFFFFFF60];
	v56 =	vbroadcast v1, $0x3;
	v57 =	vbroadcast v1, $0x6  }
0x8f: {  	v59 =	vld [tilespmem:s16+$0x170];
	v58 =	vbroadcast v1, $0x7;
	v60 =	vbroadcast v1, $0x8  }
0x90: {  	v61 =	vld [tilespmem:s16+$0x180];
	v62 =	vbroadcast v1, $0x9;
	v47 =	vbroadcast v1, $0xA  }
0x91: {  	v63 =	vld [tilespmem:s16+$0x190];
	v4 =	vmul.f32 v4, v8;
	v8 =	vbroadcast v0, $0x3  }
0x92: {  	v6 =	vmul.f32 v16, v6;
	v16 =	vld [tilespmem:s16+$0xFFFFFEE0];
	v7 =	vmul.f32 v7, v18  }
0x93: {  	v18 =	vbroadcast v0, $0x6;
	v10 =	vmul.f32 v10, v19;
	v19 =	vld [tilespmem:s16+$0xFFFFFEF0]  }
0x94: {  	v13 =	vmul.f32 v13, v21;
	v21 =	vld [tilespmem:s16+$0xFFFFFF00];
	v14 =	vmul.f32 v14, v22  }
0x95: {  	v22 =	vbroadcast v0, $0x7;
	v17 =	vmul.f32 v17, v24;
	v24 =	vld [tilespmem:s16+$0xFFFFFF10]  }
0x96: {  	v20 =	vmul.f32 v20, v25;
	v25 =	vld [tilespmem:s16+$0xFFFFFF20];
	v23 =	vmul.f32 v23, v27  }
0x97: {  	v27 =	vbroadcast v0, $0x8;
	v26 =	vmul.f32 v26, v28;
	v28 =	vld [tilespmem:s16+$0xFFFFFF30]  }
0x98: {  	v29 =	vmul.f32 v29, v30;
	v30 =	vld [tilespmem:s16+$0xFFFFFF40];
	v31 =	vmul.f32 v32, v31  }
0x99: {  	v33 =	vmul.f32 v35, v33;
	v37 =	vmul.f32 v16, v37;
	v16 =	vld [tilespmem:s16+$0xFFFFFF70]  }
0x9a: {  	v34 =	vmul.f32 v38, v34;
	v5 =	vmul.f32 v19, v5;
	v19 =	vld [tilespmem:s16+$0xFFFFFF80]  }
0x9b: {  	v36 =	vmul.f32 v40, v36;
	v42 =	vmul.f32 v24, v11;
	v11 =	vld [tilespmem:s16+$0xFFFFFF90]  }
0x9c: {  	v35 =	vmul.f32 v52, v39;
	v41 =	vmul.f32 v9, v21;
	v21 =	vld [tilespmem:s16+$0xFFFFFFA0]  }
0x9d: {  	v38 =	vmul.f32 v53, v18;
	v30 =	vmul.f32 v30, v15;
	v15 =	vld [tilespmem:s16+$0xFFFFFFB0]  }
0x9e: {  	v18 =	vbroadcast v0, $0xD;
	[tilespmem:s16+$0x1F0] =	vst v4;
	v4 =	vbroadcast v3, $0x0;
	v24 =	vld [tilespmem:s16+$0xFFFFFFC0]  }
0x9f: {  	v9 =	vbroadcast v0, $0xB;
	v55 =	vmul.f32 v16, v22;
	v16 =	vld [tilespmem:s16+$0xFFFFFFD0]  }
0xa0: {  	v28 =	vmul.f32 v28, v8;
	v43 =	vmul.f32 v19, v27;
	v19 =	vld [tilespmem:s16+$0xFFFFFFE0]  }
0xa1: {  	v8 =	vbroadcast v0, $0xC;
	v40 =	vmul.f32 v21, v54;
	v21 =	vld [tilespmem:s16+$0xFFFFFFF0]  }
0xa2: {  	[tilespmem:s16+$0xFFFFFE00] =	vst v6;
	v44 =	vmul.f32 v11, v51;
	v45 =	vmul.f32 v15, v9;
	v9 =	vld [tilespmem:s16+$0x0]  }
0xa3: {  	[tilespmem:s16+$0xFFFFFE10] =	vst v7;
	v11 =	vbroadcast v0, $0xE;
	v0 =	vbroadcast v0, $0xF;
	v15 =	vld [tilespmem:s16+$0x10]  }
0xa4: {  	[tilespmem:s16+$0xFFFFFE20] =	vst v10;
	v46 =	vmul.f32 v24, v8;
	v8 =	vmul.f32 v16, v18;
	v16 =	vld [tilespmem:s16+$0x20]  }
0xa5: {  	v7 =	vbroadcast v3, $0x2;
	[tilespmem:s16+$0xFFFFFE30] =	vst v13;
	v13 =	vbroadcast v3, $0x4;
	v18 =	vld [tilespmem:s16+$0x30]  }
0xa6: {  	[tilespmem:s16+$0xFFFFFE40] =	vst v14;
	v22 =	vbroadcast v3, $0x1;
	v10 =	vmul.f32 v21, v0;
	v0 =	vld [tilespmem:s16+$0x40]  }
0xa7: {  	[tilespmem:s16+$0xFFFFFE50] =	vst v17;
	v6 =	vmul.f32 v19, v11;
	v11 =	vmul.f32 v4, v9;
	v4 =	vld [tilespmem:s16+$0x50]  }
0xa8: {  	v14 =	vld [tilespmem:s16+$0x60];
	v17 =	vbroadcast v3, $0x6;
	[tilespmem:s16+$0xFFFFFE60] =	vst v20;
	v19 =	vbroadcast v3, $0x3  }
0xa9: {  	[tilespmem:s16+$0xFFFFFE70] =	vst v23;
	v21 =	vmul.f32 v15, v22;
	v15 =	vmul.f32 v16, v7;
	v16 =	vld [tilespmem:s16+$0x70]  }
0xaa: {  	[tilespmem:s16+$0xFFFFFE80] =	vst v26;
	v9 =	vbroadcast v3, $0x5;
	v22 =	vmul.f32 v18, v19;
	v19 =	vld [tilespmem:s16+$0x80]  }
0xab: {  	v20 =	vbroadcast v3, $0x7;
	[tilespmem:s16+$0xFFFFFE90] =	vst v29;
	v18 =	vmul.f32 v0, v13;
	v0 =	vld [tilespmem:s16+$0x90]  }
0xac: {  	v23 =	vbroadcast v3, $0x8;
	[tilespmem:s16+$0xFFFFFEA0] =	vst v31;
	v24 =	vmul.f32 v4, v9;
	v4 =	vld [tilespmem:s16+$0xA0]  }
0xad: {  	[tilespmem:s16+$0xFFFFFEB0] =	vst v33;
	v12 =	vmul.f32 v25, v12;
	v7 =	vmul.f32 v14, v17;
	v17 =	vld [tilespmem:s16+$0xB0]  }
0xae: {  	[tilespmem:s16+$0xFFFFFEC0] =	vst v34;
	v25 =	vbroadcast v3, $0x9;
	v13 =	vmul.f32 v16, v20;
	v20 =	vld [tilespmem:s16+$0xC0]  }
0xaf: {  	v26 =	vbroadcast v3, $0xA;
	[tilespmem:s16+$0xFFFFFED0] =	vst v36;
	v9 =	vmul.f32 v19, v23;
	v23 =	vld [tilespmem:s16+$0xD0]  }
0xb0: {  	v48 =	vbroadcast v1, $0xC;
	[tilespmem:s16+$0xFFFFFF50] =	vst v35;
	v16 =	vmul.f32 v0, v25;
	v0 =	vld [tilespmem:s16+$0xE0]  }
0xb1: {  	[tilespmem:s16+$0xFFFFFF60] =	vst v38;
	v27 =	vbroadcast v3, $0xB;
	v14 =	vmul.f32 v4, v26;
	v4 =	vld [tilespmem:s16+$0xF0]  }
0xb2: {  	v29 =	vbroadcast v3, $0xC;
	v31 =	vbroadcast v3, $0xD;
	[tilespmem:s16+$0xFFFFFEE0] =	vst v37;
	v26 =	vld [tilespmem:s16+$0x100]  }
0xb3: {  	[tilespmem:s16+$0xFFFFFEF0] =	vst v5;
	v25 =	vbroadcast v3, $0xE;
	v19 =	vmul.f32 v17, v27;
	v27 =	vld [tilespmem:s16+$0x110]  }
0xb4: {  	[tilespmem:s16+$0xFFFFFF00] =	vst v41;
	v3 =	vbroadcast v3, $0xF;
	v23 =	vmul.f32 v23, v31;
	v31 =	vld [tilespmem:s16+$0x120]  }
0xb5: {  	s17 =	sadd.s32 $0x2, s13;
	[tilespmem:s16+$0xFFFFFF10] =	vst v42;
	v17 =	vmul.f32 v20, v29;
	v20 =	vmul.f32 v0, v25;
	v0 =	vld [tilespmem:s16+$0x130]  }
0xb6: {  	s26 =	smul.u32 $0xAB, s13;
	s18 =	sand.u32 $0xFF, s17;
	v5 =	vbroadcast v1, $0x1;
	[tilespmem:s16+$0xFFFFFF20] =	vst v12;
	v25 =	vmul.f32 v4, v3;
	v3 =	vld [tilespmem:s16+$0x140]  }
0xb7: {  	s18 =	smul.u32 $0xAB, s18;
	v53 =	vbroadcast v1, $0xB;
	[tilespmem:s16+$0xFFFFFF30] =	vst v28;
	v26 =	vmul.f32 v2, v26;
	v2 =	vld [tilespmem:s16+$0x150]  }
0xb8: {  	v33 =	vmul.f32 v59, v58;
	[tilespmem:s16+$0xFFFFFF40] =	vst v30;
	v27 =	vmul.f32 v27, v5;
	v5 =	vld [tilespmem:s16+$0x160]  }
0xb9: {  	s10 =	sshrl.u32 s26, $0x9;
	s18 =	sshrl.u32 s18, $0x9;
	v34 =	vmul.f32 v61, v60;
	[tilespmem:s16+$0xFFFFFF70] =	vst v55;
	v29 =	vbroadcast v1, $0x2  }
0xba: {  	s10 =	sand.u32 $0x7F, s10;
	s18 =	smul.u32 $0x3, s18;
	v39 =	vld [tilespmem:s16+$0x1C0];
	v35 =	vmul.f32 v63, v62;
	v12 =	vbroadcast v1, $0x4;
	[tilespmem:s16+$0xFFFFFF80] =	vst v43  }
0xbb: {  	s19 =	sshll.u32 s15, $0x9;
	s10 =	smul.u32 $0x3, s10;
	v38 =	vld [tilespmem:s16+$0x1B0];
	[tilespmem:s16+$0xFFFFFF90] =	vst v44;
	v4 =	vbroadcast v1, $0x5;
	v28 =	vmul.f32 v31, v29  }
0xbc: {  	s28 =	simm.s32 $0x0;
	s20 =	sadd.s32 $0xA00, s19;
	[tilespmem:s16+$0xFFFFFFA0] =	vst v40;
	v40 =	vld [tilespmem:s16+$0x1D0];
	v29 =	vmul.f32 v0, v56;
	v30 =	vmul.f32 v3, v12  }
0xbd: {  	s2 =	sadd.s32 $0x40, s2;
	s18 =	ssub.s32 s17, s18;
	s10 =	ssub.s32 s13, s10;
	[tilespmem:s16+$0xFFFFFFB0] =	vst v45;
	v32 =	vmul.f32 v2, v4;
	v0 =	vld [tilespmem:s16+$0x1A0];
	v31 =	vmul.f32 v5, v57  }
0xbe: {  	s26 =	smov.u32 s16;
	s18 =	sand.u32 $0xFF, s18;
	s21 =	sand.u32 $0xFF, s10;
	[tilespmem:s16+$0xFFFFFFC0] =	vst v46;
	v5 =	vbroadcast v1, $0xD;
	v12 =	vbroadcast v1, $0xE;
	v1 =	vld [tilespmem:s16+$0x1E0]  }
.LBB2_5:
0xbf: {  	[tilespmem:s16+$0xFFFFFFD0] =	vst v8  }
0xc0: {  	v51 =	vld [tilespmem:s2+$0x0];
	[tilespmem:s26+$0x0] =	vst v11  }
0xc1: {  	[tilespmem:s26+$0x10] =	vst v21  }
0xc2: {  	[tilespmem:s26+$0x20] =	vst v15  }
0xc3: {  	[tilespmem:s26+$0x30] =	vst v22  }
0xc4: {  	[tilespmem:s26+$0x50] =	vst v24  }
0xc5: {  	[tilespmem:s26+$0x70] =	vst v13  }
0xc6: {  	[tilespmem:s26+$0x90] =	vst v16  }
0xc7: {  	[tilespmem:s26+$0xB0] =	vst v19  }
0xc8: {  	[tilespmem:s26+$0xC0] =	vst v17  }
0xc9: {  	[tilespmem:s26+$0xD0] =	vst v23  }
0xca: {  	[tilespmem:s26+$0xE0] =	vst v20  }
0xcb: {  	[tilespmem:s26+$0xF0] =	vst v25  }
0xcc: {  	v36 =	vld [tilespmem:s2+$0x10];
	[tilespmem:s26+$0x100] =	vst v26  }
0xcd: {  	[tilespmem:s26+$0x110] =	vst v27;
	v41 =	vld [tilespmem:s2+$0xFFFFFFF0]  }
0xce: {  	s16 =	sadd.s32 $0x400, s16;
	[tilespmem:s26+$0x120] =	vst v28;
	v2 =	vmul.f32 v40, v5;
	v5 =	vld [tilespmem:s2+$0xFFFFFFE0]  }
0xcf: {  	[tilespmem:s26+$0xFFFFFFE0] =	vst v6;
	v6 =	vld [tilespmem:s16+$0xFFFFFE10]  }
0xd0: {  	[tilespmem:s26+$0x130] =	vst v29;
	v54 =	vld [tilespmem:s16+$0xFFFFFE50]  }
0xd1: {  	[tilespmem:s26+$0x160] =	vst v31  }
0xd2: {  	[tilespmem:s26+$0x170] =	vst v33  }
0xd3: {  	[tilespmem:s26+$0x180] =	vst v34;
	v57 =	vbroadcast v5, $0x5  }
0xd4: {  	v17 =	vld [tilespmem:s16+$0xFFFFFEE0];
	[tilespmem:$0x1FE00] =	vst v6;
	v6 =	vbroadcast v41, $0x0  }
0xd5: {  	[tilespmem:s26+$0xFFFFFFF0] =	vst v10;
	v3 =	vmul.f32 v0, v47;
	v0 =	vld [tilespmem:s16+$0x1F0];
	v57 =	vmul.f32 v54, v57  }
0xd6: {  	v15 =	vld [tilespmem:s16+$0xFFFFFF00];
	v47 =	vmul.f32 v1, v12;
	v1 =	vbroadcast v36, $0x0;
	[tilespmem:$0x1FE40] =	vst v6  }
0xd7: {  	v6 =	vbroadcast v41, $0x1;
	[tilespmem:s16+$0xFFFFFE50] =	vst v57;
	v57 =	vld [tilespmem:$0x1FE40]  }
0xd8: {  	v50 =	vld [tilespmem:s16+$0xFFFFFE00];
	[tilespmem:$0x1FF60] =	vst v1;
	v1 =	vbroadcast v36, $0xF  }
0xd9: {  	v4 =	vmul.f32 v39, v48;
	[tilespmem:$0x1FE50] =	vst v6;
	v6 =	vld [tilespmem:s16+$0xFFFFFE20]  }
0xda: {  	[tilespmem:s26+$0x40] =	vst v18;
	v0 =	vmul.f32 v0, v1;
	v1 =	vld [tilespmem:s16+$0xFFFFFE30];
	v39 =	vbroadcast v5, $0xE  }
0xdb: {  	[tilespmem:s26+$0xA0] =	vst v14;
	v14 =	vld [tilespmem:s16+$0xFFFFFF10]  }
0xdc: {  	[tilespmem:s26+$0x60] =	vst v7;
	v17 =	vmul.f32 v17, v39;
	v39 =	vmul.f32 v57, v15;
	v15 =	vld [tilespmem:$0x1FE50]  }
0xdd: {  	v58 =	vld [tilespmem:s16+$0xFFFFFE60];
	[tilespmem:s26+$0x1A0] =	vst v3  }
0xde: {  	v59 =	vld [tilespmem:s16+$0xFFFFFE70];
	[tilespmem:$0x1FE10] =	vst v6;
	v6 =	vbroadcast v41, $0x2  }
0xdf: {  	v42 =	vld [tilespmem:s16+$0xFFFFFE80];
	[tilespmem:$0x1FE20] =	vst v1;
	v1 =	vbroadcast v41, $0x3  }
0xe0: {  	v13 =	vld [tilespmem:s16+$0xFFFFFF20];
	v3 =	vbroadcast v36, $0x2;
	v12 =	vbroadcast v5, $0x0;
	[tilespmem:$0x1FE60] =	vst v6  }
0xe1: {  	[tilespmem:$0x1FE70] =	vst v1;
	v1 =	vbroadcast v41, $0x4;
	v14 =	vmul.f32 v14, v15;
	v15 =	vld [tilespmem:$0x1FE60]  }
0xe2: {  	v24 =	vld [tilespmem:s16+$0xFFFFFE90];
	[tilespmem:$0x1FF80] =	vst v3;
	v50 =	vmul.f32 v12, v50  }
0xe3: {  	[tilespmem:$0x1FE80] =	vst v1;
	v1 =	vld [tilespmem:s16+$0xFFFFFE40]  }
0xe4: {  	v52 =	vmul.f32 v38, v53;
	v3 =	vbroadcast v36, $0x3;
	[tilespmem:s16+$0xFFFFFE00] =	vst v50;
	v50 =	vld [tilespmem:$0x1FE20]  }
0xe5: {  	[tilespmem:s26+$0x80] =	vst v9;
	v11 =	vld [tilespmem:s16+$0xFFFFFF30];
	v55 =	vbroadcast v5, $0x1;
	v43 =	vbroadcast v5, $0x2  }
0xe6: {  	[tilespmem:s26+$0x140] =	vst v30;
	v56 =	vbroadcast v5, $0x3;
	v13 =	vmul.f32 v13, v15;
	v15 =	vld [tilespmem:$0x1FE70]  }
0xe7: {  	v22 =	vld [tilespmem:s16+$0xFFFFFEA0];
	v45 =	vbroadcast v5, $0x4;
	v40 =	vbroadcast v5, $0x8;
	[tilespmem:s16+$0x1F0] =	vst v0  }
0xe8: {  	v21 =	vld [tilespmem:s16+$0xFFFFFEB0];
	v44 =	vbroadcast v5, $0x6;
	v0 =	vbroadcast v41, $0x5;
	[tilespmem:$0x1FE30] =	vst v1  }
0xe9: {  	[tilespmem:s26+$0x190] =	vst v35;
	v40 =	vmul.f32 v42, v40;
	v50 =	vmul.f32 v50, v56;
	v56 =	vld [tilespmem:$0x1FE30]  }
0xea: {  	v10 =	vld [tilespmem:s16+$0xFFFFFF40];
	v60 =	vbroadcast v5, $0x7;
	v61 =	vbroadcast v5, $0x9;
	[tilespmem:$0x1FE90] =	vst v0  }
0xeb: {  	v0 =	vbroadcast v41, $0x6;
	[tilespmem:s16+$0xFFFFFE80] =	vst v40;
	v40 =	vmul.f32 v11, v15;
	v11 =	vld [tilespmem:$0x1FE80]  }
0xec: {  	v19 =	vld [tilespmem:s16+$0xFFFFFEC0];
	[tilespmem:s26+$0x1B0] =	vst v52;
	v37 =	vbroadcast v5, $0xA;
	v62 =	vbroadcast v5, $0xB  }
0xed: {  	v18 =	vld [tilespmem:s16+$0xFFFFFED0];
	v38 =	vbroadcast v5, $0xC;
	[tilespmem:$0x1FEA0] =	vst v0;
	v0 =	vbroadcast v41, $0x7  }
0xee: {  	v16 =	vld [tilespmem:s16+$0xFFFFFEF0];
	v63 =	vbroadcast v5, $0xD;
	[tilespmem:$0x1FF90] =	vst v3;
	v45 =	vmul.f32 v56, v45  }
0xef: {  	v9 =	vld [tilespmem:s16+$0xFFFFFF50];
	v46 =	vbroadcast v5, $0xF;
	v5 =	vbroadcast v36, $0x4;
	[tilespmem:$0x1FEB0] =	vst v0  }
0xf0: {  	v0 =	vbroadcast v41, $0x8;
	[tilespmem:s16+$0xFFFFFE40] =	vst v45;
	v45 =	vmul.f32 v10, v11;
	v10 =	vld [tilespmem:$0x1FE90]  }
0xf1: {  	v8 =	vld [tilespmem:s16+$0xFFFFFF60];
	[tilespmem:$0x1FFA0] =	vst v5  }
0xf2: {  	v7 =	vld [tilespmem:s16+$0xFFFFFF70];
	[tilespmem:$0x1FEC0] =	vst v0;
	v0 =	vbroadcast v41, $0x9  }
0xf3: {  	v49 =	vld [tilespmem:s16+$0xFFFFFFF0];
	[tilespmem:s26+$0x1C0] =	vst v4  }
0xf4: {  	v52 =	vld [tilespmem:s16+$0xFFFFFFE0];
	[tilespmem:$0x1FED0] =	vst v0  }
0xf5: {  	v0 =	vbroadcast v41, $0xA;
	[tilespmem:s16+$0xFFFFFE30] =	vst v50;
	v50 =	vmul.f32 v9, v10;
	v9 =	vld [tilespmem:$0x1FEA0]  }
0xf6: {  	v3 =	vld [tilespmem:s16+$0xFFFFFFB0];
	[tilespmem:s26+$0x1D0] =	vst v2  }
0xf7: {  	v26 =	vbroadcast v51, $0x0;
	v54 =	vld [tilespmem:s16+$0x30];
	[tilespmem:$0x1FEE0] =	vst v0;
	v0 =	vbroadcast v41, $0xB  }
0xf8: {  	v27 =	vbroadcast v51, $0x1;
	v5 =	vbroadcast v36, $0x5;
	v42 =	vld [tilespmem:s16+$0x40];
	[tilespmem:s26+$0x1E0] =	vst v47  }
0xf9: {  	v22 =	vmul.f32 v22, v37;
	v37 =	vld [tilespmem:s16+$0x50];
	[tilespmem:$0x1FEF0] =	vst v0;
	v0 =	vbroadcast v41, $0xE  }
0xfa: {  	v60 =	vmul.f32 v59, v60;
	[tilespmem:$0x1FFB0] =	vst v5;
	v57 =	vmul.f32 v8, v9;
	v8 =	vld [tilespmem:$0x1FEB0]  }
0xfb: {  	v19 =	vmul.f32 v19, v38;
	v38 =	vld [tilespmem:s16+$0x60];
	[tilespmem:$0x1FF00] =	vst v0;
	v0 =	vbroadcast v51, $0x6  }
0xfc: {  	v16 =	vmul.f32 v16, v46;
	v46 =	vld [tilespmem:s16+$0xA0];
	v5 =	vbroadcast v36, $0x6;
	[tilespmem:s16+$0xFFFFFE70] =	vst v60  }
0xfd: {  	v44 =	vmul.f32 v58, v44;
	v58 =	vld [tilespmem:s16+$0xB0];
	[tilespmem:$0x1FF10] =	vst v0;
	v0 =	vbroadcast v51, $0x8  }
0xfe: {  	v28 =	vbroadcast v51, $0x2;
	[tilespmem:$0x1FFC0] =	vst v5;
	v5 =	vbroadcast v36, $0x7;
	v6 =	vld [tilespmem:s16+$0xFFFFFF80]  }
0xff: {  	[tilespmem:$0x1FF20] =	vst v0;
	v0 =	vbroadcast v51, $0xA;
	v59 =	vmul.f32 v7, v8;
	v7 =	vld [tilespmem:$0x1FEC0]  }
0x100: {  	v24 =	vmul.f32 v24, v61;
	v61 =	vld [tilespmem:s16+$0xC0];
	[tilespmem:$0x1FFD0] =	vst v5;
	v5 =	vbroadcast v36, $0x8  }
0x101: {  	v53 =	vbroadcast v36, $0xB;
	v4 =	vld [tilespmem:s16+$0xFFFFFFC0];
	[tilespmem:$0x1FF30] =	vst v0;
	v0 =	vbroadcast v51, $0xC  }
0x102: {  	v48 =	vbroadcast v36, $0xC;
	v2 =	vld [tilespmem:s16+$0xFFFFFFD0];
	[tilespmem:$0x1FFE0] =	vst v5;
	v5 =	vbroadcast v36, $0x9  }
0x103: {  	v12 =	vbroadcast v36, $0xE;
	v1 =	vld [tilespmem:s16+$0xFFFFFF90];
	[tilespmem:$0x1FF40] =	vst v0;
	v0 =	vbroadcast v51, $0xE  }
0x104: {  	v47 =	vbroadcast v36, $0xA;
	[tilespmem:$0x1FFF0] =	vst v5;
	v60 =	vmul.f32 v6, v7;
	v6 =	vld [tilespmem:$0x1FED0]  }
0x105: {  	v5 =	vbroadcast v36, $0xD;
	[tilespmem:$0x1FF50] =	vst v0;
	v0 =	vbroadcast v36, $0x1;
	v36 =	vld [tilespmem:$0x1FE00]  }
0x106: {  	v29 =	vbroadcast v51, $0x3;
	v30 =	vbroadcast v51, $0x5;
	[tilespmem:s16+$0xFFFFFE60] =	vst v44;
	v44 =	vld [tilespmem:s16+$0x80]  }
0x107: {  	[tilespmem:s26+$0x150] =	vst v32;
	v32 =	vbroadcast v51, $0x7;
	v18 =	vmul.f32 v18, v63;
	v63 =	vld [tilespmem:s16+$0x190]  }
0x108: {  	v31 =	vbroadcast v51, $0x9;
	v33 =	vbroadcast v51, $0xB;
	[tilespmem:$0x1FF70] =	vst v0;
	v0 =	vld [tilespmem:s16+$0xFFFFFFA0]  }
0x109: {  	v34 =	vbroadcast v51, $0xD;
	v1 =	vmul.f32 v1, v6;
	v6 =	vld [tilespmem:$0x1FEE0]  }
0x10a: {  	v20 =	vbroadcast v41, $0xC;
	v36 =	vmul.f32 v36, v55;
	v55 =	vld [tilespmem:$0x1FE10]  }
0x10b: {  	v35 =	vbroadcast v51, $0xF;
	[tilespmem:s16+$0xFFFFFEC0] =	vst v19;
	v19 =	vmul.f32 v58, v33;
	v58 =	vld [tilespmem:s16+$0x160]  }
0x10c: {  	v23 =	vbroadcast v41, $0xD;
	v4 =	vmul.f32 v4, v20;
	v20 =	vld [tilespmem:s16+$0xE0]  }
0x10d: {  	v25 =	vbroadcast v41, $0xF;
	v41 =	vbroadcast v51, $0x4;
	v51 =	vld [tilespmem:s16+$0x0]  }
0x10e: {  	v21 =	vmul.f32 v21, v62;
	v62 =	vmul.f32 v0, v6;
	v0 =	vld [tilespmem:s16+$0xD0]  }
0x10f: {  	v56 =	vld [tilespmem:s16+$0x20];
	v43 =	vmul.f32 v55, v43  }
0x110: {  	[tilespmem:s16+$0xFFFFFEE0] =	vst v17;
	v17 =	vld [tilespmem:$0x1FF40]  }
0x111: {  	[tilespmem:s16+$0xFFFFFE20] =	vst v43;
	v43 =	vld [tilespmem:s16+$0x90]  }
0x112: {  	v11 =	vmul.f32 v26, v51;
	v26 =	vld [tilespmem:s16+$0x100]  }
0x113: {  	v8 =	vmul.f32 v2, v23;
	v23 =	vmul.f32 v0, v34;
	v0 =	vld [tilespmem:$0x1FF50]  }
0x114: {  	v55 =	vld [tilespmem:s16+$0x10]  }
0x115: {  	[tilespmem:s16+$0xFFFFFE10] =	vst v36;
	v36 =	vld [tilespmem:s16+$0x70]  }
0x116: {  	[tilespmem:s16+$0xFFFFFEF0] =	vst v16;
	v16 =	vmul.f32 v43, v31;
	v31 =	vld [tilespmem:s16+$0x150]  }
0x117: {  	[tilespmem:s16+$0xFFFFFF90] =	vst v1;
	v1 =	vld [tilespmem:$0x1FFB0]  }
0x118: {  	v20 =	vmul.f32 v20, v0;
	v0 =	vld [tilespmem:$0x1FF60]  }
0x119: {  	[tilespmem:s16+$0xFFFFFEB0] =	vst v21;
	v21 =	vmul.f32 v55, v27;
	v27 =	vld [tilespmem:s16+$0x110]  }
0x11a: {  	v2 =	vld [tilespmem:$0x1FF00]  }
0x11b: {  	v6 =	vld [tilespmem:$0x1FEF0]  }
0x11c: {  	[tilespmem:s16+$0xFFFFFF20] =	vst v13;
	v13 =	vmul.f32 v36, v32;
	v32 =	vmul.f32 v31, v1;
	v1 =	vld [tilespmem:$0x1FFC0]  }
0x11d: {  	v26 =	vmul.f32 v0, v26;
	v0 =	vld [tilespmem:$0x1FF70]  }
0x11e: {  	v15 =	vmul.f32 v56, v28;
	v28 =	vld [tilespmem:s16+$0x120]  }
0x11f: {  	v17 =	vmul.f32 v61, v17;
	v61 =	vld [tilespmem:s16+$0x170]  }
0x120: {  	v3 =	vmul.f32 v3, v6;
	v6 =	vmul.f32 v52, v2;
	v2 =	vld [tilespmem:s16+$0xF0]  }
0x121: {  	v31 =	vmul.f32 v58, v1;
	v1 =	vld [tilespmem:$0x1FFD0]  }
0x122: {  	v27 =	vmul.f32 v27, v0;
	v0 =	vld [tilespmem:$0x1FF80]  }
0x123: {  	[tilespmem:s16+$0xFFFFFEA0] =	vst v22;
	v22 =	vmul.f32 v54, v29;
	v29 =	vld [tilespmem:s16+$0x130]  }
0x124: {  	[tilespmem:s16+$0xFFFFFE90] =	vst v24;
	v24 =	vmul.f32 v37, v30;
	v30 =	vld [tilespmem:s16+$0x140]  }
0x125: {  	v10 =	vmul.f32 v49, v25;
	v25 =	vmul.f32 v2, v35;
	v2 =	vld [tilespmem:s16+$0x180]  }
0x126: {  	[tilespmem:s16+$0xFFFFFED0] =	vst v18;
	v33 =	vmul.f32 v61, v1;
	v1 =	vld [tilespmem:$0x1FFE0]  }
0x127: {  	[tilespmem:s16+$0xFFFFFFC0] =	vst v4;
	v28 =	vmul.f32 v28, v0;
	v0 =	vld [tilespmem:$0x1FF90]  }
0x128: {  	[tilespmem:s16+$0xFFFFFF10] =	vst v14;
	v14 =	vld [tilespmem:$0x1FF30]  }
0x129: {  	[tilespmem:s16+$0xFFFFFF00] =	vst v39;
	v9 =	vld [tilespmem:$0x1FF20]  }
0x12a: {  	[tilespmem:s16+$0xFFFFFF30] =	vst v40;
	v7 =	vld [tilespmem:$0x1FF10]  }
0x12b: {  	s28 =	sadd.s32 $0x4, s28;
	[tilespmem:s16+$0xFFFFFF40] =	vst v45;
	v34 =	vmul.f32 v2, v1;
	v1 =	vld [tilespmem:$0x1FFF0]  }
0x12c: {  	p1 =	slt.u32 s28, $0x1C;
	[tilespmem:s16+$0xFFFFFF50] =	vst v50;
	v29 =	vmul.f32 v29, v0;
	v0 =	vld [tilespmem:$0x1FFA0]  }
.Ltmp1:
0x12d: {  	v39 =	vld [tilespmem:s16+$0x1C0];
	[tilespmem:s16+$0xFFFFFF60] =	vst v57;
	(pc) =	sbr.rel @p1 .LBB2_5-.Ltmp1, $4  }
0x12e: {  	v40 =	vld [tilespmem:s16+$0x1D0];
	[tilespmem:s16+$0xFFFFFF70] =	vst v59  }
0x12f: {  	v18 =	vmul.f32 v42, v41;
	[tilespmem:s16+$0xFFFFFF80] =	vst v60;
	v7 =	vmul.f32 v38, v7;
	v38 =	vld [tilespmem:s16+$0x1B0]  }
0x130: {  	v14 =	vmul.f32 v46, v14;
	[tilespmem:s16+$0xFFFFFFA0] =	vst v62;
	v35 =	vmul.f32 v63, v1;
	v1 =	vld [tilespmem:s16+$0x1E0]  }
0x131: {  	s2 =	sadd.s32 $0x40, s2;
	s26 =	smov.u32 s16;
	v9 =	vmul.f32 v44, v9;
	[tilespmem:s16+$0xFFFFFFB0] =	vst v3;
	v30 =	vmul.f32 v30, v0;
	v0 =	vld [tilespmem:s16+$0x1A0]  }
0x132: {  	[tilespmem:s16+$0xFFFFFFD0] =	vst v8  }
0x133: {  	[tilespmem:s26+$0x0] =	vst v11  }
0x134: {  	[tilespmem:s26+$0x10] =	vst v21  }
0x135: {  	[tilespmem:s26+$0x20] =	vst v15  }
0x136: {  	[tilespmem:s26+$0x30] =	vst v22  }
0x137: {  	[tilespmem:s26+$0x40] =	vst v18  }
0x138: {  	[tilespmem:s26+$0x50] =	vst v24  }
0x139: {  	[tilespmem:s26+$0x60] =	vst v7  }
0x13a: {  	[tilespmem:s26+$0x70] =	vst v13  }
0x13b: {  	[tilespmem:s26+$0x90] =	vst v16  }
0x13c: {  	[tilespmem:s26+$0xA0] =	vst v14  }
0x13d: {  	[tilespmem:s26+$0xB0] =	vst v19  }
0x13e: {  	[tilespmem:s26+$0xC0] =	vst v17  }
0x13f: {  	[tilespmem:s26+$0xD0] =	vst v23  }
0x140: {  	[tilespmem:s26+$0xE0] =	vst v20  }
0x141: {  	[tilespmem:s26+$0xF0] =	vst v25  }
0x142: {  	[tilespmem:s26+$0x100] =	vst v26  }
0x143: {  	[tilespmem:s26+$0x110] =	vst v27  }
0x144: {  	[tilespmem:s26+$0x120] =	vst v28  }
0x145: {  	[tilespmem:s26+$0x130] =	vst v29  }
0x146: {  	[tilespmem:s26+$0x150] =	vst v32  }
0x147: {  	[tilespmem:s26+$0x160] =	vst v31  }
0x148: {  	[tilespmem:s26+$0x170] =	vst v33  }
0x149: {  	[tilespmem:s26+$0x180] =	vst v34  }
0x14a: {  	[tilespmem:s26+$0x190] =	vst v35  }
0x14b: {  	[tilespmem:s26+$0xFFFFFFE0] =	vst v6  }
0x14c: {  	[tilespmem:s26+$0xFFFFFFF0] =	vst v10  }
0x14d: {  	v3 =	vmul.f32 v39, v48;
	[tilespmem:s26+$0x80] =	vst v9  }
0x14e: {  	[tilespmem:s26+$0x140] =	vst v30;
	v63 =	vmul.f32 v40, v5  }
0x14f: {  	v2 =	vmul.f32 v38, v53;
	[tilespmem:s26+$0x1C0] =	vst v3  }
0x150: {  	v1 =	vmul.f32 v1, v12;
	[tilespmem:s26+$0x1D0] =	vst v63  }
0x151: {  	v0 =	vmul.f32 v0, v47;
	[tilespmem:s26+$0x1B0] =	vst v2  }
0x152: {  	s2 =	sshll.u32 s15, $0xD;
	s10 =	sshll.u32 s21, $0x9;
	s28 =	sor.u32 $0x8, s15;
	[tilespmem:s26+$0x1E0] =	vst v1  }
0x153: {  	p1 =	sgt.u32 s13, $0xC1;
	s2 =	sor.u32 $0xE00, s2;
	s10 =	sadd.s32 $0x400, s10;
	[tilespmem:s26+$0x1A0] =	vst v0  }
0x154: {  	[spmem:s1] =	stream.indirect.scatter.add.f32 [tilespmem:s2], [sflag:s28], $0x10, s10, s31, $0xb8;
	[tilespmem:$0x1D800] =	vst v63  }
0x155: {  	s2 =	sshll.u32 @!p1 s17, $0x9  }
0x156: {  	s2 =	sadd.s32 @!p1 s11, s2  }
0x157: {  	s2 =	sshrl.u32 @!p1 s2, $0x3  }
0x158: {  	s10 =	sadd.s32 @!p1 $0x1, s15;
	s15 =	simm.s32 @!p1 $0x0;
	s13 =	sadd.s32 @!p1 s5, s2  }
0x159: {  	[tilespmem:s19], [sflag:s10] =	stream.linear.gather @!p1 [hbm4b:s13+s15], $0x200, $0x38;
	[tilespmem:$0x1D800] =	vst v63  }
0x15a: {  	s13 =	sadd.s32 @!p1 s7, s2  }
0x15b: {  	[tilespmem:s20], [sflag:s10] =	stream.linear.gather @!p1 [hbm4b:s13+s15], $0x200, $0x38;
	[tilespmem:$0x1D800] =	vst v63  }
0x15c: {  	s10 =	sshll.u32 @!p1 s18, $0x9  }
0x15d: {  	s2 =	sadd.s32 @!p1 s6, s2;
	s13 =	sadd.s32 @!p1 $0x3, s18;
	s10 =	sadd.s32 @!p1 $0x400, s10  }
0x15e: {  	[tilespmem:s10], [sflag:s13] =	stream.linear.gather @!p1 [hbm4b:s2+s15], $0x200, $0x38;
	[tilespmem:$0x1D800] =	vst v63  }
0x15f: {  	p1 =	sne.s32 s14, $0xC4  }
.Ltmp2:
0x160: {  	_ = 	snop;
	(pc) =	sbr.rel @p1 .LBB2_4-.Ltmp2, $2  }
0x161: {  	_ =	sdelay $0x2  }
0x162: {  	p0 =	por !p0, !p0;
	s13 =	smov.u32 s14  }
0x163: {  	_ =	swait.ge [sflag:s24], $0x2000  }
0x164: {  	[sflag:s24] =	ssyncset.done $0x0  }
0x165: {  	s2 =	stileid.u32;
	[sflag:s24] =	ssyncadd.s32 $0xFFFFE000  }
0x166: {  	s2 =	sshll.u32 s2, $0x6;
	[bflag:$0x0] =	sbarrier.arrive $0xFFFF  }
0x167: {  	s14 =	sshrl.u32 s29, $0x3;
	s13 =	sor.u32 $0x1C0B, s2;
	s28 =	rddreg [dreg:$0x15]  }
0x168: {  	[hbm:s28], [sflag:s13] =	dma.local [spmem:s14], $0x3100  }
0x169: {  	_ =	swait.ge [sflag:s0], $0x3100  }
0x16a: {  	[sflag:s0] =	ssyncset.done $0x0  }
0x16b: {  	[sflag:s0] =	ssyncadd.s32 $0xFFFFCF00  }
0x16c: {  	s10 =	simm.s32 $0x0;
	v0 =	vimm.f32 $0.0e+00;
	s2 =	simm.s32 $0x40;
	[bflag:$0x0] =	sbarrier.arrive $0xFFFF  }
.LBB2_8:
0x16d: {  	p0 =	sne.s32 s2, $0xC3C0;
	[tilespmem:s10+$0xE00] =	vst v0;
	s10 =	smov.u32 s2;
	s2 =	sadd.s32 $0x40, s2  }
.Ltmp3:
0x16e: {  	(pc) =	sbr.rel @p0 .LBB2_8-.Ltmp3, $2  }
0x16f: {  	_ =	sdelay $0x2  }
0x170: {  	s10 =	sshra.s32 s10, $0x2  }
0x171: {  	[tilespmem:s10+$0xE00] =	vst v0  }
0x172: {  	[spmem:s29] =	stream.linear.scatter [tilespmem:s3], [sflag:$0xA], $0x3100, $0x38;
	[tilespmem:$0x1D800] =	vst v63  }
0x173: {  	s2 =	rddreg [dreg:$0x4]  }
0x174: {  	[spmem:s2] =	stream.linear.scatter [tilespmem:s3], [sflag:$0xA], $0x3100, $0x38;
	[tilespmem:$0x1D800] =	vst v63  }
0x175: {  	s19 =	rddreg [dreg:$0x5]  }
0x176: {  	[spmem:s19] =	stream.linear.scatter [tilespmem:s3], [sflag:$0xA], $0x3100, $0x38;
	[tilespmem:$0x1D800] =	vst v63  }
0x177: {  	s20 =	rddreg [dreg:$0x6]  }
0x178: {  	[spmem:s20] =	stream.linear.scatter [tilespmem:s3], [sflag:$0xA], $0x3100, $0x38;
	[tilespmem:$0x1D800] =	vst v63  }
0x179: {  	s21 =	rddreg [dreg:$0x7]  }
0x17a: {  	[spmem:s21] =	stream.linear.scatter [tilespmem:s3], [sflag:$0xA], $0x3100, $0x38;
	[tilespmem:$0x1D800] =	vst v63  }
0x17b: {  	s26 =	rddreg [dreg:$0x8]  }
0x17c: {  	[spmem:s26] =	stream.linear.scatter [tilespmem:s3], [sflag:$0xA], $0x3100, $0x38;
	[tilespmem:$0x1D800] =	vst v63  }
0x17d: {  	s28 =	rddreg [dreg:$0x9]  }
0x17e: {  	[spmem:s28] =	stream.linear.scatter [tilespmem:s3], [sflag:$0xA], $0x3100, $0x38;
	[tilespmem:$0x1D800] =	vst v63  }
0x17f: {  	s29 =	rddreg [dreg:$0xa]  }
0x180: {  	[spmem:s29] =	stream.linear.scatter [tilespmem:s3], [sflag:$0xA], $0x3100, $0x38;
	[tilespmem:$0x1D800] =	vst v63  }
0x181: {  	_ =	swait.ge [sflag:s22], $0x3100  }
0x182: {  	[sflag:s22] =	ssyncset.done $0x0  }
0x183: {  	[sflag:s22] =	ssyncadd.s32 $0xFFFFCF00  }
0x184: {  	_ =	swait.ge [sflag:s22], $0x3100  }
0x185: {  	[sflag:s22] =	ssyncset.done $0x0  }
0x186: {  	[sflag:s22] =	ssyncadd.s32 $0xFFFFCF00  }
0x187: {  	_ =	swait.ge [sflag:s22], $0x3100  }
0x188: {  	[sflag:s22] =	ssyncset.done $0x0  }
0x189: {  	[sflag:s22] =	ssyncadd.s32 $0xFFFFCF00  }
0x18a: {  	_ =	swait.ge [sflag:s22], $0x3100  }
0x18b: {  	[sflag:s22] =	ssyncset.done $0x0  }
0x18c: {  	[sflag:s22] =	ssyncadd.s32 $0xFFFFCF00  }
0x18d: {  	_ =	swait.ge [sflag:s22], $0x3100  }
0x18e: {  	[sflag:s22] =	ssyncset.done $0x0  }
0x18f: {  	[sflag:s22] =	ssyncadd.s32 $0xFFFFCF00  }
0x190: {  	_ =	swait.ge [sflag:s22], $0x3100  }
0x191: {  	[sflag:s22] =	ssyncset.done $0x0  }
0x192: {  	[sflag:s22] =	ssyncadd.s32 $0xFFFFCF00  }
0x193: {  	_ =	swait.ge [sflag:s22], $0x3100  }
0x194: {  	[sflag:s22] =	ssyncset.done $0x0  }
0x195: {  	[sflag:s22] =	ssyncadd.s32 $0xFFFFCF00  }
0x196: {  	_ =	swait.ge [sflag:s22], $0x3100  }
0x197: {  	[sflag:s22] =	ssyncset.done $0x0  }
0x198: {  	[sflag:s22] =	ssyncadd.s32 $0xFFFFCF00  }
0x199: {  	[bflag:$0x0] =	sbarrier.arrive $0xFFFF  }
0x19a: {  	s15 =	simm.s32 $0x0;
	s10 =	rddreg [dreg:$0x12]  }
0x19b: {  	[tilespmem:s15], [sflag:$0x1] =	stream.linear.gather [hbm4b:s10+s15], $0x200, $0x38;
	[tilespmem:$0x1D800] =	vst v63  }
0x19c: {  	s17 =	simm.s32 $0xA00;
	s16 =	rddreg [dreg:$0x13]  }
0x19d: {  	[tilespmem:s17], [sflag:$0x1] =	stream.linear.gather [hbm4b:s16+s15], $0x200, $0x38;
	[tilespmem:$0x1D800] =	vst v63  }
0x19e: {  	s19 =	simm.s32 $0x400;
	s18 =	rddreg [dreg:$0x14]  }
0x19f: {  	[tilespmem:s19], [sflag:$0x3] =	stream.linear.gather [hbm4b:s18+s15], $0x200, $0x38;
	[tilespmem:$0x1D800] =	vst v63  }
0x1a0: {  	_ =	swait.ge [sflag:s25], $0x200  }
0x1a1: {  	[sflag:s25] =	ssyncset.done $0x0  }
0x1a2: {  	[sflag:s25] =	ssyncadd.s32 $0xFFFFFE00  }
0x1a3: {  	_ =	swait.ge [sflag:s25], $0x200  }
0x1a4: {  	[sflag:s25] =	ssyncset.done $0x0  }
0x1a5: {  	[sflag:s25] =	ssyncadd.s32 $0xFFFFFE00  }
0x1a6: {  	_ =	swait.ge [sflag:s30], $0x200  }
0x1a7: {  	[sflag:s30] =	ssyncset.done $0x0  }
0x1a8: {  	[sflag:s30] =	ssyncadd.s32 $0xFFFFFE00  }
0x1a9: {  	[tilespmem:s3], [sflag:$0x6] =	stream.indirect.gather [hbm4b:s8+s31], $0x10, s15, s31, $0xb8;
	[tilespmem:$0x1D800] =	vst v63  }
0x1aa: {  	s20 =	rddreg [dreg:$0xb]  }
0x1ab: {  	[tilespmem:s31], [sflag:$0x2] =	stream.linear.gather [hbm4b:s20+s15], $0x200, $0x38;
	[tilespmem:$0x1D800] =	vst v63  }
0x1ac: {  	s26 =	simm.s32 $0xC00;
	s21 =	rddreg [dreg:$0xc]  }
0x1ad: {  	[tilespmem:s26], [sflag:$0x2] =	stream.linear.gather [hbm4b:s21+s15], $0x200, $0x38;
	[tilespmem:$0x1D800] =	vst v63  }
0x1ae: {  	p0 =	por $0x0, $0x0;
	s29 =	simm.s32 $0x600;
	s28 =	rddreg [dreg:$0xd]  }
0x1af: {  	[tilespmem:s29], [sflag:$0x4] =	stream.linear.gather [hbm4b:s28+s15], $0x200, $0x38;
	[tilespmem:$0x1D800] =	vst v63  }
.LBB2_10:
0x1b0: {  	s17 =	sand.u32 $0x1, s15  }
0x1b1: {  	p1 =	seq.s32 s15, $0x0;
	s2 =	sxor.u32 $0x1, s17  }
0x1b2: {  	s10 =	sor.u32 @!p1 $0x8, s2  }
0x1b3: {  	p2 =	seq.s32 @!p1 s15, $0xC3;
	_ =	swait.ge @!p1 [sflag:s10], $0x2000  }
0x1b4: {  	s16 =	sadd.s32 $0x1, s15;
	p2 =	por p1, !p2;
	[sflag:s10] =	ssyncset.done @!p1 $0x0  }
0x1b5: {  	[sflag:s10] =	ssyncadd.s32 @!p1 $0xFFFFE000;
	s10 =	sand.u32 @p2 $0xFF, s16  }
0x1b6: {  	s10 =	smul.u32 @p2 $0xAB, s10  }
0x1b7: {  	s18 =	sadd.s32 @p2 $0x1, s2  }
0x1b8: {  	_ =	swait.ge @p2 [sflag:s18], $0x200;
	s10 =	sshrl.u32 @p2 s10, $0x9  }
0x1b9: {  	[sflag:s18] =	ssyncset.done @p2 $0x0;
	s10 =	smul.u32 @p2 $0x3, s10  }
0x1ba: {  	[sflag:s18] =	ssyncadd.s32 @p2 $0xFFFFFE00  }
0x1bb: {  	_ =	swait.ge @p2 [sflag:s18], $0x200;
	s10 =	ssub.s32 @p2 s16, s10  }
0x1bc: {  	[sflag:s18] =	ssyncset.done @p2 $0x0;
	s10 =	sand.u32 @p2 $0xFF, s10  }
0x1bd: {  	[sflag:s18] =	ssyncadd.s32 @p2 $0xFFFFFE00;
	s10 =	sadd.s32 @p2 $0x3, s10  }
0x1be: {  	_ =	swait.ge @p2 [sflag:s10], $0x200  }
0x1bf: {  	s19 =	sshll.u32 @p2 s2, $0xD;
	s18 =	sshll.u32 @p2 s2, $0x9;
	[sflag:s10] =	ssyncset.done @p2 $0x0  }
0x1c0: {  	s2 =	sor.u32 @p2 $0x6, s2;
	[sflag:s10] =	ssyncadd.s32 @p2 $0xFFFFFE00;
	s10 =	sor.u32 @p2 $0xE00, s19  }
0x1c1: {  	[tilespmem:s10], [sflag:s2] =	stream.indirect.gather @p2 [hbm4b:s8+s31], $0x10, s18, s31, $0xb8;
	[tilespmem:$0x1D800] =	vst v63  }
0x1c2: {  	s20 =	sor.u32 $0x6, s17;
	s2 =	simm.s32 $0x1  }
0x1c3: {  	s2 =	simm.s32 @!p0 $0x0;
	_ =	swait.ge [sflag:s20], $0x2000  }
0x1c4: {  	s21 =	sshll.u32 s2, $0x9;
	[sflag:s20] =	ssyncset.done $0x0  }
0x1c5: {  	s10 =	sadd.s32 $0xA20, s21;
	[sflag:s20] =	ssyncadd.s32 $0xFFFFE000  }
0x1c6: {  	s2 =	sshll.u32 s2, $0xD;
	v1 =	vld [tilespmem:s10+$0x10]  }
0x1c7: {  	s18 =	sor.u32 $0x1000, s2;
	v0 =	vld [tilespmem:s10+$0xFFFFFFF0]  }
0x1c8: {  	v4 =	vld [tilespmem:s18+$0x1F0]  }
0x1c9: {  	v3 =	vld [tilespmem:s10+$0x0]  }
0x1ca: {  	v5 =	vld [tilespmem:s10+$0xFFFFFFE0]  }
0x1cb: {  	v6 =	vld [tilespmem:s18+$0xFFFFFE00]  }
0x1cc: {  	v7 =	vld [tilespmem:s18+$0xFFFFFE10]  }
0x1cd: {  	v10 =	vld [tilespmem:s18+$0xFFFFFE20];
	v2 =	vbroadcast v1, $0x0  }
0x1ce: {  	v13 =	vld [tilespmem:s18+$0xFFFFFE30];
	v8 =	vbroadcast v1, $0xF;
	v9 =	vbroadcast v0, $0x0  }
0x1cf: {  	v14 =	vld [tilespmem:s18+$0xFFFFFE40];
	v11 =	vbroadcast v0, $0x1;
	v12 =	vbroadcast v0, $0x2  }
0x1d0: {  	v17 =	vld [tilespmem:s18+$0xFFFFFE50];
	v15 =	vbroadcast v0, $0x4;
	v16 =	vbroadcast v5, $0x0  }
0x1d1: {  	v20 =	vld [tilespmem:s18+$0xFFFFFE60];
	v18 =	vbroadcast v5, $0x1;
	v19 =	vbroadcast v5, $0x2  }
0x1d2: {  	v23 =	vld [tilespmem:s18+$0xFFFFFE70];
	v21 =	vbroadcast v5, $0x3;
	v22 =	vbroadcast v5, $0x4  }
0x1d3: {  	v26 =	vld [tilespmem:s18+$0xFFFFFE80];
	v24 =	vbroadcast v5, $0x5;
	v25 =	vbroadcast v5, $0x6  }
0x1d4: {  	v29 =	vld [tilespmem:s18+$0xFFFFFE90];
	v27 =	vbroadcast v5, $0x7;
	v28 =	vbroadcast v5, $0x8  }
0x1d5: {  	v32 =	vld [tilespmem:s18+$0xFFFFFEA0];
	v30 =	vbroadcast v5, $0x9;
	v31 =	vbroadcast v5, $0xA  }
0x1d6: {  	v35 =	vld [tilespmem:s18+$0xFFFFFEB0];
	v33 =	vbroadcast v5, $0xB;
	v34 =	vbroadcast v5, $0xC  }
0x1d7: {  	v38 =	vld [tilespmem:s18+$0xFFFFFEC0];
	v36 =	vbroadcast v5, $0xD;
	v37 =	vbroadcast v5, $0xE  }
0x1d8: {  	v40 =	vld [tilespmem:s18+$0xFFFFFED0];
	v5 =	vbroadcast v5, $0xF;
	v39 =	vbroadcast v0, $0x5  }
0x1d9: {  	v52 =	vld [tilespmem:s18+$0xFFFFFF50];
	v51 =	vbroadcast v0, $0x9;
	v54 =	vbroadcast v0, $0xA  }
0x1da: {  	v53 =	vld [tilespmem:s18+$0xFFFFFF60];
	v56 =	vbroadcast v1, $0x3;
	v57 =	vbroadcast v1, $0x6  }
0x1db: {  	v59 =	vld [tilespmem:s18+$0x170];
	v58 =	vbroadcast v1, $0x7;
	v60 =	vbroadcast v1, $0x8  }
0x1dc: {  	v61 =	vld [tilespmem:s18+$0x180];
	v62 =	vbroadcast v1, $0x9;
	v47 =	vbroadcast v1, $0xA  }
0x1dd: {  	v63 =	vld [tilespmem:s18+$0x190];
	v4 =	vmul.f32 v4, v8;
	v8 =	vbroadcast v0, $0x3  }
0x1de: {  	v6 =	vmul.f32 v16, v6;
	v16 =	vld [tilespmem:s18+$0xFFFFFEE0];
	v7 =	vmul.f32 v7, v18  }
0x1df: {  	v18 =	vbroadcast v0, $0x6;
	v10 =	vmul.f32 v10, v19;
	v19 =	vld [tilespmem:s18+$0xFFFFFEF0]  }
0x1e0: {  	v13 =	vmul.f32 v13, v21;
	v21 =	vld [tilespmem:s18+$0xFFFFFF00];
	v14 =	vmul.f32 v14, v22  }
0x1e1: {  	v22 =	vbroadcast v0, $0x7;
	v17 =	vmul.f32 v17, v24;
	v24 =	vld [tilespmem:s18+$0xFFFFFF10]  }
0x1e2: {  	v20 =	vmul.f32 v20, v25;
	v25 =	vld [tilespmem:s18+$0xFFFFFF20];
	v23 =	vmul.f32 v23, v27  }
0x1e3: {  	v27 =	vbroadcast v0, $0x8;
	v26 =	vmul.f32 v26, v28;
	v28 =	vld [tilespmem:s18+$0xFFFFFF30]  }
0x1e4: {  	v29 =	vmul.f32 v29, v30;
	v30 =	vld [tilespmem:s18+$0xFFFFFF40];
	v31 =	vmul.f32 v32, v31  }
0x1e5: {  	v33 =	vmul.f32 v35, v33;
	v37 =	vmul.f32 v16, v37;
	v16 =	vld [tilespmem:s18+$0xFFFFFF70]  }
0x1e6: {  	v34 =	vmul.f32 v38, v34;
	v5 =	vmul.f32 v19, v5;
	v19 =	vld [tilespmem:s18+$0xFFFFFF80]  }
0x1e7: {  	v36 =	vmul.f32 v40, v36;
	v42 =	vmul.f32 v24, v11;
	v11 =	vld [tilespmem:s18+$0xFFFFFF90]  }
0x1e8: {  	v35 =	vmul.f32 v52, v39;
	v41 =	vmul.f32 v9, v21;
	v21 =	vld [tilespmem:s18+$0xFFFFFFA0]  }
0x1e9: {  	v38 =	vmul.f32 v53, v18;
	v30 =	vmul.f32 v30, v15;
	v15 =	vld [tilespmem:s18+$0xFFFFFFB0]  }
0x1ea: {  	v18 =	vbroadcast v0, $0xD;
	[tilespmem:s18+$0x1F0] =	vst v4;
	v4 =	vbroadcast v3, $0x0;
	v24 =	vld [tilespmem:s18+$0xFFFFFFC0]  }
0x1eb: {  	v9 =	vbroadcast v0, $0xB;
	v55 =	vmul.f32 v16, v22;
	v16 =	vld [tilespmem:s18+$0xFFFFFFD0]  }
0x1ec: {  	v28 =	vmul.f32 v28, v8;
	v43 =	vmul.f32 v19, v27;
	v19 =	vld [tilespmem:s18+$0xFFFFFFE0]  }
0x1ed: {  	v8 =	vbroadcast v0, $0xC;
	v40 =	vmul.f32 v21, v54;
	v21 =	vld [tilespmem:s18+$0xFFFFFFF0]  }
0x1ee: {  	[tilespmem:s18+$0xFFFFFE00] =	vst v6;
	v44 =	vmul.f32 v11, v51;
	v45 =	vmul.f32 v15, v9;
	v9 =	vld [tilespmem:s18+$0x0]  }
0x1ef: {  	[tilespmem:s18+$0xFFFFFE10] =	vst v7;
	v11 =	vbroadcast v0, $0xE;
	v0 =	vbroadcast v0, $0xF;
	v15 =	vld [tilespmem:s18+$0x10]  }
0x1f0: {  	[tilespmem:s18+$0xFFFFFE20] =	vst v10;
	v46 =	vmul.f32 v24, v8;
	v8 =	vmul.f32 v16, v18;
	v16 =	vld [tilespmem:s18+$0x20]  }
0x1f1: {  	v7 =	vbroadcast v3, $0x2;
	[tilespmem:s18+$0xFFFFFE30] =	vst v13;
	v13 =	vbroadcast v3, $0x4;
	v18 =	vld [tilespmem:s18+$0x30]  }
0x1f2: {  	[tilespmem:s18+$0xFFFFFE40] =	vst v14;
	v22 =	vbroadcast v3, $0x1;
	v10 =	vmul.f32 v21, v0;
	v0 =	vld [tilespmem:s18+$0x40]  }
0x1f3: {  	[tilespmem:s18+$0xFFFFFE50] =	vst v17;
	v6 =	vmul.f32 v19, v11;
	v11 =	vmul.f32 v4, v9;
	v4 =	vld [tilespmem:s18+$0x50]  }
0x1f4: {  	v14 =	vld [tilespmem:s18+$0x60];
	v17 =	vbroadcast v3, $0x6;
	[tilespmem:s18+$0xFFFFFE60] =	vst v20;
	v19 =	vbroadcast v3, $0x3  }
0x1f5: {  	[tilespmem:s18+$0xFFFFFE70] =	vst v23;
	v21 =	vmul.f32 v15, v22;
	v15 =	vmul.f32 v16, v7;
	v16 =	vld [tilespmem:s18+$0x70]  }
0x1f6: {  	[tilespmem:s18+$0xFFFFFE80] =	vst v26;
	v9 =	vbroadcast v3, $0x5;
	v22 =	vmul.f32 v18, v19;
	v19 =	vld [tilespmem:s18+$0x80]  }
0x1f7: {  	v20 =	vbroadcast v3, $0x7;
	[tilespmem:s18+$0xFFFFFE90] =	vst v29;
	v18 =	vmul.f32 v0, v13;
	v0 =	vld [tilespmem:s18+$0x90]  }
0x1f8: {  	v23 =	vbroadcast v3, $0x8;
	[tilespmem:s18+$0xFFFFFEA0] =	vst v31;
	v24 =	vmul.f32 v4, v9;
	v4 =	vld [tilespmem:s18+$0xA0]  }
0x1f9: {  	[tilespmem:s18+$0xFFFFFEB0] =	vst v33;
	v12 =	vmul.f32 v25, v12;
	v7 =	vmul.f32 v14, v17;
	v17 =	vld [tilespmem:s18+$0xB0]  }
0x1fa: {  	[tilespmem:s18+$0xFFFFFEC0] =	vst v34;
	v25 =	vbroadcast v3, $0x9;
	v13 =	vmul.f32 v16, v20;
	v20 =	vld [tilespmem:s18+$0xC0]  }
0x1fb: {  	v26 =	vbroadcast v3, $0xA;
	[tilespmem:s18+$0xFFFFFED0] =	vst v36;
	v9 =	vmul.f32 v19, v23;
	v23 =	vld [tilespmem:s18+$0xD0]  }
0x1fc: {  	v48 =	vbroadcast v1, $0xC;
	[tilespmem:s18+$0xFFFFFF50] =	vst v35;
	v16 =	vmul.f32 v0, v25;
	v0 =	vld [tilespmem:s18+$0xE0]  }
0x1fd: {  	[tilespmem:s18+$0xFFFFFF60] =	vst v38;
	v27 =	vbroadcast v3, $0xB;
	v14 =	vmul.f32 v4, v26;
	v4 =	vld [tilespmem:s18+$0xF0]  }
0x1fe: {  	v29 =	vbroadcast v3, $0xC;
	v31 =	vbroadcast v3, $0xD;
	[tilespmem:s18+$0xFFFFFEE0] =	vst v37;
	v26 =	vld [tilespmem:s18+$0x100]  }
0x1ff: {  	[tilespmem:s18+$0xFFFFFEF0] =	vst v5;
	v25 =	vbroadcast v3, $0xE;
	v19 =	vmul.f32 v17, v27;
	v27 =	vld [tilespmem:s18+$0x110]  }
0x200: {  	[tilespmem:s18+$0xFFFFFF00] =	vst v41;
	v3 =	vbroadcast v3, $0xF;
	v23 =	vmul.f32 v23, v31;
	v31 =	vld [tilespmem:s18+$0x120]  }
0x201: {  	[tilespmem:s18+$0xFFFFFF10] =	vst v42;
	v17 =	vmul.f32 v20, v29;
	v20 =	vmul.f32 v0, v25;
	v0 =	vld [tilespmem:s18+$0x130]  }
0x202: {  	s26 =	smul.u32 $0xAB, s15;
	s19 =	sadd.s32 $0x2, s15;
	v5 =	vbroadcast v1, $0x1;
	[tilespmem:s18+$0xFFFFFF20] =	vst v12;
	v25 =	vmul.f32 v4, v3;
	v3 =	vld [tilespmem:s18+$0x140]  }
0x203: {  	s20 =	sand.u32 $0xFF, s19;
	v53 =	vbroadcast v1, $0xB;
	[tilespmem:s18+$0xFFFFFF30] =	vst v28;
	v26 =	vmul.f32 v2, v26;
	v2 =	vld [tilespmem:s18+$0x150]  }
0x204: {  	s2 =	sshrl.u32 s26, $0x9;
	s20 =	smul.u32 $0xAB, s20;
	v33 =	vmul.f32 v59, v58;
	[tilespmem:s18+$0xFFFFFF40] =	vst v30;
	v27 =	vmul.f32 v27, v5;
	v5 =	vld [tilespmem:s18+$0x160]  }
0x205: {  	s2 =	sand.u32 $0x7F, s2;
	v34 =	vmul.f32 v61, v60;
	[tilespmem:s18+$0xFFFFFF70] =	vst v55;
	v29 =	vbroadcast v1, $0x2  }
0x206: {  	s2 =	smul.u32 $0x3, s2;
	s20 =	sshrl.u32 s20, $0x9;
	v39 =	vld [tilespmem:s18+$0x1C0];
	v35 =	vmul.f32 v63, v62;
	v12 =	vbroadcast v1, $0x4;
	[tilespmem:s18+$0xFFFFFF80] =	vst v43  }
0x207: {  	s21 =	sshll.u32 s17, $0x9;
	s20 =	smul.u32 $0x3, s20;
	v38 =	vld [tilespmem:s18+$0x1B0];
	[tilespmem:s18+$0xFFFFFF90] =	vst v44;
	v4 =	vbroadcast v1, $0x5;
	v28 =	vmul.f32 v31, v29  }
0x208: {  	s26 =	sadd.s32 $0xA00, s21;
	s10 =	sadd.s32 $0x40, s10;
	[tilespmem:s18+$0xFFFFFFA0] =	vst v40;
	v40 =	vld [tilespmem:s18+$0x1D0];
	v29 =	vmul.f32 v0, v56;
	v30 =	vmul.f32 v3, v12  }
0x209: {  	s29 =	smov.u32 s18;
	s2 =	ssub.s32 s15, s2;
	s20 =	ssub.s32 s19, s20;
	[tilespmem:s18+$0xFFFFFFB0] =	vst v45;
	v32 =	vmul.f32 v2, v4;
	v0 =	vld [tilespmem:s18+$0x1A0];
	v31 =	vmul.f32 v5, v57  }
0x20a: {  	s28 =	sand.u32 $0xFF, s2;
	s2 =	simm.s32 $0x0;
	s20 =	sand.u32 $0xFF, s20;
	[tilespmem:s18+$0xFFFFFFC0] =	vst v46;
	v5 =	vbroadcast v1, $0xD;
	v12 =	vbroadcast v1, $0xE;
	v1 =	vld [tilespmem:s18+$0x1E0]  }
.LBB2_11:
0x20b: {  	[tilespmem:s18+$0xFFFFFFD0] =	vst v8  }
0x20c: {  	v51 =	vld [tilespmem:s10+$0x0];
	[tilespmem:s29+$0x0] =	vst v11  }
0x20d: {  	[tilespmem:s29+$0x10] =	vst v21  }
0x20e: {  	[tilespmem:s29+$0x20] =	vst v15  }
0x20f: {  	[tilespmem:s29+$0x30] =	vst v22  }
0x210: {  	[tilespmem:s29+$0x50] =	vst v24  }
0x211: {  	[tilespmem:s29+$0x70] =	vst v13  }
0x212: {  	[tilespmem:s29+$0x90] =	vst v16  }
0x213: {  	[tilespmem:s29+$0xB0] =	vst v19  }
0x214: {  	[tilespmem:s29+$0xC0] =	vst v17  }
0x215: {  	[tilespmem:s29+$0xD0] =	vst v23  }
0x216: {  	[tilespmem:s29+$0xE0] =	vst v20  }
0x217: {  	[tilespmem:s29+$0xF0] =	vst v25  }
0x218: {  	v36 =	vld [tilespmem:s10+$0x10];
	[tilespmem:s29+$0x100] =	vst v26  }
0x219: {  	[tilespmem:s29+$0x110] =	vst v27;
	v41 =	vld [tilespmem:s10+$0xFFFFFFF0]  }
0x21a: {  	s18 =	sadd.s32 $0x400, s18;
	[tilespmem:s29+$0x120] =	vst v28;
	v2 =	vmul.f32 v40, v5;
	v5 =	vld [tilespmem:s10+$0xFFFFFFE0]  }
0x21b: {  	[tilespmem:s29+$0xFFFFFFE0] =	vst v6;
	v6 =	vld [tilespmem:s18+$0xFFFFFE10]  }
0x21c: {  	[tilespmem:s29+$0x130] =	vst v29;
	v54 =	vld [tilespmem:s18+$0xFFFFFE50]  }
0x21d: {  	[tilespmem:s29+$0x160] =	vst v31  }
0x21e: {  	[tilespmem:s29+$0x170] =	vst v33  }
0x21f: {  	[tilespmem:s29+$0x180] =	vst v34;
	v57 =	vbroadcast v5, $0x5  }
0x220: {  	v17 =	vld [tilespmem:s18+$0xFFFFFEE0];
	[tilespmem:$0x1FC00] =	vst v6;
	v6 =	vbroadcast v41, $0x0  }
0x221: {  	[tilespmem:s29+$0xFFFFFFF0] =	vst v10;
	v3 =	vmul.f32 v0, v47;
	v0 =	vld [tilespmem:s18+$0x1F0];
	v57 =	vmul.f32 v54, v57  }
0x222: {  	v15 =	vld [tilespmem:s18+$0xFFFFFF00];
	v47 =	vmul.f32 v1, v12;
	v1 =	vbroadcast v36, $0x0;
	[tilespmem:$0x1FC40] =	vst v6  }
0x223: {  	v6 =	vbroadcast v41, $0x1;
	[tilespmem:s18+$0xFFFFFE50] =	vst v57;
	v57 =	vld [tilespmem:$0x1FC40]  }
0x224: {  	v50 =	vld [tilespmem:s18+$0xFFFFFE00];
	[tilespmem:$0x1FD60] =	vst v1;
	v1 =	vbroadcast v36, $0xF  }
0x225: {  	v4 =	vmul.f32 v39, v48;
	[tilespmem:$0x1FC50] =	vst v6;
	v6 =	vld [tilespmem:s18+$0xFFFFFE20]  }
0x226: {  	[tilespmem:s29+$0x40] =	vst v18;
	v0 =	vmul.f32 v0, v1;
	v1 =	vld [tilespmem:s18+$0xFFFFFE30];
	v39 =	vbroadcast v5, $0xE  }
0x227: {  	[tilespmem:s29+$0xA0] =	vst v14;
	v14 =	vld [tilespmem:s18+$0xFFFFFF10]  }
0x228: {  	[tilespmem:s29+$0x60] =	vst v7;
	v17 =	vmul.f32 v17, v39;
	v39 =	vmul.f32 v57, v15;
	v15 =	vld [tilespmem:$0x1FC50]  }
0x229: {  	v58 =	vld [tilespmem:s18+$0xFFFFFE60];
	[tilespmem:s29+$0x1A0] =	vst v3  }
0x22a: {  	v59 =	vld [tilespmem:s18+$0xFFFFFE70];
	[tilespmem:$0x1FC10] =	vst v6;
	v6 =	vbroadcast v41, $0x2  }
0x22b: {  	v42 =	vld [tilespmem:s18+$0xFFFFFE80];
	[tilespmem:$0x1FC20] =	vst v1;
	v1 =	vbroadcast v41, $0x3  }
0x22c: {  	v13 =	vld [tilespmem:s18+$0xFFFFFF20];
	v3 =	vbroadcast v36, $0x2;
	v12 =	vbroadcast v5, $0x0;
	[tilespmem:$0x1FC60] =	vst v6  }
0x22d: {  	[tilespmem:$0x1FC70] =	vst v1;
	v1 =	vbroadcast v41, $0x4;
	v14 =	vmul.f32 v14, v15;
	v15 =	vld [tilespmem:$0x1FC60]  }
0x22e: {  	v24 =	vld [tilespmem:s18+$0xFFFFFE90];
	[tilespmem:$0x1FD80] =	vst v3;
	v50 =	vmul.f32 v12, v50  }
0x22f: {  	[tilespmem:$0x1FC80] =	vst v1;
	v1 =	vld [tilespmem:s18+$0xFFFFFE40]  }
0x230: {  	v52 =	vmul.f32 v38, v53;
	v3 =	vbroadcast v36, $0x3;
	[tilespmem:s18+$0xFFFFFE00] =	vst v50;
	v50 =	vld [tilespmem:$0x1FC20]  }
0x231: {  	[tilespmem:s29+$0x80] =	vst v9;
	v11 =	vld [tilespmem:s18+$0xFFFFFF30];
	v55 =	vbroadcast v5, $0x1;
	v43 =	vbroadcast v5, $0x2  }
0x232: {  	[tilespmem:s29+$0x140] =	vst v30;
	v56 =	vbroadcast v5, $0x3;
	v13 =	vmul.f32 v13, v15;
	v15 =	vld [tilespmem:$0x1FC70]  }
0x233: {  	v22 =	vld [tilespmem:s18+$0xFFFFFEA0];
	v45 =	vbroadcast v5, $0x4;
	v40 =	vbroadcast v5, $0x8;
	[tilespmem:s18+$0x1F0] =	vst v0  }
0x234: {  	v21 =	vld [tilespmem:s18+$0xFFFFFEB0];
	v44 =	vbroadcast v5, $0x6;
	v0 =	vbroadcast v41, $0x5;
	[tilespmem:$0x1FC30] =	vst v1  }
0x235: {  	[tilespmem:s29+$0x190] =	vst v35;
	v40 =	vmul.f32 v42, v40;
	v50 =	vmul.f32 v50, v56;
	v56 =	vld [tilespmem:$0x1FC30]  }
0x236: {  	v10 =	vld [tilespmem:s18+$0xFFFFFF40];
	v46 =	vbroadcast v5, $0x7;
	v60 =	vbroadcast v5, $0x9;
	[tilespmem:$0x1FC90] =	vst v0  }
0x237: {  	v0 =	vbroadcast v41, $0x6;
	[tilespmem:s18+$0xFFFFFE80] =	vst v40;
	v40 =	vmul.f32 v11, v15;
	v11 =	vld [tilespmem:$0x1FC80]  }
0x238: {  	v19 =	vld [tilespmem:s18+$0xFFFFFEC0];
	[tilespmem:s29+$0x1B0] =	vst v52;
	v37 =	vbroadcast v5, $0xA;
	v61 =	vbroadcast v5, $0xB  }
0x239: {  	v18 =	vld [tilespmem:s18+$0xFFFFFED0];
	v38 =	vbroadcast v5, $0xC;
	[tilespmem:$0x1FCA0] =	vst v0;
	v0 =	vbroadcast v41, $0x7  }
0x23a: {  	v16 =	vld [tilespmem:s18+$0xFFFFFEF0];
	v62 =	vbroadcast v5, $0xD;
	[tilespmem:$0x1FD90] =	vst v3;
	v45 =	vmul.f32 v56, v45  }
0x23b: {  	v9 =	vld [tilespmem:s18+$0xFFFFFF50];
	v63 =	vbroadcast v5, $0xF;
	v5 =	vbroadcast v36, $0x4;
	[tilespmem:$0x1FCB0] =	vst v0  }
0x23c: {  	v0 =	vbroadcast v41, $0x8;
	[tilespmem:s18+$0xFFFFFE40] =	vst v45;
	v45 =	vmul.f32 v10, v11;
	v10 =	vld [tilespmem:$0x1FC90]  }
0x23d: {  	v8 =	vld [tilespmem:s18+$0xFFFFFF60];
	[tilespmem:$0x1FDA0] =	vst v5  }
0x23e: {  	v7 =	vld [tilespmem:s18+$0xFFFFFF70];
	[tilespmem:$0x1FCC0] =	vst v0;
	v0 =	vbroadcast v41, $0x9  }
0x23f: {  	v49 =	vld [tilespmem:s18+$0xFFFFFFF0];
	[tilespmem:s29+$0x1C0] =	vst v4  }
0x240: {  	v52 =	vld [tilespmem:s18+$0xFFFFFFE0];
	[tilespmem:$0x1FCD0] =	vst v0  }
0x241: {  	v0 =	vbroadcast v41, $0xA;
	[tilespmem:s18+$0xFFFFFE30] =	vst v50;
	v50 =	vmul.f32 v9, v10;
	v9 =	vld [tilespmem:$0x1FCA0]  }
0x242: {  	v3 =	vld [tilespmem:s18+$0xFFFFFFB0];
	[tilespmem:s29+$0x1D0] =	vst v2  }
0x243: {  	v26 =	vbroadcast v51, $0x0;
	v54 =	vld [tilespmem:s18+$0x30];
	[tilespmem:$0x1FCE0] =	vst v0;
	v0 =	vbroadcast v41, $0xB  }
0x244: {  	v27 =	vbroadcast v51, $0x1;
	v5 =	vbroadcast v36, $0x5;
	v42 =	vld [tilespmem:s18+$0x40];
	[tilespmem:s29+$0x1E0] =	vst v47  }
0x245: {  	v22 =	vmul.f32 v22, v37;
	v37 =	vld [tilespmem:s18+$0x50];
	[tilespmem:$0x1FCF0] =	vst v0;
	v0 =	vbroadcast v41, $0xE  }
0x246: {  	v59 =	vmul.f32 v59, v46;
	[tilespmem:$0x1FDB0] =	vst v5;
	v57 =	vmul.f32 v8, v9;
	v8 =	vld [tilespmem:$0x1FCB0]  }
0x247: {  	v19 =	vmul.f32 v19, v38;
	v38 =	vld [tilespmem:s18+$0x60];
	[tilespmem:$0x1FD00] =	vst v0;
	v0 =	vbroadcast v51, $0x6  }
0x248: {  	v28 =	vbroadcast v51, $0x2;
	v46 =	vld [tilespmem:s18+$0xA0];
	v5 =	vbroadcast v36, $0x6;
	[tilespmem:s18+$0xFFFFFE70] =	vst v59  }
0x249: {  	v44 =	vmul.f32 v58, v44;
	v58 =	vld [tilespmem:s18+$0xB0];
	[tilespmem:$0x1FD10] =	vst v0;
	v0 =	vbroadcast v51, $0x8  }
0x24a: {  	v53 =	vbroadcast v36, $0xB;
	[tilespmem:$0x1FDC0] =	vst v5;
	v5 =	vbroadcast v36, $0x7;
	v6 =	vld [tilespmem:s18+$0xFFFFFF80]  }
0x24b: {  	[tilespmem:$0x1FD20] =	vst v0;
	v0 =	vbroadcast v51, $0xA;
	v59 =	vmul.f32 v7, v8;
	v7 =	vld [tilespmem:$0x1FCC0]  }
0x24c: {  	v21 =	vmul.f32 v21, v61;
	v61 =	vld [tilespmem:s18+$0xC0];
	[tilespmem:$0x1FDD0] =	vst v5;
	v5 =	vbroadcast v36, $0x8  }
0x24d: {  	v48 =	vbroadcast v36, $0xC;
	v4 =	vld [tilespmem:s18+$0xFFFFFFC0];
	[tilespmem:$0x1FD30] =	vst v0;
	v0 =	vbroadcast v51, $0xC  }
0x24e: {  	v12 =	vbroadcast v36, $0xE;
	v2 =	vld [tilespmem:s18+$0xFFFFFFD0];
	[tilespmem:$0x1FDE0] =	vst v5;
	v5 =	vbroadcast v36, $0x9  }
0x24f: {  	v24 =	vmul.f32 v24, v60;
	v1 =	vld [tilespmem:s18+$0xFFFFFF90];
	[tilespmem:$0x1FD40] =	vst v0;
	v0 =	vbroadcast v51, $0xE  }
0x250: {  	v47 =	vbroadcast v36, $0xA;
	[tilespmem:$0x1FDF0] =	vst v5;
	v60 =	vmul.f32 v6, v7;
	v6 =	vld [tilespmem:$0x1FCD0]  }
0x251: {  	v5 =	vbroadcast v36, $0xD;
	[tilespmem:$0x1FD50] =	vst v0;
	v0 =	vbroadcast v36, $0x1;
	v36 =	vld [tilespmem:$0x1FC00]  }
0x252: {  	v29 =	vbroadcast v51, $0x3;
	v30 =	vbroadcast v51, $0x5;
	[tilespmem:s18+$0xFFFFFE60] =	vst v44;
	v44 =	vld [tilespmem:s18+$0x80]  }
0x253: {  	[tilespmem:s29+$0x150] =	vst v32;
	v32 =	vbroadcast v51, $0x7;
	v16 =	vmul.f32 v16, v63;
	v63 =	vld [tilespmem:s18+$0x190]  }
0x254: {  	v31 =	vbroadcast v51, $0x9;
	v33 =	vbroadcast v51, $0xB;
	[tilespmem:$0x1FD70] =	vst v0;
	v0 =	vld [tilespmem:s18+$0xFFFFFFA0]  }
0x255: {  	v34 =	vbroadcast v51, $0xD;
	v1 =	vmul.f32 v1, v6;
	v6 =	vld [tilespmem:$0x1FCE0]  }
0x256: {  	v20 =	vbroadcast v41, $0xC;
	v36 =	vmul.f32 v36, v55;
	v55 =	vld [tilespmem:$0x1FC10]  }
0x257: {  	v35 =	vbroadcast v51, $0xF;
	[tilespmem:s18+$0xFFFFFEC0] =	vst v19;
	v19 =	vmul.f32 v58, v33;
	v58 =	vld [tilespmem:s18+$0x160]  }
0x258: {  	v23 =	vbroadcast v41, $0xD;
	v4 =	vmul.f32 v4, v20;
	v20 =	vld [tilespmem:s18+$0xE0]  }
0x259: {  	v25 =	vbroadcast v41, $0xF;
	v41 =	vbroadcast v51, $0x4;
	v51 =	vld [tilespmem:s18+$0x0]  }
0x25a: {  	v18 =	vmul.f32 v18, v62;
	v62 =	vmul.f32 v0, v6;
	v0 =	vld [tilespmem:s18+$0xD0]  }
0x25b: {  	v56 =	vld [tilespmem:s18+$0x20];
	v43 =	vmul.f32 v55, v43  }
0x25c: {  	[tilespmem:s18+$0xFFFFFEE0] =	vst v17;
	v17 =	vld [tilespmem:$0x1FD40]  }
0x25d: {  	[tilespmem:s18+$0xFFFFFE20] =	vst v43;
	v43 =	vld [tilespmem:s18+$0x90]  }
0x25e: {  	v11 =	vmul.f32 v26, v51;
	v26 =	vld [tilespmem:s18+$0x100]  }
0x25f: {  	v8 =	vmul.f32 v2, v23;
	v23 =	vmul.f32 v0, v34;
	v0 =	vld [tilespmem:$0x1FD50]  }
0x260: {  	v55 =	vld [tilespmem:s18+$0x10]  }
0x261: {  	[tilespmem:s18+$0xFFFFFE10] =	vst v36;
	v36 =	vld [tilespmem:s18+$0x70]  }
0x262: {  	[tilespmem:s18+$0xFFFFFEF0] =	vst v16;
	v16 =	vmul.f32 v43, v31;
	v31 =	vld [tilespmem:s18+$0x150]  }
0x263: {  	[tilespmem:s18+$0xFFFFFF90] =	vst v1;
	v1 =	vld [tilespmem:$0x1FDB0]  }
0x264: {  	v20 =	vmul.f32 v20, v0;
	v0 =	vld [tilespmem:$0x1FD60]  }
0x265: {  	[tilespmem:s18+$0xFFFFFEB0] =	vst v21;
	v21 =	vmul.f32 v55, v27;
	v27 =	vld [tilespmem:s18+$0x110]  }
0x266: {  	v2 =	vld [tilespmem:$0x1FD00]  }
0x267: {  	v6 =	vld [tilespmem:$0x1FCF0]  }
0x268: {  	[tilespmem:s18+$0xFFFFFF20] =	vst v13;
	v13 =	vmul.f32 v36, v32;
	v32 =	vmul.f32 v31, v1;
	v1 =	vld [tilespmem:$0x1FDC0]  }
0x269: {  	v26 =	vmul.f32 v0, v26;
	v0 =	vld [tilespmem:$0x1FD70]  }
0x26a: {  	v15 =	vmul.f32 v56, v28;
	v28 =	vld [tilespmem:s18+$0x120]  }
0x26b: {  	v17 =	vmul.f32 v61, v17;
	v61 =	vld [tilespmem:s18+$0x170]  }
0x26c: {  	v3 =	vmul.f32 v3, v6;
	v6 =	vmul.f32 v52, v2;
	v2 =	vld [tilespmem:s18+$0xF0]  }
0x26d: {  	v31 =	vmul.f32 v58, v1;
	v1 =	vld [tilespmem:$0x1FDD0]  }
0x26e: {  	v27 =	vmul.f32 v27, v0;
	v0 =	vld [tilespmem:$0x1FD80]  }
0x26f: {  	[tilespmem:s18+$0xFFFFFEA0] =	vst v22;
	v22 =	vmul.f32 v54, v29;
	v29 =	vld [tilespmem:s18+$0x130]  }
0x270: {  	[tilespmem:s18+$0xFFFFFE90] =	vst v24;
	v24 =	vmul.f32 v37, v30;
	v30 =	vld [tilespmem:s18+$0x140]  }
0x271: {  	v10 =	vmul.f32 v49, v25;
	v25 =	vmul.f32 v2, v35;
	v2 =	vld [tilespmem:s18+$0x180]  }
0x272: {  	[tilespmem:s18+$0xFFFFFED0] =	vst v18;
	v33 =	vmul.f32 v61, v1;
	v1 =	vld [tilespmem:$0x1FDE0]  }
0x273: {  	[tilespmem:s18+$0xFFFFFFC0] =	vst v4;
	v28 =	vmul.f32 v28, v0;
	v0 =	vld [tilespmem:$0x1FD90]  }
0x274: {  	[tilespmem:s18+$0xFFFFFF10] =	vst v14;
	v14 =	vld [tilespmem:$0x1FD30]  }
0x275: {  	[tilespmem:s18+$0xFFFFFF00] =	vst v39;
	v9 =	vld [tilespmem:$0x1FD20]  }
0x276: {  	[tilespmem:s18+$0xFFFFFF30] =	vst v40;
	v7 =	vld [tilespmem:$0x1FD10]  }
0x277: {  	s2 =	sadd.s32 $0x4, s2;
	[tilespmem:s18+$0xFFFFFF40] =	vst v45;
	v34 =	vmul.f32 v2, v1;
	v1 =	vld [tilespmem:$0x1FDF0]  }
0x278: {  	p1 =	slt.u32 s2, $0x1C;
	[tilespmem:s18+$0xFFFFFF50] =	vst v50;
	v29 =	vmul.f32 v29, v0;
	v0 =	vld [tilespmem:$0x1FDA0]  }
.Ltmp4:
0x279: {  	v39 =	vld [tilespmem:s18+$0x1C0];
	[tilespmem:s18+$0xFFFFFF60] =	vst v57;
	(pc) =	sbr.rel @p1 .LBB2_11-.Ltmp4, $4  }
0x27a: {  	v40 =	vld [tilespmem:s18+$0x1D0];
	[tilespmem:s18+$0xFFFFFF70] =	vst v59  }
0x27b: {  	v18 =	vmul.f32 v42, v41;
	[tilespmem:s18+$0xFFFFFF80] =	vst v60;
	v7 =	vmul.f32 v38, v7;
	v38 =	vld [tilespmem:s18+$0x1B0]  }
0x27c: {  	v14 =	vmul.f32 v46, v14;
	[tilespmem:s18+$0xFFFFFFA0] =	vst v62;
	v35 =	vmul.f32 v63, v1;
	v1 =	vld [tilespmem:s18+$0x1E0]  }
0x27d: {  	s10 =	sadd.s32 $0x40, s10;
	s29 =	smov.u32 s18;
	v9 =	vmul.f32 v44, v9;
	[tilespmem:s18+$0xFFFFFFB0] =	vst v3;
	v30 =	vmul.f32 v30, v0;
	v0 =	vld [tilespmem:s18+$0x1A0]  }
0x27e: {  	[tilespmem:s18+$0xFFFFFFD0] =	vst v8  }
0x27f: {  	[tilespmem:s29+$0x0] =	vst v11  }
0x280: {  	[tilespmem:s29+$0x10] =	vst v21  }
0x281: {  	[tilespmem:s29+$0x20] =	vst v15  }
0x282: {  	[tilespmem:s29+$0x30] =	vst v22  }
0x283: {  	[tilespmem:s29+$0x40] =	vst v18  }
0x284: {  	[tilespmem:s29+$0x50] =	vst v24  }
0x285: {  	[tilespmem:s29+$0x60] =	vst v7  }
0x286: {  	[tilespmem:s29+$0x70] =	vst v13  }
0x287: {  	[tilespmem:s29+$0x90] =	vst v16  }
0x288: {  	[tilespmem:s29+$0xA0] =	vst v14  }
0x289: {  	[tilespmem:s29+$0xB0] =	vst v19  }
0x28a: {  	[tilespmem:s29+$0xC0] =	vst v17  }
0x28b: {  	[tilespmem:s29+$0xD0] =	vst v23  }
0x28c: {  	[tilespmem:s29+$0xE0] =	vst v20  }
0x28d: {  	[tilespmem:s29+$0xF0] =	vst v25  }
0x28e: {  	[tilespmem:s29+$0x100] =	vst v26  }
0x28f: {  	[tilespmem:s29+$0x110] =	vst v27  }
0x290: {  	[tilespmem:s29+$0x120] =	vst v28  }
0x291: {  	[tilespmem:s29+$0x130] =	vst v29  }
0x292: {  	[tilespmem:s29+$0x150] =	vst v32  }
0x293: {  	[tilespmem:s29+$0x160] =	vst v31  }
0x294: {  	[tilespmem:s29+$0x170] =	vst v33  }
0x295: {  	[tilespmem:s29+$0x180] =	vst v34  }
0x296: {  	[tilespmem:s29+$0x190] =	vst v35  }
0x297: {  	[tilespmem:s29+$0xFFFFFFE0] =	vst v6  }
0x298: {  	[tilespmem:s29+$0xFFFFFFF0] =	vst v10  }
0x299: {  	v3 =	vmul.f32 v39, v48;
	[tilespmem:s29+$0x80] =	vst v9  }
0x29a: {  	[tilespmem:s29+$0x140] =	vst v30;
	v63 =	vmul.f32 v40, v5  }
0x29b: {  	v2 =	vmul.f32 v38, v53;
	[tilespmem:s29+$0x1C0] =	vst v3  }
0x29c: {  	v1 =	vmul.f32 v1, v12;
	[tilespmem:s29+$0x1D0] =	vst v63  }
0x29d: {  	v0 =	vmul.f32 v0, v47;
	[tilespmem:s29+$0x1B0] =	vst v2  }
0x29e: {  	s2 =	sshll.u32 s17, $0xD;
	s10 =	sshll.u32 s28, $0x9;
	p1 =	sgt.u32 s15, $0xC1;
	[tilespmem:s29+$0x1E0] =	vst v1  }
0x29f: {  	s2 =	sor.u32 $0xE00, s2;
	s10 =	sadd.s32 $0x400, s10;
	[tilespmem:s29+$0x1A0] =	vst v0;
	s29 =	sor.u32 $0x8, s17  }
0x2a0: {  	[spmem:s1] =	stream.indirect.scatter.add.f32 [tilespmem:s2], [sflag:s29], $0x10, s10, s31, $0xb8;
	[tilespmem:$0x1D800] =	vst v63  }
0x2a1: {  	s2 =	sshll.u32 @!p1 s19, $0x9  }
0x2a2: {  	s2 =	sadd.s32 @!p1 s11, s2  }
0x2a3: {  	s2 =	sshrl.u32 @!p1 s2, $0x3  }
0x2a4: {  	s10 =	sadd.s32 @!p1 $0x1, s17;
	s17 =	simm.s32 @!p1 $0x0;
	s15 =	sadd.s32 @!p1 s5, s2  }
0x2a5: {  	[tilespmem:s21], [sflag:s10] =	stream.linear.gather @!p1 [hbm4b:s15+s17], $0x200, $0x38;
	[tilespmem:$0x1D800] =	vst v63  }
0x2a6: {  	s15 =	sadd.s32 @!p1 s7, s2  }
0x2a7: {  	[tilespmem:s26], [sflag:s10] =	stream.linear.gather @!p1 [hbm4b:s15+s17], $0x200, $0x38;
	[tilespmem:$0x1D800] =	vst v63  }
0x2a8: {  	s10 =	sshll.u32 @!p1 s20, $0x9  }
0x2a9: {  	s2 =	sadd.s32 @!p1 s6, s2;
	s15 =	sadd.s32 @!p1 $0x3, s20;
	s10 =	sadd.s32 @!p1 $0x400, s10  }
0x2aa: {  	[tilespmem:s10], [sflag:s15] =	stream.linear.gather @!p1 [hbm4b:s2+s17], $0x200, $0x38;
	[tilespmem:$0x1D800] =	vst v63  }
0x2ab: {  	p1 =	sne.s32 s16, $0xC4  }
.Ltmp5:
0x2ac: {  	_ = 	snop;
	(pc) =	sbr.rel @p1 .LBB2_10-.Ltmp5, $2  }
0x2ad: {  	_ =	sdelay $0x2  }
0x2ae: {  	p0 =	por !p0, !p0;
	s15 =	smov.u32 s16  }
0x2af: {  	_ =	swait.ge [sflag:s24], $0x2000  }
0x2b0: {  	[sflag:s24] =	ssyncset.done $0x0  }
0x2b1: {  	[sflag:s24] =	ssyncadd.s32 $0xFFFFE000  }
0x2b2: {  	[bflag:$0x0] =	sbarrier.arrive $0xFFFF  }
0x2b3: {  	s2 =	rddreg [dreg:$0x16]  }
0x2b4: {  	[hbm:s2], [sflag:s13] =	dma.local [spmem:s14], $0x3100  }
0x2b5: {  	_ =	swait.ge [sflag:s0], $0x3100  }
0x2b6: {  	[sflag:s0] =	ssyncset.done $0x0  }
0x2b7: {  	[sflag:s0] =	ssyncadd.s32 $0xFFFFCF00  }
0x2b8: {  	s10 =	simm.s32 $0x0;
	v0 =	vimm.f32 $0.0e+00;
	s2 =	simm.s32 $0x40;
	[bflag:$0x0] =	sbarrier.arrive $0xFFFF  }
.LBB2_14:
0x2b9: {  	p0 =	sne.s32 s2, $0xC3C0;
	[tilespmem:s10+$0xE00] =	vst v0;
	s10 =	smov.u32 s2;
	s2 =	sadd.s32 $0x40, s2  }
.Ltmp6:
0x2ba: {  	(pc) =	sbr.rel @p0 .LBB2_14-.Ltmp6, $2  }
0x2bb: {  	_ =	sdelay $0x2  }
0x2bc: {  	s10 =	sshra.s32 s10, $0x2  }
0x2bd: {  	[tilespmem:s10+$0xE00] =	vst v0;
	s2 =	rddreg [dreg:$0x18]  }
0x2be: {  	[spmem:s2] =	stream.linear.scatter [tilespmem:s3], [sflag:$0xA], $0x3100, $0x38;
	[tilespmem:$0x1D800] =	vst v63  }
0x2bf: {  	s18 =	rddreg [dreg:$0x4]  }
0x2c0: {  	[spmem:s18] =	stream.linear.scatter [tilespmem:s3], [sflag:$0xA], $0x3100, $0x38;
	[tilespmem:$0x1D800] =	vst v63  }
0x2c1: {  	s19 =	rddreg [dreg:$0x5]  }
0x2c2: {  	[spmem:s19] =	stream.linear.scatter [tilespmem:s3], [sflag:$0xA], $0x3100, $0x38;
	[tilespmem:$0x1D800] =	vst v63  }
0x2c3: {  	s20 =	rddreg [dreg:$0x6]  }
0x2c4: {  	[spmem:s20] =	stream.linear.scatter [tilespmem:s3], [sflag:$0xA], $0x3100, $0x38;
	[tilespmem:$0x1D800] =	vst v63  }
0x2c5: {  	s21 =	rddreg [dreg:$0x7]  }
0x2c6: {  	[spmem:s21] =	stream.linear.scatter [tilespmem:s3], [sflag:$0xA], $0x3100, $0x38;
	[tilespmem:$0x1D800] =	vst v63  }
0x2c7: {  	s26 =	rddreg [dreg:$0x8]  }
0x2c8: {  	[spmem:s26] =	stream.linear.scatter [tilespmem:s3], [sflag:$0xA], $0x3100, $0x38;
	[tilespmem:$0x1D800] =	vst v63  }
0x2c9: {  	s28 =	rddreg [dreg:$0x9]  }
0x2ca: {  	[spmem:s28] =	stream.linear.scatter [tilespmem:s3], [sflag:$0xA], $0x3100, $0x38;
	[tilespmem:$0x1D800] =	vst v63  }
0x2cb: {  	s29 =	rddreg [dreg:$0xa]  }
0x2cc: {  	[spmem:s29] =	stream.linear.scatter [tilespmem:s3], [sflag:$0xA], $0x3100, $0x38;
	[tilespmem:$0x1D800] =	vst v63  }
0x2cd: {  	_ =	swait.ge [sflag:s22], $0x3100  }
0x2ce: {  	[sflag:s22] =	ssyncset.done $0x0  }
0x2cf: {  	[sflag:s22] =	ssyncadd.s32 $0xFFFFCF00  }
0x2d0: {  	_ =	swait.ge [sflag:s22], $0x3100  }
0x2d1: {  	[sflag:s22] =	ssyncset.done $0x0  }
0x2d2: {  	[sflag:s22] =	ssyncadd.s32 $0xFFFFCF00  }
0x2d3: {  	_ =	swait.ge [sflag:s22], $0x3100  }
0x2d4: {  	[sflag:s22] =	ssyncset.done $0x0  }
0x2d5: {  	[sflag:s22] =	ssyncadd.s32 $0xFFFFCF00  }
0x2d6: {  	_ =	swait.ge [sflag:s22], $0x3100  }
0x2d7: {  	[sflag:s22] =	ssyncset.done $0x0  }
0x2d8: {  	[sflag:s22] =	ssyncadd.s32 $0xFFFFCF00  }
0x2d9: {  	_ =	swait.ge [sflag:s22], $0x3100  }
0x2da: {  	[sflag:s22] =	ssyncset.done $0x0  }
0x2db: {  	[sflag:s22] =	ssyncadd.s32 $0xFFFFCF00  }
0x2dc: {  	_ =	swait.ge [sflag:s22], $0x3100  }
0x2dd: {  	[sflag:s22] =	ssyncset.done $0x0  }
0x2de: {  	[sflag:s22] =	ssyncadd.s32 $0xFFFFCF00  }
0x2df: {  	_ =	swait.ge [sflag:s22], $0x3100  }
0x2e0: {  	[sflag:s22] =	ssyncset.done $0x0  }
0x2e1: {  	[sflag:s22] =	ssyncadd.s32 $0xFFFFCF00  }
0x2e2: {  	_ =	swait.ge [sflag:s22], $0x3100  }
0x2e3: {  	[sflag:s22] =	ssyncset.done $0x0  }
0x2e4: {  	[sflag:s22] =	ssyncadd.s32 $0xFFFFCF00  }
0x2e5: {  	[bflag:$0x0] =	sbarrier.arrive $0xFFFF  }
0x2e6: {  	s15 =	simm.s32 $0x0;
	s10 =	rddreg [dreg:$0x12]  }
0x2e7: {  	[tilespmem:s15], [sflag:$0x1] =	stream.linear.gather [hbm4b:s10+s15], $0x200, $0x38;
	[tilespmem:$0x1D800] =	vst v63  }
0x2e8: {  	s17 =	simm.s32 $0xA00;
	s16 =	rddreg [dreg:$0x13]  }
0x2e9: {  	[tilespmem:s17], [sflag:$0x1] =	stream.linear.gather [hbm4b:s16+s15], $0x200, $0x38;
	[tilespmem:$0x1D800] =	vst v63  }
0x2ea: {  	s19 =	simm.s32 $0x400;
	s18 =	rddreg [dreg:$0x14]  }
0x2eb: {  	[tilespmem:s19], [sflag:$0x3] =	stream.linear.gather [hbm4b:s18+s15], $0x200, $0x38;
	[tilespmem:$0x1D800] =	vst v63  }
0x2ec: {  	_ =	swait.ge [sflag:s25], $0x200  }
0x2ed: {  	[sflag:s25] =	ssyncset.done $0x0  }
0x2ee: {  	[sflag:s25] =	ssyncadd.s32 $0xFFFFFE00  }
0x2ef: {  	_ =	swait.ge [sflag:s25], $0x200  }
0x2f0: {  	[sflag:s25] =	ssyncset.done $0x0  }
0x2f1: {  	[sflag:s25] =	ssyncadd.s32 $0xFFFFFE00  }
0x2f2: {  	_ =	swait.ge [sflag:s30], $0x200  }
0x2f3: {  	[sflag:s30] =	ssyncset.done $0x0  }
0x2f4: {  	[sflag:s30] =	ssyncadd.s32 $0xFFFFFE00  }
0x2f5: {  	[tilespmem:s3], [sflag:$0x6] =	stream.indirect.gather [hbm4b:s9+s31], $0x10, s15, s31, $0xb8;
	[tilespmem:$0x1D800] =	vst v63  }
0x2f6: {  	s20 =	rddreg [dreg:$0xb]  }
0x2f7: {  	[tilespmem:s31], [sflag:$0x2] =	stream.linear.gather [hbm4b:s20+s15], $0x200, $0x38;
	[tilespmem:$0x1D800] =	vst v63  }
0x2f8: {  	s26 =	simm.s32 $0xC00;
	s21 =	rddreg [dreg:$0xc]  }
0x2f9: {  	[tilespmem:s26], [sflag:$0x2] =	stream.linear.gather [hbm4b:s21+s15], $0x200, $0x38;
	[tilespmem:$0x1D800] =	vst v63  }
0x2fa: {  	p0 =	por $0x0, $0x0;
	s29 =	simm.s32 $0x600;
	s28 =	rddreg [dreg:$0xd]  }
0x2fb: {  	[tilespmem:s29], [sflag:$0x4] =	stream.linear.gather [hbm4b:s28+s15], $0x200, $0x38;
	[tilespmem:$0x1D800] =	vst v63  }
.LBB2_16:
0x2fc: {  	s17 =	sand.u32 $0x1, s15  }
0x2fd: {  	p1 =	seq.s32 s15, $0x0;
	s2 =	sxor.u32 $0x1, s17  }
0x2fe: {  	s10 =	sor.u32 @!p1 $0x8, s2  }
0x2ff: {  	p2 =	seq.s32 @!p1 s15, $0xC3;
	_ =	swait.ge @!p1 [sflag:s10], $0x2000  }
0x300: {  	s16 =	sadd.s32 $0x1, s15;
	p2 =	por p1, !p2;
	[sflag:s10] =	ssyncset.done @!p1 $0x0  }
0x301: {  	[sflag:s10] =	ssyncadd.s32 @!p1 $0xFFFFE000;
	s10 =	sand.u32 @p2 $0xFF, s16  }
0x302: {  	s10 =	smul.u32 @p2 $0xAB, s10  }
0x303: {  	s18 =	sadd.s32 @p2 $0x1, s2  }
0x304: {  	_ =	swait.ge @p2 [sflag:s18], $0x200;
	s10 =	sshrl.u32 @p2 s10, $0x9  }
0x305: {  	[sflag:s18] =	ssyncset.done @p2 $0x0;
	s10 =	smul.u32 @p2 $0x3, s10  }
0x306: {  	[sflag:s18] =	ssyncadd.s32 @p2 $0xFFFFFE00  }
0x307: {  	_ =	swait.ge @p2 [sflag:s18], $0x200;
	s10 =	ssub.s32 @p2 s16, s10  }
0x308: {  	[sflag:s18] =	ssyncset.done @p2 $0x0;
	s10 =	sand.u32 @p2 $0xFF, s10  }
0x309: {  	[sflag:s18] =	ssyncadd.s32 @p2 $0xFFFFFE00;
	s10 =	sadd.s32 @p2 $0x3, s10  }
0x30a: {  	_ =	swait.ge @p2 [sflag:s10], $0x200  }
0x30b: {  	s19 =	sshll.u32 @p2 s2, $0xD;
	s18 =	sshll.u32 @p2 s2, $0x9;
	[sflag:s10] =	ssyncset.done @p2 $0x0  }
0x30c: {  	s2 =	sor.u32 @p2 $0x6, s2;
	[sflag:s10] =	ssyncadd.s32 @p2 $0xFFFFFE00;
	s10 =	sor.u32 @p2 $0xE00, s19  }
0x30d: {  	[tilespmem:s10], [sflag:s2] =	stream.indirect.gather @p2 [hbm4b:s9+s31], $0x10, s18, s31, $0xb8;
	[tilespmem:$0x1D800] =	vst v63  }
0x30e: {  	s20 =	sor.u32 $0x6, s17;
	s2 =	simm.s32 $0x1  }
0x30f: {  	s2 =	simm.s32 @!p0 $0x0;
	_ =	swait.ge [sflag:s20], $0x2000  }
0x310: {  	s21 =	sshll.u32 s2, $0x9;
	[sflag:s20] =	ssyncset.done $0x0  }
0x311: {  	s10 =	sadd.s32 $0xA20, s21;
	[sflag:s20] =	ssyncadd.s32 $0xFFFFE000  }
0x312: {  	s2 =	sshll.u32 s2, $0xD;
	v1 =	vld [tilespmem:s10+$0x10]  }
0x313: {  	s18 =	sor.u32 $0x1000, s2;
	v0 =	vld [tilespmem:s10+$0xFFFFFFF0]  }
0x314: {  	v4 =	vld [tilespmem:s18+$0x1F0]  }
0x315: {  	v3 =	vld [tilespmem:s10+$0x0]  }
0x316: {  	v5 =	vld [tilespmem:s10+$0xFFFFFFE0]  }
0x317: {  	v6 =	vld [tilespmem:s18+$0xFFFFFE00]  }
0x318: {  	v7 =	vld [tilespmem:s18+$0xFFFFFE10]  }
0x319: {  	v10 =	vld [tilespmem:s18+$0xFFFFFE20];
	v2 =	vbroadcast v1, $0x0  }
0x31a: {  	v13 =	vld [tilespmem:s18+$0xFFFFFE30];
	v8 =	vbroadcast v1, $0xF;
	v9 =	vbroadcast v0, $0x0  }
0x31b: {  	v14 =	vld [tilespmem:s18+$0xFFFFFE40];
	v11 =	vbroadcast v0, $0x1;
	v12 =	vbroadcast v0, $0x2  }
0x31c: {  	v17 =	vld [tilespmem:s18+$0xFFFFFE50];
	v15 =	vbroadcast v0, $0x4;
	v16 =	vbroadcast v5, $0x0  }
0x31d: {  	v20 =	vld [tilespmem:s18+$0xFFFFFE60];
	v18 =	vbroadcast v5, $0x1;
	v19 =	vbroadcast v5, $0x2  }
0x31e: {  	v23 =	vld [tilespmem:s18+$0xFFFFFE70];
	v21 =	vbroadcast v5, $0x3;
	v22 =	vbroadcast v5, $0x4  }
0x31f: {  	v26 =	vld [tilespmem:s18+$0xFFFFFE80];
	v24 =	vbroadcast v5, $0x5;
	v25 =	vbroadcast v5, $0x6  }
0x320: {  	v29 =	vld [tilespmem:s18+$0xFFFFFE90];
	v27 =	vbroadcast v5, $0x7;
	v28 =	vbroadcast v5, $0x8  }
0x321: {  	v32 =	vld [tilespmem:s18+$0xFFFFFEA0];
	v30 =	vbroadcast v5, $0x9;
	v31 =	vbroadcast v5, $0xA  }
0x322: {  	v35 =	vld [tilespmem:s18+$0xFFFFFEB0];
	v33 =	vbroadcast v5, $0xB;
	v34 =	vbroadcast v5, $0xC  }
0x323: {  	v38 =	vld [tilespmem:s18+$0xFFFFFEC0];
	v36 =	vbroadcast v5, $0xD;
	v37 =	vbroadcast v5, $0xE  }
0x324: {  	v40 =	vld [tilespmem:s18+$0xFFFFFED0];
	v5 =	vbroadcast v5, $0xF;
	v39 =	vbroadcast v0, $0x5  }
0x325: {  	v52 =	vld [tilespmem:s18+$0xFFFFFF50];
	v51 =	vbroadcast v0, $0x9;
	v54 =	vbroadcast v0, $0xA  }
0x326: {  	v53 =	vld [tilespmem:s18+$0xFFFFFF60];
	v56 =	vbroadcast v1, $0x3;
	v57 =	vbroadcast v1, $0x6  }
0x327: {  	v59 =	vld [tilespmem:s18+$0x170];
	v58 =	vbroadcast v1, $0x7;
	v60 =	vbroadcast v1, $0x8  }
0x328: {  	v61 =	vld [tilespmem:s18+$0x180];
	v62 =	vbroadcast v1, $0x9;
	v47 =	vbroadcast v1, $0xA  }
0x329: {  	v63 =	vld [tilespmem:s18+$0x190];
	v4 =	vmul.f32 v4, v8;
	v8 =	vbroadcast v0, $0x3  }
0x32a: {  	v6 =	vmul.f32 v16, v6;
	v16 =	vld [tilespmem:s18+$0xFFFFFEE0];
	v7 =	vmul.f32 v7, v18  }
0x32b: {  	v18 =	vbroadcast v0, $0x6;
	v10 =	vmul.f32 v10, v19;
	v19 =	vld [tilespmem:s18+$0xFFFFFEF0]  }
0x32c: {  	v13 =	vmul.f32 v13, v21;
	v21 =	vld [tilespmem:s18+$0xFFFFFF00];
	v14 =	vmul.f32 v14, v22  }
0x32d: {  	v22 =	vbroadcast v0, $0x7;
	v17 =	vmul.f32 v17, v24;
	v24 =	vld [tilespmem:s18+$0xFFFFFF10]  }
0x32e: {  	v20 =	vmul.f32 v20, v25;
	v25 =	vld [tilespmem:s18+$0xFFFFFF20];
	v23 =	vmul.f32 v23, v27  }
0x32f: {  	v27 =	vbroadcast v0, $0x8;
	v26 =	vmul.f32 v26, v28;
	v28 =	vld [tilespmem:s18+$0xFFFFFF30]  }
0x330: {  	v29 =	vmul.f32 v29, v30;
	v30 =	vld [tilespmem:s18+$0xFFFFFF40];
	v31 =	vmul.f32 v32, v31  }
0x331: {  	v33 =	vmul.f32 v35, v33;
	v37 =	vmul.f32 v16, v37;
	v16 =	vld [tilespmem:s18+$0xFFFFFF70]  }
0x332: {  	v34 =	vmul.f32 v38, v34;
	v5 =	vmul.f32 v19, v5;
	v19 =	vld [tilespmem:s18+$0xFFFFFF80]  }
0x333: {  	v36 =	vmul.f32 v40, v36;
	v42 =	vmul.f32 v24, v11;
	v11 =	vld [tilespmem:s18+$0xFFFFFF90]  }
0x334: {  	v35 =	vmul.f32 v52, v39;
	v41 =	vmul.f32 v9, v21;
	v21 =	vld [tilespmem:s18+$0xFFFFFFA0]  }
0x335: {  	v38 =	vmul.f32 v53, v18;
	v30 =	vmul.f32 v30, v15;
	v15 =	vld [tilespmem:s18+$0xFFFFFFB0]  }
0x336: {  	v18 =	vbroadcast v0, $0xD;
	[tilespmem:s18+$0x1F0] =	vst v4;
	v4 =	vbroadcast v3, $0x0;
	v24 =	vld [tilespmem:s18+$0xFFFFFFC0]  }
0x337: {  	v9 =	vbroadcast v0, $0xB;
	v55 =	vmul.f32 v16, v22;
	v16 =	vld [tilespmem:s18+$0xFFFFFFD0]  }
0x338: {  	v28 =	vmul.f32 v28, v8;
	v43 =	vmul.f32 v19, v27;
	v19 =	vld [tilespmem:s18+$0xFFFFFFE0]  }
0x339: {  	v8 =	vbroadcast v0, $0xC;
	v40 =	vmul.f32 v21, v54;
	v21 =	vld [tilespmem:s18+$0xFFFFFFF0]  }
0x33a: {  	[tilespmem:s18+$0xFFFFFE00] =	vst v6;
	v44 =	vmul.f32 v11, v51;
	v45 =	vmul.f32 v15, v9;
	v9 =	vld [tilespmem:s18+$0x0]  }
0x33b: {  	[tilespmem:s18+$0xFFFFFE10] =	vst v7;
	v11 =	vbroadcast v0, $0xE;
	v0 =	vbroadcast v0, $0xF;
	v15 =	vld [tilespmem:s18+$0x10]  }
0x33c: {  	[tilespmem:s18+$0xFFFFFE20] =	vst v10;
	v46 =	vmul.f32 v24, v8;
	v8 =	vmul.f32 v16, v18;
	v16 =	vld [tilespmem:s18+$0x20]  }
0x33d: {  	v7 =	vbroadcast v3, $0x2;
	[tilespmem:s18+$0xFFFFFE30] =	vst v13;
	v13 =	vbroadcast v3, $0x4;
	v18 =	vld [tilespmem:s18+$0x30]  }
0x33e: {  	[tilespmem:s18+$0xFFFFFE40] =	vst v14;
	v22 =	vbroadcast v3, $0x1;
	v10 =	vmul.f32 v21, v0;
	v0 =	vld [tilespmem:s18+$0x40]  }
0x33f: {  	[tilespmem:s18+$0xFFFFFE50] =	vst v17;
	v6 =	vmul.f32 v19, v11;
	v11 =	vmul.f32 v4, v9;
	v4 =	vld [tilespmem:s18+$0x50]  }
0x340: {  	v14 =	vld [tilespmem:s18+$0x60];
	v17 =	vbroadcast v3, $0x6;
	[tilespmem:s18+$0xFFFFFE60] =	vst v20;
	v19 =	vbroadcast v3, $0x3  }
0x341: {  	[tilespmem:s18+$0xFFFFFE70] =	vst v23;
	v21 =	vmul.f32 v15, v22;
	v15 =	vmul.f32 v16, v7;
	v16 =	vld [tilespmem:s18+$0x70]  }
0x342: {  	[tilespmem:s18+$0xFFFFFE80] =	vst v26;
	v9 =	vbroadcast v3, $0x5;
	v22 =	vmul.f32 v18, v19;
	v19 =	vld [tilespmem:s18+$0x80]  }
0x343: {  	v20 =	vbroadcast v3, $0x7;
	[tilespmem:s18+$0xFFFFFE90] =	vst v29;
	v18 =	vmul.f32 v0, v13;
	v0 =	vld [tilespmem:s18+$0x90]  }
0x344: {  	v23 =	vbroadcast v3, $0x8;
	[tilespmem:s18+$0xFFFFFEA0] =	vst v31;
	v24 =	vmul.f32 v4, v9;
	v4 =	vld [tilespmem:s18+$0xA0]  }
0x345: {  	[tilespmem:s18+$0xFFFFFEB0] =	vst v33;
	v12 =	vmul.f32 v25, v12;
	v7 =	vmul.f32 v14, v17;
	v17 =	vld [tilespmem:s18+$0xB0]  }
0x346: {  	[tilespmem:s18+$0xFFFFFEC0] =	vst v34;
	v25 =	vbroadcast v3, $0x9;
	v13 =	vmul.f32 v16, v20;
	v20 =	vld [tilespmem:s18+$0xC0]  }
0x347: {  	v26 =	vbroadcast v3, $0xA;
	[tilespmem:s18+$0xFFFFFED0] =	vst v36;
	v9 =	vmul.f32 v19, v23;
	v23 =	vld [tilespmem:s18+$0xD0]  }
0x348: {  	v48 =	vbroadcast v1, $0xC;
	[tilespmem:s18+$0xFFFFFF50] =	vst v35;
	v16 =	vmul.f32 v0, v25;
	v0 =	vld [tilespmem:s18+$0xE0]  }
0x349: {  	[tilespmem:s18+$0xFFFFFF60] =	vst v38;
	v27 =	vbroadcast v3, $0xB;
	v14 =	vmul.f32 v4, v26;
	v4 =	vld [tilespmem:s18+$0xF0]  }
0x34a: {  	v29 =	vbroadcast v3, $0xC;
	v31 =	vbroadcast v3, $0xD;
	[tilespmem:s18+$0xFFFFFEE0] =	vst v37;
	v26 =	vld [tilespmem:s18+$0x100]  }
0x34b: {  	[tilespmem:s18+$0xFFFFFEF0] =	vst v5;
	v25 =	vbroadcast v3, $0xE;
	v19 =	vmul.f32 v17, v27;
	v27 =	vld [tilespmem:s18+$0x110]  }
0x34c: {  	[tilespmem:s18+$0xFFFFFF00] =	vst v41;
	v3 =	vbroadcast v3, $0xF;
	v23 =	vmul.f32 v23, v31;
	v31 =	vld [tilespmem:s18+$0x120]  }
0x34d: {  	[tilespmem:s18+$0xFFFFFF10] =	vst v42;
	v17 =	vmul.f32 v20, v29;
	v20 =	vmul.f32 v0, v25;
	v0 =	vld [tilespmem:s18+$0x130]  }
0x34e: {  	s26 =	smul.u32 $0xAB, s15;
	s19 =	sadd.s32 $0x2, s15;
	v5 =	vbroadcast v1, $0x1;
	[tilespmem:s18+$0xFFFFFF20] =	vst v12;
	v25 =	vmul.f32 v4, v3;
	v3 =	vld [tilespmem:s18+$0x140]  }
0x34f: {  	s20 =	sand.u32 $0xFF, s19;
	v53 =	vbroadcast v1, $0xB;
	[tilespmem:s18+$0xFFFFFF30] =	vst v28;
	v26 =	vmul.f32 v2, v26;
	v2 =	vld [tilespmem:s18+$0x150]  }
0x350: {  	s2 =	sshrl.u32 s26, $0x9;
	s20 =	smul.u32 $0xAB, s20;
	v33 =	vmul.f32 v59, v58;
	[tilespmem:s18+$0xFFFFFF40] =	vst v30;
	v27 =	vmul.f32 v27, v5;
	v5 =	vld [tilespmem:s18+$0x160]  }
0x351: {  	s2 =	sand.u32 $0x7F, s2;
	v34 =	vmul.f32 v61, v60;
	[tilespmem:s18+$0xFFFFFF70] =	vst v55;
	v29 =	vbroadcast v1, $0x2  }
0x352: {  	s2 =	smul.u32 $0x3, s2;
	s20 =	sshrl.u32 s20, $0x9;
	v39 =	vld [tilespmem:s18+$0x1C0];
	v35 =	vmul.f32 v63, v62;
	v12 =	vbroadcast v1, $0x4;
	[tilespmem:s18+$0xFFFFFF80] =	vst v43  }
0x353: {  	s21 =	sshll.u32 s17, $0x9;
	s20 =	smul.u32 $0x3, s20;
	v38 =	vld [tilespmem:s18+$0x1B0];
	[tilespmem:s18+$0xFFFFFF90] =	vst v44;
	v4 =	vbroadcast v1, $0x5;
	v28 =	vmul.f32 v31, v29  }
0x354: {  	s26 =	sadd.s32 $0xA00, s21;
	s10 =	sadd.s32 $0x40, s10;
	[tilespmem:s18+$0xFFFFFFA0] =	vst v40;
	v40 =	vld [tilespmem:s18+$0x1D0];
	v29 =	vmul.f32 v0, v56;
	v30 =	vmul.f32 v3, v12  }
0x355: {  	s29 =	smov.u32 s18;
	s2 =	ssub.s32 s15, s2;
	s20 =	ssub.s32 s19, s20;
	[tilespmem:s18+$0xFFFFFFB0] =	vst v45;
	v32 =	vmul.f32 v2, v4;
	v0 =	vld [tilespmem:s18+$0x1A0];
	v31 =	vmul.f32 v5, v57  }
0x356: {  	s28 =	sand.u32 $0xFF, s2;
	s2 =	simm.s32 $0x0;
	s20 =	sand.u32 $0xFF, s20;
	[tilespmem:s18+$0xFFFFFFC0] =	vst v46;
	v5 =	vbroadcast v1, $0xD;
	v12 =	vbroadcast v1, $0xE;
	v1 =	vld [tilespmem:s18+$0x1E0]  }
.LBB2_17:
0x357: {  	[tilespmem:s18+$0xFFFFFFD0] =	vst v8  }
0x358: {  	v51 =	vld [tilespmem:s10+$0x0];
	[tilespmem:s29+$0x0] =	vst v11  }
0x359: {  	[tilespmem:s29+$0x10] =	vst v21  }
0x35a: {  	[tilespmem:s29+$0x20] =	vst v15  }
0x35b: {  	[tilespmem:s29+$0x30] =	vst v22  }
0x35c: {  	[tilespmem:s29+$0x50] =	vst v24  }
0x35d: {  	[tilespmem:s29+$0x70] =	vst v13  }
0x35e: {  	[tilespmem:s29+$0x90] =	vst v16  }
0x35f: {  	[tilespmem:s29+$0xB0] =	vst v19  }
0x360: {  	[tilespmem:s29+$0xC0] =	vst v17  }
0x361: {  	[tilespmem:s29+$0xD0] =	vst v23  }
0x362: {  	[tilespmem:s29+$0xE0] =	vst v20  }
0x363: {  	[tilespmem:s29+$0xF0] =	vst v25  }
0x364: {  	v36 =	vld [tilespmem:s10+$0x10];
	[tilespmem:s29+$0x100] =	vst v26  }
0x365: {  	[tilespmem:s29+$0x110] =	vst v27;
	v41 =	vld [tilespmem:s10+$0xFFFFFFF0]  }
0x366: {  	s18 =	sadd.s32 $0x400, s18;
	[tilespmem:s29+$0x120] =	vst v28;
	v2 =	vmul.f32 v40, v5;
	v5 =	vld [tilespmem:s10+$0xFFFFFFE0]  }
0x367: {  	[tilespmem:s29+$0xFFFFFFE0] =	vst v6;
	v6 =	vld [tilespmem:s18+$0xFFFFFE10]  }
0x368: {  	[tilespmem:s29+$0x130] =	vst v29;
	v54 =	vld [tilespmem:s18+$0xFFFFFE50]  }
0x369: {  	[tilespmem:s29+$0x160] =	vst v31  }
0x36a: {  	[tilespmem:s29+$0x170] =	vst v33  }
0x36b: {  	[tilespmem:s29+$0x180] =	vst v34;
	v57 =	vbroadcast v5, $0x5  }
0x36c: {  	v17 =	vld [tilespmem:s18+$0xFFFFFEE0];
	[tilespmem:$0x1FA00] =	vst v6;
	v6 =	vbroadcast v41, $0x0  }
0x36d: {  	[tilespmem:s29+$0xFFFFFFF0] =	vst v10;
	v3 =	vmul.f32 v0, v47;
	v0 =	vld [tilespmem:s18+$0x1F0];
	v57 =	vmul.f32 v54, v57  }
0x36e: {  	v15 =	vld [tilespmem:s18+$0xFFFFFF00];
	v47 =	vmul.f32 v1, v12;
	v1 =	vbroadcast v36, $0x0;
	[tilespmem:$0x1FA40] =	vst v6  }
0x36f: {  	v6 =	vbroadcast v41, $0x1;
	[tilespmem:s18+$0xFFFFFE50] =	vst v57;
	v57 =	vld [tilespmem:$0x1FA40]  }
0x370: {  	v50 =	vld [tilespmem:s18+$0xFFFFFE00];
	[tilespmem:$0x1FB60] =	vst v1;
	v1 =	vbroadcast v36, $0xF  }
0x371: {  	v4 =	vmul.f32 v39, v48;
	[tilespmem:$0x1FA50] =	vst v6;
	v6 =	vld [tilespmem:s18+$0xFFFFFE20]  }
0x372: {  	[tilespmem:s29+$0x40] =	vst v18;
	v0 =	vmul.f32 v0, v1;
	v1 =	vld [tilespmem:s18+$0xFFFFFE30];
	v39 =	vbroadcast v5, $0xE  }
0x373: {  	[tilespmem:s29+$0xA0] =	vst v14;
	v14 =	vld [tilespmem:s18+$0xFFFFFF10]  }
0x374: {  	[tilespmem:s29+$0x60] =	vst v7;
	v17 =	vmul.f32 v17, v39;
	v39 =	vmul.f32 v57, v15;
	v15 =	vld [tilespmem:$0x1FA50]  }
0x375: {  	v58 =	vld [tilespmem:s18+$0xFFFFFE60];
	[tilespmem:s29+$0x1A0] =	vst v3  }
0x376: {  	v59 =	vld [tilespmem:s18+$0xFFFFFE70];
	[tilespmem:$0x1FA10] =	vst v6;
	v6 =	vbroadcast v41, $0x2  }
0x377: {  	v42 =	vld [tilespmem:s18+$0xFFFFFE80];
	[tilespmem:$0x1FA20] =	vst v1;
	v1 =	vbroadcast v41, $0x3  }
0x378: {  	v13 =	vld [tilespmem:s18+$0xFFFFFF20];
	v3 =	vbroadcast v36, $0x2;
	v12 =	vbroadcast v5, $0x0;
	[tilespmem:$0x1FA60] =	vst v6  }
0x379: {  	[tilespmem:$0x1FA70] =	vst v1;
	v1 =	vbroadcast v41, $0x4;
	v14 =	vmul.f32 v14, v15;
	v15 =	vld [tilespmem:$0x1FA60]  }
0x37a: {  	v24 =	vld [tilespmem:s18+$0xFFFFFE90];
	[tilespmem:$0x1FB80] =	vst v3;
	v50 =	vmul.f32 v12, v50  }
0x37b: {  	[tilespmem:$0x1FA80] =	vst v1;
	v1 =	vld [tilespmem:s18+$0xFFFFFE40]  }
0x37c: {  	v52 =	vmul.f32 v38, v53;
	v3 =	vbroadcast v36, $0x3;
	[tilespmem:s18+$0xFFFFFE00] =	vst v50;
	v50 =	vld [tilespmem:$0x1FA20]  }
0x37d: {  	[tilespmem:s29+$0x80] =	vst v9;
	v11 =	vld [tilespmem:s18+$0xFFFFFF30];
	v55 =	vbroadcast v5, $0x1;
	v43 =	vbroadcast v5, $0x2  }
0x37e: {  	[tilespmem:s29+$0x140] =	vst v30;
	v56 =	vbroadcast v5, $0x3;
	v13 =	vmul.f32 v13, v15;
	v15 =	vld [tilespmem:$0x1FA70]  }
0x37f: {  	v22 =	vld [tilespmem:s18+$0xFFFFFEA0];
	v45 =	vbroadcast v5, $0x4;
	v40 =	vbroadcast v5, $0x8;
	[tilespmem:s18+$0x1F0] =	vst v0  }
0x380: {  	v21 =	vld [tilespmem:s18+$0xFFFFFEB0];
	v44 =	vbroadcast v5, $0x6;
	v0 =	vbroadcast v41, $0x5;
	[tilespmem:$0x1FA30] =	vst v1  }
0x381: {  	[tilespmem:s29+$0x190] =	vst v35;
	v40 =	vmul.f32 v42, v40;
	v50 =	vmul.f32 v50, v56;
	v56 =	vld [tilespmem:$0x1FA30]  }
0x382: {  	v10 =	vld [tilespmem:s18+$0xFFFFFF40];
	v46 =	vbroadcast v5, $0x7;
	v60 =	vbroadcast v5, $0x9;
	[tilespmem:$0x1FA90] =	vst v0  }
0x383: {  	v0 =	vbroadcast v41, $0x6;
	[tilespmem:s18+$0xFFFFFE80] =	vst v40;
	v40 =	vmul.f32 v11, v15;
	v11 =	vld [tilespmem:$0x1FA80]  }
0x384: {  	v19 =	vld [tilespmem:s18+$0xFFFFFEC0];
	[tilespmem:s29+$0x1B0] =	vst v52;
	v37 =	vbroadcast v5, $0xA;
	v61 =	vbroadcast v5, $0xB  }
0x385: {  	v18 =	vld [tilespmem:s18+$0xFFFFFED0];
	v38 =	vbroadcast v5, $0xC;
	[tilespmem:$0x1FAA0] =	vst v0;
	v0 =	vbroadcast v41, $0x7  }
0x386: {  	v16 =	vld [tilespmem:s18+$0xFFFFFEF0];
	v62 =	vbroadcast v5, $0xD;
	[tilespmem:$0x1FB90] =	vst v3;
	v45 =	vmul.f32 v56, v45  }
0x387: {  	v9 =	vld [tilespmem:s18+$0xFFFFFF50];
	v63 =	vbroadcast v5, $0xF;
	v5 =	vbroadcast v36, $0x4;
	[tilespmem:$0x1FAB0] =	vst v0  }
0x388: {  	v0 =	vbroadcast v41, $0x8;
	[tilespmem:s18+$0xFFFFFE40] =	vst v45;
	v45 =	vmul.f32 v10, v11;
	v10 =	vld [tilespmem:$0x1FA90]  }
0x389: {  	v8 =	vld [tilespmem:s18+$0xFFFFFF60];
	[tilespmem:$0x1FBA0] =	vst v5  }
0x38a: {  	v7 =	vld [tilespmem:s18+$0xFFFFFF70];
	[tilespmem:$0x1FAC0] =	vst v0;
	v0 =	vbroadcast v41, $0x9  }
0x38b: {  	v49 =	vld [tilespmem:s18+$0xFFFFFFF0];
	[tilespmem:s29+$0x1C0] =	vst v4  }
0x38c: {  	v52 =	vld [tilespmem:s18+$0xFFFFFFE0];
	[tilespmem:$0x1FAD0] =	vst v0  }
0x38d: {  	v0 =	vbroadcast v41, $0xA;
	[tilespmem:s18+$0xFFFFFE30] =	vst v50;
	v50 =	vmul.f32 v9, v10;
	v9 =	vld [tilespmem:$0x1FAA0]  }
0x38e: {  	v3 =	vld [tilespmem:s18+$0xFFFFFFB0];
	[tilespmem:s29+$0x1D0] =	vst v2  }
0x38f: {  	v26 =	vbroadcast v51, $0x0;
	v54 =	vld [tilespmem:s18+$0x30];
	[tilespmem:$0x1FAE0] =	vst v0;
	v0 =	vbroadcast v41, $0xB  }
0x390: {  	v27 =	vbroadcast v51, $0x1;
	v5 =	vbroadcast v36, $0x5;
	v42 =	vld [tilespmem:s18+$0x40];
	[tilespmem:s29+$0x1E0] =	vst v47  }
0x391: {  	v22 =	vmul.f32 v22, v37;
	v37 =	vld [tilespmem:s18+$0x50];
	[tilespmem:$0x1FAF0] =	vst v0;
	v0 =	vbroadcast v41, $0xE  }
0x392: {  	v59 =	vmul.f32 v59, v46;
	[tilespmem:$0x1FBB0] =	vst v5;
	v57 =	vmul.f32 v8, v9;
	v8 =	vld [tilespmem:$0x1FAB0]  }
0x393: {  	v19 =	vmul.f32 v19, v38;
	v38 =	vld [tilespmem:s18+$0x60];
	[tilespmem:$0x1FB00] =	vst v0;
	v0 =	vbroadcast v51, $0x6  }
0x394: {  	v28 =	vbroadcast v51, $0x2;
	v46 =	vld [tilespmem:s18+$0xA0];
	v5 =	vbroadcast v36, $0x6;
	[tilespmem:s18+$0xFFFFFE70] =	vst v59  }
0x395: {  	v44 =	vmul.f32 v58, v44;
	v58 =	vld [tilespmem:s18+$0xB0];
	[tilespmem:$0x1FB10] =	vst v0;
	v0 =	vbroadcast v51, $0x8  }
0x396: {  	v53 =	vbroadcast v36, $0xB;
	[tilespmem:$0x1FBC0] =	vst v5;
	v5 =	vbroadcast v36, $0x7;
	v6 =	vld [tilespmem:s18+$0xFFFFFF80]  }
0x397: {  	[tilespmem:$0x1FB20] =	vst v0;
	v0 =	vbroadcast v51, $0xA;
	v59 =	vmul.f32 v7, v8;
	v7 =	vld [tilespmem:$0x1FAC0]  }
0x398: {  	v21 =	vmul.f32 v21, v61;
	v61 =	vld [tilespmem:s18+$0xC0];
	[tilespmem:$0x1FBD0] =	vst v5;
	v5 =	vbroadcast v36, $0x8  }
0x399: {  	v48 =	vbroadcast v36, $0xC;
	v4 =	vld [tilespmem:s18+$0xFFFFFFC0];
	[tilespmem:$0x1FB30] =	vst v0;
	v0 =	vbroadcast v51, $0xC  }
0x39a: {  	v12 =	vbroadcast v36, $0xE;
	v2 =	vld [tilespmem:s18+$0xFFFFFFD0];
	[tilespmem:$0x1FBE0] =	vst v5;
	v5 =	vbroadcast v36, $0x9  }
0x39b: {  	v24 =	vmul.f32 v24, v60;
	v1 =	vld [tilespmem:s18+$0xFFFFFF90];
	[tilespmem:$0x1FB40] =	vst v0;
	v0 =	vbroadcast v51, $0xE  }
0x39c: {  	v47 =	vbroadcast v36, $0xA;
	[tilespmem:$0x1FBF0] =	vst v5;
	v60 =	vmul.f32 v6, v7;
	v6 =	vld [tilespmem:$0x1FAD0]  }
0x39d: {  	v5 =	vbroadcast v36, $0xD;
	[tilespmem:$0x1FB50] =	vst v0;
	v0 =	vbroadcast v36, $0x1;
	v36 =	vld [tilespmem:$0x1FA00]  }
0x39e: {  	v29 =	vbroadcast v51, $0x3;
	v30 =	vbroadcast v51, $0x5;
	[tilespmem:s18+$0xFFFFFE60] =	vst v44;
	v44 =	vld [tilespmem:s18+$0x80]  }
0x39f: {  	[tilespmem:s29+$0x150] =	vst v32;
	v32 =	vbroadcast v51, $0x7;
	v16 =	vmul.f32 v16, v63;
	v63 =	vld [tilespmem:s18+$0x190]  }
0x3a0: {  	v31 =	vbroadcast v51, $0x9;
	v33 =	vbroadcast v51, $0xB;
	[tilespmem:$0x1FB70] =	vst v0;
	v0 =	vld [tilespmem:s18+$0xFFFFFFA0]  }
0x3a1: {  	v34 =	vbroadcast v51, $0xD;
	v1 =	vmul.f32 v1, v6;
	v6 =	vld [tilespmem:$0x1FAE0]  }
0x3a2: {  	v20 =	vbroadcast v41, $0xC;
	v36 =	vmul.f32 v36, v55;
	v55 =	vld [tilespmem:$0x1FA10]  }
0x3a3: {  	v35 =	vbroadcast v51, $0xF;
	[tilespmem:s18+$0xFFFFFEC0] =	vst v19;
	v19 =	vmul.f32 v58, v33;
	v58 =	vld [tilespmem:s18+$0x160]  }
0x3a4: {  	v23 =	vbroadcast v41, $0xD;
	v4 =	vmul.f32 v4, v20;
	v20 =	vld [tilespmem:s18+$0xE0]  }
0x3a5: {  	v25 =	vbroadcast v41, $0xF;
	v41 =	vbroadcast v51, $0x4;
	v51 =	vld [tilespmem:s18+$0x0]  }
0x3a6: {  	v18 =	vmul.f32 v18, v62;
	v62 =	vmul.f32 v0, v6;
	v0 =	vld [tilespmem:s18+$0xD0]  }
0x3a7: {  	v56 =	vld [tilespmem:s18+$0x20];
	v43 =	vmul.f32 v55, v43  }
0x3a8: {  	[tilespmem:s18+$0xFFFFFEE0] =	vst v17;
	v17 =	vld [tilespmem:$0x1FB40]  }
0x3a9: {  	[tilespmem:s18+$0xFFFFFE20] =	vst v43;
	v43 =	vld [tilespmem:s18+$0x90]  }
0x3aa: {  	v11 =	vmul.f32 v26, v51;
	v26 =	vld [tilespmem:s18+$0x100]  }
0x3ab: {  	v8 =	vmul.f32 v2, v23;
	v23 =	vmul.f32 v0, v34;
	v0 =	vld [tilespmem:$0x1FB50]  }
0x3ac: {  	v55 =	vld [tilespmem:s18+$0x10]  }
0x3ad: {  	[tilespmem:s18+$0xFFFFFE10] =	vst v36;
	v36 =	vld [tilespmem:s18+$0x70]  }
0x3ae: {  	[tilespmem:s18+$0xFFFFFEF0] =	vst v16;
	v16 =	vmul.f32 v43, v31;
	v31 =	vld [tilespmem:s18+$0x150]  }
0x3af: {  	[tilespmem:s18+$0xFFFFFF90] =	vst v1;
	v1 =	vld [tilespmem:$0x1FBB0]  }
0x3b0: {  	v20 =	vmul.f32 v20, v0;
	v0 =	vld [tilespmem:$0x1FB60]  }
0x3b1: {  	[tilespmem:s18+$0xFFFFFEB0] =	vst v21;
	v21 =	vmul.f32 v55, v27;
	v27 =	vld [tilespmem:s18+$0x110]  }
0x3b2: {  	v2 =	vld [tilespmem:$0x1FB00]  }
0x3b3: {  	v6 =	vld [tilespmem:$0x1FAF0]  }
0x3b4: {  	[tilespmem:s18+$0xFFFFFF20] =	vst v13;
	v13 =	vmul.f32 v36, v32;
	v32 =	vmul.f32 v31, v1;
	v1 =	vld [tilespmem:$0x1FBC0]  }
0x3b5: {  	v26 =	vmul.f32 v0, v26;
	v0 =	vld [tilespmem:$0x1FB70]  }
0x3b6: {  	v15 =	vmul.f32 v56, v28;
	v28 =	vld [tilespmem:s18+$0x120]  }
0x3b7: {  	v17 =	vmul.f32 v61, v17;
	v61 =	vld [tilespmem:s18+$0x170]  }
0x3b8: {  	v3 =	vmul.f32 v3, v6;
	v6 =	vmul.f32 v52, v2;
	v2 =	vld [tilespmem:s18+$0xF0]  }
0x3b9: {  	v31 =	vmul.f32 v58, v1;
	v1 =	vld [tilespmem:$0x1FBD0]  }
0x3ba: {  	v27 =	vmul.f32 v27, v0;
	v0 =	vld [tilespmem:$0x1FB80]  }
0x3bb: {  	[tilespmem:s18+$0xFFFFFEA0] =	vst v22;
	v22 =	vmul.f32 v54, v29;
	v29 =	vld [tilespmem:s18+$0x130]  }
0x3bc: {  	[tilespmem:s18+$0xFFFFFE90] =	vst v24;
	v24 =	vmul.f32 v37, v30;
	v30 =	vld [tilespmem:s18+$0x140]  }
0x3bd: {  	v10 =	vmul.f32 v49, v25;
	v25 =	vmul.f32 v2, v35;
	v2 =	vld [tilespmem:s18+$0x180]  }
0x3be: {  	[tilespmem:s18+$0xFFFFFED0] =	vst v18;
	v33 =	vmul.f32 v61, v1;
	v1 =	vld [tilespmem:$0x1FBE0]  }
0x3bf: {  	[tilespmem:s18+$0xFFFFFFC0] =	vst v4;
	v28 =	vmul.f32 v28, v0;
	v0 =	vld [tilespmem:$0x1FB90]  }
0x3c0: {  	[tilespmem:s18+$0xFFFFFF10] =	vst v14;
	v14 =	vld [tilespmem:$0x1FB30]  }
0x3c1: {  	[tilespmem:s18+$0xFFFFFF00] =	vst v39;
	v9 =	vld [tilespmem:$0x1FB20]  }
0x3c2: {  	[tilespmem:s18+$0xFFFFFF30] =	vst v40;
	v7 =	vld [tilespmem:$0x1FB10]  }
0x3c3: {  	s2 =	sadd.s32 $0x4, s2;
	[tilespmem:s18+$0xFFFFFF40] =	vst v45;
	v34 =	vmul.f32 v2, v1;
	v1 =	vld [tilespmem:$0x1FBF0]  }
0x3c4: {  	p1 =	slt.u32 s2, $0x1C;
	[tilespmem:s18+$0xFFFFFF50] =	vst v50;
	v29 =	vmul.f32 v29, v0;
	v0 =	vld [tilespmem:$0x1FBA0]  }
.Ltmp7:
0x3c5: {  	v39 =	vld [tilespmem:s18+$0x1C0];
	[tilespmem:s18+$0xFFFFFF60] =	vst v57;
	(pc) =	sbr.rel @p1 .LBB2_17-.Ltmp7, $4  }
0x3c6: {  	v40 =	vld [tilespmem:s18+$0x1D0];
	[tilespmem:s18+$0xFFFFFF70] =	vst v59  }
0x3c7: {  	v18 =	vmul.f32 v42, v41;
	[tilespmem:s18+$0xFFFFFF80] =	vst v60;
	v7 =	vmul.f32 v38, v7;
	v38 =	vld [tilespmem:s18+$0x1B0]  }
0x3c8: {  	v14 =	vmul.f32 v46, v14;
	[tilespmem:s18+$0xFFFFFFA0] =	vst v62;
	v35 =	vmul.f32 v63, v1;
	v1 =	vld [tilespmem:s18+$0x1E0]  }
0x3c9: {  	s10 =	sadd.s32 $0x40, s10;
	s29 =	smov.u32 s18;
	v9 =	vmul.f32 v44, v9;
	[tilespmem:s18+$0xFFFFFFB0] =	vst v3;
	v30 =	vmul.f32 v30, v0;
	v0 =	vld [tilespmem:s18+$0x1A0]  }
0x3ca: {  	[tilespmem:s18+$0xFFFFFFD0] =	vst v8  }
0x3cb: {  	[tilespmem:s29+$0x0] =	vst v11  }
0x3cc: {  	[tilespmem:s29+$0x10] =	vst v21  }
0x3cd: {  	[tilespmem:s29+$0x20] =	vst v15  }
0x3ce: {  	[tilespmem:s29+$0x30] =	vst v22  }
0x3cf: {  	[tilespmem:s29+$0x40] =	vst v18  }
0x3d0: {  	[tilespmem:s29+$0x50] =	vst v24  }
0x3d1: {  	[tilespmem:s29+$0x60] =	vst v7  }
0x3d2: {  	[tilespmem:s29+$0x70] =	vst v13  }
0x3d3: {  	[tilespmem:s29+$0x90] =	vst v16  }
0x3d4: {  	[tilespmem:s29+$0xA0] =	vst v14  }
0x3d5: {  	[tilespmem:s29+$0xB0] =	vst v19  }
0x3d6: {  	[tilespmem:s29+$0xC0] =	vst v17  }
0x3d7: {  	[tilespmem:s29+$0xD0] =	vst v23  }
0x3d8: {  	[tilespmem:s29+$0xE0] =	vst v20  }
0x3d9: {  	[tilespmem:s29+$0xF0] =	vst v25  }
0x3da: {  	[tilespmem:s29+$0x100] =	vst v26  }
0x3db: {  	[tilespmem:s29+$0x110] =	vst v27  }
0x3dc: {  	[tilespmem:s29+$0x120] =	vst v28  }
0x3dd: {  	[tilespmem:s29+$0x130] =	vst v29  }
0x3de: {  	[tilespmem:s29+$0x150] =	vst v32  }
0x3df: {  	[tilespmem:s29+$0x160] =	vst v31  }
0x3e0: {  	[tilespmem:s29+$0x170] =	vst v33  }
0x3e1: {  	[tilespmem:s29+$0x180] =	vst v34  }
0x3e2: {  	[tilespmem:s29+$0x190] =	vst v35  }
0x3e3: {  	[tilespmem:s29+$0xFFFFFFE0] =	vst v6  }
0x3e4: {  	[tilespmem:s29+$0xFFFFFFF0] =	vst v10  }
0x3e5: {  	v3 =	vmul.f32 v39, v48;
	[tilespmem:s29+$0x80] =	vst v9  }
0x3e6: {  	[tilespmem:s29+$0x140] =	vst v30;
	v63 =	vmul.f32 v40, v5  }
0x3e7: {  	v2 =	vmul.f32 v38, v53;
	[tilespmem:s29+$0x1C0] =	vst v3  }
0x3e8: {  	v1 =	vmul.f32 v1, v12;
	[tilespmem:s29+$0x1D0] =	vst v63  }
0x3e9: {  	v0 =	vmul.f32 v0, v47;
	[tilespmem:s29+$0x1B0] =	vst v2  }
0x3ea: {  	s2 =	sshll.u32 s17, $0xD;
	s10 =	sshll.u32 s28, $0x9;
	p1 =	sgt.u32 s15, $0xC1;
	[tilespmem:s29+$0x1E0] =	vst v1  }
0x3eb: {  	s2 =	sor.u32 $0xE00, s2;
	s10 =	sadd.s32 $0x400, s10;
	[tilespmem:s29+$0x1A0] =	vst v0;
	s29 =	sor.u32 $0x8, s17  }
0x3ec: {  	[spmem:s1] =	stream.indirect.scatter.add.f32 [tilespmem:s2], [sflag:s29], $0x10, s10, s31, $0xb8;
	[tilespmem:$0x1D800] =	vst v63  }
0x3ed: {  	s2 =	sshll.u32 @!p1 s19, $0x9  }
0x3ee: {  	s2 =	sadd.s32 @!p1 s11, s2  }
0x3ef: {  	s2 =	sshrl.u32 @!p1 s2, $0x3  }
0x3f0: {  	s10 =	sadd.s32 @!p1 $0x1, s17;
	s17 =	simm.s32 @!p1 $0x0;
	s15 =	sadd.s32 @!p1 s5, s2  }
0x3f1: {  	[tilespmem:s21], [sflag:s10] =	stream.linear.gather @!p1 [hbm4b:s15+s17], $0x200, $0x38;
	[tilespmem:$0x1D800] =	vst v63  }
0x3f2: {  	s15 =	sadd.s32 @!p1 s7, s2  }
0x3f3: {  	[tilespmem:s26], [sflag:s10] =	stream.linear.gather @!p1 [hbm4b:s15+s17], $0x200, $0x38;
	[tilespmem:$0x1D800] =	vst v63  }
0x3f4: {  	s10 =	sshll.u32 @!p1 s20, $0x9  }
0x3f5: {  	s2 =	sadd.s32 @!p1 s6, s2;
	s15 =	sadd.s32 @!p1 $0x3, s20;
	s10 =	sadd.s32 @!p1 $0x400, s10  }
0x3f6: {  	[tilespmem:s10], [sflag:s15] =	stream.linear.gather @!p1 [hbm4b:s2+s17], $0x200, $0x38;
	[tilespmem:$0x1D800] =	vst v63  }
0x3f7: {  	p1 =	sne.s32 s16, $0xC4  }
.Ltmp8:
0x3f8: {  	_ = 	snop;
	(pc) =	sbr.rel @p1 .LBB2_16-.Ltmp8, $2  }
0x3f9: {  	_ =	sdelay $0x2  }
0x3fa: {  	p0 =	por !p0, !p0;
	s15 =	smov.u32 s16  }
0x3fb: {  	_ =	swait.ge [sflag:s24], $0x2000  }
0x3fc: {  	[sflag:s24] =	ssyncset.done $0x0  }
0x3fd: {  	[sflag:s24] =	ssyncadd.s32 $0xFFFFE000  }
0x3fe: {  	[bflag:$0x0] =	sbarrier.arrive $0xFFFF  }
0x3ff: {  	s2 =	rddreg [dreg:$0x17]  }
0x400: {  	[hbm:s2], [sflag:s13] =	dma.local [spmem:s14], $0x3100  }
0x401: {  	_ =	swait.ge [sflag:s0], $0x3100  }
0x402: {  	[sflag:s0] =	ssyncset.done $0x0  }
0x403: {  	[sflag:s0] =	ssyncadd.s32 $0xFFFFCF00  }
0x404: {  	[bflag:$0x0] =	sbarrier.arrive $0xFFFF  }
0x405: {  	s19 =	simm.s32 $0x0;
	s20 =	simm.s32 $0x4E00;
	s10 =	rddreg [dreg:$0xe]  }
0x406: {  	[tilespmem:s20], [sflag:$0xB] =	stream.linear.gather [hbm4b:s10+s19], $0x100, $0x38;
	[tilespmem:$0x1D800] =	vst v63  }
0x407: {  	_ =	swait.ge [sflag:s0], $0x100  }
0x408: {  	[sflag:s0] =	ssyncset.done $0x0  }
0x409: {  	s26 =	simm.s32 $0x4F00;
	s21 =	rddreg [dreg:$0xf];
	[sflag:s0] =	ssyncadd.s32 $0xFFFFFF00  }
0x40a: {  	[tilespmem:s26], [sflag:$0xB] =	stream.linear.gather [hbm4b:s21+s19], $0x100, $0x38;
	[tilespmem:$0x1D800] =	vst v63  }
0x40b: {  	_ =	swait.ge [sflag:s0], $0x100  }
0x40c: {  	[sflag:s0] =	ssyncset.done $0x0  }
0x40d: {  	[sflag:s0] =	ssyncadd.s32 $0xFFFFFF00  }
0x40e: {  	[tilespmem:s3], [sflag:$0xA] =	stream.indirect.gather [hbm4b:s4+s23], $0x10, s20, s23, $0xb8;
	[tilespmem:$0x1D800] =	vst v63  }
0x40f: {  	s28 =	simm.s32 $0x1E00  }
0x410: {  	[tilespmem:s28], [sflag:$0xA] =	stream.indirect.gather [hbm4b:s4+s23], $0x10, s26, s23, $0xb8;
	[tilespmem:$0x1D800] =	vst v63  }
0x411: {  	s15 =	simm.s32 $0x4E80;
	s16 =	simm.s32 $0x1600  }
0x412: {  	[tilespmem:s16], [sflag:$0xA] =	stream.indirect.gather [hbm4b:s4+s23], $0x10, s15, s23, $0xb8;
	[tilespmem:$0x1D800] =	vst v63  }
0x413: {  	s17 =	simm.s32 $0x4F80;
	s18 =	simm.s32 $0x2600  }
0x414: {  	[tilespmem:s18], [sflag:$0xA] =	stream.indirect.gather [hbm4b:s4+s23], $0x10, s17, s23, $0xb8;
	[tilespmem:$0x1D800] =	vst v63  }
0x415: {  	_ =	swait.ge [sflag:s22], $0x800  }
0x416: {  	[sflag:s22] =	ssyncset.done $0x0  }
0x417: {  	[sflag:s22] =	ssyncadd.s32 $0xFFFFF800  }
0x418: {  	_ =	swait.ge [sflag:s22], $0x800  }
0x419: {  	[sflag:s22] =	ssyncset.done $0x0  }
0x41a: {  	[sflag:s22] =	ssyncadd.s32 $0xFFFFF800  }
0x41b: {  	_ =	swait.ge [sflag:s22], $0x800  }
0x41c: {  	[sflag:s22] =	ssyncset.done $0x0  }
0x41d: {  	[sflag:s22] =	ssyncadd.s32 $0xFFFFF800  }
0x41e: {  	_ =	swait.ge [sflag:s22], $0x800  }
0x41f: {  	[sflag:s22] =	ssyncset.done $0x0  }
0x420: {  	[sflag:s22] =	ssyncadd.s32 $0xFFFFF800  }
0x421: {  	[tilespmem:s3], [sflag:$0xA] =	stream.indirect.gather.add.f32 [hbm:s8], $0x10, s20, s23, $0xb8;
	[tilespmem:$0x1D800] =	vst v63  }
0x422: {  	_ = 	snop  }
0x423: {  	[tilespmem:s28], [sflag:$0xA] =	stream.indirect.gather.add.f32 [hbm:s8], $0x10, s26, s23, $0xb8;
	[tilespmem:$0x1D800] =	vst v63  }
0x424: {  	_ = 	snop  }
0x425: {  	[tilespmem:s16], [sflag:$0xA] =	stream.indirect.gather.add.f32 [hbm:s8], $0x10, s15, s23, $0xb8;
	[tilespmem:$0x1D800] =	vst v63  }
0x426: {  	_ = 	snop  }
0x427: {  	[tilespmem:s18], [sflag:$0xA] =	stream.indirect.gather.add.f32 [hbm:s8], $0x10, s17, s23, $0xb8;
	[tilespmem:$0x1D800] =	vst v63  }
0x428: {  	_ =	swait.ge [sflag:s22], $0x800  }
0x429: {  	[sflag:s22] =	ssyncset.done $0x0  }
0x42a: {  	[sflag:s22] =	ssyncadd.s32 $0xFFFFF800  }
0x42b: {  	_ =	swait.ge [sflag:s22], $0x800  }
0x42c: {  	[sflag:s22] =	ssyncset.done $0x0  }
0x42d: {  	[sflag:s22] =	ssyncadd.s32 $0xFFFFF800  }
0x42e: {  	_ =	swait.ge [sflag:s22], $0x800  }
0x42f: {  	[sflag:s22] =	ssyncset.done $0x0  }
0x430: {  	[sflag:s22] =	ssyncadd.s32 $0xFFFFF800  }
0x431: {  	_ =	swait.ge [sflag:s22], $0x800  }
0x432: {  	[sflag:s22] =	ssyncset.done $0x0  }
0x433: {  	[sflag:s22] =	ssyncadd.s32 $0xFFFFF800  }
0x434: {  	[tilespmem:s3], [sflag:$0xA] =	stream.indirect.gather.add.f32 [hbm:s9], $0x10, s20, s23, $0xb8;
	[tilespmem:$0x1D800] =	vst v63  }
0x435: {  	_ = 	snop  }
0x436: {  	[tilespmem:s28], [sflag:$0xA] =	stream.indirect.gather.add.f32 [hbm:s9], $0x10, s26, s23, $0xb8;
	[tilespmem:$0x1D800] =	vst v63  }
0x437: {  	_ = 	snop  }
0x438: {  	[tilespmem:s16], [sflag:$0xA] =	stream.indirect.gather.add.f32 [hbm:s9], $0x10, s15, s23, $0xb8;
	[tilespmem:$0x1D800] =	vst v63  }
0x439: {  	_ = 	snop  }
0x43a: {  	[tilespmem:s18], [sflag:$0xA] =	stream.indirect.gather.add.f32 [hbm:s9], $0x10, s17, s23, $0xb8;
	[tilespmem:$0x1D800] =	vst v63  }
0x43b: {  	_ =	swait.ge [sflag:s22], $0x800  }
0x43c: {  	[sflag:s22] =	ssyncset.done $0x0  }
0x43d: {  	[sflag:s22] =	ssyncadd.s32 $0xFFFFF800  }
0x43e: {  	_ =	swait.ge [sflag:s22], $0x800  }
0x43f: {  	[sflag:s22] =	ssyncset.done $0x0  }
0x440: {  	[sflag:s22] =	ssyncadd.s32 $0xFFFFF800  }
0x441: {  	_ =	swait.ge [sflag:s22], $0x800  }
0x442: {  	[sflag:s22] =	ssyncset.done $0x0  }
0x443: {  	[sflag:s22] =	ssyncadd.s32 $0xFFFFF800  }
0x444: {  	_ =	swait.ge [sflag:s22], $0x800  }
0x445: {  	[sflag:s22] =	ssyncset.done $0x0  }
0x446: {  	s29 =	rddreg [dreg:$0x3];
	[sflag:s22] =	ssyncadd.s32 $0xFFFFF800  }
0x447: {  	[tilespmem:s3], [sflag:$0xA] =	stream.indirect.gather.add.f32 [hbm:s29], $0x10, s20, s23, $0xb8;
	[tilespmem:$0x1D800] =	vst v63  }
0x448: {  	_ = 	snop  }
0x449: {  	[tilespmem:s28], [sflag:$0xA] =	stream.indirect.gather.add.f32 [hbm:s29], $0x10, s26, s23, $0xb8;
	[tilespmem:$0x1D800] =	vst v63  }
0x44a: {  	_ = 	snop  }
0x44b: {  	[tilespmem:s16], [sflag:$0xA] =	stream.indirect.gather.add.f32 [hbm:s29], $0x10, s15, s23, $0xb8;
	[tilespmem:$0x1D800] =	vst v63  }
0x44c: {  	_ = 	snop  }
0x44d: {  	[tilespmem:s18], [sflag:$0xA] =	stream.indirect.gather.add.f32 [hbm:s29], $0x10, s17, s23, $0xb8;
	[tilespmem:$0x1D800] =	vst v63  }
0x44e: {  	_ =	swait.ge [sflag:s22], $0x800  }
0x44f: {  	[sflag:s22] =	ssyncset.done $0x0  }
0x450: {  	[sflag:s22] =	ssyncadd.s32 $0xFFFFF800  }
0x451: {  	_ =	swait.ge [sflag:s22], $0x800  }
0x452: {  	[sflag:s22] =	ssyncset.done $0x0  }
0x453: {  	[sflag:s22] =	ssyncadd.s32 $0xFFFFF800  }
0x454: {  	_ =	swait.ge [sflag:s22], $0x800  }
0x455: {  	[sflag:s22] =	ssyncset.done $0x0  }
0x456: {  	[sflag:s22] =	ssyncadd.s32 $0xFFFFF800  }
0x457: {  	_ =	swait.ge [sflag:s22], $0x800  }
0x458: {  	[sflag:s22] =	ssyncset.done $0x0  }
0x459: {  	s2 =	simm.s32 $0x0;
	[sflag:s22] =	ssyncadd.s32 $0xFFFFF800  }
0x45a: {  	s10 =	simm.s32 $0x40;
	v0 =	vld [tilespmem:s2+$0x1E00]  }
.LBB2_20:
0x45b: {  	p0 =	sne.s32 s10, $0x3FC0;
	v1 =	vld [tilespmem:s2+$0xE00];
	_ =	sdelay $0x2  }
.Ltmp9:
0x45c: {  	(pc) =	sbr.rel @p0 .LBB2_20-.Ltmp9, $4  }
0x45d: {  	_ = 	snop  }
0x45e: {  	v1 =	vmul.f32 v0, v1  }
0x45f: {  	s13 =	sshra.s32 s10, $0x2  }
0x460: {  	s10 =	sadd.s32 $0x40, s10;
	v0 =	vld [tilespmem:s13+$0x1E00];
	[tilespmem:s2+$0xE00] =	vst v1;
	s2 =	smov.u32 s13  }
0x461: {  	v1 =	vld [tilespmem:s2+$0xE00];
	_ =	sdelay $0x4  }
0x462: {  	v0 =	vmul.f32 v0, v1;
	_ =	sdelay $0x1  }
0x463: {  	s26 =	simm.s32 $0x0;
	s10 =	rddreg [dreg:$0x10];
	[tilespmem:s2+$0xE00] =	vst v0  }
0x464: {  	[hbm4b:s10+s26] =	stream.linear.scatter [tilespmem:s3], [sflag:$0xB], $0x1000, $0x38;
	[tilespmem:$0x1D800] =	vst v63  }
0x465: {  	_ =	swait.ge [sflag:s0], $0x1000  }
0x466: {  	s12 =	sadd.s32 $0x1, s12;
	s28 =	rddreg [dreg:$0x11]  }
0x467: {  	p0 =	sne.s32 s12, s28  }
.Ltmp10:
0x468: {  	_ = 	snop;
	(pc) =	sbr.rel @p0 .LBB2_1-.Ltmp10, $3  }
0x469: {  	_ =	sdelay $0x1  }
0x46a: {  	[sflag:s0] =	ssyncset.done $0x0  }
0x46b: {  	v0 =	vimm.f32 $0.0e+00;
	s29 =	rddreg [dreg:$0x18];
	[sflag:s0] =	ssyncadd.s32 $0xFFFFF000  }
0x46c: {  	_ =	sfence.sel $0x180000  }
0x46d: {  	[bflag:$0x0] =	sbarrier.arrive $0xFFFF  }
0x46e: {  	_ =	strace $0x90000047  }
0x46f: {  	s0 =	stileid.u32;
	[bflag:$0x2] =	sbarrier.arrive $0xFFFF  }
0x470: {  	p0 =	sne.s32 s0, $0x0;
	s0 =	rddreg [dreg:$0x2]  }
0x471: {  	s0 =	sadd.s32 @!p0 $0x100000, s0  }
0x472: {  	[sflag:s0] =	ssyncadd.tile.s32 @!p0 $0x1;
	_ =	shalt  }
.Lfunc_end2:
_tile_overlayer_lowered:
.L_overlay_start_2:
0x473: {  	(tag) =	ssettag $0x2  }
0x474: {  	s0 =	rddreg [dreg:$0x0];
	s2 =	stileid.u32  }
0x475: {  	s1 =	rddreg [dreg:$0x1];
	p0 =	sne.s32 s2, $0x0  }
0x476: {  	s3 =	rddreg [dreg:$0x2];
	[bflag:$0x3] =	sbarrier.arrive $0xFFFF;
	s2 =	simm.s32 @!p0 $0x1C0B  }
0x477: {  	[timem:s3], [sflag:s2] =	dma.local @!p0 [hbm:s0], s1  }
0x478: {  	s0 =	simm.s32 @!p0 $0xB  }
0x479: {  	_ =	swait.ge @!p0 [sflag:s0], s1  }
0x47a: {  	s1 =	ssub.s32 @!p0 $0x0, s1;
	[sflag:s0] =	ssyncset.done @!p0 $0x0  }
0x47b: {  	[sflag:s0] =	ssyncadd.s32 @!p0 s1  }
0x47c: {  	[bflag:$0x3] =	sbarrier.arrive $0xFFFF  }
0x47d: {  	_ =	shalt  }

</sc_bundles>
